<compile_context>
chip_gen: v7x
topology: tpu7x:2x2x1
jax: 0.10.2.dev20260603
libtpu: 0.0.44.dev20260713+nightly
codegen_flags: <defaults>
</compile_context>

<pallas_src>
import functools

import jax
import jax.numpy as jnp
from jax import lax
from jax.experimental import pallas as pl
from jax.experimental.pallas import tpu as pltpu
from jax.experimental.pallas import tpu_sc as plsc

N = 10000
E = 320000
DIN = 128
DE = 16
DEA = 32
DH = 152
DHP = 160
DHH = DHP // 2
DIH = DIN // 2
DOUT = 128
NCLS = 15

NCORES = 2
NSUB = 16
NW = NCORES * NSUB
CH = 80
NCHT = E // (NSUB * CH)
NPAIR = NCHT // 2
EPT = E // NW
NCHP = EPT // CH
RPT = N // NSUB

RB = 1000
GRID = N // RB
SCW = 32

_mesh = plsc.VectorSubcoreMesh(core_axis_name="c", subcore_axis_name="s")
_params = pltpu.CompilerParams(use_tc_tiling_on_sc=False)


def _startg(tbl, idx, buf, sem):
    pltpu.async_copy(tbl.at[idx], buf, sem)


def _waitg(tbl, idx, buf, sem):
    pltpu.make_async_copy(tbl.at[idx], buf, sem).wait()


@functools.partial(
    pl.kernel,
    out_type=jax.ShapeDtypeStruct((NCORES, N, DIH), jnp.float32),
    mesh=_mesh,
    compiler_params=_params,
    scratch_types=(
        pltpu.VMEM_SHARED((N, DIH), jnp.float32),
        pltpu.VMEM((NCHT * CH,), jnp.int32),
        pltpu.VMEM((NCHT * CH,), jnp.int32),
        pltpu.VMEM((CH, DIH), jnp.float32),
        pltpu.VMEM((CH, DIH), jnp.float32),
        pltpu.SemaphoreType.DMA,
        pltpu.SemaphoreType.DMA,
    ),
)
def _sc_agg1(ei, nfl, nfr, zh, outh,
             acch, sidx, didx, r0b, r1b, g0, g1):
    cid = lax.axis_index("c")
    sid = lax.axis_index("s")
    row0 = sid * RPT
    pltpu.sync_copy(zh.at[pl.ds(row0, RPT)], acch.at[pl.ds(row0, RPT)])
    ebase = sid * NCHT * CH
    pltpu.sync_copy(ei.at[0, pl.ds(ebase, NCHT * CH)], sidx)
    pltpu.sync_copy(ei.at[1, pl.ds(ebase, NCHT * CH)], didx)
    plsc.subcore_barrier()

    def pipeline(tbl):
        def si(j):
            return sidx.at[pl.ds(j * CH, CH)]

        def do(j, rb, gs):
            _waitg(tbl, si(j), rb, gs)
            pltpu.sync_copy(rb, acch.at[didx.at[pl.ds(j * CH, CH)]], add=True)

        _startg(tbl, si(0), r0b, g0)

        @pl.loop(0, NPAIR)
        def _(p):
            j0 = 2 * p
            _startg(tbl, si(j0 + 1), r1b, g1)
            do(j0, r0b, g0)

            @pl.when(p < NPAIR - 1)
            def _():
                _startg(tbl, si(j0 + 2), r0b, g0)

            do(j0 + 1, r1b, g1)

    @pl.when(cid == 0)
    def _():
        pipeline(nfl)

    @pl.when(cid == 1)
    def _():
        pipeline(nfr)

    plsc.subcore_barrier()
    pltpu.sync_copy(acch.at[pl.ds(row0, RPT)], outh.at[cid, pl.ds(row0, RPT)])


@functools.partial(
    pl.kernel,
    out_type=(
        jax.ShapeDtypeStruct((NCORES, N, DE), jnp.float32),
        jax.ShapeDtypeStruct((NCORES, N, DE), jnp.float32),
    ),
    mesh=_mesh,
    compiler_params=_params,
    scratch_types=(
        pltpu.VMEM_SHARED((N, DE), jnp.float32),
        pltpu.VMEM_SHARED((N, DE), jnp.float32),
        pltpu.VMEM((NCHP * CH,), jnp.int32),
        pltpu.VMEM((CH, DE), jnp.float32),
        pltpu.VMEM((CH, DE), jnp.float32),
        pltpu.VMEM((CH, DE), jnp.float32),
        pltpu.SemaphoreType.DMA,
        pltpu.SemaphoreType.DMA,
    ),
)
def _sc_ec(ei, ef, on, ze, outse, outc,
           accse, accc, didx, e0b, e1b, ones, f0, f1):
    cid = lax.axis_index("c")
    sid = lax.axis_index("s")
    row0 = sid * RPT
    pltpu.sync_copy(ze.at[pl.ds(row0, RPT)], accse.at[pl.ds(row0, RPT)])
    pltpu.sync_copy(ze.at[pl.ds(row0, RPT)], accc.at[pl.ds(row0, RPT)])
    pltpu.sync_copy(on, ones)
    ebase = (cid * NSUB + sid) * EPT
    pltpu.sync_copy(ei.at[1, pl.ds(ebase, NCHP * CH)], didx)
    plsc.subcore_barrier()

    def starte(j, eb, sem):
        pltpu.async_copy(ef.at[pl.ds(ebase + j * CH, CH)], eb, sem)

    def do(j, eb, sem):
        pltpu.make_async_copy(
            ef.at[pl.ds(ebase + j * CH, CH)], eb, sem).wait()
        di = didx.at[pl.ds(j * CH, CH)]
        pltpu.sync_copy(eb, accse.at[di], add=True)
        pltpu.sync_copy(ones, accc.at[di], add=True)

    starte(0, e0b, f0)

    @pl.loop(0, (NCHP - 1) // 2)
    def _(p):
        j0 = 2 * p
        starte(j0 + 1, e1b, f1)
        do(j0, e0b, f0)
        starte(j0 + 2, e0b, f0)
        do(j0 + 1, e1b, f1)

    do(NCHP - 1, e0b, f0)

    plsc.subcore_barrier()
    pltpu.sync_copy(accse.at[pl.ds(row0, RPT)], outse.at[cid, pl.ds(row0, RPT)])
    pltpu.sync_copy(accc.at[pl.ds(row0, RPT)], outc.at[cid, pl.ds(row0, RPT)])


def _make_sc_agg(hw):

    @functools.partial(
        pl.kernel,
        out_type=jax.ShapeDtypeStruct((NCORES, N, hw), jnp.float32),
        mesh=_mesh,
        compiler_params=_params,
        scratch_types=(
            pltpu.VMEM_SHARED((N, hw), jnp.float32),
            pltpu.VMEM((NCHT * CH,), jnp.int32),
            pltpu.VMEM((NCHT * CH,), jnp.int32),
            pltpu.VMEM((CH, hw), jnp.float32),
            pltpu.VMEM((CH, hw), jnp.float32),
            pltpu.SemaphoreType.DMA,
            pltpu.SemaphoreType.DMA,
        ),
    )
    def sc_agg(ei, hl, hr, z, out, acc, sidx, didx, r0b, r1b, g0, g1):
        cid = lax.axis_index("c")
        sid = lax.axis_index("s")
        row0 = sid * RPT
        pltpu.sync_copy(z.at[pl.ds(row0, RPT)], acc.at[pl.ds(row0, RPT)])
        ebase = sid * NCHT * CH
        pltpu.sync_copy(ei.at[0, pl.ds(ebase, NCHT * CH)], sidx)
        pltpu.sync_copy(ei.at[1, pl.ds(ebase, NCHT * CH)], didx)
        plsc.subcore_barrier()

        def pipeline(tbl):
            def si(j):
                return sidx.at[pl.ds(j * CH, CH)]

            def do(j, rb, gs):
                _waitg(tbl, si(j), rb, gs)
                pltpu.sync_copy(rb, acc.at[didx.at[pl.ds(j * CH, CH)]],
                                add=True)

            _startg(tbl, si(0), r0b, g0)

            @pl.loop(0, NPAIR)
            def _(p):
                j0 = 2 * p
                _startg(tbl, si(j0 + 1), r1b, g1)
                do(j0, r0b, g0)

                @pl.when(p < NPAIR - 1)
                def _():
                    _startg(tbl, si(j0 + 2), r0b, g0)

                do(j0 + 1, r1b, g1)

        @pl.when(cid == 0)
        def _():
            pipeline(hl)

        @pl.when(cid == 1)
        def _():
            pipeline(hr)

        plsc.subcore_barrier()
        pltpu.sync_copy(acc.at[pl.ds(row0, RPT)],
                        out.at[cid, pl.ds(row0, RPT)])

    return sc_agg


_sc_agg_h = _make_sc_agg(DHH)
_sc_agg_y = _make_sc_agg(DOUT // 2)


@functools.partial(
    pl.kernel,
    out_type=jax.ShapeDtypeStruct((E, DE), jnp.float32),
    mesh=_mesh,
    compiler_params=_params,
    scratch_types=(
        pltpu.VMEM((NCHP * CH,), jnp.int32),
        pltpu.VMEM((NCHP * CH,), jnp.int32),
        pltpu.VMEM((CH, DE), jnp.float32),
        pltpu.VMEM((CH, DE), jnp.float32),
        pltpu.VMEM((CH, DE), jnp.float32),
        pltpu.VMEM((CH, DE), jnp.float32),
        pltpu.VMEM((CH, DE), jnp.float32),
        pltpu.VMEM((CH, DE), jnp.float32),
        pltpu.SemaphoreType.DMA,
        pltpu.SemaphoreType.DMA,
        pltpu.SemaphoreType.DMA,
        pltpu.SemaphoreType.DMA,
        pltpu.SemaphoreType.DMA,
        pltpu.SemaphoreType.DMA,
    ),
)
def _sc_pred(ei, pu, pv, out,
             sidx, didx, a0b, a1b, b0b, b1b, o0b, o1b,
             ga0, ga1, gb0, gb1, w0, w1):
    cid = lax.axis_index("c")
    sid = lax.axis_index("s")
    wid = cid * NSUB + sid
    ebase = wid * EPT
    pltpu.sync_copy(ei.at[0, pl.ds(ebase, NCHP * CH)], sidx)
    pltpu.sync_copy(ei.at[1, pl.ds(ebase, NCHP * CH)], didx)

    def startg(j, ab, bb, gsa, gsb):
        pltpu.async_copy(pu.at[sidx.at[pl.ds(j * CH, CH)]], ab, gsa)
        pltpu.async_copy(pv.at[didx.at[pl.ds(j * CH, CH)]], bb, gsb)

    def dst(j):
        return out.at[pl.ds(ebase + j * CH, CH)]

    def waitw(j, ob, ws):
        pltpu.make_async_copy(ob, dst(j), ws).wait()

    def do(j, jw, ab, bb, ob, gsa, gsb, ws, first):
        pltpu.make_async_copy(pu.at[sidx.at[pl.ds(j * CH, CH)]], ab, gsa).wait()
        pltpu.make_async_copy(pv.at[didx.at[pl.ds(j * CH, CH)]], bb, gsb).wait()
        if not first:
            waitw(jw, ob, ws)

        @pl.loop(0, CH, unroll=8)
        def _(i):
            ob[i, :] = ab[i, :] + bb[i, :]

        pltpu.async_copy(ob, dst(j), ws)

    startg(0, a0b, b0b, ga0, gb0)
    startg(1, a1b, b1b, ga1, gb1)
    do(0, 0, a0b, b0b, o0b, ga0, gb0, w0, True)
    startg(2, a0b, b0b, ga0, gb0)
    do(1, 0, a1b, b1b, o1b, ga1, gb1, w1, True)

    @pl.loop(1, (NCHP - 1) // 2)
    def _(p):
        j0 = 2 * p
        startg(j0 + 1, a1b, b1b, ga1, gb1)
        do(j0, j0 - 2, a0b, b0b, o0b, ga0, gb0, w0, False)
        startg(j0 + 2, a0b, b0b, ga0, gb0)
        do(j0 + 1, j0 - 1, a1b, b1b, o1b, ga1, gb1, w1, False)

    jl = NCHP - 1
    do(jl, jl - 2, a0b, b0b, o0b, ga0, gb0, w0, False)
    waitw(jl - 1, o1b, w1)
    waitw(jl, o0b, w0)


def _dot(a, b):
    return jnp.dot(a, b, preferred_element_type=jnp.float32)


def _relu_layer(p, se, cnt, rinv, hp, wmh, wme, bm, wah, wan, ba):
    neigh = (_dot(p, wmh[...]) + _dot(se, wme[...])
             + bm[...][None, :] * cnt) * rinv
    return jax.nn.relu(
        _dot(hp, wah[...]) + _dot(neigh, wan[...]) + ba[...][None, :])


def _split_h(h, hl_out, hr_out):
    hl_out[...] = h[:, :DHH]
    hr_out[...] = jnp.concatenate(
        [h[:, DHH:], jnp.zeros((RB, DHP - DH), jnp.float32)], axis=1)


def _tc1_body(nfl, nfr, aggh, aggse, aggc, wmh, wme, bm, wah, wan, ba,
              hl_out, hr_out, sc_out):
    p = jnp.concatenate([aggh[0], aggh[1]], axis=1)
    se = aggse[0] + aggse[1]
    cnt = (aggc[0] + aggc[1])[:, 0:1]
    rinv = 1.0 / jnp.maximum(cnt, 1.0)
    nf = jnp.concatenate([nfl[...], nfr[...]], axis=1)
    h = _relu_layer(p, se, cnt, rinv, nf, wmh, wme, bm, wah, wan, ba)
    _split_h(h, hl_out, hr_out)
    sc_out[...] = jnp.concatenate(
        [se, cnt, rinv, jnp.zeros((RB, SCW - DE - 2), jnp.float32)], axis=1)


def _tc_layer_body(hl, hr, agg, sc, wmh, wme, bm, wah, wan, ba, wnext,
                   hl_out, hr_out, yl_out, yr_out):
    p = jnp.concatenate([agg[0], agg[1]], axis=1)
    se = sc[:, 0:DE]
    cnt = sc[:, DE:DE + 1]
    rinv = sc[:, DE + 1:DE + 2]
    hp = jnp.concatenate([hl[...], hr[...]], axis=1)
    h = _relu_layer(p, se, cnt, rinv, hp, wmh, wme, bm, wah, wan, ba)
    _split_h(h, hl_out, hr_out)
    y = _dot(h, wnext[...])
    yl_out[...] = y[:, :DOUT // 2]
    yr_out[...] = y[:, DOUT // 2:]


def _tc3_body(hl, hr, agg, sc, wme, bm, wah, wan, ba, wpu, bp, wpv,
              pu_out, pv_out):
    pm = jnp.concatenate([agg[0], agg[1]], axis=1)
    se = sc[:, 0:DE]
    cnt = sc[:, DE:DE + 1]
    rinv = sc[:, DE + 1:DE + 2]
    neigh = (pm + _dot(se, wme[...]) + bm[...][None, :] * cnt) * rinv
    hp = jnp.concatenate([hl[...], hr[...]], axis=1)
    h = jax.nn.relu(
        _dot(hp, wah[...]) + _dot(neigh, wan[...]) + ba[...][None, :])
    pu_out[...] = _dot(h, wpu[...]) + bp[...][None, :]
    pv_out[...] = _dot(h, wpv[...])


def _row_spec(d):
    return pl.BlockSpec((RB, d), lambda i: (i, 0))


def _agg_spec(d):
    return pl.BlockSpec((NCORES, RB, d), lambda i: (0, i, 0))


def _full_spec(shape):
    nd = len(shape)
    return pl.BlockSpec(shape, lambda i, _nd=nd: (0,) * _nd)


def _tc1(nfl, nfr, aggh, aggse, aggc, wmh, wme, bm, wah, wan, ba):
    return pl.pallas_call(
        _tc1_body,
        grid=(GRID,),
        in_specs=[
            _row_spec(DIH), _row_spec(DIH), _agg_spec(DIH), _agg_spec(DE),
            _agg_spec(DE),
            _full_spec(wmh.shape), _full_spec(wme.shape), _full_spec(bm.shape),
            _full_spec(wah.shape), _full_spec(wan.shape), _full_spec(ba.shape),
        ],
        out_specs=[_row_spec(DHH), _row_spec(DHH), _row_spec(SCW)],
        out_shape=[
            jax.ShapeDtypeStruct((N, DHH), jnp.float32),
            jax.ShapeDtypeStruct((N, DHH), jnp.float32),
            jax.ShapeDtypeStruct((N, SCW), jnp.float32),
        ],
    )(nfl, nfr, aggh, aggse, aggc, wmh, wme, bm, wah, wan, ba)


def _tc_layer(hl, hr, agg, sc, wmh, wme, bm, wah, wan, ba, wnext):
    return pl.pallas_call(
        _tc_layer_body,
        grid=(GRID,),
        in_specs=[
            _row_spec(DHH), _row_spec(DHH), _agg_spec(DHH), _row_spec(SCW),
            _full_spec(wmh.shape), _full_spec(wme.shape), _full_spec(bm.shape),
            _full_spec(wah.shape), _full_spec(wan.shape), _full_spec(ba.shape),
            _full_spec(wnext.shape),
        ],
        out_specs=[_row_spec(DHH), _row_spec(DHH),
                   _row_spec(DOUT // 2), _row_spec(DOUT // 2)],
        out_shape=[
            jax.ShapeDtypeStruct((N, DHH), jnp.float32),
            jax.ShapeDtypeStruct((N, DHH), jnp.float32),
            jax.ShapeDtypeStruct((N, DOUT // 2), jnp.float32),
            jax.ShapeDtypeStruct((N, DOUT // 2), jnp.float32),
        ],
    )(hl, hr, agg, sc, wmh, wme, bm, wah, wan, ba, wnext)


def _tc3(hl, hr, agg, sc, wme, bm, wah, wan, ba, wpu, bp, wpv):
    return pl.pallas_call(
        _tc3_body,
        grid=(GRID,),
        in_specs=[
            _row_spec(DHH), _row_spec(DHH), _agg_spec(DOUT // 2),
            _row_spec(SCW),
            _full_spec(wme.shape), _full_spec(bm.shape),
            _full_spec(wah.shape), _full_spec(wan.shape), _full_spec(ba.shape),
            _full_spec(wpu.shape), _full_spec(bp.shape), _full_spec(wpv.shape),
        ],
        out_specs=[_row_spec(DE), _row_spec(DE)],
        out_shape=[
            jax.ShapeDtypeStruct((N, DE), jnp.float32),
            jax.ShapeDtypeStruct((N, DE), jnp.float32),
        ],
    )(hl, hr, agg, sc, wme, bm, wah, wan, ba, wpu, bp, wpv)


def _padr(w, rows):
    return jnp.pad(w, ((0, rows - w.shape[0]), (0, 0)))


def kernel(nfeats, efeats, edge_index, Wm1, bm1, Wa1, ba1, Wm2, bm2, Wa2, ba2,
           Wm3, bm3, Wa3, ba3, Wp, bp):
    nf = nfeats.reshape(N, DIN)
    nfl = nf[:, :DIH]
    nfr = nf[:, DIH:]
    ei = edge_index
    on = jnp.ones((CH, DE), jnp.float32)
    zh = jnp.zeros((N, DIH), jnp.float32)
    ze = jnp.zeros((N, DE), jnp.float32)
    z80 = jnp.zeros((N, DHH), jnp.float32)
    z64 = jnp.zeros((N, DOUT // 2), jnp.float32)

    aggh = _sc_agg1(ei, nfl, nfr, zh)
    aggse, aggc = _sc_ec(ei, efeats.reshape(E, DE), on, ze)

    h1l, h1r, sc = _tc1(
        nfl, nfr, aggh, aggse, aggc,
        Wm1[:, :DIN].T, Wm1[:, DIN:].T, bm1,
        Wa1[:, :DIN].T, Wa1[:, DIN:].T, ba1)

    agg2 = _sc_agg_h(ei, h1l, h1r, z80)
    h2l, h2r, y3l, y3r = _tc_layer(
        h1l, h1r, agg2, sc,
        _padr(Wm2[:, :DH].T, DHP), Wm2[:, DH:].T, bm2,
        _padr(Wa2[:, :DH].T, DHP), Wa2[:, DH:].T, ba2,
        Wm3[:, :DH].T)

    agg3 = _sc_agg_y(ei, y3l, y3r, z64)
    wpu = jnp.pad(Wp[:, :DOUT].T, ((0, 0), (0, DE - NCLS)))
    wpv = jnp.pad(Wp[:, DOUT:].T, ((0, 0), (0, DE - NCLS)))
    bp16 = jnp.pad(bp, (0, DE - NCLS))
    pu, pv = _tc3(
        h2l, h2r, agg3, sc,
        Wm3[:, DH:].T, bm3,
        _padr(Wa3[:, :DH].T, DHP), Wa3[:, DH:].T, ba3,
        wpu, bp16, wpv)

    score = _sc_pred(ei, pu, pv)
    return score[:, :NCLS]

# --- scband reference (transcript-rebuilt; emitter-appended) ---
"""Pipeline reference for scband-model-3985729651446 (READ-ONLY COPY).

The authoritative reference and input builder live on the scoring server;
editing this copy changes nothing except your own understanding.
"""

import jax, jax.numpy as jnp
import numpy as np

N = 10000
E = 320000
DIN = 128
DE = 16
DH = 152  # size_embedding
DOUT = 128
NC = 15   # nbclasses


def _lin(k, out_f, in_f):
    return jax.random.normal(k, (out_f, in_f), dtype=jnp.float32) * (1.0 / np.sqrt(in_f))


def setup_inputs(seed: int = 0):
    key = jax.random.key(seed)
    ks = jax.random.split(key, 20)
    inp = {}
    inp["nfeats"] = jax.random.normal(ks[0], (N, 1, DIN), dtype=jnp.float32)
    inp["efeats"] = jax.random.normal(ks[1], (E, 1, DE), dtype=jnp.float32)
    inp["edge_index"] = jax.random.randint(ks[2], (2, E), 0, N, dtype=jnp.int32)
    # SAGE layer 1: W_msg(DIN+DE -> DH), W_apply(DIN+DH -> DH)
    inp["Wm1"] = _lin(ks[3], DH, DIN + DE); inp["bm1"] = jnp.zeros((DH,), jnp.float32)
    inp["Wa1"] = _lin(ks[4], DH, DIN + DH); inp["ba1"] = jnp.zeros((DH,), jnp.float32)
    # SAGE layer 2: W_msg(DH+DE -> DH), W_apply(DH+DH -> DH)
    inp["Wm2"] = _lin(ks[5], DH, DH + DE); inp["bm2"] = jnp.zeros((DH,), jnp.float32)
    inp["Wa2"] = _lin(ks[6], DH, DH + DH); inp["ba2"] = jnp.zeros((DH,), jnp.float32)
    # SAGE layer 3: W_msg(DH+DE -> DOUT), W_apply(DH+DOUT -> DOUT)
    inp["Wm3"] = _lin(ks[7], DOUT, DH + DE); inp["bm3"] = jnp.zeros((DOUT,), jnp.float32)
    inp["Wa3"] = _lin(ks[8], DOUT, DH + DOUT); inp["ba3"] = jnp.zeros((DOUT,), jnp.float32)
    # MLPPredictor: Linear(2*DOUT -> NC)
    inp["Wp"] = _lin(ks[9], NC, 2 * DOUT); inp["bp"] = jnp.zeros((NC,), jnp.float32)
    return inp


def reference(nfeats, efeats, edge_index, Wm1, bm1, Wa1, ba1, Wm2, bm2, Wa2, ba2, Wm3, bm3, Wa3, ba3, Wp, bp):
    src = edge_index[0]
    dst = edge_index[1]

    def sage_layer(h, Wm, bm, Wa, ba):
        # message: W_msg(cat([h_src, e], dim=2)) per edge -> [E,1,out]
        m = jnp.concatenate([h[src], efeats], axis=2) @ Wm.T + bm
        # mean aggregation over incoming edges (dst)
        s = jax.ops.segment_sum(m, dst, num_segments=N)
        cnt = jax.ops.segment_sum(jnp.ones((E,), jnp.float32), dst, num_segments=N)
        h_neigh = s / jnp.maximum(cnt, 1.0)[:, None, None]
        # apply: relu(W_apply(cat([h, h_neigh], dim=2)))
        return jax.nn.relu(jnp.concatenate([h, h_neigh], axis=2) @ Wa.T + ba)

    h = sage_layer(nfeats, Wm1, bm1, Wa1, ba1)  # dropout is identity in eval
    h = sage_layer(h, Wm2, bm2, Wa2, ba2)
    h = sage_layer(h, Wm3, bm3, Wa3, ba3)
    hs = h.sum(axis=1)  # [N, DOUT]
    # MLPPredictor on edges: score = W(cat([h_u, h_v], 1))
    score = jnp.concatenate([hs[src], hs[dst]], axis=1) @ Wp.T + bp
    return score

if __name__ == "__main__":
    import jax
    _d = setup_inputs()
    print(jax.jit(kernel)(*tuple(_d.values())))

</pallas_src>

<mosaic_0001>
#map = affine_map<(d0, d1) -> (0, 0)>
#map1 = affine_map<(d0, d1) -> (0, 0, 0)>
module attributes {stable_mosaic.version = 14 : i64} {
  func.func @_sc_ec(%arg0: i32, %arg1: i32, %arg2: memref<2x320000xi32, #tpu.memory_space<hbm>>, %arg3: memref<320000x16xf32, #tpu.memory_space<hbm>>, %arg4: memref<80x16xf32, #tpu.memory_space<hbm>>, %arg5: memref<10000x16xf32, #tpu.memory_space<hbm>>, %arg6: memref<2x10000x16xf32, #tpu.memory_space<hbm>>, %arg7: memref<2x10000x16xf32, #tpu.memory_space<hbm>>, %arg8: memref<10000x16xf32, #tpu.memory_space<vmem_shared>>, %arg9: memref<10000x16xf32, #tpu.memory_space<vmem_shared>>, %arg10: memref<10000xi32, #tpu.memory_space<vmem>>, %arg11: memref<80x16xf32, #tpu.memory_space<vmem>>, %arg12: memref<80x16xf32, #tpu.memory_space<vmem>>, %arg13: memref<80x16xf32, #tpu.memory_space<vmem>>, %arg14: memref<!tpu.dma_semaphore, #tpu.memory_space<semaphore_mem>>, %arg15: memref<!tpu.dma_semaphore, #tpu.memory_space<semaphore_mem>>) attributes {dimension_semantics = [#tpu.dimension_semantics<core_parallel>, #tpu.dimension_semantics<subcore_parallel>], iteration_bounds = array<i64: 2, 16>, scalar_prefetch = 0 : i64, scratch_operands = 8 : i64, tpu.core_type = #tpu.core_type<sc_vector_subcore>, window_params = [{transform_indices = #map}, {transform_indices = #map}, {transform_indices = #map}, {transform_indices = #map}, {transform_indices = #map1}, {transform_indices = #map1}]} {
    %mul3A = arith.constant 625 : i32
    %mul3A_0 = arith.muli %arg1, %mul3A : i32
    "tpu.region"() ({
      %run_scoped3A_20 = tpu.sem_alloc : memref<!tpu.dma_semaphore, #tpu.memory_space<semaphore_mem>>
      %dma_start3A_21 = arith.constant 0 : i32
      %dma_start3A_22 = tpu.memref_slice %arg8[%mul3A_0, %dma_start3A_21] : memref<10000x16xf32, #tpu.memory_space<vmem_shared>> -> memref<625x16xf32, #tpu.memory_space<vmem_shared>>
      %dma_start3A_23 = arith.constant 0 : i32
      %dma_start3A_24 = tpu.memref_slice %arg5[%mul3A_0, %dma_start3A_23] : memref<10000x16xf32, #tpu.memory_space<hbm>> -> memref<625x16xf32, #tpu.memory_space<hbm>>
      tpu.enqueue_dma source(%dma_start3A_24 : memref<625x16xf32, #tpu.memory_space<hbm>>) target(%dma_start3A_22 : memref<625x16xf32, #tpu.memory_space<vmem_shared>>) target_semaphore(%run_scoped3A_20 : memref<!tpu.dma_semaphore, #tpu.memory_space<semaphore_mem>>)
      %dma_wait3A_25 = arith.constant 0 : i32
      %dma_wait3A_26 = tpu.memref_slice %arg8[%mul3A_0, %dma_wait3A_25] : memref<10000x16xf32, #tpu.memory_space<vmem_shared>> -> memref<625x16xf32, #tpu.memory_space<vmem_shared>>
      %dma_wait3A_27 = arith.constant 0 : i32
      %dma_wait3A_28 = tpu.memref_slice %arg5[%mul3A_0, %dma_wait3A_27] : memref<10000x16xf32, #tpu.memory_space<hbm>> -> memref<625x16xf32, #tpu.memory_space<hbm>>
      tpu.wait_dma2 semaphore(%run_scoped3A_20 : memref<!tpu.dma_semaphore, #tpu.memory_space<semaphore_mem>>) src(%dma_wait3A_28 : memref<625x16xf32, #tpu.memory_space<hbm>>) dst(%dma_wait3A_26 : memref<625x16xf32, #tpu.memory_space<vmem_shared>>)
      tpu.yield
    }) : () -> ()
    "tpu.region"() ({
      %run_scoped3A_20 = tpu.sem_alloc : memref<!tpu.dma_semaphore, #tpu.memory_space<semaphore_mem>>
      %dma_start3A_21 = arith.constant 0 : i32
      %dma_start3A_22 = tpu.memref_slice %arg9[%mul3A_0, %dma_start3A_21] : memref<10000x16xf32, #tpu.memory_space<vmem_shared>> -> memref<625x16xf32, #tpu.memory_space<vmem_shared>>
      %dma_start3A_23 = arith.constant 0 : i32
      %dma_start3A_24 = tpu.memref_slice %arg5[%mul3A_0, %dma_start3A_23] : memref<10000x16xf32, #tpu.memory_space<hbm>> -> memref<625x16xf32, #tpu.memory_space<hbm>>
      tpu.enqueue_dma source(%dma_start3A_24 : memref<625x16xf32, #tpu.memory_space<hbm>>) target(%dma_start3A_22 : memref<625x16xf32, #tpu.memory_space<vmem_shared>>) target_semaphore(%run_scoped3A_20 : memref<!tpu.dma_semaphore, #tpu.memory_space<semaphore_mem>>)
      %dma_wait3A_25 = arith.constant 0 : i32
      %dma_wait3A_26 = tpu.memref_slice %arg9[%mul3A_0, %dma_wait3A_25] : memref<10000x16xf32, #tpu.memory_space<vmem_shared>> -> memref<625x16xf32, #tpu.memory_space<vmem_shared>>
      %dma_wait3A_27 = arith.constant 0 : i32
      %dma_wait3A_28 = tpu.memref_slice %arg5[%mul3A_0, %dma_wait3A_27] : memref<10000x16xf32, #tpu.memory_space<hbm>> -> memref<625x16xf32, #tpu.memory_space<hbm>>
      tpu.wait_dma2 semaphore(%run_scoped3A_20 : memref<!tpu.dma_semaphore, #tpu.memory_space<semaphore_mem>>) src(%dma_wait3A_28 : memref<625x16xf32, #tpu.memory_space<hbm>>) dst(%dma_wait3A_26 : memref<625x16xf32, #tpu.memory_space<vmem_shared>>)
      tpu.yield
    }) : () -> ()
    "tpu.region"() ({
      %run_scoped3A_20 = tpu.sem_alloc : memref<!tpu.dma_semaphore, #tpu.memory_space<semaphore_mem>>
      tpu.enqueue_dma source(%arg4 : memref<80x16xf32, #tpu.memory_space<hbm>>) target(%arg13 : memref<80x16xf32, #tpu.memory_space<vmem>>) target_semaphore(%run_scoped3A_20 : memref<!tpu.dma_semaphore, #tpu.memory_space<semaphore_mem>>)
      tpu.wait_dma2 semaphore(%run_scoped3A_20 : memref<!tpu.dma_semaphore, #tpu.memory_space<semaphore_mem>>) src(%arg4 : memref<80x16xf32, #tpu.memory_space<hbm>>) dst(%arg13 : memref<80x16xf32, #tpu.memory_space<vmem>>)
      tpu.yield
    }) : () -> ()
    %mul3A_1 = arith.constant 16 : i32
    %mul3A_2 = arith.muli %arg0, %mul3A_1 : i32
    %add3A = arith.addi %mul3A_2, %arg1 : i32
    %mul3A_3 = arith.constant 10000 : i32
    %mul3A_4 = arith.muli %add3A, %mul3A_3 : i32
    %run_scoped3A = arith.constant 1 : i32
    "tpu.region"() ({
      %run_scoped3A_20 = tpu.sem_alloc : memref<!tpu.dma_semaphore, #tpu.memory_space<semaphore_mem>>
      %dma_start3A_21 = tpu.memref_slice %arg2[%run_scoped3A, %mul3A_4] : memref<2x320000xi32, #tpu.memory_space<hbm>> -> memref<1x10000xi32, #tpu.memory_space<hbm>>
      %dma_start3A_22 = tpu.memref_squeeze %dma_start3A_21 : memref<1x10000xi32, #tpu.memory_space<hbm>> -> memref<10000xi32, #tpu.memory_space<hbm>>
      %dma_start3A_23 = tpu.memref_slice %arg2[%run_scoped3A, %mul3A_4] : memref<2x320000xi32, #tpu.memory_space<hbm>> -> memref<1x10000xi32, #tpu.memory_space<hbm>>
      %dma_start3A_24 = tpu.memref_squeeze %dma_start3A_23 : memref<1x10000xi32, #tpu.memory_space<hbm>> -> memref<10000xi32, #tpu.memory_space<hbm>>
      tpu.enqueue_dma source(%dma_start3A_24 : memref<10000xi32, #tpu.memory_space<hbm>>) target(%arg10 : memref<10000xi32, #tpu.memory_space<vmem>>) target_semaphore(%run_scoped3A_20 : memref<!tpu.dma_semaphore, #tpu.memory_space<semaphore_mem>>)
      %dma_wait3A_25 = tpu.memref_slice %arg2[%run_scoped3A, %mul3A_4] : memref<2x320000xi32, #tpu.memory_space<hbm>> -> memref<1x10000xi32, #tpu.memory_space<hbm>>
      %dma_wait3A_26 = tpu.memref_squeeze %dma_wait3A_25 : memref<1x10000xi32, #tpu.memory_space<hbm>> -> memref<10000xi32, #tpu.memory_space<hbm>>
      %dma_wait3A_27 = tpu.memref_slice %arg2[%run_scoped3A, %mul3A_4] : memref<2x320000xi32, #tpu.memory_space<hbm>> -> memref<1x10000xi32, #tpu.memory_space<hbm>>
      %dma_wait3A_28 = tpu.memref_squeeze %dma_wait3A_27 : memref<1x10000xi32, #tpu.memory_space<hbm>> -> memref<10000xi32, #tpu.memory_space<hbm>>
      tpu.wait_dma2 semaphore(%run_scoped3A_20 : memref<!tpu.dma_semaphore, #tpu.memory_space<semaphore_mem>>) src(%dma_wait3A_28 : memref<10000xi32, #tpu.memory_space<hbm>>) dst(%arg10 : memref<10000xi32, #tpu.memory_space<vmem>>)
      tpu.yield
    }) : () -> ()
    %barrier3A = arith.constant 0 : index
    tpu.barrier barrier_id(%barrier3A)
    %add3A_5 = arith.constant 0 : i32
    %add3A_6 = arith.addi %mul3A_4, %add3A_5 : i32
    %dma_start3A = arith.constant 0 : i32
    %dma_start3A_7 = tpu.memref_slice %arg3[%add3A_6, %dma_start3A] : memref<320000x16xf32, #tpu.memory_space<hbm>> -> memref<80x16xf32, #tpu.memory_space<hbm>>
    %dma_start3A_8 = arith.constant 0 : i32
    %dma_start3A_9 = tpu.memref_slice %arg3[%add3A_6, %dma_start3A_8] : memref<320000x16xf32, #tpu.memory_space<hbm>> -> memref<80x16xf32, #tpu.memory_space<hbm>>
    tpu.enqueue_dma source(%dma_start3A_9 : memref<80x16xf32, #tpu.memory_space<hbm>>) target(%arg11 : memref<80x16xf32, #tpu.memory_space<vmem>>) target_semaphore(%arg14 : memref<!tpu.dma_semaphore, #tpu.memory_space<semaphore_mem>>)
    %scan3A = arith.constant 0 : i32
    %scan3A_10 = arith.constant 62 : i32
    %scan3A_11 = arith.addi %scan3A, %scan3A_10 : i32
    %scan3A_12 = arith.constant 1 : i32
    scf.for %scan3A_20 = %scan3A to %scan3A_11 step %scan3A_12  : i32 {
      %mul3A_21 = arith.constant 1 : i32
      %mul3A_22 = arith.muli %scan3A_20, %mul3A_21 : i32
      %add3A_23 = arith.constant 0 : i32
      %add3A_24 = arith.addi %add3A_23, %mul3A_22 : i32
      %mul3A_25 = arith.constant 2 : i32
      %mul3A_26 = arith.muli %mul3A_25, %add3A_24 : i32
      %add3A_27 = arith.constant 1 : i32
      %add3A_28 = arith.addi %mul3A_26, %add3A_27 : i32
      %mul3A_29 = arith.constant 80 : i32
      %mul3A_30 = arith.muli %add3A_28, %mul3A_29 : i32
      %add3A_31 = arith.addi %mul3A_4, %mul3A_30 : i32
      %dma_start3A_32 = arith.constant 0 : i32
      %dma_start3A_33 = tpu.memref_slice %arg3[%add3A_31, %dma_start3A_32] : memref<320000x16xf32, #tpu.memory_space<hbm>> -> memref<80x16xf32, #tpu.memory_space<hbm>>
      %dma_start3A_34 = arith.constant 0 : i32
      %dma_start3A_35 = tpu.memref_slice %arg3[%add3A_31, %dma_start3A_34] : memref<320000x16xf32, #tpu.memory_space<hbm>> -> memref<80x16xf32, #tpu.memory_space<hbm>>
      tpu.enqueue_dma source(%dma_start3A_35 : memref<80x16xf32, #tpu.memory_space<hbm>>) target(%arg12 : memref<80x16xf32, #tpu.memory_space<vmem>>) target_semaphore(%arg15 : memref<!tpu.dma_semaphore, #tpu.memory_space<semaphore_mem>>)
      %mul3A_36 = arith.constant 80 : i32
      %mul3A_37 = arith.muli %mul3A_26, %mul3A_36 : i32
      %add3A_38 = arith.addi %mul3A_4, %mul3A_37 : i32
      %dma_wait3A_39 = arith.constant 0 : i32
      %dma_wait3A_40 = tpu.memref_slice %arg3[%add3A_38, %dma_wait3A_39] : memref<320000x16xf32, #tpu.memory_space<hbm>> -> memref<80x16xf32, #tpu.memory_space<hbm>>
      %dma_wait3A_41 = arith.constant 0 : i32
      %dma_wait3A_42 = tpu.memref_slice %arg3[%add3A_38, %dma_wait3A_41] : memref<320000x16xf32, #tpu.memory_space<hbm>> -> memref<80x16xf32, #tpu.memory_space<hbm>>
      tpu.wait_dma2 semaphore(%arg14 : memref<!tpu.dma_semaphore, #tpu.memory_space<semaphore_mem>>) src(%dma_wait3A_42 : memref<80x16xf32, #tpu.memory_space<hbm>>) dst(%arg11 : memref<80x16xf32, #tpu.memory_space<vmem>>)
      %mul3A_43 = arith.constant 80 : i32
      %mul3A_44 = arith.muli %mul3A_26, %mul3A_43 : i32
      "tpu.region"() ({
        %run_scoped3A_65 = tpu.sem_alloc : memref<!tpu.dma_semaphore, #tpu.memory_space<semaphore_mem>>
        %dma_start3A_66 = tpu.memref_slice %arg10[%mul3A_44] : memref<10000xi32, #tpu.memory_space<vmem>> -> memref<80xi32, #tpu.memory_space<vmem>>
        %dma_start3A_67 = arith.constant 0 : i32
        %dma_start3A_68 = arith.constant 0 : i32
        %dma_start3A_69 = tpu.memref_slice %arg8[%dma_start3A_67, %dma_start3A_68] : memref<10000x16xf32, #tpu.memory_space<vmem_shared>> -> memref<10000x16xf32, #tpu.memory_space<vmem_shared>>
        tpu.enqueue_indirect_dma source(%arg11 : memref<80x16xf32, #tpu.memory_space<vmem>>) target(%dma_start3A_69 : memref<10000x16xf32, #tpu.memory_space<vmem_shared>>) offsets(%dma_start3A_66 : memref<80xi32, #tpu.memory_space<vmem>>) semaphore(%run_scoped3A_65 : memref<!tpu.dma_semaphore, #tpu.memory_space<semaphore_mem>>) {add = true}
        %dma_wait3A_70 = tpu.memref_slice %arg10[%mul3A_44] : memref<10000xi32, #tpu.memory_space<vmem>> -> memref<80xi32, #tpu.memory_space<vmem>>
        %dma_wait3A_71 = arith.constant 0 : i32
        %dma_wait3A_72 = arith.constant 0 : i32
        %dma_wait3A_73 = tpu.memref_slice %arg8[%dma_wait3A_71, %dma_wait3A_72] : memref<10000x16xf32, #tpu.memory_space<vmem_shared>> -> memref<10000x16xf32, #tpu.memory_space<vmem_shared>>
        tpu.wait_indirect_dma semaphore(%run_scoped3A_65 : memref<!tpu.dma_semaphore, #tpu.memory_space<semaphore_mem>>) src(%arg11 : memref<80x16xf32, #tpu.memory_space<vmem>>) dst(%dma_wait3A_73 : memref<10000x16xf32, #tpu.memory_space<vmem_shared>>)
        tpu.yield
      }) : () -> ()
      "tpu.region"() ({
        %run_scoped3A_65 = tpu.sem_alloc : memref<!tpu.dma_semaphore, #tpu.memory_space<semaphore_mem>>
        %dma_start3A_66 = tpu.memref_slice %arg10[%mul3A_44] : memref<10000xi32, #tpu.memory_space<vmem>> -> memref<80xi32, #tpu.memory_space<vmem>>
        %dma_start3A_67 = arith.constant 0 : i32
        %dma_start3A_68 = arith.constant 0 : i32
        %dma_start3A_69 = tpu.memref_slice %arg9[%dma_start3A_67, %dma_start3A_68] : memref<10000x16xf32, #tpu.memory_space<vmem_shared>> -> memref<10000x16xf32, #tpu.memory_space<vmem_shared>>
        tpu.enqueue_indirect_dma source(%arg13 : memref<80x16xf32, #tpu.memory_space<vmem>>) target(%dma_start3A_69 : memref<10000x16xf32, #tpu.memory_space<vmem_shared>>) offsets(%dma_start3A_66 : memref<80xi32, #tpu.memory_space<vmem>>) semaphore(%run_scoped3A_65 : memref<!tpu.dma_semaphore, #tpu.memory_space<semaphore_mem>>) {add = true}
        %dma_wait3A_70 = tpu.memref_slice %arg10[%mul3A_44] : memref<10000xi32, #tpu.memory_space<vmem>> -> memref<80xi32, #tpu.memory_space<vmem>>
        %dma_wait3A_71 = arith.constant 0 : i32
        %dma_wait3A_72 = arith.constant 0 : i32
        %dma_wait3A_73 = tpu.memref_slice %arg9[%dma_wait3A_71, %dma_wait3A_72] : memref<10000x16xf32, #tpu.memory_space<vmem_shared>> -> memref<10000x16xf32, #tpu.memory_space<vmem_shared>>
        tpu.wait_indirect_dma semaphore(%run_scoped3A_65 : memref<!tpu.dma_semaphore, #tpu.memory_space<semaphore_mem>>) src(%arg13 : memref<80x16xf32, #tpu.memory_space<vmem>>) dst(%dma_wait3A_73 : memref<10000x16xf32, #tpu.memory_space<vmem_shared>>)
        tpu.yield
      }) : () -> ()
      %add3A_45 = arith.constant 2 : i32
      %add3A_46 = arith.addi %mul3A_26, %add3A_45 : i32
      %mul3A_47 = arith.constant 80 : i32
      %mul3A_48 = arith.muli %add3A_46, %mul3A_47 : i32
      %add3A_49 = arith.addi %mul3A_4, %mul3A_48 : i32
      %dma_start3A_50 = arith.constant 0 : i32
      %dma_start3A_51 = tpu.memref_slice %arg3[%add3A_49, %dma_start3A_50] : memref<320000x16xf32, #tpu.memory_space<hbm>> -> memref<80x16xf32, #tpu.memory_space<hbm>>
      %dma_start3A_52 = arith.constant 0 : i32
      %dma_start3A_53 = tpu.memref_slice %arg3[%add3A_49, %dma_start3A_52] : memref<320000x16xf32, #tpu.memory_space<hbm>> -> memref<80x16xf32, #tpu.memory_space<hbm>>
      tpu.enqueue_dma source(%dma_start3A_53 : memref<80x16xf32, #tpu.memory_space<hbm>>) target(%arg11 : memref<80x16xf32, #tpu.memory_space<vmem>>) target_semaphore(%arg14 : memref<!tpu.dma_semaphore, #tpu.memory_space<semaphore_mem>>)
      %add3A_54 = arith.constant 1 : i32
      %add3A_55 = arith.addi %mul3A_26, %add3A_54 : i32
      %mul3A_56 = arith.constant 80 : i32
      %mul3A_57 = arith.muli %add3A_55, %mul3A_56 : i32
      %add3A_58 = arith.addi %mul3A_4, %mul3A_57 : i32
      %dma_wait3A_59 = arith.constant 0 : i32
      %dma_wait3A_60 = tpu.memref_slice %arg3[%add3A_58, %dma_wait3A_59] : memref<320000x16xf32, #tpu.memory_space<hbm>> -> memref<80x16xf32, #tpu.memory_space<hbm>>
      %dma_wait3A_61 = arith.constant 0 : i32
      %dma_wait3A_62 = tpu.memref_slice %arg3[%add3A_58, %dma_wait3A_61] : memref<320000x16xf32, #tpu.memory_space<hbm>> -> memref<80x16xf32, #tpu.memory_space<hbm>>
      tpu.wait_dma2 semaphore(%arg15 : memref<!tpu.dma_semaphore, #tpu.memory_space<semaphore_mem>>) src(%dma_wait3A_62 : memref<80x16xf32, #tpu.memory_space<hbm>>) dst(%arg12 : memref<80x16xf32, #tpu.memory_space<vmem>>)
      %mul3A_63 = arith.constant 80 : i32
      %mul3A_64 = arith.muli %add3A_55, %mul3A_63 : i32
      "tpu.region"() ({
        %run_scoped3A_65 = tpu.sem_alloc : memref<!tpu.dma_semaphore, #tpu.memory_space<semaphore_mem>>
        %dma_start3A_66 = tpu.memref_slice %arg10[%mul3A_64] : memref<10000xi32, #tpu.memory_space<vmem>> -> memref<80xi32, #tpu.memory_space<vmem>>
        %dma_start3A_67 = arith.constant 0 : i32
        %dma_start3A_68 = arith.constant 0 : i32
        %dma_start3A_69 = tpu.memref_slice %arg8[%dma_start3A_67, %dma_start3A_68] : memref<10000x16xf32, #tpu.memory_space<vmem_shared>> -> memref<10000x16xf32, #tpu.memory_space<vmem_shared>>
        tpu.enqueue_indirect_dma source(%arg12 : memref<80x16xf32, #tpu.memory_space<vmem>>) target(%dma_start3A_69 : memref<10000x16xf32, #tpu.memory_space<vmem_shared>>) offsets(%dma_start3A_66 : memref<80xi32, #tpu.memory_space<vmem>>) semaphore(%run_scoped3A_65 : memref<!tpu.dma_semaphore, #tpu.memory_space<semaphore_mem>>) {add = true}
        %dma_wait3A_70 = tpu.memref_slice %arg10[%mul3A_64] : memref<10000xi32, #tpu.memory_space<vmem>> -> memref<80xi32, #tpu.memory_space<vmem>>
        %dma_wait3A_71 = arith.constant 0 : i32
        %dma_wait3A_72 = arith.constant 0 : i32
        %dma_wait3A_73 = tpu.memref_slice %arg8[%dma_wait3A_71, %dma_wait3A_72] : memref<10000x16xf32, #tpu.memory_space<vmem_shared>> -> memref<10000x16xf32, #tpu.memory_space<vmem_shared>>
        tpu.wait_indirect_dma semaphore(%run_scoped3A_65 : memref<!tpu.dma_semaphore, #tpu.memory_space<semaphore_mem>>) src(%arg12 : memref<80x16xf32, #tpu.memory_space<vmem>>) dst(%dma_wait3A_73 : memref<10000x16xf32, #tpu.memory_space<vmem_shared>>)
        tpu.yield
      }) : () -> ()
      "tpu.region"() ({
        %run_scoped3A_65 = tpu.sem_alloc : memref<!tpu.dma_semaphore, #tpu.memory_space<semaphore_mem>>
        %dma_start3A_66 = tpu.memref_slice %arg10[%mul3A_64] : memref<10000xi32, #tpu.memory_space<vmem>> -> memref<80xi32, #tpu.memory_space<vmem>>
        %dma_start3A_67 = arith.constant 0 : i32
        %dma_start3A_68 = arith.constant 0 : i32
        %dma_start3A_69 = tpu.memref_slice %arg9[%dma_start3A_67, %dma_start3A_68] : memref<10000x16xf32, #tpu.memory_space<vmem_shared>> -> memref<10000x16xf32, #tpu.memory_space<vmem_shared>>
        tpu.enqueue_indirect_dma source(%arg13 : memref<80x16xf32, #tpu.memory_space<vmem>>) target(%dma_start3A_69 : memref<10000x16xf32, #tpu.memory_space<vmem_shared>>) offsets(%dma_start3A_66 : memref<80xi32, #tpu.memory_space<vmem>>) semaphore(%run_scoped3A_65 : memref<!tpu.dma_semaphore, #tpu.memory_space<semaphore_mem>>) {add = true}
        %dma_wait3A_70 = tpu.memref_slice %arg10[%mul3A_64] : memref<10000xi32, #tpu.memory_space<vmem>> -> memref<80xi32, #tpu.memory_space<vmem>>
        %dma_wait3A_71 = arith.constant 0 : i32
        %dma_wait3A_72 = arith.constant 0 : i32
        %dma_wait3A_73 = tpu.memref_slice %arg9[%dma_wait3A_71, %dma_wait3A_72] : memref<10000x16xf32, #tpu.memory_space<vmem_shared>> -> memref<10000x16xf32, #tpu.memory_space<vmem_shared>>
        tpu.wait_indirect_dma semaphore(%run_scoped3A_65 : memref<!tpu.dma_semaphore, #tpu.memory_space<semaphore_mem>>) src(%arg13 : memref<80x16xf32, #tpu.memory_space<vmem>>) dst(%dma_wait3A_73 : memref<10000x16xf32, #tpu.memory_space<vmem_shared>>)
        tpu.yield
      }) : () -> ()
    }
    %scan3A_13 = arith.constant 62 : i32
    %add3A_14 = arith.constant 9920 : i32
    %add3A_15 = arith.addi %mul3A_4, %add3A_14 : i32
    %dma_wait3A = arith.constant 0 : i32
    %dma_wait3A_16 = tpu.memref_slice %arg3[%add3A_15, %dma_wait3A] : memref<320000x16xf32, #tpu.memory_space<hbm>> -> memref<80x16xf32, #tpu.memory_space<hbm>>
    %dma_wait3A_17 = arith.constant 0 : i32
    %dma_wait3A_18 = tpu.memref_slice %arg3[%add3A_15, %dma_wait3A_17] : memref<320000x16xf32, #tpu.memory_space<hbm>> -> memref<80x16xf32, #tpu.memory_space<hbm>>
    tpu.wait_dma2 semaphore(%arg14 : memref<!tpu.dma_semaphore, #tpu.memory_space<semaphore_mem>>) src(%dma_wait3A_18 : memref<80x16xf32, #tpu.memory_space<hbm>>) dst(%arg11 : memref<80x16xf32, #tpu.memory_space<vmem>>)
    "tpu.region"() ({
      %run_scoped3A_20 = tpu.sem_alloc : memref<!tpu.dma_semaphore, #tpu.memory_space<semaphore_mem>>
      %dma_start3A_21 = arith.constant 9920 : i32
      %dma_start3A_22 = tpu.memref_slice %arg10[%dma_start3A_21] : memref<10000xi32, #tpu.memory_space<vmem>> -> memref<80xi32, #tpu.memory_space<vmem>>
      %dma_start3A_23 = arith.constant 0 : i32
      %dma_start3A_24 = arith.constant 0 : i32
      %dma_start3A_25 = tpu.memref_slice %arg8[%dma_start3A_23, %dma_start3A_24] : memref<10000x16xf32, #tpu.memory_space<vmem_shared>> -> memref<10000x16xf32, #tpu.memory_space<vmem_shared>>
      tpu.enqueue_indirect_dma source(%arg11 : memref<80x16xf32, #tpu.memory_space<vmem>>) target(%dma_start3A_25 : memref<10000x16xf32, #tpu.memory_space<vmem_shared>>) offsets(%dma_start3A_22 : memref<80xi32, #tpu.memory_space<vmem>>) semaphore(%run_scoped3A_20 : memref<!tpu.dma_semaphore, #tpu.memory_space<semaphore_mem>>) {add = true}
      %dma_wait3A_26 = arith.constant 9920 : i32
      %dma_wait3A_27 = tpu.memref_slice %arg10[%dma_wait3A_26] : memref<10000xi32, #tpu.memory_space<vmem>> -> memref<80xi32, #tpu.memory_space<vmem>>
      %dma_wait3A_28 = arith.constant 0 : i32
      %dma_wait3A_29 = arith.constant 0 : i32
      %dma_wait3A_30 = tpu.memref_slice %arg8[%dma_wait3A_28, %dma_wait3A_29] : memref<10000x16xf32, #tpu.memory_space<vmem_shared>> -> memref<10000x16xf32, #tpu.memory_space<vmem_shared>>
      tpu.wait_indirect_dma semaphore(%run_scoped3A_20 : memref<!tpu.dma_semaphore, #tpu.memory_space<semaphore_mem>>) src(%arg11 : memref<80x16xf32, #tpu.memory_space<vmem>>) dst(%dma_wait3A_30 : memref<10000x16xf32, #tpu.memory_space<vmem_shared>>)
      tpu.yield
    }) : () -> ()
    "tpu.region"() ({
      %run_scoped3A_20 = tpu.sem_alloc : memref<!tpu.dma_semaphore, #tpu.memory_space<semaphore_mem>>
      %dma_start3A_21 = arith.constant 9920 : i32
      %dma_start3A_22 = tpu.memref_slice %arg10[%dma_start3A_21] : memref<10000xi32, #tpu.memory_space<vmem>> -> memref<80xi32, #tpu.memory_space<vmem>>
      %dma_start3A_23 = arith.constant 0 : i32
      %dma_start3A_24 = arith.constant 0 : i32
      %dma_start3A_25 = tpu.memref_slice %arg9[%dma_start3A_23, %dma_start3A_24] : memref<10000x16xf32, #tpu.memory_space<vmem_shared>> -> memref<10000x16xf32, #tpu.memory_space<vmem_shared>>
      tpu.enqueue_indirect_dma source(%arg13 : memref<80x16xf32, #tpu.memory_space<vmem>>) target(%dma_start3A_25 : memref<10000x16xf32, #tpu.memory_space<vmem_shared>>) offsets(%dma_start3A_22 : memref<80xi32, #tpu.memory_space<vmem>>) semaphore(%run_scoped3A_20 : memref<!tpu.dma_semaphore, #tpu.memory_space<semaphore_mem>>) {add = true}
      %dma_wait3A_26 = arith.constant 9920 : i32
      %dma_wait3A_27 = tpu.memref_slice %arg10[%dma_wait3A_26] : memref<10000xi32, #tpu.memory_space<vmem>> -> memref<80xi32, #tpu.memory_space<vmem>>
      %dma_wait3A_28 = arith.constant 0 : i32
      %dma_wait3A_29 = arith.constant 0 : i32
      %dma_wait3A_30 = tpu.memref_slice %arg9[%dma_wait3A_28, %dma_wait3A_29] : memref<10000x16xf32, #tpu.memory_space<vmem_shared>> -> memref<10000x16xf32, #tpu.memory_space<vmem_shared>>
      tpu.wait_indirect_dma semaphore(%run_scoped3A_20 : memref<!tpu.dma_semaphore, #tpu.memory_space<semaphore_mem>>) src(%arg13 : memref<80x16xf32, #tpu.memory_space<vmem>>) dst(%dma_wait3A_30 : memref<10000x16xf32, #tpu.memory_space<vmem_shared>>)
      tpu.yield
    }) : () -> ()
    %barrier3A_19 = arith.constant 0 : index
    tpu.barrier barrier_id(%barrier3A_19)
    "tpu.region"() ({
      %run_scoped3A_20 = tpu.sem_alloc : memref<!tpu.dma_semaphore, #tpu.memory_space<semaphore_mem>>
      %dma_start3A_21 = arith.constant 0 : i32
      %dma_start3A_22 = tpu.memref_slice %arg6[%arg0, %mul3A_0, %dma_start3A_21] : memref<2x10000x16xf32, #tpu.memory_space<hbm>> -> memref<1x625x16xf32, #tpu.memory_space<hbm>>
      %dma_start3A_23 = tpu.memref_squeeze %dma_start3A_22 : memref<1x625x16xf32, #tpu.memory_space<hbm>> -> memref<625x16xf32, #tpu.memory_space<hbm>>
      %dma_start3A_24 = arith.constant 0 : i32
      %dma_start3A_25 = tpu.memref_slice %arg8[%mul3A_0, %dma_start3A_24] : memref<10000x16xf32, #tpu.memory_space<vmem_shared>> -> memref<625x16xf32, #tpu.memory_space<vmem_shared>>
      tpu.enqueue_dma source(%dma_start3A_25 : memref<625x16xf32, #tpu.memory_space<vmem_shared>>) target(%dma_start3A_23 : memref<625x16xf32, #tpu.memory_space<hbm>>) target_semaphore(%run_scoped3A_20 : memref<!tpu.dma_semaphore, #tpu.memory_space<semaphore_mem>>)
      %dma_wait3A_26 = arith.constant 0 : i32
      %dma_wait3A_27 = tpu.memref_slice %arg6[%arg0, %mul3A_0, %dma_wait3A_26] : memref<2x10000x16xf32, #tpu.memory_space<hbm>> -> memref<1x625x16xf32, #tpu.memory_space<hbm>>
      %dma_wait3A_28 = tpu.memref_squeeze %dma_wait3A_27 : memref<1x625x16xf32, #tpu.memory_space<hbm>> -> memref<625x16xf32, #tpu.memory_space<hbm>>
      %dma_wait3A_29 = arith.constant 0 : i32
      %dma_wait3A_30 = tpu.memref_slice %arg8[%mul3A_0, %dma_wait3A_29] : memref<10000x16xf32, #tpu.memory_space<vmem_shared>> -> memref<625x16xf32, #tpu.memory_space<vmem_shared>>
      tpu.wait_dma2 semaphore(%run_scoped3A_20 : memref<!tpu.dma_semaphore, #tpu.memory_space<semaphore_mem>>) src(%dma_wait3A_30 : memref<625x16xf32, #tpu.memory_space<vmem_shared>>) dst(%dma_wait3A_28 : memref<625x16xf32, #tpu.memory_space<hbm>>)
      tpu.yield
    }) : () -> ()
    "tpu.region"() ({
      %run_scoped3A_20 = tpu.sem_alloc : memref<!tpu.dma_semaphore, #tpu.memory_space<semaphore_mem>>
      %dma_start3A_21 = arith.constant 0 : i32
      %dma_start3A_22 = tpu.memref_slice %arg7[%arg0, %mul3A_0, %dma_start3A_21] : memref<2x10000x16xf32, #tpu.memory_space<hbm>> -> memref<1x625x16xf32, #tpu.memory_space<hbm>>
      %dma_start3A_23 = tpu.memref_squeeze %dma_start3A_22 : memref<1x625x16xf32, #tpu.memory_space<hbm>> -> memref<625x16xf32, #tpu.memory_space<hbm>>
      %dma_start3A_24 = arith.constant 0 : i32
      %dma_start3A_25 = tpu.memref_slice %arg9[%mul3A_0, %dma_start3A_24] : memref<10000x16xf32, #tpu.memory_space<vmem_shared>> -> memref<625x16xf32, #tpu.memory_space<vmem_shared>>
      tpu.enqueue_dma source(%dma_start3A_25 : memref<625x16xf32, #tpu.memory_space<vmem_shared>>) target(%dma_start3A_23 : memref<625x16xf32, #tpu.memory_space<hbm>>) target_semaphore(%run_scoped3A_20 : memref<!tpu.dma_semaphore, #tpu.memory_space<semaphore_mem>>)
      %dma_wait3A_26 = arith.constant 0 : i32
      %dma_wait3A_27 = tpu.memref_slice %arg7[%arg0, %mul3A_0, %dma_wait3A_26] : memref<2x10000x16xf32, #tpu.memory_space<hbm>> -> memref<1x625x16xf32, #tpu.memory_space<hbm>>
      %dma_wait3A_28 = tpu.memref_squeeze %dma_wait3A_27 : memref<1x625x16xf32, #tpu.memory_space<hbm>> -> memref<625x16xf32, #tpu.memory_space<hbm>>
      %dma_wait3A_29 = arith.constant 0 : i32
      %dma_wait3A_30 = tpu.memref_slice %arg9[%mul3A_0, %dma_wait3A_29] : memref<10000x16xf32, #tpu.memory_space<vmem_shared>> -> memref<625x16xf32, #tpu.memory_space<vmem_shared>>
      tpu.wait_dma2 semaphore(%run_scoped3A_20 : memref<!tpu.dma_semaphore, #tpu.memory_space<semaphore_mem>>) src(%dma_wait3A_30 : memref<625x16xf32, #tpu.memory_space<vmem_shared>>) dst(%dma_wait3A_28 : memref<625x16xf32, #tpu.memory_space<hbm>>)
      tpu.yield
    }) : () -> ()
    return
  }
}

#map = affine_map<(d0, d1) -> (0, 0)>
#map1 = affine_map<(d0, d1) -> (0, 0, 0)>
module attributes {stable_mosaic.version = 14 : i64} {
  func.func @_sc_agg1(%arg0: i32, %arg1: i32, %arg2: memref<2x320000xi32, #tpu.memory_space<hbm>>, %arg3: memref<10000x64xf32, #tpu.memory_space<hbm>>, %arg4: memref<10000x64xf32, #tpu.memory_space<hbm>>, %arg5: memref<10000x64xf32, #tpu.memory_space<hbm>>, %arg6: memref<2x10000x64xf32, #tpu.memory_space<hbm>>, %arg7: memref<10000x64xf32, #tpu.memory_space<vmem_shared>>, %arg8: memref<20000xi32, #tpu.memory_space<vmem>>, %arg9: memref<20000xi32, #tpu.memory_space<vmem>>, %arg10: memref<80x64xf32, #tpu.memory_space<vmem>>, %arg11: memref<80x64xf32, #tpu.memory_space<vmem>>, %arg12: memref<!tpu.dma_semaphore, #tpu.memory_space<semaphore_mem>>, %arg13: memref<!tpu.dma_semaphore, #tpu.memory_space<semaphore_mem>>) attributes {dimension_semantics = [#tpu.dimension_semantics<core_parallel>, #tpu.dimension_semantics<subcore_parallel>], iteration_bounds = array<i64: 2, 16>, scalar_prefetch = 0 : i64, scratch_operands = 7 : i64, tpu.core_type = #tpu.core_type<sc_vector_subcore>, window_params = [{transform_indices = #map}, {transform_indices = #map}, {transform_indices = #map}, {transform_indices = #map}, {transform_indices = #map1}]} {
    %mul3A = arith.constant 625 : i32
    %mul3A_0 = arith.muli %arg1, %mul3A : i32
    "tpu.region"() ({
      %run_scoped3A_14 = tpu.sem_alloc : memref<!tpu.dma_semaphore, #tpu.memory_space<semaphore_mem>>
      %dma_start3A = arith.constant 0 : i32
      %dma_start3A_15 = tpu.memref_slice %arg7[%mul3A_0, %dma_start3A] : memref<10000x64xf32, #tpu.memory_space<vmem_shared>> -> memref<625x64xf32, #tpu.memory_space<vmem_shared>>
      %dma_start3A_16 = arith.constant 0 : i32
      %dma_start3A_17 = tpu.memref_slice %arg5[%mul3A_0, %dma_start3A_16] : memref<10000x64xf32, #tpu.memory_space<hbm>> -> memref<625x64xf32, #tpu.memory_space<hbm>>
      tpu.enqueue_dma source(%dma_start3A_17 : memref<625x64xf32, #tpu.memory_space<hbm>>) target(%dma_start3A_15 : memref<625x64xf32, #tpu.memory_space<vmem_shared>>) target_semaphore(%run_scoped3A_14 : memref<!tpu.dma_semaphore, #tpu.memory_space<semaphore_mem>>)
      %dma_wait3A = arith.constant 0 : i32
      %dma_wait3A_18 = tpu.memref_slice %arg7[%mul3A_0, %dma_wait3A] : memref<10000x64xf32, #tpu.memory_space<vmem_shared>> -> memref<625x64xf32, #tpu.memory_space<vmem_shared>>
      %dma_wait3A_19 = arith.constant 0 : i32
      %dma_wait3A_20 = tpu.memref_slice %arg5[%mul3A_0, %dma_wait3A_19] : memref<10000x64xf32, #tpu.memory_space<hbm>> -> memref<625x64xf32, #tpu.memory_space<hbm>>
      tpu.wait_dma2 semaphore(%run_scoped3A_14 : memref<!tpu.dma_semaphore, #tpu.memory_space<semaphore_mem>>) src(%dma_wait3A_20 : memref<625x64xf32, #tpu.memory_space<hbm>>) dst(%dma_wait3A_18 : memref<625x64xf32, #tpu.memory_space<vmem_shared>>)
      tpu.yield
    }) : () -> ()
    %mul3A_1 = arith.constant 250 : i32
    %mul3A_2 = arith.muli %arg1, %mul3A_1 : i32
    %mul3A_3 = arith.constant 80 : i32
    %mul3A_4 = arith.muli %mul3A_2, %mul3A_3 : i32
    %run_scoped3A = arith.constant 0 : i32
    "tpu.region"() ({
      %run_scoped3A_14 = tpu.sem_alloc : memref<!tpu.dma_semaphore, #tpu.memory_space<semaphore_mem>>
      %dma_start3A = tpu.memref_slice %arg2[%run_scoped3A, %mul3A_4] : memref<2x320000xi32, #tpu.memory_space<hbm>> -> memref<1x20000xi32, #tpu.memory_space<hbm>>
      %dma_start3A_15 = tpu.memref_squeeze %dma_start3A : memref<1x20000xi32, #tpu.memory_space<hbm>> -> memref<20000xi32, #tpu.memory_space<hbm>>
      %dma_start3A_16 = tpu.memref_slice %arg2[%run_scoped3A, %mul3A_4] : memref<2x320000xi32, #tpu.memory_space<hbm>> -> memref<1x20000xi32, #tpu.memory_space<hbm>>
      %dma_start3A_17 = tpu.memref_squeeze %dma_start3A_16 : memref<1x20000xi32, #tpu.memory_space<hbm>> -> memref<20000xi32, #tpu.memory_space<hbm>>
      tpu.enqueue_dma source(%dma_start3A_17 : memref<20000xi32, #tpu.memory_space<hbm>>) target(%arg8 : memref<20000xi32, #tpu.memory_space<vmem>>) target_semaphore(%run_scoped3A_14 : memref<!tpu.dma_semaphore, #tpu.memory_space<semaphore_mem>>)
      %dma_wait3A = tpu.memref_slice %arg2[%run_scoped3A, %mul3A_4] : memref<2x320000xi32, #tpu.memory_space<hbm>> -> memref<1x20000xi32, #tpu.memory_space<hbm>>
      %dma_wait3A_18 = tpu.memref_squeeze %dma_wait3A : memref<1x20000xi32, #tpu.memory_space<hbm>> -> memref<20000xi32, #tpu.memory_space<hbm>>
      %dma_wait3A_19 = tpu.memref_slice %arg2[%run_scoped3A, %mul3A_4] : memref<2x320000xi32, #tpu.memory_space<hbm>> -> memref<1x20000xi32, #tpu.memory_space<hbm>>
      %dma_wait3A_20 = tpu.memref_squeeze %dma_wait3A_19 : memref<1x20000xi32, #tpu.memory_space<hbm>> -> memref<20000xi32, #tpu.memory_space<hbm>>
      tpu.wait_dma2 semaphore(%run_scoped3A_14 : memref<!tpu.dma_semaphore, #tpu.memory_space<semaphore_mem>>) src(%dma_wait3A_20 : memref<20000xi32, #tpu.memory_space<hbm>>) dst(%arg8 : memref<20000xi32, #tpu.memory_space<vmem>>)
      tpu.yield
    }) : () -> ()
    %run_scoped3A_5 = arith.constant 1 : i32
    "tpu.region"() ({
      %run_scoped3A_14 = tpu.sem_alloc : memref<!tpu.dma_semaphore, #tpu.memory_space<semaphore_mem>>
      %dma_start3A = tpu.memref_slice %arg2[%run_scoped3A_5, %mul3A_4] : memref<2x320000xi32, #tpu.memory_space<hbm>> -> memref<1x20000xi32, #tpu.memory_space<hbm>>
      %dma_start3A_15 = tpu.memref_squeeze %dma_start3A : memref<1x20000xi32, #tpu.memory_space<hbm>> -> memref<20000xi32, #tpu.memory_space<hbm>>
      %dma_start3A_16 = tpu.memref_slice %arg2[%run_scoped3A_5, %mul3A_4] : memref<2x320000xi32, #tpu.memory_space<hbm>> -> memref<1x20000xi32, #tpu.memory_space<hbm>>
      %dma_start3A_17 = tpu.memref_squeeze %dma_start3A_16 : memref<1x20000xi32, #tpu.memory_space<hbm>> -> memref<20000xi32, #tpu.memory_space<hbm>>
      tpu.enqueue_dma source(%dma_start3A_17 : memref<20000xi32, #tpu.memory_space<hbm>>) target(%arg9 : memref<20000xi32, #tpu.memory_space<vmem>>) target_semaphore(%run_scoped3A_14 : memref<!tpu.dma_semaphore, #tpu.memory_space<semaphore_mem>>)
      %dma_wait3A = tpu.memref_slice %arg2[%run_scoped3A_5, %mul3A_4] : memref<2x320000xi32, #tpu.memory_space<hbm>> -> memref<1x20000xi32, #tpu.memory_space<hbm>>
      %dma_wait3A_18 = tpu.memref_squeeze %dma_wait3A : memref<1x20000xi32, #tpu.memory_space<hbm>> -> memref<20000xi32, #tpu.memory_space<hbm>>
      %dma_wait3A_19 = tpu.memref_slice %arg2[%run_scoped3A_5, %mul3A_4] : memref<2x320000xi32, #tpu.memory_space<hbm>> -> memref<1x20000xi32, #tpu.memory_space<hbm>>
      %dma_wait3A_20 = tpu.memref_squeeze %dma_wait3A_19 : memref<1x20000xi32, #tpu.memory_space<hbm>> -> memref<20000xi32, #tpu.memory_space<hbm>>
      tpu.wait_dma2 semaphore(%run_scoped3A_14 : memref<!tpu.dma_semaphore, #tpu.memory_space<semaphore_mem>>) src(%dma_wait3A_20 : memref<20000xi32, #tpu.memory_space<hbm>>) dst(%arg9 : memref<20000xi32, #tpu.memory_space<vmem>>)
      tpu.yield
    }) : () -> ()
    %barrier3A = arith.constant 0 : index
    tpu.barrier barrier_id(%barrier3A)
    %eq3A = arith.constant 0 : i32
    %eq3A_6 = arith.cmpi eq, %arg0, %eq3A : i32
    %convert_element_type3A = arith.extui %eq3A_6 : i1 to i32
    %cond3A = arith.constant 0 : i32
    %cond3A_7 = arith.cmpi ne, %convert_element_type3A, %cond3A : i32
    scf.if %cond3A_7 {
      %dma_start3A = arith.constant 0 : i32
      %dma_start3A_14 = tpu.memref_slice %arg8[%dma_start3A] : memref<20000xi32, #tpu.memory_space<vmem>> -> memref<80xi32, #tpu.memory_space<vmem>>
      %dma_start3A_15 = arith.constant 0 : i32
      %dma_start3A_16 = arith.constant 0 : i32
      %dma_start3A_17 = tpu.memref_slice %arg3[%dma_start3A_15, %dma_start3A_16] : memref<10000x64xf32, #tpu.memory_space<hbm>> -> memref<10000x64xf32, #tpu.memory_space<hbm>>
      tpu.enqueue_indirect_dma source(%dma_start3A_17 : memref<10000x64xf32, #tpu.memory_space<hbm>>) target(%arg10 : memref<80x64xf32, #tpu.memory_space<vmem>>) offsets(%dma_start3A_14 : memref<80xi32, #tpu.memory_space<vmem>>) semaphore(%arg12 : memref<!tpu.dma_semaphore, #tpu.memory_space<semaphore_mem>>)
      %scan3A = arith.constant 0 : i32
      %scan3A_18 = arith.constant 125 : i32
      %scan3A_19 = arith.addi %scan3A, %scan3A_18 : i32
      %scan3A_20 = arith.constant 1 : i32
      scf.for %scan3A_22 = %scan3A to %scan3A_19 step %scan3A_20  : i32 {
        %mul3A_23 = arith.constant 1 : i32
        %mul3A_24 = arith.muli %scan3A_22, %mul3A_23 : i32
        %add3A = arith.constant 0 : i32
        %add3A_25 = arith.addi %add3A, %mul3A_24 : i32
        %mul3A_26 = arith.constant 2 : i32
        %mul3A_27 = arith.muli %mul3A_26, %add3A_25 : i32
        %add3A_28 = arith.constant 1 : i32
        %add3A_29 = arith.addi %mul3A_27, %add3A_28 : i32
        %mul3A_30 = arith.constant 80 : i32
        %mul3A_31 = arith.muli %add3A_29, %mul3A_30 : i32
        %dma_start3A_32 = tpu.memref_slice %arg8[%mul3A_31] : memref<20000xi32, #tpu.memory_space<vmem>> -> memref<80xi32, #tpu.memory_space<vmem>>
        %dma_start3A_33 = arith.constant 0 : i32
        %dma_start3A_34 = arith.constant 0 : i32
        %dma_start3A_35 = tpu.memref_slice %arg3[%dma_start3A_33, %dma_start3A_34] : memref<10000x64xf32, #tpu.memory_space<hbm>> -> memref<10000x64xf32, #tpu.memory_space<hbm>>
        tpu.enqueue_indirect_dma source(%dma_start3A_35 : memref<10000x64xf32, #tpu.memory_space<hbm>>) target(%arg11 : memref<80x64xf32, #tpu.memory_space<vmem>>) offsets(%dma_start3A_32 : memref<80xi32, #tpu.memory_space<vmem>>) semaphore(%arg13 : memref<!tpu.dma_semaphore, #tpu.memory_space<semaphore_mem>>)
        %mul3A_36 = arith.constant 80 : i32
        %mul3A_37 = arith.muli %mul3A_27, %mul3A_36 : i32
        %dma_wait3A = tpu.memref_slice %arg8[%mul3A_37] : memref<20000xi32, #tpu.memory_space<vmem>> -> memref<80xi32, #tpu.memory_space<vmem>>
        %dma_wait3A_38 = arith.constant 0 : i32
        %dma_wait3A_39 = arith.constant 0 : i32
        %dma_wait3A_40 = tpu.memref_slice %arg3[%dma_wait3A_38, %dma_wait3A_39] : memref<10000x64xf32, #tpu.memory_space<hbm>> -> memref<10000x64xf32, #tpu.memory_space<hbm>>
        tpu.wait_indirect_dma semaphore(%arg12 : memref<!tpu.dma_semaphore, #tpu.memory_space<semaphore_mem>>) src(%dma_wait3A_40 : memref<10000x64xf32, #tpu.memory_space<hbm>>) dst(%arg10 : memref<80x64xf32, #tpu.memory_space<vmem>>)
        %mul3A_41 = arith.constant 80 : i32
        %mul3A_42 = arith.muli %mul3A_27, %mul3A_41 : i32
        "tpu.region"() ({
          %run_scoped3A_57 = tpu.sem_alloc : memref<!tpu.dma_semaphore, #tpu.memory_space<semaphore_mem>>
          %dma_start3A_58 = tpu.memref_slice %arg9[%mul3A_42] : memref<20000xi32, #tpu.memory_space<vmem>> -> memref<80xi32, #tpu.memory_space<vmem>>
          %dma_start3A_59 = arith.constant 0 : i32
          %dma_start3A_60 = arith.constant 0 : i32
          %dma_start3A_61 = tpu.memref_slice %arg7[%dma_start3A_59, %dma_start3A_60] : memref<10000x64xf32, #tpu.memory_space<vmem_shared>> -> memref<10000x64xf32, #tpu.memory_space<vmem_shared>>
          tpu.enqueue_indirect_dma source(%arg10 : memref<80x64xf32, #tpu.memory_space<vmem>>) target(%dma_start3A_61 : memref<10000x64xf32, #tpu.memory_space<vmem_shared>>) offsets(%dma_start3A_58 : memref<80xi32, #tpu.memory_space<vmem>>) semaphore(%run_scoped3A_57 : memref<!tpu.dma_semaphore, #tpu.memory_space<semaphore_mem>>) {add = true}
          %dma_wait3A_62 = tpu.memref_slice %arg9[%mul3A_42] : memref<20000xi32, #tpu.memory_space<vmem>> -> memref<80xi32, #tpu.memory_space<vmem>>
          %dma_wait3A_63 = arith.constant 0 : i32
          %dma_wait3A_64 = arith.constant 0 : i32
          %dma_wait3A_65 = tpu.memref_slice %arg7[%dma_wait3A_63, %dma_wait3A_64] : memref<10000x64xf32, #tpu.memory_space<vmem_shared>> -> memref<10000x64xf32, #tpu.memory_space<vmem_shared>>
          tpu.wait_indirect_dma semaphore(%run_scoped3A_57 : memref<!tpu.dma_semaphore, #tpu.memory_space<semaphore_mem>>) src(%arg10 : memref<80x64xf32, #tpu.memory_space<vmem>>) dst(%dma_wait3A_65 : memref<10000x64xf32, #tpu.memory_space<vmem_shared>>)
          tpu.yield
        }) : () -> ()
        %lt3A = arith.constant 124 : i32
        %lt3A_43 = arith.cmpi slt, %add3A_25, %lt3A : i32
        %convert_element_type3A_44 = arith.extui %lt3A_43 : i1 to i32
        %cond3A_45 = arith.constant 0 : i32
        %cond3A_46 = arith.cmpi ne, %convert_element_type3A_44, %cond3A_45 : i32
        scf.if %cond3A_46 {
          %add3A_57 = arith.constant 2 : i32
          %add3A_58 = arith.addi %mul3A_27, %add3A_57 : i32
          %mul3A_59 = arith.constant 80 : i32
          %mul3A_60 = arith.muli %add3A_58, %mul3A_59 : i32
          %dma_start3A_61 = tpu.memref_slice %arg8[%mul3A_60] : memref<20000xi32, #tpu.memory_space<vmem>> -> memref<80xi32, #tpu.memory_space<vmem>>
          %dma_start3A_62 = arith.constant 0 : i32
          %dma_start3A_63 = arith.constant 0 : i32
          %dma_start3A_64 = tpu.memref_slice %arg3[%dma_start3A_62, %dma_start3A_63] : memref<10000x64xf32, #tpu.memory_space<hbm>> -> memref<10000x64xf32, #tpu.memory_space<hbm>>
          tpu.enqueue_indirect_dma source(%dma_start3A_64 : memref<10000x64xf32, #tpu.memory_space<hbm>>) target(%arg10 : memref<80x64xf32, #tpu.memory_space<vmem>>) offsets(%dma_start3A_61 : memref<80xi32, #tpu.memory_space<vmem>>) semaphore(%arg12 : memref<!tpu.dma_semaphore, #tpu.memory_space<semaphore_mem>>)
        } else {
        }
        %add3A_47 = arith.constant 1 : i32
        %add3A_48 = arith.addi %mul3A_27, %add3A_47 : i32
        %mul3A_49 = arith.constant 80 : i32
        %mul3A_50 = arith.muli %add3A_48, %mul3A_49 : i32
        %dma_wait3A_51 = tpu.memref_slice %arg8[%mul3A_50] : memref<20000xi32, #tpu.memory_space<vmem>> -> memref<80xi32, #tpu.memory_space<vmem>>
        %dma_wait3A_52 = arith.constant 0 : i32
        %dma_wait3A_53 = arith.constant 0 : i32
        %dma_wait3A_54 = tpu.memref_slice %arg3[%dma_wait3A_52, %dma_wait3A_53] : memref<10000x64xf32, #tpu.memory_space<hbm>> -> memref<10000x64xf32, #tpu.memory_space<hbm>>
        tpu.wait_indirect_dma semaphore(%arg13 : memref<!tpu.dma_semaphore, #tpu.memory_space<semaphore_mem>>) src(%dma_wait3A_54 : memref<10000x64xf32, #tpu.memory_space<hbm>>) dst(%arg11 : memref<80x64xf32, #tpu.memory_space<vmem>>)
        %mul3A_55 = arith.constant 80 : i32
        %mul3A_56 = arith.muli %add3A_48, %mul3A_55 : i32
        "tpu.region"() ({
          %run_scoped3A_57 = tpu.sem_alloc : memref<!tpu.dma_semaphore, #tpu.memory_space<semaphore_mem>>
          %dma_start3A_58 = tpu.memref_slice %arg9[%mul3A_56] : memref<20000xi32, #tpu.memory_space<vmem>> -> memref<80xi32, #tpu.memory_space<vmem>>
          %dma_start3A_59 = arith.constant 0 : i32
          %dma_start3A_60 = arith.constant 0 : i32
          %dma_start3A_61 = tpu.memref_slice %arg7[%dma_start3A_59, %dma_start3A_60] : memref<10000x64xf32, #tpu.memory_space<vmem_shared>> -> memref<10000x64xf32, #tpu.memory_space<vmem_shared>>
          tpu.enqueue_indirect_dma source(%arg11 : memref<80x64xf32, #tpu.memory_space<vmem>>) target(%dma_start3A_61 : memref<10000x64xf32, #tpu.memory_space<vmem_shared>>) offsets(%dma_start3A_58 : memref<80xi32, #tpu.memory_space<vmem>>) semaphore(%run_scoped3A_57 : memref<!tpu.dma_semaphore, #tpu.memory_space<semaphore_mem>>) {add = true}
          %dma_wait3A_62 = tpu.memref_slice %arg9[%mul3A_56] : memref<20000xi32, #tpu.memory_space<vmem>> -> memref<80xi32, #tpu.memory_space<vmem>>
          %dma_wait3A_63 = arith.constant 0 : i32
          %dma_wait3A_64 = arith.constant 0 : i32
          %dma_wait3A_65 = tpu.memref_slice %arg7[%dma_wait3A_63, %dma_wait3A_64] : memref<10000x64xf32, #tpu.memory_space<vmem_shared>> -> memref<10000x64xf32, #tpu.memory_space<vmem_shared>>
          tpu.wait_indirect_dma semaphore(%run_scoped3A_57 : memref<!tpu.dma_semaphore, #tpu.memory_space<semaphore_mem>>) src(%arg11 : memref<80x64xf32, #tpu.memory_space<vmem>>) dst(%dma_wait3A_65 : memref<10000x64xf32, #tpu.memory_space<vmem_shared>>)
          tpu.yield
        }) : () -> ()
      }
      %scan3A_21 = arith.constant 125 : i32
    } else {
    }
    %eq3A_8 = arith.constant 1 : i32
    %eq3A_9 = arith.cmpi eq, %arg0, %eq3A_8 : i32
    %convert_element_type3A_10 = arith.extui %eq3A_9 : i1 to i32
    %cond3A_11 = arith.constant 0 : i32
    %cond3A_12 = arith.cmpi ne, %convert_element_type3A_10, %cond3A_11 : i32
    scf.if %cond3A_12 {
      %dma_start3A = arith.constant 0 : i32
      %dma_start3A_14 = tpu.memref_slice %arg8[%dma_start3A] : memref<20000xi32, #tpu.memory_space<vmem>> -> memref<80xi32, #tpu.memory_space<vmem>>
      %dma_start3A_15 = arith.constant 0 : i32
      %dma_start3A_16 = arith.constant 0 : i32
      %dma_start3A_17 = tpu.memref_slice %arg4[%dma_start3A_15, %dma_start3A_16] : memref<10000x64xf32, #tpu.memory_space<hbm>> -> memref<10000x64xf32, #tpu.memory_space<hbm>>
      tpu.enqueue_indirect_dma source(%dma_start3A_17 : memref<10000x64xf32, #tpu.memory_space<hbm>>) target(%arg10 : memref<80x64xf32, #tpu.memory_space<vmem>>) offsets(%dma_start3A_14 : memref<80xi32, #tpu.memory_space<vmem>>) semaphore(%arg12 : memref<!tpu.dma_semaphore, #tpu.memory_space<semaphore_mem>>)
      %scan3A = arith.constant 0 : i32
      %scan3A_18 = arith.constant 125 : i32
      %scan3A_19 = arith.addi %scan3A, %scan3A_18 : i32
      %scan3A_20 = arith.constant 1 : i32
      scf.for %scan3A_22 = %scan3A to %scan3A_19 step %scan3A_20  : i32 {
        %mul3A_23 = arith.constant 1 : i32
        %mul3A_24 = arith.muli %scan3A_22, %mul3A_23 : i32
        %add3A = arith.constant 0 : i32
        %add3A_25 = arith.addi %add3A, %mul3A_24 : i32
        %mul3A_26 = arith.constant 2 : i32
        %mul3A_27 = arith.muli %mul3A_26, %add3A_25 : i32
        %add3A_28 = arith.constant 1 : i32
        %add3A_29 = arith.addi %mul3A_27, %add3A_28 : i32
        %mul3A_30 = arith.constant 80 : i32
        %mul3A_31 = arith.muli %add3A_29, %mul3A_30 : i32
        %dma_start3A_32 = tpu.memref_slice %arg8[%mul3A_31] : memref<20000xi32, #tpu.memory_space<vmem>> -> memref<80xi32, #tpu.memory_space<vmem>>
        %dma_start3A_33 = arith.constant 0 : i32
        %dma_start3A_34 = arith.constant 0 : i32
        %dma_start3A_35 = tpu.memref_slice %arg4[%dma_start3A_33, %dma_start3A_34] : memref<10000x64xf32, #tpu.memory_space<hbm>> -> memref<10000x64xf32, #tpu.memory_space<hbm>>
        tpu.enqueue_indirect_dma source(%dma_start3A_35 : memref<10000x64xf32, #tpu.memory_space<hbm>>) target(%arg11 : memref<80x64xf32, #tpu.memory_space<vmem>>) offsets(%dma_start3A_32 : memref<80xi32, #tpu.memory_space<vmem>>) semaphore(%arg13 : memref<!tpu.dma_semaphore, #tpu.memory_space<semaphore_mem>>)
        %mul3A_36 = arith.constant 80 : i32
        %mul3A_37 = arith.muli %mul3A_27, %mul3A_36 : i32
        %dma_wait3A = tpu.memref_slice %arg8[%mul3A_37] : memref<20000xi32, #tpu.memory_space<vmem>> -> memref<80xi32, #tpu.memory_space<vmem>>
        %dma_wait3A_38 = arith.constant 0 : i32
        %dma_wait3A_39 = arith.constant 0 : i32
        %dma_wait3A_40 = tpu.memref_slice %arg4[%dma_wait3A_38, %dma_wait3A_39] : memref<10000x64xf32, #tpu.memory_space<hbm>> -> memref<10000x64xf32, #tpu.memory_space<hbm>>
        tpu.wait_indirect_dma semaphore(%arg12 : memref<!tpu.dma_semaphore, #tpu.memory_space<semaphore_mem>>) src(%dma_wait3A_40 : memref<10000x64xf32, #tpu.memory_space<hbm>>) dst(%arg10 : memref<80x64xf32, #tpu.memory_space<vmem>>)
        %mul3A_41 = arith.constant 80 : i32
        %mul3A_42 = arith.muli %mul3A_27, %mul3A_41 : i32
        "tpu.region"() ({
          %run_scoped3A_57 = tpu.sem_alloc : memref<!tpu.dma_semaphore, #tpu.memory_space<semaphore_mem>>
          %dma_start3A_58 = tpu.memref_slice %arg9[%mul3A_42] : memref<20000xi32, #tpu.memory_space<vmem>> -> memref<80xi32, #tpu.memory_space<vmem>>
          %dma_start3A_59 = arith.constant 0 : i32
          %dma_start3A_60 = arith.constant 0 : i32
          %dma_start3A_61 = tpu.memref_slice %arg7[%dma_start3A_59, %dma_start3A_60] : memref<10000x64xf32, #tpu.memory_space<vmem_shared>> -> memref<10000x64xf32, #tpu.memory_space<vmem_shared>>
          tpu.enqueue_indirect_dma source(%arg10 : memref<80x64xf32, #tpu.memory_space<vmem>>) target(%dma_start3A_61 : memref<10000x64xf32, #tpu.memory_space<vmem_shared>>) offsets(%dma_start3A_58 : memref<80xi32, #tpu.memory_space<vmem>>) semaphore(%run_scoped3A_57 : memref<!tpu.dma_semaphore, #tpu.memory_space<semaphore_mem>>) {add = true}
          %dma_wait3A_62 = tpu.memref_slice %arg9[%mul3A_42] : memref<20000xi32, #tpu.memory_space<vmem>> -> memref<80xi32, #tpu.memory_space<vmem>>
          %dma_wait3A_63 = arith.constant 0 : i32
          %dma_wait3A_64 = arith.constant 0 : i32
          %dma_wait3A_65 = tpu.memref_slice %arg7[%dma_wait3A_63, %dma_wait3A_64] : memref<10000x64xf32, #tpu.memory_space<vmem_shared>> -> memref<10000x64xf32, #tpu.memory_space<vmem_shared>>
          tpu.wait_indirect_dma semaphore(%run_scoped3A_57 : memref<!tpu.dma_semaphore, #tpu.memory_space<semaphore_mem>>) src(%arg10 : memref<80x64xf32, #tpu.memory_space<vmem>>) dst(%dma_wait3A_65 : memref<10000x64xf32, #tpu.memory_space<vmem_shared>>)
          tpu.yield
        }) : () -> ()
        %lt3A = arith.constant 124 : i32
        %lt3A_43 = arith.cmpi slt, %add3A_25, %lt3A : i32
        %convert_element_type3A_44 = arith.extui %lt3A_43 : i1 to i32
        %cond3A_45 = arith.constant 0 : i32
        %cond3A_46 = arith.cmpi ne, %convert_element_type3A_44, %cond3A_45 : i32
        scf.if %cond3A_46 {
          %add3A_57 = arith.constant 2 : i32
          %add3A_58 = arith.addi %mul3A_27, %add3A_57 : i32
          %mul3A_59 = arith.constant 80 : i32
          %mul3A_60 = arith.muli %add3A_58, %mul3A_59 : i32
          %dma_start3A_61 = tpu.memref_slice %arg8[%mul3A_60] : memref<20000xi32, #tpu.memory_space<vmem>> -> memref<80xi32, #tpu.memory_space<vmem>>
          %dma_start3A_62 = arith.constant 0 : i32
          %dma_start3A_63 = arith.constant 0 : i32
          %dma_start3A_64 = tpu.memref_slice %arg4[%dma_start3A_62, %dma_start3A_63] : memref<10000x64xf32, #tpu.memory_space<hbm>> -> memref<10000x64xf32, #tpu.memory_space<hbm>>
          tpu.enqueue_indirect_dma source(%dma_start3A_64 : memref<10000x64xf32, #tpu.memory_space<hbm>>) target(%arg10 : memref<80x64xf32, #tpu.memory_space<vmem>>) offsets(%dma_start3A_61 : memref<80xi32, #tpu.memory_space<vmem>>) semaphore(%arg12 : memref<!tpu.dma_semaphore, #tpu.memory_space<semaphore_mem>>)
        } else {
        }
        %add3A_47 = arith.constant 1 : i32
        %add3A_48 = arith.addi %mul3A_27, %add3A_47 : i32
        %mul3A_49 = arith.constant 80 : i32
        %mul3A_50 = arith.muli %add3A_48, %mul3A_49 : i32
        %dma_wait3A_51 = tpu.memref_slice %arg8[%mul3A_50] : memref<20000xi32, #tpu.memory_space<vmem>> -> memref<80xi32, #tpu.memory_space<vmem>>
        %dma_wait3A_52 = arith.constant 0 : i32
        %dma_wait3A_53 = arith.constant 0 : i32
        %dma_wait3A_54 = tpu.memref_slice %arg4[%dma_wait3A_52, %dma_wait3A_53] : memref<10000x64xf32, #tpu.memory_space<hbm>> -> memref<10000x64xf32, #tpu.memory_space<hbm>>
        tpu.wait_indirect_dma semaphore(%arg13 : memref<!tpu.dma_semaphore, #tpu.memory_space<semaphore_mem>>) src(%dma_wait3A_54 : memref<10000x64xf32, #tpu.memory_space<hbm>>) dst(%arg11 : memref<80x64xf32, #tpu.memory_space<vmem>>)
        %mul3A_55 = arith.constant 80 : i32
        %mul3A_56 = arith.muli %add3A_48, %mul3A_55 : i32
        "tpu.region"() ({
          %run_scoped3A_57 = tpu.sem_alloc : memref<!tpu.dma_semaphore, #tpu.memory_space<semaphore_mem>>
          %dma_start3A_58 = tpu.memref_slice %arg9[%mul3A_56] : memref<20000xi32, #tpu.memory_space<vmem>> -> memref<80xi32, #tpu.memory_space<vmem>>
          %dma_start3A_59 = arith.constant 0 : i32
          %dma_start3A_60 = arith.constant 0 : i32
          %dma_start3A_61 = tpu.memref_slice %arg7[%dma_start3A_59, %dma_start3A_60] : memref<10000x64xf32, #tpu.memory_space<vmem_shared>> -> memref<10000x64xf32, #tpu.memory_space<vmem_shared>>
          tpu.enqueue_indirect_dma source(%arg11 : memref<80x64xf32, #tpu.memory_space<vmem>>) target(%dma_start3A_61 : memref<10000x64xf32, #tpu.memory_space<vmem_shared>>) offsets(%dma_start3A_58 : memref<80xi32, #tpu.memory_space<vmem>>) semaphore(%run_scoped3A_57 : memref<!tpu.dma_semaphore, #tpu.memory_space<semaphore_mem>>) {add = true}
          %dma_wait3A_62 = tpu.memref_slice %arg9[%mul3A_56] : memref<20000xi32, #tpu.memory_space<vmem>> -> memref<80xi32, #tpu.memory_space<vmem>>
          %dma_wait3A_63 = arith.constant 0 : i32
          %dma_wait3A_64 = arith.constant 0 : i32
          %dma_wait3A_65 = tpu.memref_slice %arg7[%dma_wait3A_63, %dma_wait3A_64] : memref<10000x64xf32, #tpu.memory_space<vmem_shared>> -> memref<10000x64xf32, #tpu.memory_space<vmem_shared>>
          tpu.wait_indirect_dma semaphore(%run_scoped3A_57 : memref<!tpu.dma_semaphore, #tpu.memory_space<semaphore_mem>>) src(%arg11 : memref<80x64xf32, #tpu.memory_space<vmem>>) dst(%dma_wait3A_65 : memref<10000x64xf32, #tpu.memory_space<vmem_shared>>)
          tpu.yield
        }) : () -> ()
      }
      %scan3A_21 = arith.constant 125 : i32
    } else {
    }
    %barrier3A_13 = arith.constant 0 : index
    tpu.barrier barrier_id(%barrier3A_13)
    "tpu.region"() ({
      %run_scoped3A_14 = tpu.sem_alloc : memref<!tpu.dma_semaphore, #tpu.memory_space<semaphore_mem>>
      %dma_start3A = arith.constant 0 : i32
      %dma_start3A_15 = tpu.memref_slice %arg6[%arg0, %mul3A_0, %dma_start3A] : memref<2x10000x64xf32, #tpu.memory_space<hbm>> -> memref<1x625x64xf32, #tpu.memory_space<hbm>>
      %dma_start3A_16 = tpu.memref_squeeze %dma_start3A_15 : memref<1x625x64xf32, #tpu.memory_space<hbm>> -> memref<625x64xf32, #tpu.memory_space<hbm>>
      %dma_start3A_17 = arith.constant 0 : i32
      %dma_start3A_18 = tpu.memref_slice %arg7[%mul3A_0, %dma_start3A_17] : memref<10000x64xf32, #tpu.memory_space<vmem_shared>> -> memref<625x64xf32, #tpu.memory_space<vmem_shared>>
      tpu.enqueue_dma source(%dma_start3A_18 : memref<625x64xf32, #tpu.memory_space<vmem_shared>>) target(%dma_start3A_16 : memref<625x64xf32, #tpu.memory_space<hbm>>) target_semaphore(%run_scoped3A_14 : memref<!tpu.dma_semaphore, #tpu.memory_space<semaphore_mem>>)
      %dma_wait3A = arith.constant 0 : i32
      %dma_wait3A_19 = tpu.memref_slice %arg6[%arg0, %mul3A_0, %dma_wait3A] : memref<2x10000x64xf32, #tpu.memory_space<hbm>> -> memref<1x625x64xf32, #tpu.memory_space<hbm>>
      %dma_wait3A_20 = tpu.memref_squeeze %dma_wait3A_19 : memref<1x625x64xf32, #tpu.memory_space<hbm>> -> memref<625x64xf32, #tpu.memory_space<hbm>>
      %dma_wait3A_21 = arith.constant 0 : i32
      %dma_wait3A_22 = tpu.memref_slice %arg7[%mul3A_0, %dma_wait3A_21] : memref<10000x64xf32, #tpu.memory_space<vmem_shared>> -> memref<625x64xf32, #tpu.memory_space<vmem_shared>>
      tpu.wait_dma2 semaphore(%run_scoped3A_14 : memref<!tpu.dma_semaphore, #tpu.memory_space<semaphore_mem>>) src(%dma_wait3A_22 : memref<625x64xf32, #tpu.memory_space<vmem_shared>>) dst(%dma_wait3A_20 : memref<625x64xf32, #tpu.memory_space<hbm>>)
      tpu.yield
    }) : () -> ()
    return
  }
}

#map = affine_map<(d0, d1) -> (0, 0)>
#map1 = affine_map<(d0, d1) -> (0, 0, 0)>
module attributes {stable_mosaic.version = 14 : i64} {
  func.func @sc_agg(%arg0: i32, %arg1: i32, %arg2: memref<2x320000xi32, #tpu.memory_space<hbm>>, %arg3: memref<10000x80xf32, #tpu.memory_space<hbm>>, %arg4: memref<10000x80xf32, #tpu.memory_space<hbm>>, %arg5: memref<10000x80xf32, #tpu.memory_space<hbm>>, %arg6: memref<2x10000x80xf32, #tpu.memory_space<hbm>>, %arg7: memref<10000x80xf32, #tpu.memory_space<vmem_shared>>, %arg8: memref<20000xi32, #tpu.memory_space<vmem>>, %arg9: memref<20000xi32, #tpu.memory_space<vmem>>, %arg10: memref<80x80xf32, #tpu.memory_space<vmem>>, %arg11: memref<80x80xf32, #tpu.memory_space<vmem>>, %arg12: memref<!tpu.dma_semaphore, #tpu.memory_space<semaphore_mem>>, %arg13: memref<!tpu.dma_semaphore, #tpu.memory_space<semaphore_mem>>) attributes {dimension_semantics = [#tpu.dimension_semantics<core_parallel>, #tpu.dimension_semantics<subcore_parallel>], iteration_bounds = array<i64: 2, 16>, scalar_prefetch = 0 : i64, scratch_operands = 7 : i64, tpu.core_type = #tpu.core_type<sc_vector_subcore>, window_params = [{transform_indices = #map}, {transform_indices = #map}, {transform_indices = #map}, {transform_indices = #map}, {transform_indices = #map1}]} {
    %mul3A = arith.constant 625 : i32
    %mul3A_0 = arith.muli %arg1, %mul3A : i32
    "tpu.region"() ({
      %run_scoped3A_14 = tpu.sem_alloc : memref<!tpu.dma_semaphore, #tpu.memory_space<semaphore_mem>>
      %dma_start3A = arith.constant 0 : i32
      %dma_start3A_15 = tpu.memref_slice %arg7[%mul3A_0, %dma_start3A] : memref<10000x80xf32, #tpu.memory_space<vmem_shared>> -> memref<625x80xf32, #tpu.memory_space<vmem_shared>>
      %dma_start3A_16 = arith.constant 0 : i32
      %dma_start3A_17 = tpu.memref_slice %arg5[%mul3A_0, %dma_start3A_16] : memref<10000x80xf32, #tpu.memory_space<hbm>> -> memref<625x80xf32, #tpu.memory_space<hbm>>
      tpu.enqueue_dma source(%dma_start3A_17 : memref<625x80xf32, #tpu.memory_space<hbm>>) target(%dma_start3A_15 : memref<625x80xf32, #tpu.memory_space<vmem_shared>>) target_semaphore(%run_scoped3A_14 : memref<!tpu.dma_semaphore, #tpu.memory_space<semaphore_mem>>)
      %dma_wait3A = arith.constant 0 : i32
      %dma_wait3A_18 = tpu.memref_slice %arg7[%mul3A_0, %dma_wait3A] : memref<10000x80xf32, #tpu.memory_space<vmem_shared>> -> memref<625x80xf32, #tpu.memory_space<vmem_shared>>
      %dma_wait3A_19 = arith.constant 0 : i32
      %dma_wait3A_20 = tpu.memref_slice %arg5[%mul3A_0, %dma_wait3A_19] : memref<10000x80xf32, #tpu.memory_space<hbm>> -> memref<625x80xf32, #tpu.memory_space<hbm>>
      tpu.wait_dma2 semaphore(%run_scoped3A_14 : memref<!tpu.dma_semaphore, #tpu.memory_space<semaphore_mem>>) src(%dma_wait3A_20 : memref<625x80xf32, #tpu.memory_space<hbm>>) dst(%dma_wait3A_18 : memref<625x80xf32, #tpu.memory_space<vmem_shared>>)
      tpu.yield
    }) : () -> ()
    %mul3A_1 = arith.constant 250 : i32
    %mul3A_2 = arith.muli %arg1, %mul3A_1 : i32
    %mul3A_3 = arith.constant 80 : i32
    %mul3A_4 = arith.muli %mul3A_2, %mul3A_3 : i32
    %run_scoped3A = arith.constant 0 : i32
    "tpu.region"() ({
      %run_scoped3A_14 = tpu.sem_alloc : memref<!tpu.dma_semaphore, #tpu.memory_space<semaphore_mem>>
      %dma_start3A = tpu.memref_slice %arg2[%run_scoped3A, %mul3A_4] : memref<2x320000xi32, #tpu.memory_space<hbm>> -> memref<1x20000xi32, #tpu.memory_space<hbm>>
      %dma_start3A_15 = tpu.memref_squeeze %dma_start3A : memref<1x20000xi32, #tpu.memory_space<hbm>> -> memref<20000xi32, #tpu.memory_space<hbm>>
      %dma_start3A_16 = tpu.memref_slice %arg2[%run_scoped3A, %mul3A_4] : memref<2x320000xi32, #tpu.memory_space<hbm>> -> memref<1x20000xi32, #tpu.memory_space<hbm>>
      %dma_start3A_17 = tpu.memref_squeeze %dma_start3A_16 : memref<1x20000xi32, #tpu.memory_space<hbm>> -> memref<20000xi32, #tpu.memory_space<hbm>>
      tpu.enqueue_dma source(%dma_start3A_17 : memref<20000xi32, #tpu.memory_space<hbm>>) target(%arg8 : memref<20000xi32, #tpu.memory_space<vmem>>) target_semaphore(%run_scoped3A_14 : memref<!tpu.dma_semaphore, #tpu.memory_space<semaphore_mem>>)
      %dma_wait3A = tpu.memref_slice %arg2[%run_scoped3A, %mul3A_4] : memref<2x320000xi32, #tpu.memory_space<hbm>> -> memref<1x20000xi32, #tpu.memory_space<hbm>>
      %dma_wait3A_18 = tpu.memref_squeeze %dma_wait3A : memref<1x20000xi32, #tpu.memory_space<hbm>> -> memref<20000xi32, #tpu.memory_space<hbm>>
      %dma_wait3A_19 = tpu.memref_slice %arg2[%run_scoped3A, %mul3A_4] : memref<2x320000xi32, #tpu.memory_space<hbm>> -> memref<1x20000xi32, #tpu.memory_space<hbm>>
      %dma_wait3A_20 = tpu.memref_squeeze %dma_wait3A_19 : memref<1x20000xi32, #tpu.memory_space<hbm>> -> memref<20000xi32, #tpu.memory_space<hbm>>
      tpu.wait_dma2 semaphore(%run_scoped3A_14 : memref<!tpu.dma_semaphore, #tpu.memory_space<semaphore_mem>>) src(%dma_wait3A_20 : memref<20000xi32, #tpu.memory_space<hbm>>) dst(%arg8 : memref<20000xi32, #tpu.memory_space<vmem>>)
      tpu.yield
    }) : () -> ()
    %run_scoped3A_5 = arith.constant 1 : i32
    "tpu.region"() ({
      %run_scoped3A_14 = tpu.sem_alloc : memref<!tpu.dma_semaphore, #tpu.memory_space<semaphore_mem>>
      %dma_start3A = tpu.memref_slice %arg2[%run_scoped3A_5, %mul3A_4] : memref<2x320000xi32, #tpu.memory_space<hbm>> -> memref<1x20000xi32, #tpu.memory_space<hbm>>
      %dma_start3A_15 = tpu.memref_squeeze %dma_start3A : memref<1x20000xi32, #tpu.memory_space<hbm>> -> memref<20000xi32, #tpu.memory_space<hbm>>
      %dma_start3A_16 = tpu.memref_slice %arg2[%run_scoped3A_5, %mul3A_4] : memref<2x320000xi32, #tpu.memory_space<hbm>> -> memref<1x20000xi32, #tpu.memory_space<hbm>>
      %dma_start3A_17 = tpu.memref_squeeze %dma_start3A_16 : memref<1x20000xi32, #tpu.memory_space<hbm>> -> memref<20000xi32, #tpu.memory_space<hbm>>
      tpu.enqueue_dma source(%dma_start3A_17 : memref<20000xi32, #tpu.memory_space<hbm>>) target(%arg9 : memref<20000xi32, #tpu.memory_space<vmem>>) target_semaphore(%run_scoped3A_14 : memref<!tpu.dma_semaphore, #tpu.memory_space<semaphore_mem>>)
      %dma_wait3A = tpu.memref_slice %arg2[%run_scoped3A_5, %mul3A_4] : memref<2x320000xi32, #tpu.memory_space<hbm>> -> memref<1x20000xi32, #tpu.memory_space<hbm>>
      %dma_wait3A_18 = tpu.memref_squeeze %dma_wait3A : memref<1x20000xi32, #tpu.memory_space<hbm>> -> memref<20000xi32, #tpu.memory_space<hbm>>
      %dma_wait3A_19 = tpu.memref_slice %arg2[%run_scoped3A_5, %mul3A_4] : memref<2x320000xi32, #tpu.memory_space<hbm>> -> memref<1x20000xi32, #tpu.memory_space<hbm>>
      %dma_wait3A_20 = tpu.memref_squeeze %dma_wait3A_19 : memref<1x20000xi32, #tpu.memory_space<hbm>> -> memref<20000xi32, #tpu.memory_space<hbm>>
      tpu.wait_dma2 semaphore(%run_scoped3A_14 : memref<!tpu.dma_semaphore, #tpu.memory_space<semaphore_mem>>) src(%dma_wait3A_20 : memref<20000xi32, #tpu.memory_space<hbm>>) dst(%arg9 : memref<20000xi32, #tpu.memory_space<vmem>>)
      tpu.yield
    }) : () -> ()
    %barrier3A = arith.constant 0 : index
    tpu.barrier barrier_id(%barrier3A)
    %eq3A = arith.constant 0 : i32
    %eq3A_6 = arith.cmpi eq, %arg0, %eq3A : i32
    %convert_element_type3A = arith.extui %eq3A_6 : i1 to i32
    %cond3A = arith.constant 0 : i32
    %cond3A_7 = arith.cmpi ne, %convert_element_type3A, %cond3A : i32
    scf.if %cond3A_7 {
      %dma_start3A = arith.constant 0 : i32
      %dma_start3A_14 = tpu.memref_slice %arg8[%dma_start3A] : memref<20000xi32, #tpu.memory_space<vmem>> -> memref<80xi32, #tpu.memory_space<vmem>>
      %dma_start3A_15 = arith.constant 0 : i32
      %dma_start3A_16 = arith.constant 0 : i32
      %dma_start3A_17 = tpu.memref_slice %arg3[%dma_start3A_15, %dma_start3A_16] : memref<10000x80xf32, #tpu.memory_space<hbm>> -> memref<10000x80xf32, #tpu.memory_space<hbm>>
      tpu.enqueue_indirect_dma source(%dma_start3A_17 : memref<10000x80xf32, #tpu.memory_space<hbm>>) target(%arg10 : memref<80x80xf32, #tpu.memory_space<vmem>>) offsets(%dma_start3A_14 : memref<80xi32, #tpu.memory_space<vmem>>) semaphore(%arg12 : memref<!tpu.dma_semaphore, #tpu.memory_space<semaphore_mem>>)
      %scan3A = arith.constant 0 : i32
      %scan3A_18 = arith.constant 125 : i32
      %scan3A_19 = arith.addi %scan3A, %scan3A_18 : i32
      %scan3A_20 = arith.constant 1 : i32
      scf.for %scan3A_22 = %scan3A to %scan3A_19 step %scan3A_20  : i32 {
        %mul3A_23 = arith.constant 1 : i32
        %mul3A_24 = arith.muli %scan3A_22, %mul3A_23 : i32
        %add3A = arith.constant 0 : i32
        %add3A_25 = arith.addi %add3A, %mul3A_24 : i32
        %mul3A_26 = arith.constant 2 : i32
        %mul3A_27 = arith.muli %mul3A_26, %add3A_25 : i32
        %add3A_28 = arith.constant 1 : i32
        %add3A_29 = arith.addi %mul3A_27, %add3A_28 : i32
        %mul3A_30 = arith.constant 80 : i32
        %mul3A_31 = arith.muli %add3A_29, %mul3A_30 : i32
        %dma_start3A_32 = tpu.memref_slice %arg8[%mul3A_31] : memref<20000xi32, #tpu.memory_space<vmem>> -> memref<80xi32, #tpu.memory_space<vmem>>
        %dma_start3A_33 = arith.constant 0 : i32
        %dma_start3A_34 = arith.constant 0 : i32
        %dma_start3A_35 = tpu.memref_slice %arg3[%dma_start3A_33, %dma_start3A_34] : memref<10000x80xf32, #tpu.memory_space<hbm>> -> memref<10000x80xf32, #tpu.memory_space<hbm>>
        tpu.enqueue_indirect_dma source(%dma_start3A_35 : memref<10000x80xf32, #tpu.memory_space<hbm>>) target(%arg11 : memref<80x80xf32, #tpu.memory_space<vmem>>) offsets(%dma_start3A_32 : memref<80xi32, #tpu.memory_space<vmem>>) semaphore(%arg13 : memref<!tpu.dma_semaphore, #tpu.memory_space<semaphore_mem>>)
        %mul3A_36 = arith.constant 80 : i32
        %mul3A_37 = arith.muli %mul3A_27, %mul3A_36 : i32
        %dma_wait3A = tpu.memref_slice %arg8[%mul3A_37] : memref<20000xi32, #tpu.memory_space<vmem>> -> memref<80xi32, #tpu.memory_space<vmem>>
        %dma_wait3A_38 = arith.constant 0 : i32
        %dma_wait3A_39 = arith.constant 0 : i32
        %dma_wait3A_40 = tpu.memref_slice %arg3[%dma_wait3A_38, %dma_wait3A_39] : memref<10000x80xf32, #tpu.memory_space<hbm>> -> memref<10000x80xf32, #tpu.memory_space<hbm>>
        tpu.wait_indirect_dma semaphore(%arg12 : memref<!tpu.dma_semaphore, #tpu.memory_space<semaphore_mem>>) src(%dma_wait3A_40 : memref<10000x80xf32, #tpu.memory_space<hbm>>) dst(%arg10 : memref<80x80xf32, #tpu.memory_space<vmem>>)
        %mul3A_41 = arith.constant 80 : i32
        %mul3A_42 = arith.muli %mul3A_27, %mul3A_41 : i32
        "tpu.region"() ({
          %run_scoped3A_57 = tpu.sem_alloc : memref<!tpu.dma_semaphore, #tpu.memory_space<semaphore_mem>>
          %dma_start3A_58 = tpu.memref_slice %arg9[%mul3A_42] : memref<20000xi32, #tpu.memory_space<vmem>> -> memref<80xi32, #tpu.memory_space<vmem>>
          %dma_start3A_59 = arith.constant 0 : i32
          %dma_start3A_60 = arith.constant 0 : i32
          %dma_start3A_61 = tpu.memref_slice %arg7[%dma_start3A_59, %dma_start3A_60] : memref<10000x80xf32, #tpu.memory_space<vmem_shared>> -> memref<10000x80xf32, #tpu.memory_space<vmem_shared>>
          tpu.enqueue_indirect_dma source(%arg10 : memref<80x80xf32, #tpu.memory_space<vmem>>) target(%dma_start3A_61 : memref<10000x80xf32, #tpu.memory_space<vmem_shared>>) offsets(%dma_start3A_58 : memref<80xi32, #tpu.memory_space<vmem>>) semaphore(%run_scoped3A_57 : memref<!tpu.dma_semaphore, #tpu.memory_space<semaphore_mem>>) {add = true}
          %dma_wait3A_62 = tpu.memref_slice %arg9[%mul3A_42] : memref<20000xi32, #tpu.memory_space<vmem>> -> memref<80xi32, #tpu.memory_space<vmem>>
          %dma_wait3A_63 = arith.constant 0 : i32
          %dma_wait3A_64 = arith.constant 0 : i32
          %dma_wait3A_65 = tpu.memref_slice %arg7[%dma_wait3A_63, %dma_wait3A_64] : memref<10000x80xf32, #tpu.memory_space<vmem_shared>> -> memref<10000x80xf32, #tpu.memory_space<vmem_shared>>
          tpu.wait_indirect_dma semaphore(%run_scoped3A_57 : memref<!tpu.dma_semaphore, #tpu.memory_space<semaphore_mem>>) src(%arg10 : memref<80x80xf32, #tpu.memory_space<vmem>>) dst(%dma_wait3A_65 : memref<10000x80xf32, #tpu.memory_space<vmem_shared>>)
          tpu.yield
        }) : () -> ()
        %lt3A = arith.constant 124 : i32
        %lt3A_43 = arith.cmpi slt, %add3A_25, %lt3A : i32
        %convert_element_type3A_44 = arith.extui %lt3A_43 : i1 to i32
        %cond3A_45 = arith.constant 0 : i32
        %cond3A_46 = arith.cmpi ne, %convert_element_type3A_44, %cond3A_45 : i32
        scf.if %cond3A_46 {
          %add3A_57 = arith.constant 2 : i32
          %add3A_58 = arith.addi %mul3A_27, %add3A_57 : i32
          %mul3A_59 = arith.constant 80 : i32
          %mul3A_60 = arith.muli %add3A_58, %mul3A_59 : i32
          %dma_start3A_61 = tpu.memref_slice %arg8[%mul3A_60] : memref<20000xi32, #tpu.memory_space<vmem>> -> memref<80xi32, #tpu.memory_space<vmem>>
          %dma_start3A_62 = arith.constant 0 : i32
          %dma_start3A_63 = arith.constant 0 : i32
          %dma_start3A_64 = tpu.memref_slice %arg3[%dma_start3A_62, %dma_start3A_63] : memref<10000x80xf32, #tpu.memory_space<hbm>> -> memref<10000x80xf32, #tpu.memory_space<hbm>>
          tpu.enqueue_indirect_dma source(%dma_start3A_64 : memref<10000x80xf32, #tpu.memory_space<hbm>>) target(%arg10 : memref<80x80xf32, #tpu.memory_space<vmem>>) offsets(%dma_start3A_61 : memref<80xi32, #tpu.memory_space<vmem>>) semaphore(%arg12 : memref<!tpu.dma_semaphore, #tpu.memory_space<semaphore_mem>>)
        } else {
        }
        %add3A_47 = arith.constant 1 : i32
        %add3A_48 = arith.addi %mul3A_27, %add3A_47 : i32
        %mul3A_49 = arith.constant 80 : i32
        %mul3A_50 = arith.muli %add3A_48, %mul3A_49 : i32
        %dma_wait3A_51 = tpu.memref_slice %arg8[%mul3A_50] : memref<20000xi32, #tpu.memory_space<vmem>> -> memref<80xi32, #tpu.memory_space<vmem>>
        %dma_wait3A_52 = arith.constant 0 : i32
        %dma_wait3A_53 = arith.constant 0 : i32
        %dma_wait3A_54 = tpu.memref_slice %arg3[%dma_wait3A_52, %dma_wait3A_53] : memref<10000x80xf32, #tpu.memory_space<hbm>> -> memref<10000x80xf32, #tpu.memory_space<hbm>>
        tpu.wait_indirect_dma semaphore(%arg13 : memref<!tpu.dma_semaphore, #tpu.memory_space<semaphore_mem>>) src(%dma_wait3A_54 : memref<10000x80xf32, #tpu.memory_space<hbm>>) dst(%arg11 : memref<80x80xf32, #tpu.memory_space<vmem>>)
        %mul3A_55 = arith.constant 80 : i32
        %mul3A_56 = arith.muli %add3A_48, %mul3A_55 : i32
        "tpu.region"() ({
          %run_scoped3A_57 = tpu.sem_alloc : memref<!tpu.dma_semaphore, #tpu.memory_space<semaphore_mem>>
          %dma_start3A_58 = tpu.memref_slice %arg9[%mul3A_56] : memref<20000xi32, #tpu.memory_space<vmem>> -> memref<80xi32, #tpu.memory_space<vmem>>
          %dma_start3A_59 = arith.constant 0 : i32
          %dma_start3A_60 = arith.constant 0 : i32
          %dma_start3A_61 = tpu.memref_slice %arg7[%dma_start3A_59, %dma_start3A_60] : memref<10000x80xf32, #tpu.memory_space<vmem_shared>> -> memref<10000x80xf32, #tpu.memory_space<vmem_shared>>
          tpu.enqueue_indirect_dma source(%arg11 : memref<80x80xf32, #tpu.memory_space<vmem>>) target(%dma_start3A_61 : memref<10000x80xf32, #tpu.memory_space<vmem_shared>>) offsets(%dma_start3A_58 : memref<80xi32, #tpu.memory_space<vmem>>) semaphore(%run_scoped3A_57 : memref<!tpu.dma_semaphore, #tpu.memory_space<semaphore_mem>>) {add = true}
          %dma_wait3A_62 = tpu.memref_slice %arg9[%mul3A_56] : memref<20000xi32, #tpu.memory_space<vmem>> -> memref<80xi32, #tpu.memory_space<vmem>>
          %dma_wait3A_63 = arith.constant 0 : i32
          %dma_wait3A_64 = arith.constant 0 : i32
          %dma_wait3A_65 = tpu.memref_slice %arg7[%dma_wait3A_63, %dma_wait3A_64] : memref<10000x80xf32, #tpu.memory_space<vmem_shared>> -> memref<10000x80xf32, #tpu.memory_space<vmem_shared>>
          tpu.wait_indirect_dma semaphore(%run_scoped3A_57 : memref<!tpu.dma_semaphore, #tpu.memory_space<semaphore_mem>>) src(%arg11 : memref<80x80xf32, #tpu.memory_space<vmem>>) dst(%dma_wait3A_65 : memref<10000x80xf32, #tpu.memory_space<vmem_shared>>)
          tpu.yield
        }) : () -> ()
      }
      %scan3A_21 = arith.constant 125 : i32
    } else {
    }
    %eq3A_8 = arith.constant 1 : i32
    %eq3A_9 = arith.cmpi eq, %arg0, %eq3A_8 : i32
    %convert_element_type3A_10 = arith.extui %eq3A_9 : i1 to i32
    %cond3A_11 = arith.constant 0 : i32
    %cond3A_12 = arith.cmpi ne, %convert_element_type3A_10, %cond3A_11 : i32
    scf.if %cond3A_12 {
      %dma_start3A = arith.constant 0 : i32
      %dma_start3A_14 = tpu.memref_slice %arg8[%dma_start3A] : memref<20000xi32, #tpu.memory_space<vmem>> -> memref<80xi32, #tpu.memory_space<vmem>>
      %dma_start3A_15 = arith.constant 0 : i32
      %dma_start3A_16 = arith.constant 0 : i32
      %dma_start3A_17 = tpu.memref_slice %arg4[%dma_start3A_15, %dma_start3A_16] : memref<10000x80xf32, #tpu.memory_space<hbm>> -> memref<10000x80xf32, #tpu.memory_space<hbm>>
      tpu.enqueue_indirect_dma source(%dma_start3A_17 : memref<10000x80xf32, #tpu.memory_space<hbm>>) target(%arg10 : memref<80x80xf32, #tpu.memory_space<vmem>>) offsets(%dma_start3A_14 : memref<80xi32, #tpu.memory_space<vmem>>) semaphore(%arg12 : memref<!tpu.dma_semaphore, #tpu.memory_space<semaphore_mem>>)
      %scan3A = arith.constant 0 : i32
      %scan3A_18 = arith.constant 125 : i32
      %scan3A_19 = arith.addi %scan3A, %scan3A_18 : i32
      %scan3A_20 = arith.constant 1 : i32
      scf.for %scan3A_22 = %scan3A to %scan3A_19 step %scan3A_20  : i32 {
        %mul3A_23 = arith.constant 1 : i32
        %mul3A_24 = arith.muli %scan3A_22, %mul3A_23 : i32
        %add3A = arith.constant 0 : i32
        %add3A_25 = arith.addi %add3A, %mul3A_24 : i32
        %mul3A_26 = arith.constant 2 : i32
        %mul3A_27 = arith.muli %mul3A_26, %add3A_25 : i32
        %add3A_28 = arith.constant 1 : i32
        %add3A_29 = arith.addi %mul3A_27, %add3A_28 : i32
        %mul3A_30 = arith.constant 80 : i32
        %mul3A_31 = arith.muli %add3A_29, %mul3A_30 : i32
        %dma_start3A_32 = tpu.memref_slice %arg8[%mul3A_31] : memref<20000xi32, #tpu.memory_space<vmem>> -> memref<80xi32, #tpu.memory_space<vmem>>
        %dma_start3A_33 = arith.constant 0 : i32
        %dma_start3A_34 = arith.constant 0 : i32
        %dma_start3A_35 = tpu.memref_slice %arg4[%dma_start3A_33, %dma_start3A_34] : memref<10000x80xf32, #tpu.memory_space<hbm>> -> memref<10000x80xf32, #tpu.memory_space<hbm>>
        tpu.enqueue_indirect_dma source(%dma_start3A_35 : memref<10000x80xf32, #tpu.memory_space<hbm>>) target(%arg11 : memref<80x80xf32, #tpu.memory_space<vmem>>) offsets(%dma_start3A_32 : memref<80xi32, #tpu.memory_space<vmem>>) semaphore(%arg13 : memref<!tpu.dma_semaphore, #tpu.memory_space<semaphore_mem>>)
        %mul3A_36 = arith.constant 80 : i32
        %mul3A_37 = arith.muli %mul3A_27, %mul3A_36 : i32
        %dma_wait3A = tpu.memref_slice %arg8[%mul3A_37] : memref<20000xi32, #tpu.memory_space<vmem>> -> memref<80xi32, #tpu.memory_space<vmem>>
        %dma_wait3A_38 = arith.constant 0 : i32
        %dma_wait3A_39 = arith.constant 0 : i32
        %dma_wait3A_40 = tpu.memref_slice %arg4[%dma_wait3A_38, %dma_wait3A_39] : memref<10000x80xf32, #tpu.memory_space<hbm>> -> memref<10000x80xf32, #tpu.memory_space<hbm>>
        tpu.wait_indirect_dma semaphore(%arg12 : memref<!tpu.dma_semaphore, #tpu.memory_space<semaphore_mem>>) src(%dma_wait3A_40 : memref<10000x80xf32, #tpu.memory_space<hbm>>) dst(%arg10 : memref<80x80xf32, #tpu.memory_space<vmem>>)
        %mul3A_41 = arith.constant 80 : i32
        %mul3A_42 = arith.muli %mul3A_27, %mul3A_41 : i32
        "tpu.region"() ({
          %run_scoped3A_57 = tpu.sem_alloc : memref<!tpu.dma_semaphore, #tpu.memory_space<semaphore_mem>>
          %dma_start3A_58 = tpu.memref_slice %arg9[%mul3A_42] : memref<20000xi32, #tpu.memory_space<vmem>> -> memref<80xi32, #tpu.memory_space<vmem>>
          %dma_start3A_59 = arith.constant 0 : i32
          %dma_start3A_60 = arith.constant 0 : i32
          %dma_start3A_61 = tpu.memref_slice %arg7[%dma_start3A_59, %dma_start3A_60] : memref<10000x80xf32, #tpu.memory_space<vmem_shared>> -> memref<10000x80xf32, #tpu.memory_space<vmem_shared>>
          tpu.enqueue_indirect_dma source(%arg10 : memref<80x80xf32, #tpu.memory_space<vmem>>) target(%dma_start3A_61 : memref<10000x80xf32, #tpu.memory_space<vmem_shared>>) offsets(%dma_start3A_58 : memref<80xi32, #tpu.memory_space<vmem>>) semaphore(%run_scoped3A_57 : memref<!tpu.dma_semaphore, #tpu.memory_space<semaphore_mem>>) {add = true}
          %dma_wait3A_62 = tpu.memref_slice %arg9[%mul3A_42] : memref<20000xi32, #tpu.memory_space<vmem>> -> memref<80xi32, #tpu.memory_space<vmem>>
          %dma_wait3A_63 = arith.constant 0 : i32
          %dma_wait3A_64 = arith.constant 0 : i32
          %dma_wait3A_65 = tpu.memref_slice %arg7[%dma_wait3A_63, %dma_wait3A_64] : memref<10000x80xf32, #tpu.memory_space<vmem_shared>> -> memref<10000x80xf32, #tpu.memory_space<vmem_shared>>
          tpu.wait_indirect_dma semaphore(%run_scoped3A_57 : memref<!tpu.dma_semaphore, #tpu.memory_space<semaphore_mem>>) src(%arg10 : memref<80x80xf32, #tpu.memory_space<vmem>>) dst(%dma_wait3A_65 : memref<10000x80xf32, #tpu.memory_space<vmem_shared>>)
          tpu.yield
        }) : () -> ()
        %lt3A = arith.constant 124 : i32
        %lt3A_43 = arith.cmpi slt, %add3A_25, %lt3A : i32
        %convert_element_type3A_44 = arith.extui %lt3A_43 : i1 to i32
        %cond3A_45 = arith.constant 0 : i32
        %cond3A_46 = arith.cmpi ne, %convert_element_type3A_44, %cond3A_45 : i32
        scf.if %cond3A_46 {
          %add3A_57 = arith.constant 2 : i32
          %add3A_58 = arith.addi %mul3A_27, %add3A_57 : i32
          %mul3A_59 = arith.constant 80 : i32
          %mul3A_60 = arith.muli %add3A_58, %mul3A_59 : i32
          %dma_start3A_61 = tpu.memref_slice %arg8[%mul3A_60] : memref<20000xi32, #tpu.memory_space<vmem>> -> memref<80xi32, #tpu.memory_space<vmem>>
          %dma_start3A_62 = arith.constant 0 : i32
          %dma_start3A_63 = arith.constant 0 : i32
          %dma_start3A_64 = tpu.memref_slice %arg4[%dma_start3A_62, %dma_start3A_63] : memref<10000x80xf32, #tpu.memory_space<hbm>> -> memref<10000x80xf32, #tpu.memory_space<hbm>>
          tpu.enqueue_indirect_dma source(%dma_start3A_64 : memref<10000x80xf32, #tpu.memory_space<hbm>>) target(%arg10 : memref<80x80xf32, #tpu.memory_space<vmem>>) offsets(%dma_start3A_61 : memref<80xi32, #tpu.memory_space<vmem>>) semaphore(%arg12 : memref<!tpu.dma_semaphore, #tpu.memory_space<semaphore_mem>>)
        } else {
        }
        %add3A_47 = arith.constant 1 : i32
        %add3A_48 = arith.addi %mul3A_27, %add3A_47 : i32
        %mul3A_49 = arith.constant 80 : i32
        %mul3A_50 = arith.muli %add3A_48, %mul3A_49 : i32
        %dma_wait3A_51 = tpu.memref_slice %arg8[%mul3A_50] : memref<20000xi32, #tpu.memory_space<vmem>> -> memref<80xi32, #tpu.memory_space<vmem>>
        %dma_wait3A_52 = arith.constant 0 : i32
        %dma_wait3A_53 = arith.constant 0 : i32
        %dma_wait3A_54 = tpu.memref_slice %arg4[%dma_wait3A_52, %dma_wait3A_53] : memref<10000x80xf32, #tpu.memory_space<hbm>> -> memref<10000x80xf32, #tpu.memory_space<hbm>>
        tpu.wait_indirect_dma semaphore(%arg13 : memref<!tpu.dma_semaphore, #tpu.memory_space<semaphore_mem>>) src(%dma_wait3A_54 : memref<10000x80xf32, #tpu.memory_space<hbm>>) dst(%arg11 : memref<80x80xf32, #tpu.memory_space<vmem>>)
        %mul3A_55 = arith.constant 80 : i32
        %mul3A_56 = arith.muli %add3A_48, %mul3A_55 : i32
        "tpu.region"() ({
          %run_scoped3A_57 = tpu.sem_alloc : memref<!tpu.dma_semaphore, #tpu.memory_space<semaphore_mem>>
          %dma_start3A_58 = tpu.memref_slice %arg9[%mul3A_56] : memref<20000xi32, #tpu.memory_space<vmem>> -> memref<80xi32, #tpu.memory_space<vmem>>
          %dma_start3A_59 = arith.constant 0 : i32
          %dma_start3A_60 = arith.constant 0 : i32
          %dma_start3A_61 = tpu.memref_slice %arg7[%dma_start3A_59, %dma_start3A_60] : memref<10000x80xf32, #tpu.memory_space<vmem_shared>> -> memref<10000x80xf32, #tpu.memory_space<vmem_shared>>
          tpu.enqueue_indirect_dma source(%arg11 : memref<80x80xf32, #tpu.memory_space<vmem>>) target(%dma_start3A_61 : memref<10000x80xf32, #tpu.memory_space<vmem_shared>>) offsets(%dma_start3A_58 : memref<80xi32, #tpu.memory_space<vmem>>) semaphore(%run_scoped3A_57 : memref<!tpu.dma_semaphore, #tpu.memory_space<semaphore_mem>>) {add = true}
          %dma_wait3A_62 = tpu.memref_slice %arg9[%mul3A_56] : memref<20000xi32, #tpu.memory_space<vmem>> -> memref<80xi32, #tpu.memory_space<vmem>>
          %dma_wait3A_63 = arith.constant 0 : i32
          %dma_wait3A_64 = arith.constant 0 : i32
          %dma_wait3A_65 = tpu.memref_slice %arg7[%dma_wait3A_63, %dma_wait3A_64] : memref<10000x80xf32, #tpu.memory_space<vmem_shared>> -> memref<10000x80xf32, #tpu.memory_space<vmem_shared>>
          tpu.wait_indirect_dma semaphore(%run_scoped3A_57 : memref<!tpu.dma_semaphore, #tpu.memory_space<semaphore_mem>>) src(%arg11 : memref<80x80xf32, #tpu.memory_space<vmem>>) dst(%dma_wait3A_65 : memref<10000x80xf32, #tpu.memory_space<vmem_shared>>)
          tpu.yield
        }) : () -> ()
      }
      %scan3A_21 = arith.constant 125 : i32
    } else {
    }
    %barrier3A_13 = arith.constant 0 : index
    tpu.barrier barrier_id(%barrier3A_13)
    "tpu.region"() ({
      %run_scoped3A_14 = tpu.sem_alloc : memref<!tpu.dma_semaphore, #tpu.memory_space<semaphore_mem>>
      %dma_start3A = arith.constant 0 : i32
      %dma_start3A_15 = tpu.memref_slice %arg6[%arg0, %mul3A_0, %dma_start3A] : memref<2x10000x80xf32, #tpu.memory_space<hbm>> -> memref<1x625x80xf32, #tpu.memory_space<hbm>>
      %dma_start3A_16 = tpu.memref_squeeze %dma_start3A_15 : memref<1x625x80xf32, #tpu.memory_space<hbm>> -> memref<625x80xf32, #tpu.memory_space<hbm>>
      %dma_start3A_17 = arith.constant 0 : i32
      %dma_start3A_18 = tpu.memref_slice %arg7[%mul3A_0, %dma_start3A_17] : memref<10000x80xf32, #tpu.memory_space<vmem_shared>> -> memref<625x80xf32, #tpu.memory_space<vmem_shared>>
      tpu.enqueue_dma source(%dma_start3A_18 : memref<625x80xf32, #tpu.memory_space<vmem_shared>>) target(%dma_start3A_16 : memref<625x80xf32, #tpu.memory_space<hbm>>) target_semaphore(%run_scoped3A_14 : memref<!tpu.dma_semaphore, #tpu.memory_space<semaphore_mem>>)
      %dma_wait3A = arith.constant 0 : i32
      %dma_wait3A_19 = tpu.memref_slice %arg6[%arg0, %mul3A_0, %dma_wait3A] : memref<2x10000x80xf32, #tpu.memory_space<hbm>> -> memref<1x625x80xf32, #tpu.memory_space<hbm>>
      %dma_wait3A_20 = tpu.memref_squeeze %dma_wait3A_19 : memref<1x625x80xf32, #tpu.memory_space<hbm>> -> memref<625x80xf32, #tpu.memory_space<hbm>>
      %dma_wait3A_21 = arith.constant 0 : i32
      %dma_wait3A_22 = tpu.memref_slice %arg7[%mul3A_0, %dma_wait3A_21] : memref<10000x80xf32, #tpu.memory_space<vmem_shared>> -> memref<625x80xf32, #tpu.memory_space<vmem_shared>>
      tpu.wait_dma2 semaphore(%run_scoped3A_14 : memref<!tpu.dma_semaphore, #tpu.memory_space<semaphore_mem>>) src(%dma_wait3A_22 : memref<625x80xf32, #tpu.memory_space<vmem_shared>>) dst(%dma_wait3A_20 : memref<625x80xf32, #tpu.memory_space<hbm>>)
      tpu.yield
    }) : () -> ()
    return
  }
}

#map = affine_map<(d0, d1) -> (0, 0)>
#map1 = affine_map<(d0, d1) -> (0, 0, 0)>
module attributes {stable_mosaic.version = 14 : i64} {
  func.func @sc_agg(%arg0: i32, %arg1: i32, %arg2: memref<2x320000xi32, #tpu.memory_space<hbm>>, %arg3: memref<10000x64xf32, #tpu.memory_space<hbm>>, %arg4: memref<10000x64xf32, #tpu.memory_space<hbm>>, %arg5: memref<10000x64xf32, #tpu.memory_space<hbm>>, %arg6: memref<2x10000x64xf32, #tpu.memory_space<hbm>>, %arg7: memref<10000x64xf32, #tpu.memory_space<vmem_shared>>, %arg8: memref<20000xi32, #tpu.memory_space<vmem>>, %arg9: memref<20000xi32, #tpu.memory_space<vmem>>, %arg10: memref<80x64xf32, #tpu.memory_space<vmem>>, %arg11: memref<80x64xf32, #tpu.memory_space<vmem>>, %arg12: memref<!tpu.dma_semaphore, #tpu.memory_space<semaphore_mem>>, %arg13: memref<!tpu.dma_semaphore, #tpu.memory_space<semaphore_mem>>) attributes {dimension_semantics = [#tpu.dimension_semantics<core_parallel>, #tpu.dimension_semantics<subcore_parallel>], iteration_bounds = array<i64: 2, 16>, scalar_prefetch = 0 : i64, scratch_operands = 7 : i64, tpu.core_type = #tpu.core_type<sc_vector_subcore>, window_params = [{transform_indices = #map}, {transform_indices = #map}, {transform_indices = #map}, {transform_indices = #map}, {transform_indices = #map1}]} {
    %mul3A = arith.constant 625 : i32
    %mul3A_0 = arith.muli %arg1, %mul3A : i32
    "tpu.region"() ({
      %run_scoped3A_14 = tpu.sem_alloc : memref<!tpu.dma_semaphore, #tpu.memory_space<semaphore_mem>>
      %dma_start3A = arith.constant 0 : i32
      %dma_start3A_15 = tpu.memref_slice %arg7[%mul3A_0, %dma_start3A] : memref<10000x64xf32, #tpu.memory_space<vmem_shared>> -> memref<625x64xf32, #tpu.memory_space<vmem_shared>>
      %dma_start3A_16 = arith.constant 0 : i32
      %dma_start3A_17 = tpu.memref_slice %arg5[%mul3A_0, %dma_start3A_16] : memref<10000x64xf32, #tpu.memory_space<hbm>> -> memref<625x64xf32, #tpu.memory_space<hbm>>
      tpu.enqueue_dma source(%dma_start3A_17 : memref<625x64xf32, #tpu.memory_space<hbm>>) target(%dma_start3A_15 : memref<625x64xf32, #tpu.memory_space<vmem_shared>>) target_semaphore(%run_scoped3A_14 : memref<!tpu.dma_semaphore, #tpu.memory_space<semaphore_mem>>)
      %dma_wait3A = arith.constant 0 : i32
      %dma_wait3A_18 = tpu.memref_slice %arg7[%mul3A_0, %dma_wait3A] : memref<10000x64xf32, #tpu.memory_space<vmem_shared>> -> memref<625x64xf32, #tpu.memory_space<vmem_shared>>
      %dma_wait3A_19 = arith.constant 0 : i32
      %dma_wait3A_20 = tpu.memref_slice %arg5[%mul3A_0, %dma_wait3A_19] : memref<10000x64xf32, #tpu.memory_space<hbm>> -> memref<625x64xf32, #tpu.memory_space<hbm>>
      tpu.wait_dma2 semaphore(%run_scoped3A_14 : memref<!tpu.dma_semaphore, #tpu.memory_space<semaphore_mem>>) src(%dma_wait3A_20 : memref<625x64xf32, #tpu.memory_space<hbm>>) dst(%dma_wait3A_18 : memref<625x64xf32, #tpu.memory_space<vmem_shared>>)
      tpu.yield
    }) : () -> ()
    %mul3A_1 = arith.constant 250 : i32
    %mul3A_2 = arith.muli %arg1, %mul3A_1 : i32
    %mul3A_3 = arith.constant 80 : i32
    %mul3A_4 = arith.muli %mul3A_2, %mul3A_3 : i32
    %run_scoped3A = arith.constant 0 : i32
    "tpu.region"() ({
      %run_scoped3A_14 = tpu.sem_alloc : memref<!tpu.dma_semaphore, #tpu.memory_space<semaphore_mem>>
      %dma_start3A = tpu.memref_slice %arg2[%run_scoped3A, %mul3A_4] : memref<2x320000xi32, #tpu.memory_space<hbm>> -> memref<1x20000xi32, #tpu.memory_space<hbm>>
      %dma_start3A_15 = tpu.memref_squeeze %dma_start3A : memref<1x20000xi32, #tpu.memory_space<hbm>> -> memref<20000xi32, #tpu.memory_space<hbm>>
      %dma_start3A_16 = tpu.memref_slice %arg2[%run_scoped3A, %mul3A_4] : memref<2x320000xi32, #tpu.memory_space<hbm>> -> memref<1x20000xi32, #tpu.memory_space<hbm>>
      %dma_start3A_17 = tpu.memref_squeeze %dma_start3A_16 : memref<1x20000xi32, #tpu.memory_space<hbm>> -> memref<20000xi32, #tpu.memory_space<hbm>>
      tpu.enqueue_dma source(%dma_start3A_17 : memref<20000xi32, #tpu.memory_space<hbm>>) target(%arg8 : memref<20000xi32, #tpu.memory_space<vmem>>) target_semaphore(%run_scoped3A_14 : memref<!tpu.dma_semaphore, #tpu.memory_space<semaphore_mem>>)
      %dma_wait3A = tpu.memref_slice %arg2[%run_scoped3A, %mul3A_4] : memref<2x320000xi32, #tpu.memory_space<hbm>> -> memref<1x20000xi32, #tpu.memory_space<hbm>>
      %dma_wait3A_18 = tpu.memref_squeeze %dma_wait3A : memref<1x20000xi32, #tpu.memory_space<hbm>> -> memref<20000xi32, #tpu.memory_space<hbm>>
      %dma_wait3A_19 = tpu.memref_slice %arg2[%run_scoped3A, %mul3A_4] : memref<2x320000xi32, #tpu.memory_space<hbm>> -> memref<1x20000xi32, #tpu.memory_space<hbm>>
      %dma_wait3A_20 = tpu.memref_squeeze %dma_wait3A_19 : memref<1x20000xi32, #tpu.memory_space<hbm>> -> memref<20000xi32, #tpu.memory_space<hbm>>
      tpu.wait_dma2 semaphore(%run_scoped3A_14 : memref<!tpu.dma_semaphore, #tpu.memory_space<semaphore_mem>>) src(%dma_wait3A_20 : memref<20000xi32, #tpu.memory_space<hbm>>) dst(%arg8 : memref<20000xi32, #tpu.memory_space<vmem>>)
      tpu.yield
    }) : () -> ()
    %run_scoped3A_5 = arith.constant 1 : i32
    "tpu.region"() ({
      %run_scoped3A_14 = tpu.sem_alloc : memref<!tpu.dma_semaphore, #tpu.memory_space<semaphore_mem>>
      %dma_start3A = tpu.memref_slice %arg2[%run_scoped3A_5, %mul3A_4] : memref<2x320000xi32, #tpu.memory_space<hbm>> -> memref<1x20000xi32, #tpu.memory_space<hbm>>
      %dma_start3A_15 = tpu.memref_squeeze %dma_start3A : memref<1x20000xi32, #tpu.memory_space<hbm>> -> memref<20000xi32, #tpu.memory_space<hbm>>
      %dma_start3A_16 = tpu.memref_slice %arg2[%run_scoped3A_5, %mul3A_4] : memref<2x320000xi32, #tpu.memory_space<hbm>> -> memref<1x20000xi32, #tpu.memory_space<hbm>>
      %dma_start3A_17 = tpu.memref_squeeze %dma_start3A_16 : memref<1x20000xi32, #tpu.memory_space<hbm>> -> memref<20000xi32, #tpu.memory_space<hbm>>
      tpu.enqueue_dma source(%dma_start3A_17 : memref<20000xi32, #tpu.memory_space<hbm>>) target(%arg9 : memref<20000xi32, #tpu.memory_space<vmem>>) target_semaphore(%run_scoped3A_14 : memref<!tpu.dma_semaphore, #tpu.memory_space<semaphore_mem>>)
      %dma_wait3A = tpu.memref_slice %arg2[%run_scoped3A_5, %mul3A_4] : memref<2x320000xi32, #tpu.memory_space<hbm>> -> memref<1x20000xi32, #tpu.memory_space<hbm>>
      %dma_wait3A_18 = tpu.memref_squeeze %dma_wait3A : memref<1x20000xi32, #tpu.memory_space<hbm>> -> memref<20000xi32, #tpu.memory_space<hbm>>
      %dma_wait3A_19 = tpu.memref_slice %arg2[%run_scoped3A_5, %mul3A_4] : memref<2x320000xi32, #tpu.memory_space<hbm>> -> memref<1x20000xi32, #tpu.memory_space<hbm>>
      %dma_wait3A_20 = tpu.memref_squeeze %dma_wait3A_19 : memref<1x20000xi32, #tpu.memory_space<hbm>> -> memref<20000xi32, #tpu.memory_space<hbm>>
      tpu.wait_dma2 semaphore(%run_scoped3A_14 : memref<!tpu.dma_semaphore, #tpu.memory_space<semaphore_mem>>) src(%dma_wait3A_20 : memref<20000xi32, #tpu.memory_space<hbm>>) dst(%arg9 : memref<20000xi32, #tpu.memory_space<vmem>>)
      tpu.yield
    }) : () -> ()
    %barrier3A = arith.constant 0 : index
    tpu.barrier barrier_id(%barrier3A)
    %eq3A = arith.constant 0 : i32
    %eq3A_6 = arith.cmpi eq, %arg0, %eq3A : i32
    %convert_element_type3A = arith.extui %eq3A_6 : i1 to i32
    %cond3A = arith.constant 0 : i32
    %cond3A_7 = arith.cmpi ne, %convert_element_type3A, %cond3A : i32
    scf.if %cond3A_7 {
      %dma_start3A = arith.constant 0 : i32
      %dma_start3A_14 = tpu.memref_slice %arg8[%dma_start3A] : memref<20000xi32, #tpu.memory_space<vmem>> -> memref<80xi32, #tpu.memory_space<vmem>>
      %dma_start3A_15 = arith.constant 0 : i32
      %dma_start3A_16 = arith.constant 0 : i32
      %dma_start3A_17 = tpu.memref_slice %arg3[%dma_start3A_15, %dma_start3A_16] : memref<10000x64xf32, #tpu.memory_space<hbm>> -> memref<10000x64xf32, #tpu.memory_space<hbm>>
      tpu.enqueue_indirect_dma source(%dma_start3A_17 : memref<10000x64xf32, #tpu.memory_space<hbm>>) target(%arg10 : memref<80x64xf32, #tpu.memory_space<vmem>>) offsets(%dma_start3A_14 : memref<80xi32, #tpu.memory_space<vmem>>) semaphore(%arg12 : memref<!tpu.dma_semaphore, #tpu.memory_space<semaphore_mem>>)
      %scan3A = arith.constant 0 : i32
      %scan3A_18 = arith.constant 125 : i32
      %scan3A_19 = arith.addi %scan3A, %scan3A_18 : i32
      %scan3A_20 = arith.constant 1 : i32
      scf.for %scan3A_22 = %scan3A to %scan3A_19 step %scan3A_20  : i32 {
        %mul3A_23 = arith.constant 1 : i32
        %mul3A_24 = arith.muli %scan3A_22, %mul3A_23 : i32
        %add3A = arith.constant 0 : i32
        %add3A_25 = arith.addi %add3A, %mul3A_24 : i32
        %mul3A_26 = arith.constant 2 : i32
        %mul3A_27 = arith.muli %mul3A_26, %add3A_25 : i32
        %add3A_28 = arith.constant 1 : i32
        %add3A_29 = arith.addi %mul3A_27, %add3A_28 : i32
        %mul3A_30 = arith.constant 80 : i32
        %mul3A_31 = arith.muli %add3A_29, %mul3A_30 : i32
        %dma_start3A_32 = tpu.memref_slice %arg8[%mul3A_31] : memref<20000xi32, #tpu.memory_space<vmem>> -> memref<80xi32, #tpu.memory_space<vmem>>
        %dma_start3A_33 = arith.constant 0 : i32
        %dma_start3A_34 = arith.constant 0 : i32
        %dma_start3A_35 = tpu.memref_slice %arg3[%dma_start3A_33, %dma_start3A_34] : memref<10000x64xf32, #tpu.memory_space<hbm>> -> memref<10000x64xf32, #tpu.memory_space<hbm>>
        tpu.enqueue_indirect_dma source(%dma_start3A_35 : memref<10000x64xf32, #tpu.memory_space<hbm>>) target(%arg11 : memref<80x64xf32, #tpu.memory_space<vmem>>) offsets(%dma_start3A_32 : memref<80xi32, #tpu.memory_space<vmem>>) semaphore(%arg13 : memref<!tpu.dma_semaphore, #tpu.memory_space<semaphore_mem>>)
        %mul3A_36 = arith.constant 80 : i32
        %mul3A_37 = arith.muli %mul3A_27, %mul3A_36 : i32
        %dma_wait3A = tpu.memref_slice %arg8[%mul3A_37] : memref<20000xi32, #tpu.memory_space<vmem>> -> memref<80xi32, #tpu.memory_space<vmem>>
        %dma_wait3A_38 = arith.constant 0 : i32
        %dma_wait3A_39 = arith.constant 0 : i32
        %dma_wait3A_40 = tpu.memref_slice %arg3[%dma_wait3A_38, %dma_wait3A_39] : memref<10000x64xf32, #tpu.memory_space<hbm>> -> memref<10000x64xf32, #tpu.memory_space<hbm>>
        tpu.wait_indirect_dma semaphore(%arg12 : memref<!tpu.dma_semaphore, #tpu.memory_space<semaphore_mem>>) src(%dma_wait3A_40 : memref<10000x64xf32, #tpu.memory_space<hbm>>) dst(%arg10 : memref<80x64xf32, #tpu.memory_space<vmem>>)
        %mul3A_41 = arith.constant 80 : i32
        %mul3A_42 = arith.muli %mul3A_27, %mul3A_41 : i32
        "tpu.region"() ({
          %run_scoped3A_57 = tpu.sem_alloc : memref<!tpu.dma_semaphore, #tpu.memory_space<semaphore_mem>>
          %dma_start3A_58 = tpu.memref_slice %arg9[%mul3A_42] : memref<20000xi32, #tpu.memory_space<vmem>> -> memref<80xi32, #tpu.memory_space<vmem>>
          %dma_start3A_59 = arith.constant 0 : i32
          %dma_start3A_60 = arith.constant 0 : i32
          %dma_start3A_61 = tpu.memref_slice %arg7[%dma_start3A_59, %dma_start3A_60] : memref<10000x64xf32, #tpu.memory_space<vmem_shared>> -> memref<10000x64xf32, #tpu.memory_space<vmem_shared>>
          tpu.enqueue_indirect_dma source(%arg10 : memref<80x64xf32, #tpu.memory_space<vmem>>) target(%dma_start3A_61 : memref<10000x64xf32, #tpu.memory_space<vmem_shared>>) offsets(%dma_start3A_58 : memref<80xi32, #tpu.memory_space<vmem>>) semaphore(%run_scoped3A_57 : memref<!tpu.dma_semaphore, #tpu.memory_space<semaphore_mem>>) {add = true}
          %dma_wait3A_62 = tpu.memref_slice %arg9[%mul3A_42] : memref<20000xi32, #tpu.memory_space<vmem>> -> memref<80xi32, #tpu.memory_space<vmem>>
          %dma_wait3A_63 = arith.constant 0 : i32
          %dma_wait3A_64 = arith.constant 0 : i32
          %dma_wait3A_65 = tpu.memref_slice %arg7[%dma_wait3A_63, %dma_wait3A_64] : memref<10000x64xf32, #tpu.memory_space<vmem_shared>> -> memref<10000x64xf32, #tpu.memory_space<vmem_shared>>
          tpu.wait_indirect_dma semaphore(%run_scoped3A_57 : memref<!tpu.dma_semaphore, #tpu.memory_space<semaphore_mem>>) src(%arg10 : memref<80x64xf32, #tpu.memory_space<vmem>>) dst(%dma_wait3A_65 : memref<10000x64xf32, #tpu.memory_space<vmem_shared>>)
          tpu.yield
        }) : () -> ()
        %lt3A = arith.constant 124 : i32
        %lt3A_43 = arith.cmpi slt, %add3A_25, %lt3A : i32
        %convert_element_type3A_44 = arith.extui %lt3A_43 : i1 to i32
        %cond3A_45 = arith.constant 0 : i32
        %cond3A_46 = arith.cmpi ne, %convert_element_type3A_44, %cond3A_45 : i32
        scf.if %cond3A_46 {
          %add3A_57 = arith.constant 2 : i32
          %add3A_58 = arith.addi %mul3A_27, %add3A_57 : i32
          %mul3A_59 = arith.constant 80 : i32
          %mul3A_60 = arith.muli %add3A_58, %mul3A_59 : i32
          %dma_start3A_61 = tpu.memref_slice %arg8[%mul3A_60] : memref<20000xi32, #tpu.memory_space<vmem>> -> memref<80xi32, #tpu.memory_space<vmem>>
          %dma_start3A_62 = arith.constant 0 : i32
          %dma_start3A_63 = arith.constant 0 : i32
          %dma_start3A_64 = tpu.memref_slice %arg3[%dma_start3A_62, %dma_start3A_63] : memref<10000x64xf32, #tpu.memory_space<hbm>> -> memref<10000x64xf32, #tpu.memory_space<hbm>>
          tpu.enqueue_indirect_dma source(%dma_start3A_64 : memref<10000x64xf32, #tpu.memory_space<hbm>>) target(%arg10 : memref<80x64xf32, #tpu.memory_space<vmem>>) offsets(%dma_start3A_61 : memref<80xi32, #tpu.memory_space<vmem>>) semaphore(%arg12 : memref<!tpu.dma_semaphore, #tpu.memory_space<semaphore_mem>>)
        } else {
        }
        %add3A_47 = arith.constant 1 : i32
        %add3A_48 = arith.addi %mul3A_27, %add3A_47 : i32
        %mul3A_49 = arith.constant 80 : i32
        %mul3A_50 = arith.muli %add3A_48, %mul3A_49 : i32
        %dma_wait3A_51 = tpu.memref_slice %arg8[%mul3A_50] : memref<20000xi32, #tpu.memory_space<vmem>> -> memref<80xi32, #tpu.memory_space<vmem>>
        %dma_wait3A_52 = arith.constant 0 : i32
        %dma_wait3A_53 = arith.constant 0 : i32
        %dma_wait3A_54 = tpu.memref_slice %arg3[%dma_wait3A_52, %dma_wait3A_53] : memref<10000x64xf32, #tpu.memory_space<hbm>> -> memref<10000x64xf32, #tpu.memory_space<hbm>>
        tpu.wait_indirect_dma semaphore(%arg13 : memref<!tpu.dma_semaphore, #tpu.memory_space<semaphore_mem>>) src(%dma_wait3A_54 : memref<10000x64xf32, #tpu.memory_space<hbm>>) dst(%arg11 : memref<80x64xf32, #tpu.memory_space<vmem>>)
        %mul3A_55 = arith.constant 80 : i32
        %mul3A_56 = arith.muli %add3A_48, %mul3A_55 : i32
        "tpu.region"() ({
          %run_scoped3A_57 = tpu.sem_alloc : memref<!tpu.dma_semaphore, #tpu.memory_space<semaphore_mem>>
          %dma_start3A_58 = tpu.memref_slice %arg9[%mul3A_56] : memref<20000xi32, #tpu.memory_space<vmem>> -> memref<80xi32, #tpu.memory_space<vmem>>
          %dma_start3A_59 = arith.constant 0 : i32
          %dma_start3A_60 = arith.constant 0 : i32
          %dma_start3A_61 = tpu.memref_slice %arg7[%dma_start3A_59, %dma_start3A_60] : memref<10000x64xf32, #tpu.memory_space<vmem_shared>> -> memref<10000x64xf32, #tpu.memory_space<vmem_shared>>
          tpu.enqueue_indirect_dma source(%arg11 : memref<80x64xf32, #tpu.memory_space<vmem>>) target(%dma_start3A_61 : memref<10000x64xf32, #tpu.memory_space<vmem_shared>>) offsets(%dma_start3A_58 : memref<80xi32, #tpu.memory_space<vmem>>) semaphore(%run_scoped3A_57 : memref<!tpu.dma_semaphore, #tpu.memory_space<semaphore_mem>>) {add = true}
          %dma_wait3A_62 = tpu.memref_slice %arg9[%mul3A_56] : memref<20000xi32, #tpu.memory_space<vmem>> -> memref<80xi32, #tpu.memory_space<vmem>>
          %dma_wait3A_63 = arith.constant 0 : i32
          %dma_wait3A_64 = arith.constant 0 : i32
          %dma_wait3A_65 = tpu.memref_slice %arg7[%dma_wait3A_63, %dma_wait3A_64] : memref<10000x64xf32, #tpu.memory_space<vmem_shared>> -> memref<10000x64xf32, #tpu.memory_space<vmem_shared>>
          tpu.wait_indirect_dma semaphore(%run_scoped3A_57 : memref<!tpu.dma_semaphore, #tpu.memory_space<semaphore_mem>>) src(%arg11 : memref<80x64xf32, #tpu.memory_space<vmem>>) dst(%dma_wait3A_65 : memref<10000x64xf32, #tpu.memory_space<vmem_shared>>)
          tpu.yield
        }) : () -> ()
      }
      %scan3A_21 = arith.constant 125 : i32
    } else {
    }
    %eq3A_8 = arith.constant 1 : i32
    %eq3A_9 = arith.cmpi eq, %arg0, %eq3A_8 : i32
    %convert_element_type3A_10 = arith.extui %eq3A_9 : i1 to i32
    %cond3A_11 = arith.constant 0 : i32
    %cond3A_12 = arith.cmpi ne, %convert_element_type3A_10, %cond3A_11 : i32
    scf.if %cond3A_12 {
      %dma_start3A = arith.constant 0 : i32
      %dma_start3A_14 = tpu.memref_slice %arg8[%dma_start3A] : memref<20000xi32, #tpu.memory_space<vmem>> -> memref<80xi32, #tpu.memory_space<vmem>>
      %dma_start3A_15 = arith.constant 0 : i32
      %dma_start3A_16 = arith.constant 0 : i32
      %dma_start3A_17 = tpu.memref_slice %arg4[%dma_start3A_15, %dma_start3A_16] : memref<10000x64xf32, #tpu.memory_space<hbm>> -> memref<10000x64xf32, #tpu.memory_space<hbm>>
      tpu.enqueue_indirect_dma source(%dma_start3A_17 : memref<10000x64xf32, #tpu.memory_space<hbm>>) target(%arg10 : memref<80x64xf32, #tpu.memory_space<vmem>>) offsets(%dma_start3A_14 : memref<80xi32, #tpu.memory_space<vmem>>) semaphore(%arg12 : memref<!tpu.dma_semaphore, #tpu.memory_space<semaphore_mem>>)
      %scan3A = arith.constant 0 : i32
      %scan3A_18 = arith.constant 125 : i32
      %scan3A_19 = arith.addi %scan3A, %scan3A_18 : i32
      %scan3A_20 = arith.constant 1 : i32
      scf.for %scan3A_22 = %scan3A to %scan3A_19 step %scan3A_20  : i32 {
        %mul3A_23 = arith.constant 1 : i32
        %mul3A_24 = arith.muli %scan3A_22, %mul3A_23 : i32
        %add3A = arith.constant 0 : i32
        %add3A_25 = arith.addi %add3A, %mul3A_24 : i32
        %mul3A_26 = arith.constant 2 : i32
        %mul3A_27 = arith.muli %mul3A_26, %add3A_25 : i32
        %add3A_28 = arith.constant 1 : i32
        %add3A_29 = arith.addi %mul3A_27, %add3A_28 : i32
        %mul3A_30 = arith.constant 80 : i32
        %mul3A_31 = arith.muli %add3A_29, %mul3A_30 : i32
        %dma_start3A_32 = tpu.memref_slice %arg8[%mul3A_31] : memref<20000xi32, #tpu.memory_space<vmem>> -> memref<80xi32, #tpu.memory_space<vmem>>
        %dma_start3A_33 = arith.constant 0 : i32
        %dma_start3A_34 = arith.constant 0 : i32
        %dma_start3A_35 = tpu.memref_slice %arg4[%dma_start3A_33, %dma_start3A_34] : memref<10000x64xf32, #tpu.memory_space<hbm>> -> memref<10000x64xf32, #tpu.memory_space<hbm>>
        tpu.enqueue_indirect_dma source(%dma_start3A_35 : memref<10000x64xf32, #tpu.memory_space<hbm>>) target(%arg11 : memref<80x64xf32, #tpu.memory_space<vmem>>) offsets(%dma_start3A_32 : memref<80xi32, #tpu.memory_space<vmem>>) semaphore(%arg13 : memref<!tpu.dma_semaphore, #tpu.memory_space<semaphore_mem>>)
        %mul3A_36 = arith.constant 80 : i32
        %mul3A_37 = arith.muli %mul3A_27, %mul3A_36 : i32
        %dma_wait3A = tpu.memref_slice %arg8[%mul3A_37] : memref<20000xi32, #tpu.memory_space<vmem>> -> memref<80xi32, #tpu.memory_space<vmem>>
        %dma_wait3A_38 = arith.constant 0 : i32
        %dma_wait3A_39 = arith.constant 0 : i32
        %dma_wait3A_40 = tpu.memref_slice %arg4[%dma_wait3A_38, %dma_wait3A_39] : memref<10000x64xf32, #tpu.memory_space<hbm>> -> memref<10000x64xf32, #tpu.memory_space<hbm>>
        tpu.wait_indirect_dma semaphore(%arg12 : memref<!tpu.dma_semaphore, #tpu.memory_space<semaphore_mem>>) src(%dma_wait3A_40 : memref<10000x64xf32, #tpu.memory_space<hbm>>) dst(%arg10 : memref<80x64xf32, #tpu.memory_space<vmem>>)
        %mul3A_41 = arith.constant 80 : i32
        %mul3A_42 = arith.muli %mul3A_27, %mul3A_41 : i32
        "tpu.region"() ({
          %run_scoped3A_57 = tpu.sem_alloc : memref<!tpu.dma_semaphore, #tpu.memory_space<semaphore_mem>>
          %dma_start3A_58 = tpu.memref_slice %arg9[%mul3A_42] : memref<20000xi32, #tpu.memory_space<vmem>> -> memref<80xi32, #tpu.memory_space<vmem>>
          %dma_start3A_59 = arith.constant 0 : i32
          %dma_start3A_60 = arith.constant 0 : i32
          %dma_start3A_61 = tpu.memref_slice %arg7[%dma_start3A_59, %dma_start3A_60] : memref<10000x64xf32, #tpu.memory_space<vmem_shared>> -> memref<10000x64xf32, #tpu.memory_space<vmem_shared>>
          tpu.enqueue_indirect_dma source(%arg10 : memref<80x64xf32, #tpu.memory_space<vmem>>) target(%dma_start3A_61 : memref<10000x64xf32, #tpu.memory_space<vmem_shared>>) offsets(%dma_start3A_58 : memref<80xi32, #tpu.memory_space<vmem>>) semaphore(%run_scoped3A_57 : memref<!tpu.dma_semaphore, #tpu.memory_space<semaphore_mem>>) {add = true}
          %dma_wait3A_62 = tpu.memref_slice %arg9[%mul3A_42] : memref<20000xi32, #tpu.memory_space<vmem>> -> memref<80xi32, #tpu.memory_space<vmem>>
          %dma_wait3A_63 = arith.constant 0 : i32
          %dma_wait3A_64 = arith.constant 0 : i32
          %dma_wait3A_65 = tpu.memref_slice %arg7[%dma_wait3A_63, %dma_wait3A_64] : memref<10000x64xf32, #tpu.memory_space<vmem_shared>> -> memref<10000x64xf32, #tpu.memory_space<vmem_shared>>
          tpu.wait_indirect_dma semaphore(%run_scoped3A_57 : memref<!tpu.dma_semaphore, #tpu.memory_space<semaphore_mem>>) src(%arg10 : memref<80x64xf32, #tpu.memory_space<vmem>>) dst(%dma_wait3A_65 : memref<10000x64xf32, #tpu.memory_space<vmem_shared>>)
          tpu.yield
        }) : () -> ()
        %lt3A = arith.constant 124 : i32
        %lt3A_43 = arith.cmpi slt, %add3A_25, %lt3A : i32
        %convert_element_type3A_44 = arith.extui %lt3A_43 : i1 to i32
        %cond3A_45 = arith.constant 0 : i32
        %cond3A_46 = arith.cmpi ne, %convert_element_type3A_44, %cond3A_45 : i32
        scf.if %cond3A_46 {
          %add3A_57 = arith.constant 2 : i32
          %add3A_58 = arith.addi %mul3A_27, %add3A_57 : i32
          %mul3A_59 = arith.constant 80 : i32
          %mul3A_60 = arith.muli %add3A_58, %mul3A_59 : i32
          %dma_start3A_61 = tpu.memref_slice %arg8[%mul3A_60] : memref<20000xi32, #tpu.memory_space<vmem>> -> memref<80xi32, #tpu.memory_space<vmem>>
          %dma_start3A_62 = arith.constant 0 : i32
          %dma_start3A_63 = arith.constant 0 : i32
          %dma_start3A_64 = tpu.memref_slice %arg4[%dma_start3A_62, %dma_start3A_63] : memref<10000x64xf32, #tpu.memory_space<hbm>> -> memref<10000x64xf32, #tpu.memory_space<hbm>>
          tpu.enqueue_indirect_dma source(%dma_start3A_64 : memref<10000x64xf32, #tpu.memory_space<hbm>>) target(%arg10 : memref<80x64xf32, #tpu.memory_space<vmem>>) offsets(%dma_start3A_61 : memref<80xi32, #tpu.memory_space<vmem>>) semaphore(%arg12 : memref<!tpu.dma_semaphore, #tpu.memory_space<semaphore_mem>>)
        } else {
        }
        %add3A_47 = arith.constant 1 : i32
        %add3A_48 = arith.addi %mul3A_27, %add3A_47 : i32
        %mul3A_49 = arith.constant 80 : i32
        %mul3A_50 = arith.muli %add3A_48, %mul3A_49 : i32
        %dma_wait3A_51 = tpu.memref_slice %arg8[%mul3A_50] : memref<20000xi32, #tpu.memory_space<vmem>> -> memref<80xi32, #tpu.memory_space<vmem>>
        %dma_wait3A_52 = arith.constant 0 : i32
        %dma_wait3A_53 = arith.constant 0 : i32
        %dma_wait3A_54 = tpu.memref_slice %arg4[%dma_wait3A_52, %dma_wait3A_53] : memref<10000x64xf32, #tpu.memory_space<hbm>> -> memref<10000x64xf32, #tpu.memory_space<hbm>>
        tpu.wait_indirect_dma semaphore(%arg13 : memref<!tpu.dma_semaphore, #tpu.memory_space<semaphore_mem>>) src(%dma_wait3A_54 : memref<10000x64xf32, #tpu.memory_space<hbm>>) dst(%arg11 : memref<80x64xf32, #tpu.memory_space<vmem>>)
        %mul3A_55 = arith.constant 80 : i32
        %mul3A_56 = arith.muli %add3A_48, %mul3A_55 : i32
        "tpu.region"() ({
          %run_scoped3A_57 = tpu.sem_alloc : memref<!tpu.dma_semaphore, #tpu.memory_space<semaphore_mem>>
          %dma_start3A_58 = tpu.memref_slice %arg9[%mul3A_56] : memref<20000xi32, #tpu.memory_space<vmem>> -> memref<80xi32, #tpu.memory_space<vmem>>
          %dma_start3A_59 = arith.constant 0 : i32
          %dma_start3A_60 = arith.constant 0 : i32
          %dma_start3A_61 = tpu.memref_slice %arg7[%dma_start3A_59, %dma_start3A_60] : memref<10000x64xf32, #tpu.memory_space<vmem_shared>> -> memref<10000x64xf32, #tpu.memory_space<vmem_shared>>
          tpu.enqueue_indirect_dma source(%arg11 : memref<80x64xf32, #tpu.memory_space<vmem>>) target(%dma_start3A_61 : memref<10000x64xf32, #tpu.memory_space<vmem_shared>>) offsets(%dma_start3A_58 : memref<80xi32, #tpu.memory_space<vmem>>) semaphore(%run_scoped3A_57 : memref<!tpu.dma_semaphore, #tpu.memory_space<semaphore_mem>>) {add = true}
          %dma_wait3A_62 = tpu.memref_slice %arg9[%mul3A_56] : memref<20000xi32, #tpu.memory_space<vmem>> -> memref<80xi32, #tpu.memory_space<vmem>>
          %dma_wait3A_63 = arith.constant 0 : i32
          %dma_wait3A_64 = arith.constant 0 : i32
          %dma_wait3A_65 = tpu.memref_slice %arg7[%dma_wait3A_63, %dma_wait3A_64] : memref<10000x64xf32, #tpu.memory_space<vmem_shared>> -> memref<10000x64xf32, #tpu.memory_space<vmem_shared>>
          tpu.wait_indirect_dma semaphore(%run_scoped3A_57 : memref<!tpu.dma_semaphore, #tpu.memory_space<semaphore_mem>>) src(%arg11 : memref<80x64xf32, #tpu.memory_space<vmem>>) dst(%dma_wait3A_65 : memref<10000x64xf32, #tpu.memory_space<vmem_shared>>)
          tpu.yield
        }) : () -> ()
      }
      %scan3A_21 = arith.constant 125 : i32
    } else {
    }
    %barrier3A_13 = arith.constant 0 : index
    tpu.barrier barrier_id(%barrier3A_13)
    "tpu.region"() ({
      %run_scoped3A_14 = tpu.sem_alloc : memref<!tpu.dma_semaphore, #tpu.memory_space<semaphore_mem>>
      %dma_start3A = arith.constant 0 : i32
      %dma_start3A_15 = tpu.memref_slice %arg6[%arg0, %mul3A_0, %dma_start3A] : memref<2x10000x64xf32, #tpu.memory_space<hbm>> -> memref<1x625x64xf32, #tpu.memory_space<hbm>>
      %dma_start3A_16 = tpu.memref_squeeze %dma_start3A_15 : memref<1x625x64xf32, #tpu.memory_space<hbm>> -> memref<625x64xf32, #tpu.memory_space<hbm>>
      %dma_start3A_17 = arith.constant 0 : i32
      %dma_start3A_18 = tpu.memref_slice %arg7[%mul3A_0, %dma_start3A_17] : memref<10000x64xf32, #tpu.memory_space<vmem_shared>> -> memref<625x64xf32, #tpu.memory_space<vmem_shared>>
      tpu.enqueue_dma source(%dma_start3A_18 : memref<625x64xf32, #tpu.memory_space<vmem_shared>>) target(%dma_start3A_16 : memref<625x64xf32, #tpu.memory_space<hbm>>) target_semaphore(%run_scoped3A_14 : memref<!tpu.dma_semaphore, #tpu.memory_space<semaphore_mem>>)
      %dma_wait3A = arith.constant 0 : i32
      %dma_wait3A_19 = tpu.memref_slice %arg6[%arg0, %mul3A_0, %dma_wait3A] : memref<2x10000x64xf32, #tpu.memory_space<hbm>> -> memref<1x625x64xf32, #tpu.memory_space<hbm>>
      %dma_wait3A_20 = tpu.memref_squeeze %dma_wait3A_19 : memref<1x625x64xf32, #tpu.memory_space<hbm>> -> memref<625x64xf32, #tpu.memory_space<hbm>>
      %dma_wait3A_21 = arith.constant 0 : i32
      %dma_wait3A_22 = tpu.memref_slice %arg7[%mul3A_0, %dma_wait3A_21] : memref<10000x64xf32, #tpu.memory_space<vmem_shared>> -> memref<625x64xf32, #tpu.memory_space<vmem_shared>>
      tpu.wait_dma2 semaphore(%run_scoped3A_14 : memref<!tpu.dma_semaphore, #tpu.memory_space<semaphore_mem>>) src(%dma_wait3A_22 : memref<625x64xf32, #tpu.memory_space<vmem_shared>>) dst(%dma_wait3A_20 : memref<625x64xf32, #tpu.memory_space<hbm>>)
      tpu.yield
    }) : () -> ()
    return
  }
}

#map = affine_map<(d0, d1) -> (0, 0)>
module attributes {stable_mosaic.version = 14 : i64} {
  func.func @_sc_pred(%arg0: i32, %arg1: i32, %arg2: memref<2x320000xi32, #tpu.memory_space<hbm>>, %arg3: memref<10000x16xf32, #tpu.memory_space<hbm>>, %arg4: memref<10000x16xf32, #tpu.memory_space<hbm>>, %arg5: memref<320000x16xf32, #tpu.memory_space<hbm>>, %arg6: memref<10000xi32, #tpu.memory_space<vmem>>, %arg7: memref<10000xi32, #tpu.memory_space<vmem>>, %arg8: memref<80x16xf32, #tpu.memory_space<vmem>>, %arg9: memref<80x16xf32, #tpu.memory_space<vmem>>, %arg10: memref<80x16xf32, #tpu.memory_space<vmem>>, %arg11: memref<80x16xf32, #tpu.memory_space<vmem>>, %arg12: memref<80x16xf32, #tpu.memory_space<vmem>>, %arg13: memref<80x16xf32, #tpu.memory_space<vmem>>, %arg14: memref<!tpu.dma_semaphore, #tpu.memory_space<semaphore_mem>>, %arg15: memref<!tpu.dma_semaphore, #tpu.memory_space<semaphore_mem>>, %arg16: memref<!tpu.dma_semaphore, #tpu.memory_space<semaphore_mem>>, %arg17: memref<!tpu.dma_semaphore, #tpu.memory_space<semaphore_mem>>, %arg18: memref<!tpu.dma_semaphore, #tpu.memory_space<semaphore_mem>>, %arg19: memref<!tpu.dma_semaphore, #tpu.memory_space<semaphore_mem>>) attributes {dimension_semantics = [#tpu.dimension_semantics<core_parallel>, #tpu.dimension_semantics<subcore_parallel>], iteration_bounds = array<i64: 2, 16>, scalar_prefetch = 0 : i64, scratch_operands = 14 : i64, tpu.core_type = #tpu.core_type<sc_vector_subcore>, window_params = [{transform_indices = #map}, {transform_indices = #map}, {transform_indices = #map}, {transform_indices = #map}]} {
    %mul3A = arith.constant 16 : i32
    %mul3A_0 = arith.muli %arg0, %mul3A : i32
    %add3A = arith.addi %mul3A_0, %arg1 : i32
    %mul3A_1 = arith.constant 10000 : i32
    %mul3A_2 = arith.muli %add3A, %mul3A_1 : i32
    %run_scoped3A = arith.constant 0 : i32
    "tpu.region"() ({
      %run_scoped3A_117 = tpu.sem_alloc : memref<!tpu.dma_semaphore, #tpu.memory_space<semaphore_mem>>
      %dma_start3A_118 = tpu.memref_slice %arg2[%run_scoped3A, %mul3A_2] : memref<2x320000xi32, #tpu.memory_space<hbm>> -> memref<1x10000xi32, #tpu.memory_space<hbm>>
      %dma_start3A_119 = tpu.memref_squeeze %dma_start3A_118 : memref<1x10000xi32, #tpu.memory_space<hbm>> -> memref<10000xi32, #tpu.memory_space<hbm>>
      %dma_start3A_120 = tpu.memref_slice %arg2[%run_scoped3A, %mul3A_2] : memref<2x320000xi32, #tpu.memory_space<hbm>> -> memref<1x10000xi32, #tpu.memory_space<hbm>>
      %dma_start3A_121 = tpu.memref_squeeze %dma_start3A_120 : memref<1x10000xi32, #tpu.memory_space<hbm>> -> memref<10000xi32, #tpu.memory_space<hbm>>
      tpu.enqueue_dma source(%dma_start3A_121 : memref<10000xi32, #tpu.memory_space<hbm>>) target(%arg6 : memref<10000xi32, #tpu.memory_space<vmem>>) target_semaphore(%run_scoped3A_117 : memref<!tpu.dma_semaphore, #tpu.memory_space<semaphore_mem>>)
      %dma_wait3A_122 = tpu.memref_slice %arg2[%run_scoped3A, %mul3A_2] : memref<2x320000xi32, #tpu.memory_space<hbm>> -> memref<1x10000xi32, #tpu.memory_space<hbm>>
      %dma_wait3A_123 = tpu.memref_squeeze %dma_wait3A_122 : memref<1x10000xi32, #tpu.memory_space<hbm>> -> memref<10000xi32, #tpu.memory_space<hbm>>
      %dma_wait3A_124 = tpu.memref_slice %arg2[%run_scoped3A, %mul3A_2] : memref<2x320000xi32, #tpu.memory_space<hbm>> -> memref<1x10000xi32, #tpu.memory_space<hbm>>
      %dma_wait3A_125 = tpu.memref_squeeze %dma_wait3A_124 : memref<1x10000xi32, #tpu.memory_space<hbm>> -> memref<10000xi32, #tpu.memory_space<hbm>>
      tpu.wait_dma2 semaphore(%run_scoped3A_117 : memref<!tpu.dma_semaphore, #tpu.memory_space<semaphore_mem>>) src(%dma_wait3A_125 : memref<10000xi32, #tpu.memory_space<hbm>>) dst(%arg6 : memref<10000xi32, #tpu.memory_space<vmem>>)
      tpu.yield
    }) : () -> ()
    %run_scoped3A_3 = arith.constant 1 : i32
    "tpu.region"() ({
      %run_scoped3A_117 = tpu.sem_alloc : memref<!tpu.dma_semaphore, #tpu.memory_space<semaphore_mem>>
      %dma_start3A_118 = tpu.memref_slice %arg2[%run_scoped3A_3, %mul3A_2] : memref<2x320000xi32, #tpu.memory_space<hbm>> -> memref<1x10000xi32, #tpu.memory_space<hbm>>
      %dma_start3A_119 = tpu.memref_squeeze %dma_start3A_118 : memref<1x10000xi32, #tpu.memory_space<hbm>> -> memref<10000xi32, #tpu.memory_space<hbm>>
      %dma_start3A_120 = tpu.memref_slice %arg2[%run_scoped3A_3, %mul3A_2] : memref<2x320000xi32, #tpu.memory_space<hbm>> -> memref<1x10000xi32, #tpu.memory_space<hbm>>
      %dma_start3A_121 = tpu.memref_squeeze %dma_start3A_120 : memref<1x10000xi32, #tpu.memory_space<hbm>> -> memref<10000xi32, #tpu.memory_space<hbm>>
      tpu.enqueue_dma source(%dma_start3A_121 : memref<10000xi32, #tpu.memory_space<hbm>>) target(%arg7 : memref<10000xi32, #tpu.memory_space<vmem>>) target_semaphore(%run_scoped3A_117 : memref<!tpu.dma_semaphore, #tpu.memory_space<semaphore_mem>>)
      %dma_wait3A_122 = tpu.memref_slice %arg2[%run_scoped3A_3, %mul3A_2] : memref<2x320000xi32, #tpu.memory_space<hbm>> -> memref<1x10000xi32, #tpu.memory_space<hbm>>
      %dma_wait3A_123 = tpu.memref_squeeze %dma_wait3A_122 : memref<1x10000xi32, #tpu.memory_space<hbm>> -> memref<10000xi32, #tpu.memory_space<hbm>>
      %dma_wait3A_124 = tpu.memref_slice %arg2[%run_scoped3A_3, %mul3A_2] : memref<2x320000xi32, #tpu.memory_space<hbm>> -> memref<1x10000xi32, #tpu.memory_space<hbm>>
      %dma_wait3A_125 = tpu.memref_squeeze %dma_wait3A_124 : memref<1x10000xi32, #tpu.memory_space<hbm>> -> memref<10000xi32, #tpu.memory_space<hbm>>
      tpu.wait_dma2 semaphore(%run_scoped3A_117 : memref<!tpu.dma_semaphore, #tpu.memory_space<semaphore_mem>>) src(%dma_wait3A_125 : memref<10000xi32, #tpu.memory_space<hbm>>) dst(%arg7 : memref<10000xi32, #tpu.memory_space<vmem>>)
      tpu.yield
    }) : () -> ()
    %dma_start3A = arith.constant 0 : i32
    %dma_start3A_4 = tpu.memref_slice %arg6[%dma_start3A] : memref<10000xi32, #tpu.memory_space<vmem>> -> memref<80xi32, #tpu.memory_space<vmem>>
    %dma_start3A_5 = arith.constant 0 : i32
    %dma_start3A_6 = arith.constant 0 : i32
    %dma_start3A_7 = tpu.memref_slice %arg3[%dma_start3A_5, %dma_start3A_6] : memref<10000x16xf32, #tpu.memory_space<hbm>> -> memref<10000x16xf32, #tpu.memory_space<hbm>>
    tpu.enqueue_indirect_dma source(%dma_start3A_7 : memref<10000x16xf32, #tpu.memory_space<hbm>>) target(%arg8 : memref<80x16xf32, #tpu.memory_space<vmem>>) offsets(%dma_start3A_4 : memref<80xi32, #tpu.memory_space<vmem>>) semaphore(%arg14 : memref<!tpu.dma_semaphore, #tpu.memory_space<semaphore_mem>>)
    %dma_start3A_8 = arith.constant 0 : i32
    %dma_start3A_9 = tpu.memref_slice %arg7[%dma_start3A_8] : memref<10000xi32, #tpu.memory_space<vmem>> -> memref<80xi32, #tpu.memory_space<vmem>>
    %dma_start3A_10 = arith.constant 0 : i32
    %dma_start3A_11 = arith.constant 0 : i32
    %dma_start3A_12 = tpu.memref_slice %arg4[%dma_start3A_10, %dma_start3A_11] : memref<10000x16xf32, #tpu.memory_space<hbm>> -> memref<10000x16xf32, #tpu.memory_space<hbm>>
    tpu.enqueue_indirect_dma source(%dma_start3A_12 : memref<10000x16xf32, #tpu.memory_space<hbm>>) target(%arg10 : memref<80x16xf32, #tpu.memory_space<vmem>>) offsets(%dma_start3A_9 : memref<80xi32, #tpu.memory_space<vmem>>) semaphore(%arg16 : memref<!tpu.dma_semaphore, #tpu.memory_space<semaphore_mem>>)
    %dma_start3A_13 = arith.constant 80 : i32
    %dma_start3A_14 = tpu.memref_slice %arg6[%dma_start3A_13] : memref<10000xi32, #tpu.memory_space<vmem>> -> memref<80xi32, #tpu.memory_space<vmem>>
    %dma_start3A_15 = arith.constant 0 : i32
    %dma_start3A_16 = arith.constant 0 : i32
    %dma_start3A_17 = tpu.memref_slice %arg3[%dma_start3A_15, %dma_start3A_16] : memref<10000x16xf32, #tpu.memory_space<hbm>> -> memref<10000x16xf32, #tpu.memory_space<hbm>>
    tpu.enqueue_indirect_dma source(%dma_start3A_17 : memref<10000x16xf32, #tpu.memory_space<hbm>>) target(%arg9 : memref<80x16xf32, #tpu.memory_space<vmem>>) offsets(%dma_start3A_14 : memref<80xi32, #tpu.memory_space<vmem>>) semaphore(%arg15 : memref<!tpu.dma_semaphore, #tpu.memory_space<semaphore_mem>>)
    %dma_start3A_18 = arith.constant 80 : i32
    %dma_start3A_19 = tpu.memref_slice %arg7[%dma_start3A_18] : memref<10000xi32, #tpu.memory_space<vmem>> -> memref<80xi32, #tpu.memory_space<vmem>>
    %dma_start3A_20 = arith.constant 0 : i32
    %dma_start3A_21 = arith.constant 0 : i32
    %dma_start3A_22 = tpu.memref_slice %arg4[%dma_start3A_20, %dma_start3A_21] : memref<10000x16xf32, #tpu.memory_space<hbm>> -> memref<10000x16xf32, #tpu.memory_space<hbm>>
    tpu.enqueue_indirect_dma source(%dma_start3A_22 : memref<10000x16xf32, #tpu.memory_space<hbm>>) target(%arg11 : memref<80x16xf32, #tpu.memory_space<vmem>>) offsets(%dma_start3A_19 : memref<80xi32, #tpu.memory_space<vmem>>) semaphore(%arg17 : memref<!tpu.dma_semaphore, #tpu.memory_space<semaphore_mem>>)
    %dma_wait3A = arith.constant 0 : i32
    %dma_wait3A_23 = tpu.memref_slice %arg6[%dma_wait3A] : memref<10000xi32, #tpu.memory_space<vmem>> -> memref<80xi32, #tpu.memory_space<vmem>>
    %dma_wait3A_24 = arith.constant 0 : i32
    %dma_wait3A_25 = arith.constant 0 : i32
    %dma_wait3A_26 = tpu.memref_slice %arg3[%dma_wait3A_24, %dma_wait3A_25] : memref<10000x16xf32, #tpu.memory_space<hbm>> -> memref<10000x16xf32, #tpu.memory_space<hbm>>
    tpu.wait_indirect_dma semaphore(%arg14 : memref<!tpu.dma_semaphore, #tpu.memory_space<semaphore_mem>>) src(%dma_wait3A_26 : memref<10000x16xf32, #tpu.memory_space<hbm>>) dst(%arg8 : memref<80x16xf32, #tpu.memory_space<vmem>>)
    %dma_wait3A_27 = arith.constant 0 : i32
    %dma_wait3A_28 = tpu.memref_slice %arg7[%dma_wait3A_27] : memref<10000xi32, #tpu.memory_space<vmem>> -> memref<80xi32, #tpu.memory_space<vmem>>
    %dma_wait3A_29 = arith.constant 0 : i32
    %dma_wait3A_30 = arith.constant 0 : i32
    %dma_wait3A_31 = tpu.memref_slice %arg4[%dma_wait3A_29, %dma_wait3A_30] : memref<10000x16xf32, #tpu.memory_space<hbm>> -> memref<10000x16xf32, #tpu.memory_space<hbm>>
    tpu.wait_indirect_dma semaphore(%arg16 : memref<!tpu.dma_semaphore, #tpu.memory_space<semaphore_mem>>) src(%dma_wait3A_31 : memref<10000x16xf32, #tpu.memory_space<hbm>>) dst(%arg10 : memref<80x16xf32, #tpu.memory_space<vmem>>)
    %scan3A = arith.constant 0 : i32
    %scan3A_32 = arith.constant 80 : i32
    %scan3A_33 = arith.addi %scan3A, %scan3A_32 : i32
    %scan3A_34 = arith.constant 8 : i32
    scf.for %scan3A_117 = %scan3A to %scan3A_33 step %scan3A_34  : i32 {
      %mul3A_118 = arith.constant 1 : i32
      %mul3A_119 = arith.muli %scan3A_117, %mul3A_118 : i32
      %add3A_120 = arith.constant 0 : i32
      %add3A_121 = arith.addi %add3A_120, %mul3A_119 : i32
      %get3A = arith.index_cast %add3A_121 : i32 to index
      %get3A_122 = arith.constant 0 : index
      %get3A_123 = tpu.vector_load %arg8[%get3A, %get3A_122] {strides = array<i32>} : memref<80x16xf32, #tpu.memory_space<vmem>>, vector<1x16xf32>,
      %get3A_124 = vector.shape_cast %get3A_123 : vector<1x16xf32> to vector<16xf32>
      %get3A_125 = arith.index_cast %add3A_121 : i32 to index
      %get3A_126 = arith.constant 0 : index
      %get3A_127 = tpu.vector_load %arg10[%get3A_125, %get3A_126] {strides = array<i32>} : memref<80x16xf32, #tpu.memory_space<vmem>>, vector<1x16xf32>,
      %get3A_128 = vector.shape_cast %get3A_127 : vector<1x16xf32> to vector<16xf32>
      %add3A_129 = arith.addf %get3A_124, %get3A_128 : vector<16xf32>
      %swap3A = arith.index_cast %add3A_121 : i32 to index
      %swap3A_130 = arith.constant 0 : index
      %swap3A_131 = tpu.vector_load %arg12[%swap3A, %swap3A_130] {strides = array<i32>} : memref<80x16xf32, #tpu.memory_space<vmem>>, vector<1x16xf32>,
      %swap3A_132 = vector.shape_cast %swap3A_131 : vector<1x16xf32> to vector<16xf32>
      %swap3A_133 = vector.shape_cast %add3A_129 : vector<16xf32> to vector<1x16xf32>
      tpu.vector_store %arg12[%swap3A, %swap3A_130], %swap3A_133 {strides = array<i32>} : memref<80x16xf32, #tpu.memory_space<vmem>>, vector<1x16xf32>,
      %scan3A_134 = arith.constant 1 : i32
      %scan3A_135 = arith.addi %scan3A_117, %scan3A_134 : i32
      %mul3A_136 = arith.constant 1 : i32
      %mul3A_137 = arith.muli %scan3A_135, %mul3A_136 : i32
      %add3A_138 = arith.constant 0 : i32
      %add3A_139 = arith.addi %add3A_138, %mul3A_137 : i32
      %get3A_140 = arith.index_cast %add3A_139 : i32 to index
      %get3A_141 = arith.constant 0 : index
      %get3A_142 = tpu.vector_load %arg8[%get3A_140, %get3A_141] {strides = array<i32>} : memref<80x16xf32, #tpu.memory_space<vmem>>, vector<1x16xf32>,
      %get3A_143 = vector.shape_cast %get3A_142 : vector<1x16xf32> to vector<16xf32>
      %get3A_144 = arith.index_cast %add3A_139 : i32 to index
      %get3A_145 = arith.constant 0 : index
      %get3A_146 = tpu.vector_load %arg10[%get3A_144, %get3A_145] {strides = array<i32>} : memref<80x16xf32, #tpu.memory_space<vmem>>, vector<1x16xf32>,
      %get3A_147 = vector.shape_cast %get3A_146 : vector<1x16xf32> to vector<16xf32>
      %add3A_148 = arith.addf %get3A_143, %get3A_147 : vector<16xf32>
      %swap3A_149 = arith.index_cast %add3A_139 : i32 to index
      %swap3A_150 = arith.constant 0 : index
      %swap3A_151 = tpu.vector_load %arg12[%swap3A_149, %swap3A_150] {strides = array<i32>} : memref<80x16xf32, #tpu.memory_space<vmem>>, vector<1x16xf32>,
      %swap3A_152 = vector.shape_cast %swap3A_151 : vector<1x16xf32> to vector<16xf32>
      %swap3A_153 = vector.shape_cast %add3A_148 : vector<16xf32> to vector<1x16xf32>
      tpu.vector_store %arg12[%swap3A_149, %swap3A_150], %swap3A_153 {strides = array<i32>} : memref<80x16xf32, #tpu.memory_space<vmem>>, vector<1x16xf32>,
      %scan3A_154 = arith.constant 2 : i32
      %scan3A_155 = arith.addi %scan3A_117, %scan3A_154 : i32
      %mul3A_156 = arith.constant 1 : i32
      %mul3A_157 = arith.muli %scan3A_155, %mul3A_156 : i32
      %add3A_158 = arith.constant 0 : i32
      %add3A_159 = arith.addi %add3A_158, %mul3A_157 : i32
      %get3A_160 = arith.index_cast %add3A_159 : i32 to index
      %get3A_161 = arith.constant 0 : index
      %get3A_162 = tpu.vector_load %arg8[%get3A_160, %get3A_161] {strides = array<i32>} : memref<80x16xf32, #tpu.memory_space<vmem>>, vector<1x16xf32>,
      %get3A_163 = vector.shape_cast %get3A_162 : vector<1x16xf32> to vector<16xf32>
      %get3A_164 = arith.index_cast %add3A_159 : i32 to index
      %get3A_165 = arith.constant 0 : index
      %get3A_166 = tpu.vector_load %arg10[%get3A_164, %get3A_165] {strides = array<i32>} : memref<80x16xf32, #tpu.memory_space<vmem>>, vector<1x16xf32>,
      %get3A_167 = vector.shape_cast %get3A_166 : vector<1x16xf32> to vector<16xf32>
      %add3A_168 = arith.addf %get3A_163, %get3A_167 : vector<16xf32>
      %swap3A_169 = arith.index_cast %add3A_159 : i32 to index
      %swap3A_170 = arith.constant 0 : index
      %swap3A_171 = tpu.vector_load %arg12[%swap3A_169, %swap3A_170] {strides = array<i32>} : memref<80x16xf32, #tpu.memory_space<vmem>>, vector<1x16xf32>,
      %swap3A_172 = vector.shape_cast %swap3A_171 : vector<1x16xf32> to vector<16xf32>
      %swap3A_173 = vector.shape_cast %add3A_168 : vector<16xf32> to vector<1x16xf32>
      tpu.vector_store %arg12[%swap3A_169, %swap3A_170], %swap3A_173 {strides = array<i32>} : memref<80x16xf32, #tpu.memory_space<vmem>>, vector<1x16xf32>,
      %scan3A_174 = arith.constant 3 : i32
      %scan3A_175 = arith.addi %scan3A_117, %scan3A_174 : i32
      %mul3A_176 = arith.constant 1 : i32
      %mul3A_177 = arith.muli %scan3A_175, %mul3A_176 : i32
      %add3A_178 = arith.constant 0 : i32
      %add3A_179 = arith.addi %add3A_178, %mul3A_177 : i32
      %get3A_180 = arith.index_cast %add3A_179 : i32 to index
      %get3A_181 = arith.constant 0 : index
      %get3A_182 = tpu.vector_load %arg8[%get3A_180, %get3A_181] {strides = array<i32>} : memref<80x16xf32, #tpu.memory_space<vmem>>, vector<1x16xf32>,
      %get3A_183 = vector.shape_cast %get3A_182 : vector<1x16xf32> to vector<16xf32>
      %get3A_184 = arith.index_cast %add3A_179 : i32 to index
      %get3A_185 = arith.constant 0 : index
      %get3A_186 = tpu.vector_load %arg10[%get3A_184, %get3A_185] {strides = array<i32>} : memref<80x16xf32, #tpu.memory_space<vmem>>, vector<1x16xf32>,
      %get3A_187 = vector.shape_cast %get3A_186 : vector<1x16xf32> to vector<16xf32>
      %add3A_188 = arith.addf %get3A_183, %get3A_187 : vector<16xf32>
      %swap3A_189 = arith.index_cast %add3A_179 : i32 to index
      %swap3A_190 = arith.constant 0 : index
      %swap3A_191 = tpu.vector_load %arg12[%swap3A_189, %swap3A_190] {strides = array<i32>} : memref<80x16xf32, #tpu.memory_space<vmem>>, vector<1x16xf32>,
      %swap3A_192 = vector.shape_cast %swap3A_191 : vector<1x16xf32> to vector<16xf32>
      %swap3A_193 = vector.shape_cast %add3A_188 : vector<16xf32> to vector<1x16xf32>
      tpu.vector_store %arg12[%swap3A_189, %swap3A_190], %swap3A_193 {strides = array<i32>} : memref<80x16xf32, #tpu.memory_space<vmem>>, vector<1x16xf32>,
      %scan3A_194 = arith.constant 4 : i32
      %scan3A_195 = arith.addi %scan3A_117, %scan3A_194 : i32
      %mul3A_196 = arith.constant 1 : i32
      %mul3A_197 = arith.muli %scan3A_195, %mul3A_196 : i32
      %add3A_198 = arith.constant 0 : i32
      %add3A_199 = arith.addi %add3A_198, %mul3A_197 : i32
      %get3A_200 = arith.index_cast %add3A_199 : i32 to index
      %get3A_201 = arith.constant 0 : index
      %get3A_202 = tpu.vector_load %arg8[%get3A_200, %get3A_201] {strides = array<i32>} : memref<80x16xf32, #tpu.memory_space<vmem>>, vector<1x16xf32>,
      %get3A_203 = vector.shape_cast %get3A_202 : vector<1x16xf32> to vector<16xf32>
      %get3A_204 = arith.index_cast %add3A_199 : i32 to index
      %get3A_205 = arith.constant 0 : index
      %get3A_206 = tpu.vector_load %arg10[%get3A_204, %get3A_205] {strides = array<i32>} : memref<80x16xf32, #tpu.memory_space<vmem>>, vector<1x16xf32>,
      %get3A_207 = vector.shape_cast %get3A_206 : vector<1x16xf32> to vector<16xf32>
      %add3A_208 = arith.addf %get3A_203, %get3A_207 : vector<16xf32>
      %swap3A_209 = arith.index_cast %add3A_199 : i32 to index
      %swap3A_210 = arith.constant 0 : index
      %swap3A_211 = tpu.vector_load %arg12[%swap3A_209, %swap3A_210] {strides = array<i32>} : memref<80x16xf32, #tpu.memory_space<vmem>>, vector<1x16xf32>,
      %swap3A_212 = vector.shape_cast %swap3A_211 : vector<1x16xf32> to vector<16xf32>
      %swap3A_213 = vector.shape_cast %add3A_208 : vector<16xf32> to vector<1x16xf32>
      tpu.vector_store %arg12[%swap3A_209, %swap3A_210], %swap3A_213 {strides = array<i32>} : memref<80x16xf32, #tpu.memory_space<vmem>>, vector<1x16xf32>,
      %scan3A_214 = arith.constant 5 : i32
      %scan3A_215 = arith.addi %scan3A_117, %scan3A_214 : i32
      %mul3A_216 = arith.constant 1 : i32
      %mul3A_217 = arith.muli %scan3A_215, %mul3A_216 : i32
      %add3A_218 = arith.constant 0 : i32
      %add3A_219 = arith.addi %add3A_218, %mul3A_217 : i32
      %get3A_220 = arith.index_cast %add3A_219 : i32 to index
      %get3A_221 = arith.constant 0 : index
      %get3A_222 = tpu.vector_load %arg8[%get3A_220, %get3A_221] {strides = array<i32>} : memref<80x16xf32, #tpu.memory_space<vmem>>, vector<1x16xf32>,
      %get3A_223 = vector.shape_cast %get3A_222 : vector<1x16xf32> to vector<16xf32>
      %get3A_224 = arith.index_cast %add3A_219 : i32 to index
      %get3A_225 = arith.constant 0 : index
      %get3A_226 = tpu.vector_load %arg10[%get3A_224, %get3A_225] {strides = array<i32>} : memref<80x16xf32, #tpu.memory_space<vmem>>, vector<1x16xf32>,
      %get3A_227 = vector.shape_cast %get3A_226 : vector<1x16xf32> to vector<16xf32>
      %add3A_228 = arith.addf %get3A_223, %get3A_227 : vector<16xf32>
      %swap3A_229 = arith.index_cast %add3A_219 : i32 to index
      %swap3A_230 = arith.constant 0 : index
      %swap3A_231 = tpu.vector_load %arg12[%swap3A_229, %swap3A_230] {strides = array<i32>} : memref<80x16xf32, #tpu.memory_space<vmem>>, vector<1x16xf32>,
      %swap3A_232 = vector.shape_cast %swap3A_231 : vector<1x16xf32> to vector<16xf32>
      %swap3A_233 = vector.shape_cast %add3A_228 : vector<16xf32> to vector<1x16xf32>
      tpu.vector_store %arg12[%swap3A_229, %swap3A_230], %swap3A_233 {strides = array<i32>} : memref<80x16xf32, #tpu.memory_space<vmem>>, vector<1x16xf32>,
      %scan3A_234 = arith.constant 6 : i32
      %scan3A_235 = arith.addi %scan3A_117, %scan3A_234 : i32
      %mul3A_236 = arith.constant 1 : i32
      %mul3A_237 = arith.muli %scan3A_235, %mul3A_236 : i32
      %add3A_238 = arith.constant 0 : i32
      %add3A_239 = arith.addi %add3A_238, %mul3A_237 : i32
      %get3A_240 = arith.index_cast %add3A_239 : i32 to index
      %get3A_241 = arith.constant 0 : index
      %get3A_242 = tpu.vector_load %arg8[%get3A_240, %get3A_241] {strides = array<i32>} : memref<80x16xf32, #tpu.memory_space<vmem>>, vector<1x16xf32>,
      %get3A_243 = vector.shape_cast %get3A_242 : vector<1x16xf32> to vector<16xf32>
      %get3A_244 = arith.index_cast %add3A_239 : i32 to index
      %get3A_245 = arith.constant 0 : index
      %get3A_246 = tpu.vector_load %arg10[%get3A_244, %get3A_245] {strides = array<i32>} : memref<80x16xf32, #tpu.memory_space<vmem>>, vector<1x16xf32>,
      %get3A_247 = vector.shape_cast %get3A_246 : vector<1x16xf32> to vector<16xf32>
      %add3A_248 = arith.addf %get3A_243, %get3A_247 : vector<16xf32>
      %swap3A_249 = arith.index_cast %add3A_239 : i32 to index
      %swap3A_250 = arith.constant 0 : index
      %swap3A_251 = tpu.vector_load %arg12[%swap3A_249, %swap3A_250] {strides = array<i32>} : memref<80x16xf32, #tpu.memory_space<vmem>>, vector<1x16xf32>,
      %swap3A_252 = vector.shape_cast %swap3A_251 : vector<1x16xf32> to vector<16xf32>
      %swap3A_253 = vector.shape_cast %add3A_248 : vector<16xf32> to vector<1x16xf32>
      tpu.vector_store %arg12[%swap3A_249, %swap3A_250], %swap3A_253 {strides = array<i32>} : memref<80x16xf32, #tpu.memory_space<vmem>>, vector<1x16xf32>,
      %scan3A_254 = arith.constant 7 : i32
      %scan3A_255 = arith.addi %scan3A_117, %scan3A_254 : i32
      %mul3A_256 = arith.constant 1 : i32
      %mul3A_257 = arith.muli %scan3A_255, %mul3A_256 : i32
      %add3A_258 = arith.constant 0 : i32
      %add3A_259 = arith.addi %add3A_258, %mul3A_257 : i32
      %get3A_260 = arith.index_cast %add3A_259 : i32 to index
      %get3A_261 = arith.constant 0 : index
      %get3A_262 = tpu.vector_load %arg8[%get3A_260, %get3A_261] {strides = array<i32>} : memref<80x16xf32, #tpu.memory_space<vmem>>, vector<1x16xf32>,
      %get3A_263 = vector.shape_cast %get3A_262 : vector<1x16xf32> to vector<16xf32>
      %get3A_264 = arith.index_cast %add3A_259 : i32 to index
      %get3A_265 = arith.constant 0 : index
      %get3A_266 = tpu.vector_load %arg10[%get3A_264, %get3A_265] {strides = array<i32>} : memref<80x16xf32, #tpu.memory_space<vmem>>, vector<1x16xf32>,
      %get3A_267 = vector.shape_cast %get3A_266 : vector<1x16xf32> to vector<16xf32>
      %add3A_268 = arith.addf %get3A_263, %get3A_267 : vector<16xf32>
      %swap3A_269 = arith.index_cast %add3A_259 : i32 to index
      %swap3A_270 = arith.constant 0 : index
      %swap3A_271 = tpu.vector_load %arg12[%swap3A_269, %swap3A_270] {strides = array<i32>} : memref<80x16xf32, #tpu.memory_space<vmem>>, vector<1x16xf32>,
      %swap3A_272 = vector.shape_cast %swap3A_271 : vector<1x16xf32> to vector<16xf32>
      %swap3A_273 = vector.shape_cast %add3A_268 : vector<16xf32> to vector<1x16xf32>
      tpu.vector_store %arg12[%swap3A_269, %swap3A_270], %swap3A_273 {strides = array<i32>} : memref<80x16xf32, #tpu.memory_space<vmem>>, vector<1x16xf32>,
    }
    %scan3A_35 = arith.constant 80 : i32
    %add3A_36 = arith.constant 0 : i32
    %add3A_37 = arith.addi %mul3A_2, %add3A_36 : i32
    %dma_start3A_38 = arith.constant 0 : i32
    %dma_start3A_39 = tpu.memref_slice %arg5[%add3A_37, %dma_start3A_38] : memref<320000x16xf32, #tpu.memory_space<hbm>> -> memref<80x16xf32, #tpu.memory_space<hbm>>
    %dma_start3A_40 = arith.constant 0 : i32
    %dma_start3A_41 = tpu.memref_slice %arg5[%add3A_37, %dma_start3A_40] : memref<320000x16xf32, #tpu.memory_space<hbm>> -> memref<80x16xf32, #tpu.memory_space<hbm>>
    tpu.enqueue_dma source(%arg12 : memref<80x16xf32, #tpu.memory_space<vmem>>) target(%dma_start3A_41 : memref<80x16xf32, #tpu.memory_space<hbm>>) target_semaphore(%arg18 : memref<!tpu.dma_semaphore, #tpu.memory_space<semaphore_mem>>)
    %dma_start3A_42 = arith.constant 160 : i32
    %dma_start3A_43 = tpu.memref_slice %arg6[%dma_start3A_42] : memref<10000xi32, #tpu.memory_space<vmem>> -> memref<80xi32, #tpu.memory_space<vmem>>
    %dma_start3A_44 = arith.constant 0 : i32
    %dma_start3A_45 = arith.constant 0 : i32
    %dma_start3A_46 = tpu.memref_slice %arg3[%dma_start3A_44, %dma_start3A_45] : memref<10000x16xf32, #tpu.memory_space<hbm>> -> memref<10000x16xf32, #tpu.memory_space<hbm>>
    tpu.enqueue_indirect_dma source(%dma_start3A_46 : memref<10000x16xf32, #tpu.memory_space<hbm>>) target(%arg8 : memref<80x16xf32, #tpu.memory_space<vmem>>) offsets(%dma_start3A_43 : memref<80xi32, #tpu.memory_space<vmem>>) semaphore(%arg14 : memref<!tpu.dma_semaphore, #tpu.memory_space<semaphore_mem>>)
    %dma_start3A_47 = arith.constant 160 : i32
    %dma_start3A_48 = tpu.memref_slice %arg7[%dma_start3A_47] : memref<10000xi32, #tpu.memory_space<vmem>> -> memref<80xi32, #tpu.memory_space<vmem>>
    %dma_start3A_49 = arith.constant 0 : i32
    %dma_start3A_50 = arith.constant 0 : i32
    %dma_start3A_51 = tpu.memref_slice %arg4[%dma_start3A_49, %dma_start3A_50] : memref<10000x16xf32, #tpu.memory_space<hbm>> -> memref<10000x16xf32, #tpu.memory_space<hbm>>
    tpu.enqueue_indirect_dma source(%dma_start3A_51 : memref<10000x16xf32, #tpu.memory_space<hbm>>) target(%arg10 : memref<80x16xf32, #tpu.memory_space<vmem>>) offsets(%dma_start3A_48 : memref<80xi32, #tpu.memory_space<vmem>>) semaphore(%arg16 : memref<!tpu.dma_semaphore, #tpu.memory_space<semaphore_mem>>)
    %dma_wait3A_52 = arith.constant 80 : i32
    %dma_wait3A_53 = tpu.memref_slice %arg6[%dma_wait3A_52] : memref<10000xi32, #tpu.memory_space<vmem>> -> memref<80xi32, #tpu.memory_space<vmem>>
    %dma_wait3A_54 = arith.constant 0 : i32
    %dma_wait3A_55 = arith.constant 0 : i32
    %dma_wait3A_56 = tpu.memref_slice %arg3[%dma_wait3A_54, %dma_wait3A_55] : memref<10000x16xf32, #tpu.memory_space<hbm>> -> memref<10000x16xf32, #tpu.memory_space<hbm>>
    tpu.wait_indirect_dma semaphore(%arg15 : memref<!tpu.dma_semaphore, #tpu.memory_space<semaphore_mem>>) src(%dma_wait3A_56 : memref<10000x16xf32, #tpu.memory_space<hbm>>) dst(%arg9 : memref<80x16xf32, #tpu.memory_space<vmem>>)
    %dma_wait3A_57 = arith.constant 80 : i32
    %dma_wait3A_58 = tpu.memref_slice %arg7[%dma_wait3A_57] : memref<10000xi32, #tpu.memory_space<vmem>> -> memref<80xi32, #tpu.memory_space<vmem>>
    %dma_wait3A_59 = arith.constant 0 : i32
    %dma_wait3A_60 = arith.constant 0 : i32
    %dma_wait3A_61 = tpu.memref_slice %arg4[%dma_wait3A_59, %dma_wait3A_60] : memref<10000x16xf32, #tpu.memory_space<hbm>> -> memref<10000x16xf32, #tpu.memory_space<hbm>>
    tpu.wait_indirect_dma semaphore(%arg17 : memref<!tpu.dma_semaphore, #tpu.memory_space<semaphore_mem>>) src(%dma_wait3A_61 : memref<10000x16xf32, #tpu.memory_space<hbm>>) dst(%arg11 : memref<80x16xf32, #tpu.memory_space<vmem>>)
    %scan3A_62 = arith.constant 0 : i32
    %scan3A_63 = arith.constant 80 : i32
    %scan3A_64 = arith.addi %scan3A_62, %scan3A_63 : i32
    %scan3A_65 = arith.constant 8 : i32
    scf.for %scan3A_117 = %scan3A_62 to %scan3A_64 step %scan3A_65  : i32 {
      %mul3A_118 = arith.constant 1 : i32
      %mul3A_119 = arith.muli %scan3A_117, %mul3A_118 : i32
      %add3A_120 = arith.constant 0 : i32
      %add3A_121 = arith.addi %add3A_120, %mul3A_119 : i32
      %get3A = arith.index_cast %add3A_121 : i32 to index
      %get3A_122 = arith.constant 0 : index
      %get3A_123 = tpu.vector_load %arg9[%get3A, %get3A_122] {strides = array<i32>} : memref<80x16xf32, #tpu.memory_space<vmem>>, vector<1x16xf32>,
      %get3A_124 = vector.shape_cast %get3A_123 : vector<1x16xf32> to vector<16xf32>
      %get3A_125 = arith.index_cast %add3A_121 : i32 to index
      %get3A_126 = arith.constant 0 : index
      %get3A_127 = tpu.vector_load %arg11[%get3A_125, %get3A_126] {strides = array<i32>} : memref<80x16xf32, #tpu.memory_space<vmem>>, vector<1x16xf32>,
      %get3A_128 = vector.shape_cast %get3A_127 : vector<1x16xf32> to vector<16xf32>
      %add3A_129 = arith.addf %get3A_124, %get3A_128 : vector<16xf32>
      %swap3A = arith.index_cast %add3A_121 : i32 to index
      %swap3A_130 = arith.constant 0 : index
      %swap3A_131 = tpu.vector_load %arg13[%swap3A, %swap3A_130] {strides = array<i32>} : memref<80x16xf32, #tpu.memory_space<vmem>>, vector<1x16xf32>,
      %swap3A_132 = vector.shape_cast %swap3A_131 : vector<1x16xf32> to vector<16xf32>
      %swap3A_133 = vector.shape_cast %add3A_129 : vector<16xf32> to vector<1x16xf32>
      tpu.vector_store %arg13[%swap3A, %swap3A_130], %swap3A_133 {strides = array<i32>} : memref<80x16xf32, #tpu.memory_space<vmem>>, vector<1x16xf32>,
      %scan3A_134 = arith.constant 1 : i32
      %scan3A_135 = arith.addi %scan3A_117, %scan3A_134 : i32
      %mul3A_136 = arith.constant 1 : i32
      %mul3A_137 = arith.muli %scan3A_135, %mul3A_136 : i32
      %add3A_138 = arith.constant 0 : i32
      %add3A_139 = arith.addi %add3A_138, %mul3A_137 : i32
      %get3A_140 = arith.index_cast %add3A_139 : i32 to index
      %get3A_141 = arith.constant 0 : index
      %get3A_142 = tpu.vector_load %arg9[%get3A_140, %get3A_141] {strides = array<i32>} : memref<80x16xf32, #tpu.memory_space<vmem>>, vector<1x16xf32>,
      %get3A_143 = vector.shape_cast %get3A_142 : vector<1x16xf32> to vector<16xf32>
      %get3A_144 = arith.index_cast %add3A_139 : i32 to index
      %get3A_145 = arith.constant 0 : index
      %get3A_146 = tpu.vector_load %arg11[%get3A_144, %get3A_145] {strides = array<i32>} : memref<80x16xf32, #tpu.memory_space<vmem>>, vector<1x16xf32>,
      %get3A_147 = vector.shape_cast %get3A_146 : vector<1x16xf32> to vector<16xf32>
      %add3A_148 = arith.addf %get3A_143, %get3A_147 : vector<16xf32>
      %swap3A_149 = arith.index_cast %add3A_139 : i32 to index
      %swap3A_150 = arith.constant 0 : index
      %swap3A_151 = tpu.vector_load %arg13[%swap3A_149, %swap3A_150] {strides = array<i32>} : memref<80x16xf32, #tpu.memory_space<vmem>>, vector<1x16xf32>,
      %swap3A_152 = vector.shape_cast %swap3A_151 : vector<1x16xf32> to vector<16xf32>
      %swap3A_153 = vector.shape_cast %add3A_148 : vector<16xf32> to vector<1x16xf32>
      tpu.vector_store %arg13[%swap3A_149, %swap3A_150], %swap3A_153 {strides = array<i32>} : memref<80x16xf32, #tpu.memory_space<vmem>>, vector<1x16xf32>,
      %scan3A_154 = arith.constant 2 : i32
      %scan3A_155 = arith.addi %scan3A_117, %scan3A_154 : i32
      %mul3A_156 = arith.constant 1 : i32
      %mul3A_157 = arith.muli %scan3A_155, %mul3A_156 : i32
      %add3A_158 = arith.constant 0 : i32
      %add3A_159 = arith.addi %add3A_158, %mul3A_157 : i32
      %get3A_160 = arith.index_cast %add3A_159 : i32 to index
      %get3A_161 = arith.constant 0 : index
      %get3A_162 = tpu.vector_load %arg9[%get3A_160, %get3A_161] {strides = array<i32>} : memref<80x16xf32, #tpu.memory_space<vmem>>, vector<1x16xf32>,
      %get3A_163 = vector.shape_cast %get3A_162 : vector<1x16xf32> to vector<16xf32>
      %get3A_164 = arith.index_cast %add3A_159 : i32 to index
      %get3A_165 = arith.constant 0 : index
      %get3A_166 = tpu.vector_load %arg11[%get3A_164, %get3A_165] {strides = array<i32>} : memref<80x16xf32, #tpu.memory_space<vmem>>, vector<1x16xf32>,
      %get3A_167 = vector.shape_cast %get3A_166 : vector<1x16xf32> to vector<16xf32>
      %add3A_168 = arith.addf %get3A_163, %get3A_167 : vector<16xf32>
      %swap3A_169 = arith.index_cast %add3A_159 : i32 to index
      %swap3A_170 = arith.constant 0 : index
      %swap3A_171 = tpu.vector_load %arg13[%swap3A_169, %swap3A_170] {strides = array<i32>} : memref<80x16xf32, #tpu.memory_space<vmem>>, vector<1x16xf32>,
      %swap3A_172 = vector.shape_cast %swap3A_171 : vector<1x16xf32> to vector<16xf32>
      %swap3A_173 = vector.shape_cast %add3A_168 : vector<16xf32> to vector<1x16xf32>
      tpu.vector_store %arg13[%swap3A_169, %swap3A_170], %swap3A_173 {strides = array<i32>} : memref<80x16xf32, #tpu.memory_space<vmem>>, vector<1x16xf32>,
      %scan3A_174 = arith.constant 3 : i32
      %scan3A_175 = arith.addi %scan3A_117, %scan3A_174 : i32
      %mul3A_176 = arith.constant 1 : i32
      %mul3A_177 = arith.muli %scan3A_175, %mul3A_176 : i32
      %add3A_178 = arith.constant 0 : i32
      %add3A_179 = arith.addi %add3A_178, %mul3A_177 : i32
      %get3A_180 = arith.index_cast %add3A_179 : i32 to index
      %get3A_181 = arith.constant 0 : index
      %get3A_182 = tpu.vector_load %arg9[%get3A_180, %get3A_181] {strides = array<i32>} : memref<80x16xf32, #tpu.memory_space<vmem>>, vector<1x16xf32>,
      %get3A_183 = vector.shape_cast %get3A_182 : vector<1x16xf32> to vector<16xf32>
      %get3A_184 = arith.index_cast %add3A_179 : i32 to index
      %get3A_185 = arith.constant 0 : index
      %get3A_186 = tpu.vector_load %arg11[%get3A_184, %get3A_185] {strides = array<i32>} : memref<80x16xf32, #tpu.memory_space<vmem>>, vector<1x16xf32>,
      %get3A_187 = vector.shape_cast %get3A_186 : vector<1x16xf32> to vector<16xf32>
      %add3A_188 = arith.addf %get3A_183, %get3A_187 : vector<16xf32>
      %swap3A_189 = arith.index_cast %add3A_179 : i32 to index
      %swap3A_190 = arith.constant 0 : index
      %swap3A_191 = tpu.vector_load %arg13[%swap3A_189, %swap3A_190] {strides = array<i32>} : memref<80x16xf32, #tpu.memory_space<vmem>>, vector<1x16xf32>,
      %swap3A_192 = vector.shape_cast %swap3A_191 : vector<1x16xf32> to vector<16xf32>
      %swap3A_193 = vector.shape_cast %add3A_188 : vector<16xf32> to vector<1x16xf32>
      tpu.vector_store %arg13[%swap3A_189, %swap3A_190], %swap3A_193 {strides = array<i32>} : memref<80x16xf32, #tpu.memory_space<vmem>>, vector<1x16xf32>,
      %scan3A_194 = arith.constant 4 : i32
      %scan3A_195 = arith.addi %scan3A_117, %scan3A_194 : i32
      %mul3A_196 = arith.constant 1 : i32
      %mul3A_197 = arith.muli %scan3A_195, %mul3A_196 : i32
      %add3A_198 = arith.constant 0 : i32
      %add3A_199 = arith.addi %add3A_198, %mul3A_197 : i32
      %get3A_200 = arith.index_cast %add3A_199 : i32 to index
      %get3A_201 = arith.constant 0 : index
      %get3A_202 = tpu.vector_load %arg9[%get3A_200, %get3A_201] {strides = array<i32>} : memref<80x16xf32, #tpu.memory_space<vmem>>, vector<1x16xf32>,
      %get3A_203 = vector.shape_cast %get3A_202 : vector<1x16xf32> to vector<16xf32>
      %get3A_204 = arith.index_cast %add3A_199 : i32 to index
      %get3A_205 = arith.constant 0 : index
      %get3A_206 = tpu.vector_load %arg11[%get3A_204, %get3A_205] {strides = array<i32>} : memref<80x16xf32, #tpu.memory_space<vmem>>, vector<1x16xf32>,
      %get3A_207 = vector.shape_cast %get3A_206 : vector<1x16xf32> to vector<16xf32>
      %add3A_208 = arith.addf %get3A_203, %get3A_207 : vector<16xf32>
      %swap3A_209 = arith.index_cast %add3A_199 : i32 to index
      %swap3A_210 = arith.constant 0 : index
      %swap3A_211 = tpu.vector_load %arg13[%swap3A_209, %swap3A_210] {strides = array<i32>} : memref<80x16xf32, #tpu.memory_space<vmem>>, vector<1x16xf32>,
      %swap3A_212 = vector.shape_cast %swap3A_211 : vector<1x16xf32> to vector<16xf32>
      %swap3A_213 = vector.shape_cast %add3A_208 : vector<16xf32> to vector<1x16xf32>
      tpu.vector_store %arg13[%swap3A_209, %swap3A_210], %swap3A_213 {strides = array<i32>} : memref<80x16xf32, #tpu.memory_space<vmem>>, vector<1x16xf32>,
      %scan3A_214 = arith.constant 5 : i32
      %scan3A_215 = arith.addi %scan3A_117, %scan3A_214 : i32
      %mul3A_216 = arith.constant 1 : i32
      %mul3A_217 = arith.muli %scan3A_215, %mul3A_216 : i32
      %add3A_218 = arith.constant 0 : i32
      %add3A_219 = arith.addi %add3A_218, %mul3A_217 : i32
      %get3A_220 = arith.index_cast %add3A_219 : i32 to index
      %get3A_221 = arith.constant 0 : index
      %get3A_222 = tpu.vector_load %arg9[%get3A_220, %get3A_221] {strides = array<i32>} : memref<80x16xf32, #tpu.memory_space<vmem>>, vector<1x16xf32>,
      %get3A_223 = vector.shape_cast %get3A_222 : vector<1x16xf32> to vector<16xf32>
      %get3A_224 = arith.index_cast %add3A_219 : i32 to index
      %get3A_225 = arith.constant 0 : index
      %get3A_226 = tpu.vector_load %arg11[%get3A_224, %get3A_225] {strides = array<i32>} : memref<80x16xf32, #tpu.memory_space<vmem>>, vector<1x16xf32>,
      %get3A_227 = vector.shape_cast %get3A_226 : vector<1x16xf32> to vector<16xf32>
      %add3A_228 = arith.addf %get3A_223, %get3A_227 : vector<16xf32>
      %swap3A_229 = arith.index_cast %add3A_219 : i32 to index
      %swap3A_230 = arith.constant 0 : index
      %swap3A_231 = tpu.vector_load %arg13[%swap3A_229, %swap3A_230] {strides = array<i32>} : memref<80x16xf32, #tpu.memory_space<vmem>>, vector<1x16xf32>,
      %swap3A_232 = vector.shape_cast %swap3A_231 : vector<1x16xf32> to vector<16xf32>
      %swap3A_233 = vector.shape_cast %add3A_228 : vector<16xf32> to vector<1x16xf32>
      tpu.vector_store %arg13[%swap3A_229, %swap3A_230], %swap3A_233 {strides = array<i32>} : memref<80x16xf32, #tpu.memory_space<vmem>>, vector<1x16xf32>,
      %scan3A_234 = arith.constant 6 : i32
      %scan3A_235 = arith.addi %scan3A_117, %scan3A_234 : i32
      %mul3A_236 = arith.constant 1 : i32
      %mul3A_237 = arith.muli %scan3A_235, %mul3A_236 : i32
      %add3A_238 = arith.constant 0 : i32
      %add3A_239 = arith.addi %add3A_238, %mul3A_237 : i32
      %get3A_240 = arith.index_cast %add3A_239 : i32 to index
      %get3A_241 = arith.constant 0 : index
      %get3A_242 = tpu.vector_load %arg9[%get3A_240, %get3A_241] {strides = array<i32>} : memref<80x16xf32, #tpu.memory_space<vmem>>, vector<1x16xf32>,
      %get3A_243 = vector.shape_cast %get3A_242 : vector<1x16xf32> to vector<16xf32>
      %get3A_244 = arith.index_cast %add3A_239 : i32 to index
      %get3A_245 = arith.constant 0 : index
      %get3A_246 = tpu.vector_load %arg11[%get3A_244, %get3A_245] {strides = array<i32>} : memref<80x16xf32, #tpu.memory_space<vmem>>, vector<1x16xf32>,
      %get3A_247 = vector.shape_cast %get3A_246 : vector<1x16xf32> to vector<16xf32>
      %add3A_248 = arith.addf %get3A_243, %get3A_247 : vector<16xf32>
      %swap3A_249 = arith.index_cast %add3A_239 : i32 to index
      %swap3A_250 = arith.constant 0 : index
      %swap3A_251 = tpu.vector_load %arg13[%swap3A_249, %swap3A_250] {strides = array<i32>} : memref<80x16xf32, #tpu.memory_space<vmem>>, vector<1x16xf32>,
      %swap3A_252 = vector.shape_cast %swap3A_251 : vector<1x16xf32> to vector<16xf32>
      %swap3A_253 = vector.shape_cast %add3A_248 : vector<16xf32> to vector<1x16xf32>
      tpu.vector_store %arg13[%swap3A_249, %swap3A_250], %swap3A_253 {strides = array<i32>} : memref<80x16xf32, #tpu.memory_space<vmem>>, vector<1x16xf32>,
      %scan3A_254 = arith.constant 7 : i32
      %scan3A_255 = arith.addi %scan3A_117, %scan3A_254 : i32
      %mul3A_256 = arith.constant 1 : i32
      %mul3A_257 = arith.muli %scan3A_255, %mul3A_256 : i32
      %add3A_258 = arith.constant 0 : i32
      %add3A_259 = arith.addi %add3A_258, %mul3A_257 : i32
      %get3A_260 = arith.index_cast %add3A_259 : i32 to index
      %get3A_261 = arith.constant 0 : index
      %get3A_262 = tpu.vector_load %arg9[%get3A_260, %get3A_261] {strides = array<i32>} : memref<80x16xf32, #tpu.memory_space<vmem>>, vector<1x16xf32>,
      %get3A_263 = vector.shape_cast %get3A_262 : vector<1x16xf32> to vector<16xf32>
      %get3A_264 = arith.index_cast %add3A_259 : i32 to index
      %get3A_265 = arith.constant 0 : index
      %get3A_266 = tpu.vector_load %arg11[%get3A_264, %get3A_265] {strides = array<i32>} : memref<80x16xf32, #tpu.memory_space<vmem>>, vector<1x16xf32>,
      %get3A_267 = vector.shape_cast %get3A_266 : vector<1x16xf32> to vector<16xf32>
      %add3A_268 = arith.addf %get3A_263, %get3A_267 : vector<16xf32>
      %swap3A_269 = arith.index_cast %add3A_259 : i32 to index
      %swap3A_270 = arith.constant 0 : index
      %swap3A_271 = tpu.vector_load %arg13[%swap3A_269, %swap3A_270] {strides = array<i32>} : memref<80x16xf32, #tpu.memory_space<vmem>>, vector<1x16xf32>,
      %swap3A_272 = vector.shape_cast %swap3A_271 : vector<1x16xf32> to vector<16xf32>
      %swap3A_273 = vector.shape_cast %add3A_268 : vector<16xf32> to vector<1x16xf32>
      tpu.vector_store %arg13[%swap3A_269, %swap3A_270], %swap3A_273 {strides = array<i32>} : memref<80x16xf32, #tpu.memory_space<vmem>>, vector<1x16xf32>,
    }
    %scan3A_66 = arith.constant 80 : i32
    %add3A_67 = arith.constant 80 : i32
    %add3A_68 = arith.addi %mul3A_2, %add3A_67 : i32
    %dma_start3A_69 = arith.constant 0 : i32
    %dma_start3A_70 = tpu.memref_slice %arg5[%add3A_68, %dma_start3A_69] : memref<320000x16xf32, #tpu.memory_space<hbm>> -> memref<80x16xf32, #tpu.memory_space<hbm>>
    %dma_start3A_71 = arith.constant 0 : i32
    %dma_start3A_72 = tpu.memref_slice %arg5[%add3A_68, %dma_start3A_71] : memref<320000x16xf32, #tpu.memory_space<hbm>> -> memref<80x16xf32, #tpu.memory_space<hbm>>
    tpu.enqueue_dma source(%arg13 : memref<80x16xf32, #tpu.memory_space<vmem>>) target(%dma_start3A_72 : memref<80x16xf32, #tpu.memory_space<hbm>>) target_semaphore(%arg19 : memref<!tpu.dma_semaphore, #tpu.memory_space<semaphore_mem>>)
    %scan3A_73 = arith.constant 0 : i32
    %scan3A_74 = arith.constant 61 : i32
    %scan3A_75 = arith.addi %scan3A_73, %scan3A_74 : i32
    %scan3A_76 = arith.constant 1 : i32
    scf.for %scan3A_117 = %scan3A_73 to %scan3A_75 step %scan3A_76  : i32 {
      %mul3A_118 = arith.constant 1 : i32
      %mul3A_119 = arith.muli %scan3A_117, %mul3A_118 : i32
      %add3A_120 = arith.constant 1 : i32
      %add3A_121 = arith.addi %add3A_120, %mul3A_119 : i32
      %mul3A_122 = arith.constant 2 : i32
      %mul3A_123 = arith.muli %mul3A_122, %add3A_121 : i32
      %add3A_124 = arith.constant 1 : i32
      %add3A_125 = arith.addi %mul3A_123, %add3A_124 : i32
      %mul3A_126 = arith.constant 80 : i32
      %mul3A_127 = arith.muli %add3A_125, %mul3A_126 : i32
      %dma_start3A_128 = tpu.memref_slice %arg6[%mul3A_127] : memref<10000xi32, #tpu.memory_space<vmem>> -> memref<80xi32, #tpu.memory_space<vmem>>
      %dma_start3A_129 = arith.constant 0 : i32
      %dma_start3A_130 = arith.constant 0 : i32
      %dma_start3A_131 = tpu.memref_slice %arg3[%dma_start3A_129, %dma_start3A_130] : memref<10000x16xf32, #tpu.memory_space<hbm>> -> memref<10000x16xf32, #tpu.memory_space<hbm>>
      tpu.enqueue_indirect_dma source(%dma_start3A_131 : memref<10000x16xf32, #tpu.memory_space<hbm>>) target(%arg9 : memref<80x16xf32, #tpu.memory_space<vmem>>) offsets(%dma_start3A_128 : memref<80xi32, #tpu.memory_space<vmem>>) semaphore(%arg15 : memref<!tpu.dma_semaphore, #tpu.memory_space<semaphore_mem>>)
      %mul3A_132 = arith.constant 80 : i32
      %mul3A_133 = arith.muli %add3A_125, %mul3A_132 : i32
      %dma_start3A_134 = tpu.memref_slice %arg7[%mul3A_133] : memref<10000xi32, #tpu.memory_space<vmem>> -> memref<80xi32, #tpu.memory_space<vmem>>
      %dma_start3A_135 = arith.constant 0 : i32
      %dma_start3A_136 = arith.constant 0 : i32
      %dma_start3A_137 = tpu.memref_slice %arg4[%dma_start3A_135, %dma_start3A_136] : memref<10000x16xf32, #tpu.memory_space<hbm>> -> memref<10000x16xf32, #tpu.memory_space<hbm>>
      tpu.enqueue_indirect_dma source(%dma_start3A_137 : memref<10000x16xf32, #tpu.memory_space<hbm>>) target(%arg11 : memref<80x16xf32, #tpu.memory_space<vmem>>) offsets(%dma_start3A_134 : memref<80xi32, #tpu.memory_space<vmem>>) semaphore(%arg17 : memref<!tpu.dma_semaphore, #tpu.memory_space<semaphore_mem>>)
      %sub3A = arith.constant 2 : i32
      %sub3A_138 = arith.subi %mul3A_123, %sub3A : i32
      %mul3A_139 = arith.constant 80 : i32
      %mul3A_140 = arith.muli %mul3A_123, %mul3A_139 : i32
      %dma_wait3A_141 = tpu.memref_slice %arg6[%mul3A_140] : memref<10000xi32, #tpu.memory_space<vmem>> -> memref<80xi32, #tpu.memory_space<vmem>>
      %dma_wait3A_142 = arith.constant 0 : i32
      %dma_wait3A_143 = arith.constant 0 : i32
      %dma_wait3A_144 = tpu.memref_slice %arg3[%dma_wait3A_142, %dma_wait3A_143] : memref<10000x16xf32, #tpu.memory_space<hbm>> -> memref<10000x16xf32, #tpu.memory_space<hbm>>
      tpu.wait_indirect_dma semaphore(%arg14 : memref<!tpu.dma_semaphore, #tpu.memory_space<semaphore_mem>>) src(%dma_wait3A_144 : memref<10000x16xf32, #tpu.memory_space<hbm>>) dst(%arg8 : memref<80x16xf32, #tpu.memory_space<vmem>>)
      %mul3A_145 = arith.constant 80 : i32
      %mul3A_146 = arith.muli %mul3A_123, %mul3A_145 : i32
      %dma_wait3A_147 = tpu.memref_slice %arg7[%mul3A_146] : memref<10000xi32, #tpu.memory_space<vmem>> -> memref<80xi32, #tpu.memory_space<vmem>>
      %dma_wait3A_148 = arith.constant 0 : i32
      %dma_wait3A_149 = arith.constant 0 : i32
      %dma_wait3A_150 = tpu.memref_slice %arg4[%dma_wait3A_148, %dma_wait3A_149] : memref<10000x16xf32, #tpu.memory_space<hbm>> -> memref<10000x16xf32, #tpu.memory_space<hbm>>
      tpu.wait_indirect_dma semaphore(%arg16 : memref<!tpu.dma_semaphore, #tpu.memory_space<semaphore_mem>>) src(%dma_wait3A_150 : memref<10000x16xf32, #tpu.memory_space<hbm>>) dst(%arg10 : memref<80x16xf32, #tpu.memory_space<vmem>>)
      %mul3A_151 = arith.constant 80 : i32
      %mul3A_152 = arith.muli %sub3A_138, %mul3A_151 : i32
      %add3A_153 = arith.addi %mul3A_2, %mul3A_152 : i32
      %dma_wait3A_154 = arith.constant 0 : i32
      %dma_wait3A_155 = tpu.memref_slice %arg5[%add3A_153, %dma_wait3A_154] : memref<320000x16xf32, #tpu.memory_space<hbm>> -> memref<80x16xf32, #tpu.memory_space<hbm>>
      %dma_wait3A_156 = arith.constant 0 : i32
      %dma_wait3A_157 = tpu.memref_slice %arg5[%add3A_153, %dma_wait3A_156] : memref<320000x16xf32, #tpu.memory_space<hbm>> -> memref<80x16xf32, #tpu.memory_space<hbm>>
      tpu.wait_dma2 semaphore(%arg18 : memref<!tpu.dma_semaphore, #tpu.memory_space<semaphore_mem>>) src(%arg12 : memref<80x16xf32, #tpu.memory_space<vmem>>) dst(%dma_wait3A_157 : memref<80x16xf32, #tpu.memory_space<hbm>>)
      %scan3A_158 = arith.constant 0 : i32
      %scan3A_159 = arith.constant 80 : i32
      %scan3A_160 = arith.addi %scan3A_158, %scan3A_159 : i32
      %scan3A_161 = arith.constant 8 : i32
      scf.for %scan3A_219 = %scan3A_158 to %scan3A_160 step %scan3A_161  : i32 {
        %mul3A_220 = arith.constant 1 : i32
        %mul3A_221 = arith.muli %scan3A_219, %mul3A_220 : i32
        %add3A_222 = arith.constant 0 : i32
        %add3A_223 = arith.addi %add3A_222, %mul3A_221 : i32
        %get3A = arith.index_cast %add3A_223 : i32 to index
        %get3A_224 = arith.constant 0 : index
        %get3A_225 = tpu.vector_load %arg8[%get3A, %get3A_224] {strides = array<i32>} : memref<80x16xf32, #tpu.memory_space<vmem>>, vector<1x16xf32>,
        %get3A_226 = vector.shape_cast %get3A_225 : vector<1x16xf32> to vector<16xf32>
        %get3A_227 = arith.index_cast %add3A_223 : i32 to index
        %get3A_228 = arith.constant 0 : index
        %get3A_229 = tpu.vector_load %arg10[%get3A_227, %get3A_228] {strides = array<i32>} : memref<80x16xf32, #tpu.memory_space<vmem>>, vector<1x16xf32>,
        %get3A_230 = vector.shape_cast %get3A_229 : vector<1x16xf32> to vector<16xf32>
        %add3A_231 = arith.addf %get3A_226, %get3A_230 : vector<16xf32>
        %swap3A = arith.index_cast %add3A_223 : i32 to index
        %swap3A_232 = arith.constant 0 : index
        %swap3A_233 = tpu.vector_load %arg12[%swap3A, %swap3A_232] {strides = array<i32>} : memref<80x16xf32, #tpu.memory_space<vmem>>, vector<1x16xf32>,
        %swap3A_234 = vector.shape_cast %swap3A_233 : vector<1x16xf32> to vector<16xf32>
        %swap3A_235 = vector.shape_cast %add3A_231 : vector<16xf32> to vector<1x16xf32>
        tpu.vector_store %arg12[%swap3A, %swap3A_232], %swap3A_235 {strides = array<i32>} : memref<80x16xf32, #tpu.memory_space<vmem>>, vector<1x16xf32>,
        %scan3A_236 = arith.constant 1 : i32
        %scan3A_237 = arith.addi %scan3A_219, %scan3A_236 : i32
        %mul3A_238 = arith.constant 1 : i32
        %mul3A_239 = arith.muli %scan3A_237, %mul3A_238 : i32
        %add3A_240 = arith.constant 0 : i32
        %add3A_241 = arith.addi %add3A_240, %mul3A_239 : i32
        %get3A_242 = arith.index_cast %add3A_241 : i32 to index
        %get3A_243 = arith.constant 0 : index
        %get3A_244 = tpu.vector_load %arg8[%get3A_242, %get3A_243] {strides = array<i32>} : memref<80x16xf32, #tpu.memory_space<vmem>>, vector<1x16xf32>,
        %get3A_245 = vector.shape_cast %get3A_244 : vector<1x16xf32> to vector<16xf32>
        %get3A_246 = arith.index_cast %add3A_241 : i32 to index
        %get3A_247 = arith.constant 0 : index
        %get3A_248 = tpu.vector_load %arg10[%get3A_246, %get3A_247] {strides = array<i32>} : memref<80x16xf32, #tpu.memory_space<vmem>>, vector<1x16xf32>,
        %get3A_249 = vector.shape_cast %get3A_248 : vector<1x16xf32> to vector<16xf32>
        %add3A_250 = arith.addf %get3A_245, %get3A_249 : vector<16xf32>
        %swap3A_251 = arith.index_cast %add3A_241 : i32 to index
        %swap3A_252 = arith.constant 0 : index
        %swap3A_253 = tpu.vector_load %arg12[%swap3A_251, %swap3A_252] {strides = array<i32>} : memref<80x16xf32, #tpu.memory_space<vmem>>, vector<1x16xf32>,
        %swap3A_254 = vector.shape_cast %swap3A_253 : vector<1x16xf32> to vector<16xf32>
        %swap3A_255 = vector.shape_cast %add3A_250 : vector<16xf32> to vector<1x16xf32>
        tpu.vector_store %arg12[%swap3A_251, %swap3A_252], %swap3A_255 {strides = array<i32>} : memref<80x16xf32, #tpu.memory_space<vmem>>, vector<1x16xf32>,
        %scan3A_256 = arith.constant 2 : i32
        %scan3A_257 = arith.addi %scan3A_219, %scan3A_256 : i32
        %mul3A_258 = arith.constant 1 : i32
        %mul3A_259 = arith.muli %scan3A_257, %mul3A_258 : i32
        %add3A_260 = arith.constant 0 : i32
        %add3A_261 = arith.addi %add3A_260, %mul3A_259 : i32
        %get3A_262 = arith.index_cast %add3A_261 : i32 to index
        %get3A_263 = arith.constant 0 : index
        %get3A_264 = tpu.vector_load %arg8[%get3A_262, %get3A_263] {strides = array<i32>} : memref<80x16xf32, #tpu.memory_space<vmem>>, vector<1x16xf32>,
        %get3A_265 = vector.shape_cast %get3A_264 : vector<1x16xf32> to vector<16xf32>
        %get3A_266 = arith.index_cast %add3A_261 : i32 to index
        %get3A_267 = arith.constant 0 : index
        %get3A_268 = tpu.vector_load %arg10[%get3A_266, %get3A_267] {strides = array<i32>} : memref<80x16xf32, #tpu.memory_space<vmem>>, vector<1x16xf32>,
        %get3A_269 = vector.shape_cast %get3A_268 : vector<1x16xf32> to vector<16xf32>
        %add3A_270 = arith.addf %get3A_265, %get3A_269 : vector<16xf32>
        %swap3A_271 = arith.index_cast %add3A_261 : i32 to index
        %swap3A_272 = arith.constant 0 : index
        %swap3A_273 = tpu.vector_load %arg12[%swap3A_271, %swap3A_272] {strides = array<i32>} : memref<80x16xf32, #tpu.memory_space<vmem>>, vector<1x16xf32>,
        %swap3A_274 = vector.shape_cast %swap3A_273 : vector<1x16xf32> to vector<16xf32>
        %swap3A_275 = vector.shape_cast %add3A_270 : vector<16xf32> to vector<1x16xf32>
        tpu.vector_store %arg12[%swap3A_271, %swap3A_272], %swap3A_275 {strides = array<i32>} : memref<80x16xf32, #tpu.memory_space<vmem>>, vector<1x16xf32>,
        %scan3A_276 = arith.constant 3 : i32
        %scan3A_277 = arith.addi %scan3A_219, %scan3A_276 : i32
        %mul3A_278 = arith.constant 1 : i32
        %mul3A_279 = arith.muli %scan3A_277, %mul3A_278 : i32
        %add3A_280 = arith.constant 0 : i32
        %add3A_281 = arith.addi %add3A_280, %mul3A_279 : i32
        %get3A_282 = arith.index_cast %add3A_281 : i32 to index
        %get3A_283 = arith.constant 0 : index
        %get3A_284 = tpu.vector_load %arg8[%get3A_282, %get3A_283] {strides = array<i32>} : memref<80x16xf32, #tpu.memory_space<vmem>>, vector<1x16xf32>,
        %get3A_285 = vector.shape_cast %get3A_284 : vector<1x16xf32> to vector<16xf32>
        %get3A_286 = arith.index_cast %add3A_281 : i32 to index
        %get3A_287 = arith.constant 0 : index
        %get3A_288 = tpu.vector_load %arg10[%get3A_286, %get3A_287] {strides = array<i32>} : memref<80x16xf32, #tpu.memory_space<vmem>>, vector<1x16xf32>,
        %get3A_289 = vector.shape_cast %get3A_288 : vector<1x16xf32> to vector<16xf32>
        %add3A_290 = arith.addf %get3A_285, %get3A_289 : vector<16xf32>
        %swap3A_291 = arith.index_cast %add3A_281 : i32 to index
        %swap3A_292 = arith.constant 0 : index
        %swap3A_293 = tpu.vector_load %arg12[%swap3A_291, %swap3A_292] {strides = array<i32>} : memref<80x16xf32, #tpu.memory_space<vmem>>, vector<1x16xf32>,
        %swap3A_294 = vector.shape_cast %swap3A_293 : vector<1x16xf32> to vector<16xf32>
        %swap3A_295 = vector.shape_cast %add3A_290 : vector<16xf32> to vector<1x16xf32>
        tpu.vector_store %arg12[%swap3A_291, %swap3A_292], %swap3A_295 {strides = array<i32>} : memref<80x16xf32, #tpu.memory_space<vmem>>, vector<1x16xf32>,
        %scan3A_296 = arith.constant 4 : i32
        %scan3A_297 = arith.addi %scan3A_219, %scan3A_296 : i32
        %mul3A_298 = arith.constant 1 : i32
        %mul3A_299 = arith.muli %scan3A_297, %mul3A_298 : i32
        %add3A_300 = arith.constant 0 : i32
        %add3A_301 = arith.addi %add3A_300, %mul3A_299 : i32
        %get3A_302 = arith.index_cast %add3A_301 : i32 to index
        %get3A_303 = arith.constant 0 : index
        %get3A_304 = tpu.vector_load %arg8[%get3A_302, %get3A_303] {strides = array<i32>} : memref<80x16xf32, #tpu.memory_space<vmem>>, vector<1x16xf32>,
        %get3A_305 = vector.shape_cast %get3A_304 : vector<1x16xf32> to vector<16xf32>
        %get3A_306 = arith.index_cast %add3A_301 : i32 to index
        %get3A_307 = arith.constant 0 : index
        %get3A_308 = tpu.vector_load %arg10[%get3A_306, %get3A_307] {strides = array<i32>} : memref<80x16xf32, #tpu.memory_space<vmem>>, vector<1x16xf32>,
        %get3A_309 = vector.shape_cast %get3A_308 : vector<1x16xf32> to vector<16xf32>
        %add3A_310 = arith.addf %get3A_305, %get3A_309 : vector<16xf32>
        %swap3A_311 = arith.index_cast %add3A_301 : i32 to index
        %swap3A_312 = arith.constant 0 : index
        %swap3A_313 = tpu.vector_load %arg12[%swap3A_311, %swap3A_312] {strides = array<i32>} : memref<80x16xf32, #tpu.memory_space<vmem>>, vector<1x16xf32>,
        %swap3A_314 = vector.shape_cast %swap3A_313 : vector<1x16xf32> to vector<16xf32>
        %swap3A_315 = vector.shape_cast %add3A_310 : vector<16xf32> to vector<1x16xf32>
        tpu.vector_store %arg12[%swap3A_311, %swap3A_312], %swap3A_315 {strides = array<i32>} : memref<80x16xf32, #tpu.memory_space<vmem>>, vector<1x16xf32>,
        %scan3A_316 = arith.constant 5 : i32
        %scan3A_317 = arith.addi %scan3A_219, %scan3A_316 : i32
        %mul3A_318 = arith.constant 1 : i32
        %mul3A_319 = arith.muli %scan3A_317, %mul3A_318 : i32
        %add3A_320 = arith.constant 0 : i32
        %add3A_321 = arith.addi %add3A_320, %mul3A_319 : i32
        %get3A_322 = arith.index_cast %add3A_321 : i32 to index
        %get3A_323 = arith.constant 0 : index
        %get3A_324 = tpu.vector_load %arg8[%get3A_322, %get3A_323] {strides = array<i32>} : memref<80x16xf32, #tpu.memory_space<vmem>>, vector<1x16xf32>,
        %get3A_325 = vector.shape_cast %get3A_324 : vector<1x16xf32> to vector<16xf32>
        %get3A_326 = arith.index_cast %add3A_321 : i32 to index
        %get3A_327 = arith.constant 0 : index
        %get3A_328 = tpu.vector_load %arg10[%get3A_326, %get3A_327] {strides = array<i32>} : memref<80x16xf32, #tpu.memory_space<vmem>>, vector<1x16xf32>,
        %get3A_329 = vector.shape_cast %get3A_328 : vector<1x16xf32> to vector<16xf32>
        %add3A_330 = arith.addf %get3A_325, %get3A_329 : vector<16xf32>
        %swap3A_331 = arith.index_cast %add3A_321 : i32 to index
        %swap3A_332 = arith.constant 0 : index
        %swap3A_333 = tpu.vector_load %arg12[%swap3A_331, %swap3A_332] {strides = array<i32>} : memref<80x16xf32, #tpu.memory_space<vmem>>, vector<1x16xf32>,
        %swap3A_334 = vector.shape_cast %swap3A_333 : vector<1x16xf32> to vector<16xf32>
        %swap3A_335 = vector.shape_cast %add3A_330 : vector<16xf32> to vector<1x16xf32>
        tpu.vector_store %arg12[%swap3A_331, %swap3A_332], %swap3A_335 {strides = array<i32>} : memref<80x16xf32, #tpu.memory_space<vmem>>, vector<1x16xf32>,
        %scan3A_336 = arith.constant 6 : i32
        %scan3A_337 = arith.addi %scan3A_219, %scan3A_336 : i32
        %mul3A_338 = arith.constant 1 : i32
        %mul3A_339 = arith.muli %scan3A_337, %mul3A_338 : i32
        %add3A_340 = arith.constant 0 : i32
        %add3A_341 = arith.addi %add3A_340, %mul3A_339 : i32
        %get3A_342 = arith.index_cast %add3A_341 : i32 to index
        %get3A_343 = arith.constant 0 : index
        %get3A_344 = tpu.vector_load %arg8[%get3A_342, %get3A_343] {strides = array<i32>} : memref<80x16xf32, #tpu.memory_space<vmem>>, vector<1x16xf32>,
        %get3A_345 = vector.shape_cast %get3A_344 : vector<1x16xf32> to vector<16xf32>
        %get3A_346 = arith.index_cast %add3A_341 : i32 to index
        %get3A_347 = arith.constant 0 : index
        %get3A_348 = tpu.vector_load %arg10[%get3A_346, %get3A_347] {strides = array<i32>} : memref<80x16xf32, #tpu.memory_space<vmem>>, vector<1x16xf32>,
        %get3A_349 = vector.shape_cast %get3A_348 : vector<1x16xf32> to vector<16xf32>
        %add3A_350 = arith.addf %get3A_345, %get3A_349 : vector<16xf32>
        %swap3A_351 = arith.index_cast %add3A_341 : i32 to index
        %swap3A_352 = arith.constant 0 : index
        %swap3A_353 = tpu.vector_load %arg12[%swap3A_351, %swap3A_352] {strides = array<i32>} : memref<80x16xf32, #tpu.memory_space<vmem>>, vector<1x16xf32>,
        %swap3A_354 = vector.shape_cast %swap3A_353 : vector<1x16xf32> to vector<16xf32>
        %swap3A_355 = vector.shape_cast %add3A_350 : vector<16xf32> to vector<1x16xf32>
        tpu.vector_store %arg12[%swap3A_351, %swap3A_352], %swap3A_355 {strides = array<i32>} : memref<80x16xf32, #tpu.memory_space<vmem>>, vector<1x16xf32>,
        %scan3A_356 = arith.constant 7 : i32
        %scan3A_357 = arith.addi %scan3A_219, %scan3A_356 : i32
        %mul3A_358 = arith.constant 1 : i32
        %mul3A_359 = arith.muli %scan3A_357, %mul3A_358 : i32
        %add3A_360 = arith.constant 0 : i32
        %add3A_361 = arith.addi %add3A_360, %mul3A_359 : i32
        %get3A_362 = arith.index_cast %add3A_361 : i32 to index
        %get3A_363 = arith.constant 0 : index
        %get3A_364 = tpu.vector_load %arg8[%get3A_362, %get3A_363] {strides = array<i32>} : memref<80x16xf32, #tpu.memory_space<vmem>>, vector<1x16xf32>,
        %get3A_365 = vector.shape_cast %get3A_364 : vector<1x16xf32> to vector<16xf32>
        %get3A_366 = arith.index_cast %add3A_361 : i32 to index
        %get3A_367 = arith.constant 0 : index
        %get3A_368 = tpu.vector_load %arg10[%get3A_366, %get3A_367] {strides = array<i32>} : memref<80x16xf32, #tpu.memory_space<vmem>>, vector<1x16xf32>,
        %get3A_369 = vector.shape_cast %get3A_368 : vector<1x16xf32> to vector<16xf32>
        %add3A_370 = arith.addf %get3A_365, %get3A_369 : vector<16xf32>
        %swap3A_371 = arith.index_cast %add3A_361 : i32 to index
        %swap3A_372 = arith.constant 0 : index
        %swap3A_373 = tpu.vector_load %arg12[%swap3A_371, %swap3A_372] {strides = array<i32>} : memref<80x16xf32, #tpu.memory_space<vmem>>, vector<1x16xf32>,
        %swap3A_374 = vector.shape_cast %swap3A_373 : vector<1x16xf32> to vector<16xf32>
        %swap3A_375 = vector.shape_cast %add3A_370 : vector<16xf32> to vector<1x16xf32>
        tpu.vector_store %arg12[%swap3A_371, %swap3A_372], %swap3A_375 {strides = array<i32>} : memref<80x16xf32, #tpu.memory_space<vmem>>, vector<1x16xf32>,
      }
      %scan3A_162 = arith.constant 80 : i32
      %mul3A_163 = arith.constant 80 : i32
      %mul3A_164 = arith.muli %mul3A_123, %mul3A_163 : i32
      %add3A_165 = arith.addi %mul3A_2, %mul3A_164 : i32
      %dma_start3A_166 = arith.constant 0 : i32
      %dma_start3A_167 = tpu.memref_slice %arg5[%add3A_165, %dma_start3A_166] : memref<320000x16xf32, #tpu.memory_space<hbm>> -> memref<80x16xf32, #tpu.memory_space<hbm>>
      %dma_start3A_168 = arith.constant 0 : i32
      %dma_start3A_169 = tpu.memref_slice %arg5[%add3A_165, %dma_start3A_168] : memref<320000x16xf32, #tpu.memory_space<hbm>> -> memref<80x16xf32, #tpu.memory_space<hbm>>
      tpu.enqueue_dma source(%arg12 : memref<80x16xf32, #tpu.memory_space<vmem>>) target(%dma_start3A_169 : memref<80x16xf32, #tpu.memory_space<hbm>>) target_semaphore(%arg18 : memref<!tpu.dma_semaphore, #tpu.memory_space<semaphore_mem>>)
      %add3A_170 = arith.constant 2 : i32
      %add3A_171 = arith.addi %mul3A_123, %add3A_170 : i32
      %mul3A_172 = arith.constant 80 : i32
      %mul3A_173 = arith.muli %add3A_171, %mul3A_172 : i32
      %dma_start3A_174 = tpu.memref_slice %arg6[%mul3A_173] : memref<10000xi32, #tpu.memory_space<vmem>> -> memref<80xi32, #tpu.memory_space<vmem>>
      %dma_start3A_175 = arith.constant 0 : i32
      %dma_start3A_176 = arith.constant 0 : i32
      %dma_start3A_177 = tpu.memref_slice %arg3[%dma_start3A_175, %dma_start3A_176] : memref<10000x16xf32, #tpu.memory_space<hbm>> -> memref<10000x16xf32, #tpu.memory_space<hbm>>
      tpu.enqueue_indirect_dma source(%dma_start3A_177 : memref<10000x16xf32, #tpu.memory_space<hbm>>) target(%arg8 : memref<80x16xf32, #tpu.memory_space<vmem>>) offsets(%dma_start3A_174 : memref<80xi32, #tpu.memory_space<vmem>>) semaphore(%arg14 : memref<!tpu.dma_semaphore, #tpu.memory_space<semaphore_mem>>)
      %mul3A_178 = arith.constant 80 : i32
      %mul3A_179 = arith.muli %add3A_171, %mul3A_178 : i32
      %dma_start3A_180 = tpu.memref_slice %arg7[%mul3A_179] : memref<10000xi32, #tpu.memory_space<vmem>> -> memref<80xi32, #tpu.memory_space<vmem>>
      %dma_start3A_181 = arith.constant 0 : i32
      %dma_start3A_182 = arith.constant 0 : i32
      %dma_start3A_183 = tpu.memref_slice %arg4[%dma_start3A_181, %dma_start3A_182] : memref<10000x16xf32, #tpu.memory_space<hbm>> -> memref<10000x16xf32, #tpu.memory_space<hbm>>
      tpu.enqueue_indirect_dma source(%dma_start3A_183 : memref<10000x16xf32, #tpu.memory_space<hbm>>) target(%arg10 : memref<80x16xf32, #tpu.memory_space<vmem>>) offsets(%dma_start3A_180 : memref<80xi32, #tpu.memory_space<vmem>>) semaphore(%arg16 : memref<!tpu.dma_semaphore, #tpu.memory_space<semaphore_mem>>)
      %add3A_184 = arith.constant 1 : i32
      %add3A_185 = arith.addi %mul3A_123, %add3A_184 : i32
      %sub3A_186 = arith.constant 1 : i32
      %sub3A_187 = arith.subi %mul3A_123, %sub3A_186 : i32
      %mul3A_188 = arith.constant 80 : i32
      %mul3A_189 = arith.muli %add3A_185, %mul3A_188 : i32
      %dma_wait3A_190 = tpu.memref_slice %arg6[%mul3A_189] : memref<10000xi32, #tpu.memory_space<vmem>> -> memref<80xi32, #tpu.memory_space<vmem>>
      %dma_wait3A_191 = arith.constant 0 : i32
      %dma_wait3A_192 = arith.constant 0 : i32
      %dma_wait3A_193 = tpu.memref_slice %arg3[%dma_wait3A_191, %dma_wait3A_192] : memref<10000x16xf32, #tpu.memory_space<hbm>> -> memref<10000x16xf32, #tpu.memory_space<hbm>>
      tpu.wait_indirect_dma semaphore(%arg15 : memref<!tpu.dma_semaphore, #tpu.memory_space<semaphore_mem>>) src(%dma_wait3A_193 : memref<10000x16xf32, #tpu.memory_space<hbm>>) dst(%arg9 : memref<80x16xf32, #tpu.memory_space<vmem>>)
      %mul3A_194 = arith.constant 80 : i32
      %mul3A_195 = arith.muli %add3A_185, %mul3A_194 : i32
      %dma_wait3A_196 = tpu.memref_slice %arg7[%mul3A_195] : memref<10000xi32, #tpu.memory_space<vmem>> -> memref<80xi32, #tpu.memory_space<vmem>>
      %dma_wait3A_197 = arith.constant 0 : i32
      %dma_wait3A_198 = arith.constant 0 : i32
      %dma_wait3A_199 = tpu.memref_slice %arg4[%dma_wait3A_197, %dma_wait3A_198] : memref<10000x16xf32, #tpu.memory_space<hbm>> -> memref<10000x16xf32, #tpu.memory_space<hbm>>
      tpu.wait_indirect_dma semaphore(%arg17 : memref<!tpu.dma_semaphore, #tpu.memory_space<semaphore_mem>>) src(%dma_wait3A_199 : memref<10000x16xf32, #tpu.memory_space<hbm>>) dst(%arg11 : memref<80x16xf32, #tpu.memory_space<vmem>>)
      %mul3A_200 = arith.constant 80 : i32
      %mul3A_201 = arith.muli %sub3A_187, %mul3A_200 : i32
      %add3A_202 = arith.addi %mul3A_2, %mul3A_201 : i32
      %dma_wait3A_203 = arith.constant 0 : i32
      %dma_wait3A_204 = tpu.memref_slice %arg5[%add3A_202, %dma_wait3A_203] : memref<320000x16xf32, #tpu.memory_space<hbm>> -> memref<80x16xf32, #tpu.memory_space<hbm>>
      %dma_wait3A_205 = arith.constant 0 : i32
      %dma_wait3A_206 = tpu.memref_slice %arg5[%add3A_202, %dma_wait3A_205] : memref<320000x16xf32, #tpu.memory_space<hbm>> -> memref<80x16xf32, #tpu.memory_space<hbm>>
      tpu.wait_dma2 semaphore(%arg19 : memref<!tpu.dma_semaphore, #tpu.memory_space<semaphore_mem>>) src(%arg13 : memref<80x16xf32, #tpu.memory_space<vmem>>) dst(%dma_wait3A_206 : memref<80x16xf32, #tpu.memory_space<hbm>>)
      %scan3A_207 = arith.constant 0 : i32
      %scan3A_208 = arith.constant 80 : i32
      %scan3A_209 = arith.addi %scan3A_207, %scan3A_208 : i32
      %scan3A_210 = arith.constant 8 : i32
      scf.for %scan3A_219 = %scan3A_207 to %scan3A_209 step %scan3A_210  : i32 {
        %mul3A_220 = arith.constant 1 : i32
        %mul3A_221 = arith.muli %scan3A_219, %mul3A_220 : i32
        %add3A_222 = arith.constant 0 : i32
        %add3A_223 = arith.addi %add3A_222, %mul3A_221 : i32
        %get3A = arith.index_cast %add3A_223 : i32 to index
        %get3A_224 = arith.constant 0 : index
        %get3A_225 = tpu.vector_load %arg9[%get3A, %get3A_224] {strides = array<i32>} : memref<80x16xf32, #tpu.memory_space<vmem>>, vector<1x16xf32>,
        %get3A_226 = vector.shape_cast %get3A_225 : vector<1x16xf32> to vector<16xf32>
        %get3A_227 = arith.index_cast %add3A_223 : i32 to index
        %get3A_228 = arith.constant 0 : index
        %get3A_229 = tpu.vector_load %arg11[%get3A_227, %get3A_228] {strides = array<i32>} : memref<80x16xf32, #tpu.memory_space<vmem>>, vector<1x16xf32>,
        %get3A_230 = vector.shape_cast %get3A_229 : vector<1x16xf32> to vector<16xf32>
        %add3A_231 = arith.addf %get3A_226, %get3A_230 : vector<16xf32>
        %swap3A = arith.index_cast %add3A_223 : i32 to index
        %swap3A_232 = arith.constant 0 : index
        %swap3A_233 = tpu.vector_load %arg13[%swap3A, %swap3A_232] {strides = array<i32>} : memref<80x16xf32, #tpu.memory_space<vmem>>, vector<1x16xf32>,
        %swap3A_234 = vector.shape_cast %swap3A_233 : vector<1x16xf32> to vector<16xf32>
        %swap3A_235 = vector.shape_cast %add3A_231 : vector<16xf32> to vector<1x16xf32>
        tpu.vector_store %arg13[%swap3A, %swap3A_232], %swap3A_235 {strides = array<i32>} : memref<80x16xf32, #tpu.memory_space<vmem>>, vector<1x16xf32>,
        %scan3A_236 = arith.constant 1 : i32
        %scan3A_237 = arith.addi %scan3A_219, %scan3A_236 : i32
        %mul3A_238 = arith.constant 1 : i32
        %mul3A_239 = arith.muli %scan3A_237, %mul3A_238 : i32
        %add3A_240 = arith.constant 0 : i32
        %add3A_241 = arith.addi %add3A_240, %mul3A_239 : i32
        %get3A_242 = arith.index_cast %add3A_241 : i32 to index
        %get3A_243 = arith.constant 0 : index
        %get3A_244 = tpu.vector_load %arg9[%get3A_242, %get3A_243] {strides = array<i32>} : memref<80x16xf32, #tpu.memory_space<vmem>>, vector<1x16xf32>,
        %get3A_245 = vector.shape_cast %get3A_244 : vector<1x16xf32> to vector<16xf32>
        %get3A_246 = arith.index_cast %add3A_241 : i32 to index
        %get3A_247 = arith.constant 0 : index
        %get3A_248 = tpu.vector_load %arg11[%get3A_246, %get3A_247] {strides = array<i32>} : memref<80x16xf32, #tpu.memory_space<vmem>>, vector<1x16xf32>,
        %get3A_249 = vector.shape_cast %get3A_248 : vector<1x16xf32> to vector<16xf32>
        %add3A_250 = arith.addf %get3A_245, %get3A_249 : vector<16xf32>
        %swap3A_251 = arith.index_cast %add3A_241 : i32 to index
        %swap3A_252 = arith.constant 0 : index
        %swap3A_253 = tpu.vector_load %arg13[%swap3A_251, %swap3A_252] {strides = array<i32>} : memref<80x16xf32, #tpu.memory_space<vmem>>, vector<1x16xf32>,
        %swap3A_254 = vector.shape_cast %swap3A_253 : vector<1x16xf32> to vector<16xf32>
        %swap3A_255 = vector.shape_cast %add3A_250 : vector<16xf32> to vector<1x16xf32>
        tpu.vector_store %arg13[%swap3A_251, %swap3A_252], %swap3A_255 {strides = array<i32>} : memref<80x16xf32, #tpu.memory_space<vmem>>, vector<1x16xf32>,
        %scan3A_256 = arith.constant 2 : i32
        %scan3A_257 = arith.addi %scan3A_219, %scan3A_256 : i32
        %mul3A_258 = arith.constant 1 : i32
        %mul3A_259 = arith.muli %scan3A_257, %mul3A_258 : i32
        %add3A_260 = arith.constant 0 : i32
        %add3A_261 = arith.addi %add3A_260, %mul3A_259 : i32
        %get3A_262 = arith.index_cast %add3A_261 : i32 to index
        %get3A_263 = arith.constant 0 : index
        %get3A_264 = tpu.vector_load %arg9[%get3A_262, %get3A_263] {strides = array<i32>} : memref<80x16xf32, #tpu.memory_space<vmem>>, vector<1x16xf32>,
        %get3A_265 = vector.shape_cast %get3A_264 : vector<1x16xf32> to vector<16xf32>
        %get3A_266 = arith.index_cast %add3A_261 : i32 to index
        %get3A_267 = arith.constant 0 : index
        %get3A_268 = tpu.vector_load %arg11[%get3A_266, %get3A_267] {strides = array<i32>} : memref<80x16xf32, #tpu.memory_space<vmem>>, vector<1x16xf32>,
        %get3A_269 = vector.shape_cast %get3A_268 : vector<1x16xf32> to vector<16xf32>
        %add3A_270 = arith.addf %get3A_265, %get3A_269 : vector<16xf32>
        %swap3A_271 = arith.index_cast %add3A_261 : i32 to index
        %swap3A_272 = arith.constant 0 : index
        %swap3A_273 = tpu.vector_load %arg13[%swap3A_271, %swap3A_272] {strides = array<i32>} : memref<80x16xf32, #tpu.memory_space<vmem>>, vector<1x16xf32>,
        %swap3A_274 = vector.shape_cast %swap3A_273 : vector<1x16xf32> to vector<16xf32>
        %swap3A_275 = vector.shape_cast %add3A_270 : vector<16xf32> to vector<1x16xf32>
        tpu.vector_store %arg13[%swap3A_271, %swap3A_272], %swap3A_275 {strides = array<i32>} : memref<80x16xf32, #tpu.memory_space<vmem>>, vector<1x16xf32>,
        %scan3A_276 = arith.constant 3 : i32
        %scan3A_277 = arith.addi %scan3A_219, %scan3A_276 : i32
        %mul3A_278 = arith.constant 1 : i32
        %mul3A_279 = arith.muli %scan3A_277, %mul3A_278 : i32
        %add3A_280 = arith.constant 0 : i32
        %add3A_281 = arith.addi %add3A_280, %mul3A_279 : i32
        %get3A_282 = arith.index_cast %add3A_281 : i32 to index
        %get3A_283 = arith.constant 0 : index
        %get3A_284 = tpu.vector_load %arg9[%get3A_282, %get3A_283] {strides = array<i32>} : memref<80x16xf32, #tpu.memory_space<vmem>>, vector<1x16xf32>,
        %get3A_285 = vector.shape_cast %get3A_284 : vector<1x16xf32> to vector<16xf32>
        %get3A_286 = arith.index_cast %add3A_281 : i32 to index
        %get3A_287 = arith.constant 0 : index
        %get3A_288 = tpu.vector_load %arg11[%get3A_286, %get3A_287] {strides = array<i32>} : memref<80x16xf32, #tpu.memory_space<vmem>>, vector<1x16xf32>,
        %get3A_289 = vector.shape_cast %get3A_288 : vector<1x16xf32> to vector<16xf32>
        %add3A_290 = arith.addf %get3A_285, %get3A_289 : vector<16xf32>
        %swap3A_291 = arith.index_cast %add3A_281 : i32 to index
        %swap3A_292 = arith.constant 0 : index
        %swap3A_293 = tpu.vector_load %arg13[%swap3A_291, %swap3A_292] {strides = array<i32>} : memref<80x16xf32, #tpu.memory_space<vmem>>, vector<1x16xf32>,
        %swap3A_294 = vector.shape_cast %swap3A_293 : vector<1x16xf32> to vector<16xf32>
        %swap3A_295 = vector.shape_cast %add3A_290 : vector<16xf32> to vector<1x16xf32>
        tpu.vector_store %arg13[%swap3A_291, %swap3A_292], %swap3A_295 {strides = array<i32>} : memref<80x16xf32, #tpu.memory_space<vmem>>, vector<1x16xf32>,
        %scan3A_296 = arith.constant 4 : i32
        %scan3A_297 = arith.addi %scan3A_219, %scan3A_296 : i32
        %mul3A_298 = arith.constant 1 : i32
        %mul3A_299 = arith.muli %scan3A_297, %mul3A_298 : i32
        %add3A_300 = arith.constant 0 : i32
        %add3A_301 = arith.addi %add3A_300, %mul3A_299 : i32
        %get3A_302 = arith.index_cast %add3A_301 : i32 to index
        %get3A_303 = arith.constant 0 : index
        %get3A_304 = tpu.vector_load %arg9[%get3A_302, %get3A_303] {strides = array<i32>} : memref<80x16xf32, #tpu.memory_space<vmem>>, vector<1x16xf32>,
        %get3A_305 = vector.shape_cast %get3A_304 : vector<1x16xf32> to vector<16xf32>
        %get3A_306 = arith.index_cast %add3A_301 : i32 to index
        %get3A_307 = arith.constant 0 : index
        %get3A_308 = tpu.vector_load %arg11[%get3A_306, %get3A_307] {strides = array<i32>} : memref<80x16xf32, #tpu.memory_space<vmem>>, vector<1x16xf32>,
        %get3A_309 = vector.shape_cast %get3A_308 : vector<1x16xf32> to vector<16xf32>
        %add3A_310 = arith.addf %get3A_305, %get3A_309 : vector<16xf32>
        %swap3A_311 = arith.index_cast %add3A_301 : i32 to index
        %swap3A_312 = arith.constant 0 : index
        %swap3A_313 = tpu.vector_load %arg13[%swap3A_311, %swap3A_312] {strides = array<i32>} : memref<80x16xf32, #tpu.memory_space<vmem>>, vector<1x16xf32>,
        %swap3A_314 = vector.shape_cast %swap3A_313 : vector<1x16xf32> to vector<16xf32>
        %swap3A_315 = vector.shape_cast %add3A_310 : vector<16xf32> to vector<1x16xf32>
        tpu.vector_store %arg13[%swap3A_311, %swap3A_312], %swap3A_315 {strides = array<i32>} : memref<80x16xf32, #tpu.memory_space<vmem>>, vector<1x16xf32>,
        %scan3A_316 = arith.constant 5 : i32
        %scan3A_317 = arith.addi %scan3A_219, %scan3A_316 : i32
        %mul3A_318 = arith.constant 1 : i32
        %mul3A_319 = arith.muli %scan3A_317, %mul3A_318 : i32
        %add3A_320 = arith.constant 0 : i32
        %add3A_321 = arith.addi %add3A_320, %mul3A_319 : i32
        %get3A_322 = arith.index_cast %add3A_321 : i32 to index
        %get3A_323 = arith.constant 0 : index
        %get3A_324 = tpu.vector_load %arg9[%get3A_322, %get3A_323] {strides = array<i32>} : memref<80x16xf32, #tpu.memory_space<vmem>>, vector<1x16xf32>,
        %get3A_325 = vector.shape_cast %get3A_324 : vector<1x16xf32> to vector<16xf32>
        %get3A_326 = arith.index_cast %add3A_321 : i32 to index
        %get3A_327 = arith.constant 0 : index
        %get3A_328 = tpu.vector_load %arg11[%get3A_326, %get3A_327] {strides = array<i32>} : memref<80x16xf32, #tpu.memory_space<vmem>>, vector<1x16xf32>,
        %get3A_329 = vector.shape_cast %get3A_328 : vector<1x16xf32> to vector<16xf32>
        %add3A_330 = arith.addf %get3A_325, %get3A_329 : vector<16xf32>
        %swap3A_331 = arith.index_cast %add3A_321 : i32 to index
        %swap3A_332 = arith.constant 0 : index
        %swap3A_333 = tpu.vector_load %arg13[%swap3A_331, %swap3A_332] {strides = array<i32>} : memref<80x16xf32, #tpu.memory_space<vmem>>, vector<1x16xf32>,
        %swap3A_334 = vector.shape_cast %swap3A_333 : vector<1x16xf32> to vector<16xf32>
        %swap3A_335 = vector.shape_cast %add3A_330 : vector<16xf32> to vector<1x16xf32>
        tpu.vector_store %arg13[%swap3A_331, %swap3A_332], %swap3A_335 {strides = array<i32>} : memref<80x16xf32, #tpu.memory_space<vmem>>, vector<1x16xf32>,
        %scan3A_336 = arith.constant 6 : i32
        %scan3A_337 = arith.addi %scan3A_219, %scan3A_336 : i32
        %mul3A_338 = arith.constant 1 : i32
        %mul3A_339 = arith.muli %scan3A_337, %mul3A_338 : i32
        %add3A_340 = arith.constant 0 : i32
        %add3A_341 = arith.addi %add3A_340, %mul3A_339 : i32
        %get3A_342 = arith.index_cast %add3A_341 : i32 to index
        %get3A_343 = arith.constant 0 : index
        %get3A_344 = tpu.vector_load %arg9[%get3A_342, %get3A_343] {strides = array<i32>} : memref<80x16xf32, #tpu.memory_space<vmem>>, vector<1x16xf32>,
        %get3A_345 = vector.shape_cast %get3A_344 : vector<1x16xf32> to vector<16xf32>
        %get3A_346 = arith.index_cast %add3A_341 : i32 to index
        %get3A_347 = arith.constant 0 : index
        %get3A_348 = tpu.vector_load %arg11[%get3A_346, %get3A_347] {strides = array<i32>} : memref<80x16xf32, #tpu.memory_space<vmem>>, vector<1x16xf32>,
        %get3A_349 = vector.shape_cast %get3A_348 : vector<1x16xf32> to vector<16xf32>
        %add3A_350 = arith.addf %get3A_345, %get3A_349 : vector<16xf32>
        %swap3A_351 = arith.index_cast %add3A_341 : i32 to index
        %swap3A_352 = arith.constant 0 : index
        %swap3A_353 = tpu.vector_load %arg13[%swap3A_351, %swap3A_352] {strides = array<i32>} : memref<80x16xf32, #tpu.memory_space<vmem>>, vector<1x16xf32>,
        %swap3A_354 = vector.shape_cast %swap3A_353 : vector<1x16xf32> to vector<16xf32>
        %swap3A_355 = vector.shape_cast %add3A_350 : vector<16xf32> to vector<1x16xf32>
        tpu.vector_store %arg13[%swap3A_351, %swap3A_352], %swap3A_355 {strides = array<i32>} : memref<80x16xf32, #tpu.memory_space<vmem>>, vector<1x16xf32>,
        %scan3A_356 = arith.constant 7 : i32
        %scan3A_357 = arith.addi %scan3A_219, %scan3A_356 : i32
        %mul3A_358 = arith.constant 1 : i32
        %mul3A_359 = arith.muli %scan3A_357, %mul3A_358 : i32
        %add3A_360 = arith.constant 0 : i32
        %add3A_361 = arith.addi %add3A_360, %mul3A_359 : i32
        %get3A_362 = arith.index_cast %add3A_361 : i32 to index
        %get3A_363 = arith.constant 0 : index
        %get3A_364 = tpu.vector_load %arg9[%get3A_362, %get3A_363] {strides = array<i32>} : memref<80x16xf32, #tpu.memory_space<vmem>>, vector<1x16xf32>,
        %get3A_365 = vector.shape_cast %get3A_364 : vector<1x16xf32> to vector<16xf32>
        %get3A_366 = arith.index_cast %add3A_361 : i32 to index
        %get3A_367 = arith.constant 0 : index
        %get3A_368 = tpu.vector_load %arg11[%get3A_366, %get3A_367] {strides = array<i32>} : memref<80x16xf32, #tpu.memory_space<vmem>>, vector<1x16xf32>,
        %get3A_369 = vector.shape_cast %get3A_368 : vector<1x16xf32> to vector<16xf32>
        %add3A_370 = arith.addf %get3A_365, %get3A_369 : vector<16xf32>
        %swap3A_371 = arith.index_cast %add3A_361 : i32 to index
        %swap3A_372 = arith.constant 0 : index
        %swap3A_373 = tpu.vector_load %arg13[%swap3A_371, %swap3A_372] {strides = array<i32>} : memref<80x16xf32, #tpu.memory_space<vmem>>, vector<1x16xf32>,
        %swap3A_374 = vector.shape_cast %swap3A_373 : vector<1x16xf32> to vector<16xf32>
        %swap3A_375 = vector.shape_cast %add3A_370 : vector<16xf32> to vector<1x16xf32>
        tpu.vector_store %arg13[%swap3A_371, %swap3A_372], %swap3A_375 {strides = array<i32>} : memref<80x16xf32, #tpu.memory_space<vmem>>, vector<1x16xf32>,
      }
      %scan3A_211 = arith.constant 80 : i32
      %mul3A_212 = arith.constant 80 : i32
      %mul3A_213 = arith.muli %add3A_185, %mul3A_212 : i32
      %add3A_214 = arith.addi %mul3A_2, %mul3A_213 : i32
      %dma_start3A_215 = arith.constant 0 : i32
      %dma_start3A_216 = tpu.memref_slice %arg5[%add3A_214, %dma_start3A_215] : memref<320000x16xf32, #tpu.memory_space<hbm>> -> memref<80x16xf32, #tpu.memory_space<hbm>>
      %dma_start3A_217 = arith.constant 0 : i32
      %dma_start3A_218 = tpu.memref_slice %arg5[%add3A_214, %dma_start3A_217] : memref<320000x16xf32, #tpu.memory_space<hbm>> -> memref<80x16xf32, #tpu.memory_space<hbm>>
      tpu.enqueue_dma source(%arg13 : memref<80x16xf32, #tpu.memory_space<vmem>>) target(%dma_start3A_218 : memref<80x16xf32, #tpu.memory_space<hbm>>) target_semaphore(%arg19 : memref<!tpu.dma_semaphore, #tpu.memory_space<semaphore_mem>>)
    }
    %scan3A_77 = arith.constant 61 : i32
    %dma_wait3A_78 = arith.constant 9920 : i32
    %dma_wait3A_79 = tpu.memref_slice %arg6[%dma_wait3A_78] : memref<10000xi32, #tpu.memory_space<vmem>> -> memref<80xi32, #tpu.memory_space<vmem>>
    %dma_wait3A_80 = arith.constant 0 : i32
    %dma_wait3A_81 = arith.constant 0 : i32
    %dma_wait3A_82 = tpu.memref_slice %arg3[%dma_wait3A_80, %dma_wait3A_81] : memref<10000x16xf32, #tpu.memory_space<hbm>> -> memref<10000x16xf32, #tpu.memory_space<hbm>>
    tpu.wait_indirect_dma semaphore(%arg14 : memref<!tpu.dma_semaphore, #tpu.memory_space<semaphore_mem>>) src(%dma_wait3A_82 : memref<10000x16xf32, #tpu.memory_space<hbm>>) dst(%arg8 : memref<80x16xf32, #tpu.memory_space<vmem>>)
    %dma_wait3A_83 = arith.constant 9920 : i32
    %dma_wait3A_84 = tpu.memref_slice %arg7[%dma_wait3A_83] : memref<10000xi32, #tpu.memory_space<vmem>> -> memref<80xi32, #tpu.memory_space<vmem>>
    %dma_wait3A_85 = arith.constant 0 : i32
    %dma_wait3A_86 = arith.constant 0 : i32
    %dma_wait3A_87 = tpu.memref_slice %arg4[%dma_wait3A_85, %dma_wait3A_86] : memref<10000x16xf32, #tpu.memory_space<hbm>> -> memref<10000x16xf32, #tpu.memory_space<hbm>>
    tpu.wait_indirect_dma semaphore(%arg16 : memref<!tpu.dma_semaphore, #tpu.memory_space<semaphore_mem>>) src(%dma_wait3A_87 : memref<10000x16xf32, #tpu.memory_space<hbm>>) dst(%arg10 : memref<80x16xf32, #tpu.memory_space<vmem>>)
    %add3A_88 = arith.constant 9760 : i32
    %add3A_89 = arith.addi %mul3A_2, %add3A_88 : i32
    %dma_wait3A_90 = arith.constant 0 : i32
    %dma_wait3A_91 = tpu.memref_slice %arg5[%add3A_89, %dma_wait3A_90] : memref<320000x16xf32, #tpu.memory_space<hbm>> -> memref<80x16xf32, #tpu.memory_space<hbm>>
    %dma_wait3A_92 = arith.constant 0 : i32
    %dma_wait3A_93 = tpu.memref_slice %arg5[%add3A_89, %dma_wait3A_92] : memref<320000x16xf32, #tpu.memory_space<hbm>> -> memref<80x16xf32, #tpu.memory_space<hbm>>
    tpu.wait_dma2 semaphore(%arg18 : memref<!tpu.dma_semaphore, #tpu.memory_space<semaphore_mem>>) src(%arg12 : memref<80x16xf32, #tpu.memory_space<vmem>>) dst(%dma_wait3A_93 : memref<80x16xf32, #tpu.memory_space<hbm>>)
    %scan3A_94 = arith.constant 0 : i32
    %scan3A_95 = arith.constant 80 : i32
    %scan3A_96 = arith.addi %scan3A_94, %scan3A_95 : i32
    %scan3A_97 = arith.constant 8 : i32
    scf.for %scan3A_117 = %scan3A_94 to %scan3A_96 step %scan3A_97  : i32 {
      %mul3A_118 = arith.constant 1 : i32
      %mul3A_119 = arith.muli %scan3A_117, %mul3A_118 : i32
      %add3A_120 = arith.constant 0 : i32
      %add3A_121 = arith.addi %add3A_120, %mul3A_119 : i32
      %get3A = arith.index_cast %add3A_121 : i32 to index
      %get3A_122 = arith.constant 0 : index
      %get3A_123 = tpu.vector_load %arg8[%get3A, %get3A_122] {strides = array<i32>} : memref<80x16xf32, #tpu.memory_space<vmem>>, vector<1x16xf32>,
      %get3A_124 = vector.shape_cast %get3A_123 : vector<1x16xf32> to vector<16xf32>
      %get3A_125 = arith.index_cast %add3A_121 : i32 to index
      %get3A_126 = arith.constant 0 : index
      %get3A_127 = tpu.vector_load %arg10[%get3A_125, %get3A_126] {strides = array<i32>} : memref<80x16xf32, #tpu.memory_space<vmem>>, vector<1x16xf32>,
      %get3A_128 = vector.shape_cast %get3A_127 : vector<1x16xf32> to vector<16xf32>
      %add3A_129 = arith.addf %get3A_124, %get3A_128 : vector<16xf32>
      %swap3A = arith.index_cast %add3A_121 : i32 to index
      %swap3A_130 = arith.constant 0 : index
      %swap3A_131 = tpu.vector_load %arg12[%swap3A, %swap3A_130] {strides = array<i32>} : memref<80x16xf32, #tpu.memory_space<vmem>>, vector<1x16xf32>,
      %swap3A_132 = vector.shape_cast %swap3A_131 : vector<1x16xf32> to vector<16xf32>
      %swap3A_133 = vector.shape_cast %add3A_129 : vector<16xf32> to vector<1x16xf32>
      tpu.vector_store %arg12[%swap3A, %swap3A_130], %swap3A_133 {strides = array<i32>} : memref<80x16xf32, #tpu.memory_space<vmem>>, vector<1x16xf32>,
      %scan3A_134 = arith.constant 1 : i32
      %scan3A_135 = arith.addi %scan3A_117, %scan3A_134 : i32
      %mul3A_136 = arith.constant 1 : i32
      %mul3A_137 = arith.muli %scan3A_135, %mul3A_136 : i32
      %add3A_138 = arith.constant 0 : i32
      %add3A_139 = arith.addi %add3A_138, %mul3A_137 : i32
      %get3A_140 = arith.index_cast %add3A_139 : i32 to index
      %get3A_141 = arith.constant 0 : index
      %get3A_142 = tpu.vector_load %arg8[%get3A_140, %get3A_141] {strides = array<i32>} : memref<80x16xf32, #tpu.memory_space<vmem>>, vector<1x16xf32>,
      %get3A_143 = vector.shape_cast %get3A_142 : vector<1x16xf32> to vector<16xf32>
      %get3A_144 = arith.index_cast %add3A_139 : i32 to index
      %get3A_145 = arith.constant 0 : index
      %get3A_146 = tpu.vector_load %arg10[%get3A_144, %get3A_145] {strides = array<i32>} : memref<80x16xf32, #tpu.memory_space<vmem>>, vector<1x16xf32>,
      %get3A_147 = vector.shape_cast %get3A_146 : vector<1x16xf32> to vector<16xf32>
      %add3A_148 = arith.addf %get3A_143, %get3A_147 : vector<16xf32>
      %swap3A_149 = arith.index_cast %add3A_139 : i32 to index
      %swap3A_150 = arith.constant 0 : index
      %swap3A_151 = tpu.vector_load %arg12[%swap3A_149, %swap3A_150] {strides = array<i32>} : memref<80x16xf32, #tpu.memory_space<vmem>>, vector<1x16xf32>,
      %swap3A_152 = vector.shape_cast %swap3A_151 : vector<1x16xf32> to vector<16xf32>
      %swap3A_153 = vector.shape_cast %add3A_148 : vector<16xf32> to vector<1x16xf32>
      tpu.vector_store %arg12[%swap3A_149, %swap3A_150], %swap3A_153 {strides = array<i32>} : memref<80x16xf32, #tpu.memory_space<vmem>>, vector<1x16xf32>,
      %scan3A_154 = arith.constant 2 : i32
      %scan3A_155 = arith.addi %scan3A_117, %scan3A_154 : i32
      %mul3A_156 = arith.constant 1 : i32
      %mul3A_157 = arith.muli %scan3A_155, %mul3A_156 : i32
      %add3A_158 = arith.constant 0 : i32
      %add3A_159 = arith.addi %add3A_158, %mul3A_157 : i32
      %get3A_160 = arith.index_cast %add3A_159 : i32 to index
      %get3A_161 = arith.constant 0 : index
      %get3A_162 = tpu.vector_load %arg8[%get3A_160, %get3A_161] {strides = array<i32>} : memref<80x16xf32, #tpu.memory_space<vmem>>, vector<1x16xf32>,
      %get3A_163 = vector.shape_cast %get3A_162 : vector<1x16xf32> to vector<16xf32>
      %get3A_164 = arith.index_cast %add3A_159 : i32 to index
      %get3A_165 = arith.constant 0 : index
      %get3A_166 = tpu.vector_load %arg10[%get3A_164, %get3A_165] {strides = array<i32>} : memref<80x16xf32, #tpu.memory_space<vmem>>, vector<1x16xf32>,
      %get3A_167 = vector.shape_cast %get3A_166 : vector<1x16xf32> to vector<16xf32>
      %add3A_168 = arith.addf %get3A_163, %get3A_167 : vector<16xf32>
      %swap3A_169 = arith.index_cast %add3A_159 : i32 to index
      %swap3A_170 = arith.constant 0 : index
      %swap3A_171 = tpu.vector_load %arg12[%swap3A_169, %swap3A_170] {strides = array<i32>} : memref<80x16xf32, #tpu.memory_space<vmem>>, vector<1x16xf32>,
      %swap3A_172 = vector.shape_cast %swap3A_171 : vector<1x16xf32> to vector<16xf32>
      %swap3A_173 = vector.shape_cast %add3A_168 : vector<16xf32> to vector<1x16xf32>
      tpu.vector_store %arg12[%swap3A_169, %swap3A_170], %swap3A_173 {strides = array<i32>} : memref<80x16xf32, #tpu.memory_space<vmem>>, vector<1x16xf32>,
      %scan3A_174 = arith.constant 3 : i32
      %scan3A_175 = arith.addi %scan3A_117, %scan3A_174 : i32
      %mul3A_176 = arith.constant 1 : i32
      %mul3A_177 = arith.muli %scan3A_175, %mul3A_176 : i32
      %add3A_178 = arith.constant 0 : i32
      %add3A_179 = arith.addi %add3A_178, %mul3A_177 : i32
      %get3A_180 = arith.index_cast %add3A_179 : i32 to index
      %get3A_181 = arith.constant 0 : index
      %get3A_182 = tpu.vector_load %arg8[%get3A_180, %get3A_181] {strides = array<i32>} : memref<80x16xf32, #tpu.memory_space<vmem>>, vector<1x16xf32>,
      %get3A_183 = vector.shape_cast %get3A_182 : vector<1x16xf32> to vector<16xf32>
      %get3A_184 = arith.index_cast %add3A_179 : i32 to index
      %get3A_185 = arith.constant 0 : index
      %get3A_186 = tpu.vector_load %arg10[%get3A_184, %get3A_185] {strides = array<i32>} : memref<80x16xf32, #tpu.memory_space<vmem>>, vector<1x16xf32>,
      %get3A_187 = vector.shape_cast %get3A_186 : vector<1x16xf32> to vector<16xf32>
      %add3A_188 = arith.addf %get3A_183, %get3A_187 : vector<16xf32>
      %swap3A_189 = arith.index_cast %add3A_179 : i32 to index
      %swap3A_190 = arith.constant 0 : index
      %swap3A_191 = tpu.vector_load %arg12[%swap3A_189, %swap3A_190] {strides = array<i32>} : memref<80x16xf32, #tpu.memory_space<vmem>>, vector<1x16xf32>,
      %swap3A_192 = vector.shape_cast %swap3A_191 : vector<1x16xf32> to vector<16xf32>
      %swap3A_193 = vector.shape_cast %add3A_188 : vector<16xf32> to vector<1x16xf32>
      tpu.vector_store %arg12[%swap3A_189, %swap3A_190], %swap3A_193 {strides = array<i32>} : memref<80x16xf32, #tpu.memory_space<vmem>>, vector<1x16xf32>,
      %scan3A_194 = arith.constant 4 : i32
      %scan3A_195 = arith.addi %scan3A_117, %scan3A_194 : i32
      %mul3A_196 = arith.constant 1 : i32
      %mul3A_197 = arith.muli %scan3A_195, %mul3A_196 : i32
      %add3A_198 = arith.constant 0 : i32
      %add3A_199 = arith.addi %add3A_198, %mul3A_197 : i32
      %get3A_200 = arith.index_cast %add3A_199 : i32 to index
      %get3A_201 = arith.constant 0 : index
      %get3A_202 = tpu.vector_load %arg8[%get3A_200, %get3A_201] {strides = array<i32>} : memref<80x16xf32, #tpu.memory_space<vmem>>, vector<1x16xf32>,
      %get3A_203 = vector.shape_cast %get3A_202 : vector<1x16xf32> to vector<16xf32>
      %get3A_204 = arith.index_cast %add3A_199 : i32 to index
      %get3A_205 = arith.constant 0 : index
      %get3A_206 = tpu.vector_load %arg10[%get3A_204, %get3A_205] {strides = array<i32>} : memref<80x16xf32, #tpu.memory_space<vmem>>, vector<1x16xf32>,
      %get3A_207 = vector.shape_cast %get3A_206 : vector<1x16xf32> to vector<16xf32>
      %add3A_208 = arith.addf %get3A_203, %get3A_207 : vector<16xf32>
      %swap3A_209 = arith.index_cast %add3A_199 : i32 to index
      %swap3A_210 = arith.constant 0 : index
      %swap3A_211 = tpu.vector_load %arg12[%swap3A_209, %swap3A_210] {strides = array<i32>} : memref<80x16xf32, #tpu.memory_space<vmem>>, vector<1x16xf32>,
      %swap3A_212 = vector.shape_cast %swap3A_211 : vector<1x16xf32> to vector<16xf32>
      %swap3A_213 = vector.shape_cast %add3A_208 : vector<16xf32> to vector<1x16xf32>
      tpu.vector_store %arg12[%swap3A_209, %swap3A_210], %swap3A_213 {strides = array<i32>} : memref<80x16xf32, #tpu.memory_space<vmem>>, vector<1x16xf32>,
      %scan3A_214 = arith.constant 5 : i32
      %scan3A_215 = arith.addi %scan3A_117, %scan3A_214 : i32
      %mul3A_216 = arith.constant 1 : i32
      %mul3A_217 = arith.muli %scan3A_215, %mul3A_216 : i32
      %add3A_218 = arith.constant 0 : i32
      %add3A_219 = arith.addi %add3A_218, %mul3A_217 : i32
      %get3A_220 = arith.index_cast %add3A_219 : i32 to index
      %get3A_221 = arith.constant 0 : index
      %get3A_222 = tpu.vector_load %arg8[%get3A_220, %get3A_221] {strides = array<i32>} : memref<80x16xf32, #tpu.memory_space<vmem>>, vector<1x16xf32>,
      %get3A_223 = vector.shape_cast %get3A_222 : vector<1x16xf32> to vector<16xf32>
      %get3A_224 = arith.index_cast %add3A_219 : i32 to index
      %get3A_225 = arith.constant 0 : index
      %get3A_226 = tpu.vector_load %arg10[%get3A_224, %get3A_225] {strides = array<i32>} : memref<80x16xf32, #tpu.memory_space<vmem>>, vector<1x16xf32>,
      %get3A_227 = vector.shape_cast %get3A_226 : vector<1x16xf32> to vector<16xf32>
      %add3A_228 = arith.addf %get3A_223, %get3A_227 : vector<16xf32>
      %swap3A_229 = arith.index_cast %add3A_219 : i32 to index
      %swap3A_230 = arith.constant 0 : index
      %swap3A_231 = tpu.vector_load %arg12[%swap3A_229, %swap3A_230] {strides = array<i32>} : memref<80x16xf32, #tpu.memory_space<vmem>>, vector<1x16xf32>,
      %swap3A_232 = vector.shape_cast %swap3A_231 : vector<1x16xf32> to vector<16xf32>
      %swap3A_233 = vector.shape_cast %add3A_228 : vector<16xf32> to vector<1x16xf32>
      tpu.vector_store %arg12[%swap3A_229, %swap3A_230], %swap3A_233 {strides = array<i32>} : memref<80x16xf32, #tpu.memory_space<vmem>>, vector<1x16xf32>,
      %scan3A_234 = arith.constant 6 : i32
      %scan3A_235 = arith.addi %scan3A_117, %scan3A_234 : i32
      %mul3A_236 = arith.constant 1 : i32
      %mul3A_237 = arith.muli %scan3A_235, %mul3A_236 : i32
      %add3A_238 = arith.constant 0 : i32
      %add3A_239 = arith.addi %add3A_238, %mul3A_237 : i32
      %get3A_240 = arith.index_cast %add3A_239 : i32 to index
      %get3A_241 = arith.constant 0 : index
      %get3A_242 = tpu.vector_load %arg8[%get3A_240, %get3A_241] {strides = array<i32>} : memref<80x16xf32, #tpu.memory_space<vmem>>, vector<1x16xf32>,
      %get3A_243 = vector.shape_cast %get3A_242 : vector<1x16xf32> to vector<16xf32>
      %get3A_244 = arith.index_cast %add3A_239 : i32 to index
      %get3A_245 = arith.constant 0 : index
      %get3A_246 = tpu.vector_load %arg10[%get3A_244, %get3A_245] {strides = array<i32>} : memref<80x16xf32, #tpu.memory_space<vmem>>, vector<1x16xf32>,
      %get3A_247 = vector.shape_cast %get3A_246 : vector<1x16xf32> to vector<16xf32>
      %add3A_248 = arith.addf %get3A_243, %get3A_247 : vector<16xf32>
      %swap3A_249 = arith.index_cast %add3A_239 : i32 to index
      %swap3A_250 = arith.constant 0 : index
      %swap3A_251 = tpu.vector_load %arg12[%swap3A_249, %swap3A_250] {strides = array<i32>} : memref<80x16xf32, #tpu.memory_space<vmem>>, vector<1x16xf32>,
      %swap3A_252 = vector.shape_cast %swap3A_251 : vector<1x16xf32> to vector<16xf32>
      %swap3A_253 = vector.shape_cast %add3A_248 : vector<16xf32> to vector<1x16xf32>
      tpu.vector_store %arg12[%swap3A_249, %swap3A_250], %swap3A_253 {strides = array<i32>} : memref<80x16xf32, #tpu.memory_space<vmem>>, vector<1x16xf32>,
      %scan3A_254 = arith.constant 7 : i32
      %scan3A_255 = arith.addi %scan3A_117, %scan3A_254 : i32
      %mul3A_256 = arith.constant 1 : i32
      %mul3A_257 = arith.muli %scan3A_255, %mul3A_256 : i32
      %add3A_258 = arith.constant 0 : i32
      %add3A_259 = arith.addi %add3A_258, %mul3A_257 : i32
      %get3A_260 = arith.index_cast %add3A_259 : i32 to index
      %get3A_261 = arith.constant 0 : index
      %get3A_262 = tpu.vector_load %arg8[%get3A_260, %get3A_261] {strides = array<i32>} : memref<80x16xf32, #tpu.memory_space<vmem>>, vector<1x16xf32>,
      %get3A_263 = vector.shape_cast %get3A_262 : vector<1x16xf32> to vector<16xf32>
      %get3A_264 = arith.index_cast %add3A_259 : i32 to index
      %get3A_265 = arith.constant 0 : index
      %get3A_266 = tpu.vector_load %arg10[%get3A_264, %get3A_265] {strides = array<i32>} : memref<80x16xf32, #tpu.memory_space<vmem>>, vector<1x16xf32>,
      %get3A_267 = vector.shape_cast %get3A_266 : vector<1x16xf32> to vector<16xf32>
      %add3A_268 = arith.addf %get3A_263, %get3A_267 : vector<16xf32>
      %swap3A_269 = arith.index_cast %add3A_259 : i32 to index
      %swap3A_270 = arith.constant 0 : index
      %swap3A_271 = tpu.vector_load %arg12[%swap3A_269, %swap3A_270] {strides = array<i32>} : memref<80x16xf32, #tpu.memory_space<vmem>>, vector<1x16xf32>,
      %swap3A_272 = vector.shape_cast %swap3A_271 : vector<1x16xf32> to vector<16xf32>
      %swap3A_273 = vector.shape_cast %add3A_268 : vector<16xf32> to vector<1x16xf32>
      tpu.vector_store %arg12[%swap3A_269, %swap3A_270], %swap3A_273 {strides = array<i32>} : memref<80x16xf32, #tpu.memory_space<vmem>>, vector<1x16xf32>,
    }
    %scan3A_98 = arith.constant 80 : i32
    %add3A_99 = arith.constant 9920 : i32
    %add3A_100 = arith.addi %mul3A_2, %add3A_99 : i32
    %dma_start3A_101 = arith.constant 0 : i32
    %dma_start3A_102 = tpu.memref_slice %arg5[%add3A_100, %dma_start3A_101] : memref<320000x16xf32, #tpu.memory_space<hbm>> -> memref<80x16xf32, #tpu.memory_space<hbm>>
    %dma_start3A_103 = arith.constant 0 : i32
    %dma_start3A_104 = tpu.memref_slice %arg5[%add3A_100, %dma_start3A_103] : memref<320000x16xf32, #tpu.memory_space<hbm>> -> memref<80x16xf32, #tpu.memory_space<hbm>>
    tpu.enqueue_dma source(%arg12 : memref<80x16xf32, #tpu.memory_space<vmem>>) target(%dma_start3A_104 : memref<80x16xf32, #tpu.memory_space<hbm>>) target_semaphore(%arg18 : memref<!tpu.dma_semaphore, #tpu.memory_space<semaphore_mem>>)
    %add3A_105 = arith.constant 9840 : i32
    %add3A_106 = arith.addi %mul3A_2, %add3A_105 : i32
    %dma_wait3A_107 = arith.constant 0 : i32
    %dma_wait3A_108 = tpu.memref_slice %arg5[%add3A_106, %dma_wait3A_107] : memref<320000x16xf32, #tpu.memory_space<hbm>> -> memref<80x16xf32, #tpu.memory_space<hbm>>
    %dma_wait3A_109 = arith.constant 0 : i32
    %dma_wait3A_110 = tpu.memref_slice %arg5[%add3A_106, %dma_wait3A_109] : memref<320000x16xf32, #tpu.memory_space<hbm>> -> memref<80x16xf32, #tpu.memory_space<hbm>>
    tpu.wait_dma2 semaphore(%arg19 : memref<!tpu.dma_semaphore, #tpu.memory_space<semaphore_mem>>) src(%arg13 : memref<80x16xf32, #tpu.memory_space<vmem>>) dst(%dma_wait3A_110 : memref<80x16xf32, #tpu.memory_space<hbm>>)
    %add3A_111 = arith.constant 9920 : i32
    %add3A_112 = arith.addi %mul3A_2, %add3A_111 : i32
    %dma_wait3A_113 = arith.constant 0 : i32
    %dma_wait3A_114 = tpu.memref_slice %arg5[%add3A_112, %dma_wait3A_113] : memref<320000x16xf32, #tpu.memory_space<hbm>> -> memref<80x16xf32, #tpu.memory_space<hbm>>
    %dma_wait3A_115 = arith.constant 0 : i32
    %dma_wait3A_116 = tpu.memref_slice %arg5[%add3A_112, %dma_wait3A_115] : memref<320000x16xf32, #tpu.memory_space<hbm>> -> memref<80x16xf32, #tpu.memory_space<hbm>>
    tpu.wait_dma2 semaphore(%arg18 : memref<!tpu.dma_semaphore, #tpu.memory_space<semaphore_mem>>) src(%arg12 : memref<80x16xf32, #tpu.memory_space<vmem>>) dst(%dma_wait3A_116 : memref<80x16xf32, #tpu.memory_space<hbm>>)
    return
  }
}

module attributes {stable_mosaic.version = 14 : i64} {
  func.func @_tc1_body(%arg0: i32, %arg1: memref<1000x64xf32, #tpu.memory_space<vmem>>, %arg2: memref<1000x64xf32, #tpu.memory_space<vmem>>, %arg3: memref<2x1000x64xf32, #tpu.memory_space<vmem>>, %arg4: memref<2x1000x16xf32, #tpu.memory_space<vmem>>, %arg5: memref<2x1000x16xf32, #tpu.memory_space<vmem>>, %arg6: memref<128x152xf32, #tpu.memory_space<vmem>>, %arg7: memref<16x152xf32, #tpu.memory_space<vmem>>, %arg8: memref<152xf32, #tpu.memory_space<vmem>>, %arg9: memref<128x152xf32, #tpu.memory_space<vmem>>, %arg10: memref<152x152xf32, #tpu.memory_space<vmem>>, %arg11: memref<152xf32, #tpu.memory_space<vmem>>, %arg12: memref<1000x80xf32, #tpu.memory_space<vmem>>, %arg13: memref<1000x80xf32, #tpu.memory_space<vmem>>, %arg14: memref<1000x32xf32, #tpu.memory_space<vmem>>) attributes {dimension_semantics = [#tpu.dimension_semantics<arbitrary>], iteration_bounds = array<i64: 10>, scalar_prefetch = 0 : i64, scratch_operands = 0 : i64, tpu.core_type = #tpu.core_type<tc>, window_params = [{transform_indices = @transform_0, window_bounds = array<i64: 1000, 64>}, {transform_indices = @transform_1, window_bounds = array<i64: 1000, 64>}, {transform_indices = @transform_2, window_bounds = array<i64: 2, 1000, 64>}, {transform_indices = @transform_3, window_bounds = array<i64: 2, 1000, 16>}, {transform_indices = @transform_4, window_bounds = array<i64: 2, 1000, 16>}, {pipeline_mode = #tpu.pipeline_mode<synchronous>, transform_indices = @transform_5, window_bounds = array<i64: 128, 152>}, {pipeline_mode = #tpu.pipeline_mode<synchronous>, transform_indices = @transform_6, window_bounds = array<i64: 16, 152>}, {pipeline_mode = #tpu.pipeline_mode<synchronous>, transform_indices = @transform_7, window_bounds = array<i64: 152>}, {pipeline_mode = #tpu.pipeline_mode<synchronous>, transform_indices = @transform_8, window_bounds = array<i64: 128, 152>}, {pipeline_mode = #tpu.pipeline_mode<synchronous>, transform_indices = @transform_9, window_bounds = array<i64: 152, 152>}, {pipeline_mode = #tpu.pipeline_mode<synchronous>, transform_indices = @transform_10, window_bounds = array<i64: 152>}, {transform_indices = @transform_11, window_bounds = array<i64: 1000, 80>}, {transform_indices = @transform_12, window_bounds = array<i64: 1000, 80>}, {transform_indices = @transform_13, window_bounds = array<i64: 1000, 32>}]} {
    %get3A = arith.constant 0 : index
    %get3A_0 = arith.constant 0 : index
    %get3A_1 = arith.constant 0 : index
    %get3A_2 = vector.load %arg3[%get3A, %get3A_0, %get3A_1] : memref<2x1000x64xf32, #tpu.memory_space<vmem>>, vector<1x1000x64xf32>
    %get3A_3 = vector.shape_cast %get3A_2 : vector<1x1000x64xf32> to vector<1000x64xf32>
    %get3A_4 = arith.constant 1 : index
    %get3A_5 = arith.constant 0 : index
    %get3A_6 = arith.constant 0 : index
    %get3A_7 = vector.load %arg3[%get3A_4, %get3A_5, %get3A_6] : memref<2x1000x64xf32, #tpu.memory_space<vmem>>, vector<1x1000x64xf32>
    %get3A_8 = vector.shape_cast %get3A_7 : vector<1x1000x64xf32> to vector<1000x64xf32>
    %concatenate3A = tpu.concatenate %get3A_3, %get3A_8 in 1 : vector<1000x64xf32>, vector<1000x64xf32> -> vector<1000x128xf32>
    %get3A_9 = arith.constant 0 : index
    %get3A_10 = arith.constant 0 : index
    %get3A_11 = arith.constant 0 : index
    %get3A_12 = vector.load %arg4[%get3A_9, %get3A_10, %get3A_11] : memref<2x1000x16xf32, #tpu.memory_space<vmem>>, vector<1x1000x16xf32>
    %get3A_13 = vector.shape_cast %get3A_12 : vector<1x1000x16xf32> to vector<1000x16xf32>
    %get3A_14 = arith.constant 1 : index
    %get3A_15 = arith.constant 0 : index
    %get3A_16 = arith.constant 0 : index
    %get3A_17 = vector.load %arg4[%get3A_14, %get3A_15, %get3A_16] : memref<2x1000x16xf32, #tpu.memory_space<vmem>>, vector<1x1000x16xf32>
    %get3A_18 = vector.shape_cast %get3A_17 : vector<1x1000x16xf32> to vector<1000x16xf32>
    %add3A = arith.addf %get3A_13, %get3A_18 : vector<1000x16xf32>
    %get3A_19 = arith.constant 0 : index
    %get3A_20 = arith.constant 0 : index
    %get3A_21 = arith.constant 0 : index
    %get3A_22 = vector.load %arg5[%get3A_19, %get3A_20, %get3A_21] : memref<2x1000x16xf32, #tpu.memory_space<vmem>>, vector<1x1000x16xf32>
    %get3A_23 = vector.shape_cast %get3A_22 : vector<1x1000x16xf32> to vector<1000x16xf32>
    %get3A_24 = arith.constant 1 : index
    %get3A_25 = arith.constant 0 : index
    %get3A_26 = arith.constant 0 : index
    %get3A_27 = vector.load %arg5[%get3A_24, %get3A_25, %get3A_26] : memref<2x1000x16xf32, #tpu.memory_space<vmem>>, vector<1x1000x16xf32>
    %get3A_28 = vector.shape_cast %get3A_27 : vector<1x1000x16xf32> to vector<1000x16xf32>
    %add3A_29 = arith.addf %get3A_23, %get3A_28 : vector<1000x16xf32>
    %slice3A = vector.extract_strided_slice %add3A_29 {offsets = [0, 0], sizes = [1000, 1], strides = [1, 1]} : vector<1000x16xf32> to vector<1000x1xf32>
    %max3A = arith.constant 1.000000e+00 : f32
    %max3A_30 = vector.broadcast %max3A : f32 to vector<1000x1xf32>
    %max3A_31 = arith.maximumf %slice3A, %max3A_30 : vector<1000x1xf32>
    %div3A = arith.constant 1.000000e+00 : f32
    %div3A_32 = vector.broadcast %div3A : f32 to vector<1000x1xf32>
    %div3A_33 = arith.divf %div3A_32, %max3A_31 : vector<1000x1xf32>
    %get3A_34 = arith.constant 0 : index
    %get3A_35 = arith.constant 0 : index
    %get3A_36 = vector.load %arg1[%get3A_34, %get3A_35] : memref<1000x64xf32, #tpu.memory_space<vmem>>, vector<1000x64xf32>
    %get3A_37 = arith.constant 0 : index
    %get3A_38 = arith.constant 0 : index
    %get3A_39 = vector.load %arg2[%get3A_37, %get3A_38] : memref<1000x64xf32, #tpu.memory_space<vmem>>, vector<1000x64xf32>
    %concatenate3A_40 = tpu.concatenate %get3A_36, %get3A_39 in 1 : vector<1000x64xf32>, vector<1000x64xf32> -> vector<1000x128xf32>
    %get3A_41 = arith.constant 0 : index
    %get3A_42 = arith.constant 0 : index
    %get3A_43 = vector.load %arg6[%get3A_41, %get3A_42] : memref<128x152xf32, #tpu.memory_space<vmem>>, vector<128x152xf32>
    %dot_general3A = arith.constant dense<0.000000e+00> : vector<1000x152xf32>
    %dot_general3A_44 = tpu.matmul %concatenate3A, %get3A_43, %dot_general3A {dimension_numbers = #tpu.dot_dimension_numbers<[1], [0], [0], [1], [0, 0, 1, 1], [], []>, transpose_lhs_hint = false} : vector<1000x128xf32>, vector<128x152xf32>, vector<1000x152xf32> -> vector<1000x152xf32>
    %get3A_45 = arith.constant 0 : index
    %get3A_46 = arith.constant 0 : index
    %get3A_47 = vector.load %arg7[%get3A_45, %get3A_46] : memref<16x152xf32, #tpu.memory_space<vmem>>, vector<16x152xf32>
    %dot_general3A_48 = arith.constant dense<0.000000e+00> : vector<1000x152xf32>
    %dot_general3A_49 = tpu.matmul %add3A, %get3A_47, %dot_general3A_48 {dimension_numbers = #tpu.dot_dimension_numbers<[1], [0], [0], [1], [0, 0, 1, 1], [], []>, transpose_lhs_hint = false} : vector<1000x16xf32>, vector<16x152xf32>, vector<1000x152xf32> -> vector<1000x152xf32>
    %add3A_50 = arith.addf %dot_general3A_44, %dot_general3A_49 : vector<1000x152xf32>
    %get3A_51 = arith.constant 0 : index
    %get3A_52 = vector.load %arg8[%get3A_51] : memref<152xf32, #tpu.memory_space<vmem>>, vector<152xf32>
    %broadcast_in_dim3A = vector.shape_cast %get3A_52 : vector<152xf32> to vector<1x152xf32>
    %mul3A = vector.broadcast %broadcast_in_dim3A : vector<1x152xf32> to vector<1000x152xf32>
    %mul3A_53 = vector.broadcast %slice3A : vector<1000x1xf32> to vector<1000x152xf32>
    %mul3A_54 = arith.mulf %mul3A, %mul3A_53 : vector<1000x152xf32>
    %add3A_55 = arith.addf %add3A_50, %mul3A_54 : vector<1000x152xf32>
    %mul3A_56 = vector.broadcast %div3A_33 : vector<1000x1xf32> to vector<1000x152xf32>
    %mul3A_57 = arith.mulf %add3A_55, %mul3A_56 : vector<1000x152xf32>
    %get3A_58 = arith.constant 0 : index
    %get3A_59 = arith.constant 0 : index
    %get3A_60 = vector.load %arg9[%get3A_58, %get3A_59] : memref<128x152xf32, #tpu.memory_space<vmem>>, vector<128x152xf32>
    %dot_general3A_61 = arith.constant dense<0.000000e+00> : vector<1000x152xf32>
    %dot_general3A_62 = tpu.matmul %concatenate3A_40, %get3A_60, %dot_general3A_61 {dimension_numbers = #tpu.dot_dimension_numbers<[1], [0], [0], [1], [0, 0, 1, 1], [], []>, transpose_lhs_hint = false} : vector<1000x128xf32>, vector<128x152xf32>, vector<1000x152xf32> -> vector<1000x152xf32>
    %get3A_63 = arith.constant 0 : index
    %get3A_64 = arith.constant 0 : index
    %get3A_65 = vector.load %arg10[%get3A_63, %get3A_64] : memref<152x152xf32, #tpu.memory_space<vmem>>, vector<152x152xf32>
    %dot_general3A_66 = arith.constant dense<0.000000e+00> : vector<1000x152xf32>
    %dot_general3A_67 = tpu.matmul %mul3A_57, %get3A_65, %dot_general3A_66 {dimension_numbers = #tpu.dot_dimension_numbers<[1], [0], [0], [1], [0, 0, 1, 1], [], []>, transpose_lhs_hint = false} : vector<1000x152xf32>, vector<152x152xf32>, vector<1000x152xf32> -> vector<1000x152xf32>
    %add3A_68 = arith.addf %dot_general3A_62, %dot_general3A_67 : vector<1000x152xf32>
    %get3A_69 = arith.constant 0 : index
    %get3A_70 = vector.load %arg11[%get3A_69] : memref<152xf32, #tpu.memory_space<vmem>>, vector<152xf32>
    %broadcast_in_dim3A_71 = vector.shape_cast %get3A_70 : vector<152xf32> to vector<1x152xf32>
    %add3A_72 = vector.broadcast %broadcast_in_dim3A_71 : vector<1x152xf32> to vector<1000x152xf32>
    %add3A_73 = arith.addf %add3A_68, %add3A_72 : vector<1000x152xf32>
    %max3A_74 = arith.constant 0.000000e+00 : f32
    %max3A_75 = vector.broadcast %max3A_74 : f32 to vector<1000x152xf32>
    %max3A_76 = arith.maximumf %add3A_73, %max3A_75 : vector<1000x152xf32>
    %slice3A_77 = vector.extract_strided_slice %max3A_76 {offsets = [0, 0], sizes = [1000, 80], strides = [1, 1]} : vector<1000x152xf32> to vector<1000x80xf32>
    %swap3A = arith.constant 0 : index
    %swap3A_78 = arith.constant 0 : index
    %swap3A_79 = vector.load %arg12[%swap3A, %swap3A_78] : memref<1000x80xf32, #tpu.memory_space<vmem>>, vector<1000x80xf32>
    tpu.vector_store %arg12[%swap3A, %swap3A_78], %slice3A_77 {strides = array<i32>} : memref<1000x80xf32, #tpu.memory_space<vmem>>, vector<1000x80xf32>,
    %slice3A_80 = vector.extract_strided_slice %max3A_76 {offsets = [0, 80], sizes = [1000, 72], strides = [1, 1]} : vector<1000x152xf32> to vector<1000x72xf32>
    %broadcast_in_dim3A_81 = arith.constant 0.000000e+00 : f32
    %broadcast_in_dim3A_82 = vector.broadcast %broadcast_in_dim3A_81 : f32 to vector<1000x8xf32>
    %concatenate3A_83 = tpu.concatenate %slice3A_80, %broadcast_in_dim3A_82 in 1 : vector<1000x72xf32>, vector<1000x8xf32> -> vector<1000x80xf32>
    %swap3A_84 = arith.constant 0 : index
    %swap3A_85 = arith.constant 0 : index
    %swap3A_86 = vector.load %arg13[%swap3A_84, %swap3A_85] : memref<1000x80xf32, #tpu.memory_space<vmem>>, vector<1000x80xf32>
    tpu.vector_store %arg13[%swap3A_84, %swap3A_85], %concatenate3A_83 {strides = array<i32>} : memref<1000x80xf32, #tpu.memory_space<vmem>>, vector<1000x80xf32>,
    %broadcast_in_dim3A_87 = arith.constant 0.000000e+00 : f32
    %broadcast_in_dim3A_88 = vector.broadcast %broadcast_in_dim3A_87 : f32 to vector<1000x14xf32>
    %concatenate3A_89 = tpu.concatenate %add3A, %slice3A, %div3A_33, %broadcast_in_dim3A_88 in 1 : vector<1000x16xf32>, vector<1000x1xf32>, vector<1000x1xf32>, vector<1000x14xf32> -> vector<1000x32xf32>
    %swap3A_90 = arith.constant 0 : index
    %swap3A_91 = arith.constant 0 : index
    %swap3A_92 = vector.load %arg14[%swap3A_90, %swap3A_91] : memref<1000x32xf32, #tpu.memory_space<vmem>>, vector<1000x32xf32>
    tpu.vector_store %arg14[%swap3A_90, %swap3A_91], %concatenate3A_89 {strides = array<i32>} : memref<1000x32xf32, #tpu.memory_space<vmem>>, vector<1000x32xf32>,
    return
  }
  func.func @transform_0(%arg0: i32) -> (i32, i32) {
    %c0_i32 = arith.constant 0 : i32
    %c0_i32_0 = arith.constant 0 : i32
    return %arg0, %c0_i32 : i32, i32
  }
  func.func @transform_1(%arg0: i32) -> (i32, i32) {
    %c0_i32 = arith.constant 0 : i32
    %c0_i32_0 = arith.constant 0 : i32
    return %arg0, %c0_i32 : i32, i32
  }
  func.func @transform_2(%arg0: i32) -> (i32, i32, i32) {
    %c0_i32 = arith.constant 0 : i32
    %c0_i32_0 = arith.constant 0 : i32
    %c0_i32_1 = arith.constant 0 : i32
    return %c0_i32, %arg0, %c0_i32_0 : i32, i32, i32
  }
  func.func @transform_3(%arg0: i32) -> (i32, i32, i32) {
    %c0_i32 = arith.constant 0 : i32
    %c0_i32_0 = arith.constant 0 : i32
    %c0_i32_1 = arith.constant 0 : i32
    return %c0_i32, %arg0, %c0_i32_0 : i32, i32, i32
  }
  func.func @transform_4(%arg0: i32) -> (i32, i32, i32) {
    %c0_i32 = arith.constant 0 : i32
    %c0_i32_0 = arith.constant 0 : i32
    %c0_i32_1 = arith.constant 0 : i32
    return %c0_i32, %arg0, %c0_i32_0 : i32, i32, i32
  }
  func.func @transform_5(%arg0: i32) -> (i32, i32) {
    %c0_i32 = arith.constant 0 : i32
    %c0_i32_0 = arith.constant 0 : i32
    %c0_i32_1 = arith.constant 0 : i32
    return %c0_i32, %c0_i32_0 : i32, i32
  }
  func.func @transform_6(%arg0: i32) -> (i32, i32) {
    %c0_i32 = arith.constant 0 : i32
    %c0_i32_0 = arith.constant 0 : i32
    %c0_i32_1 = arith.constant 0 : i32
    return %c0_i32, %c0_i32_0 : i32, i32
  }
  func.func @transform_7(%arg0: i32) -> i32 {
    %c0_i32 = arith.constant 0 : i32
    %c0_i32_0 = arith.constant 0 : i32
    return %c0_i32 : i32
  }
  func.func @transform_8(%arg0: i32) -> (i32, i32) {
    %c0_i32 = arith.constant 0 : i32
    %c0_i32_0 = arith.constant 0 : i32
    %c0_i32_1 = arith.constant 0 : i32
    return %c0_i32, %c0_i32_0 : i32, i32
  }
  func.func @transform_9(%arg0: i32) -> (i32, i32) {
    %c0_i32 = arith.constant 0 : i32
    %c0_i32_0 = arith.constant 0 : i32
    %c0_i32_1 = arith.constant 0 : i32
    return %c0_i32, %c0_i32_0 : i32, i32
  }
  func.func @transform_10(%arg0: i32) -> i32 {
    %c0_i32 = arith.constant 0 : i32
    %c0_i32_0 = arith.constant 0 : i32
    return %c0_i32 : i32
  }
  func.func @transform_11(%arg0: i32) -> (i32, i32) {
    %c0_i32 = arith.constant 0 : i32
    %c0_i32_0 = arith.constant 0 : i32
    return %arg0, %c0_i32 : i32, i32
  }
  func.func @transform_12(%arg0: i32) -> (i32, i32) {
    %c0_i32 = arith.constant 0 : i32
    %c0_i32_0 = arith.constant 0 : i32
    return %arg0, %c0_i32 : i32, i32
  }
  func.func @transform_13(%arg0: i32) -> (i32, i32) {
    %c0_i32 = arith.constant 0 : i32
    %c0_i32_0 = arith.constant 0 : i32
    return %arg0, %c0_i32 : i32, i32
  }
}

module attributes {stable_mosaic.version = 14 : i64} {
  func.func @_tc_layer_body(%arg0: i32, %arg1: memref<1000x80xf32, #tpu.memory_space<vmem>>, %arg2: memref<1000x80xf32, #tpu.memory_space<vmem>>, %arg3: memref<2x1000x80xf32, #tpu.memory_space<vmem>>, %arg4: memref<1000x32xf32, #tpu.memory_space<vmem>>, %arg5: memref<160x152xf32, #tpu.memory_space<vmem>>, %arg6: memref<16x152xf32, #tpu.memory_space<vmem>>, %arg7: memref<152xf32, #tpu.memory_space<vmem>>, %arg8: memref<160x152xf32, #tpu.memory_space<vmem>>, %arg9: memref<152x152xf32, #tpu.memory_space<vmem>>, %arg10: memref<152xf32, #tpu.memory_space<vmem>>, %arg11: memref<152x128xf32, #tpu.memory_space<vmem>>, %arg12: memref<1000x80xf32, #tpu.memory_space<vmem>>, %arg13: memref<1000x80xf32, #tpu.memory_space<vmem>>, %arg14: memref<1000x64xf32, #tpu.memory_space<vmem>>, %arg15: memref<1000x64xf32, #tpu.memory_space<vmem>>) attributes {dimension_semantics = [#tpu.dimension_semantics<arbitrary>], iteration_bounds = array<i64: 10>, scalar_prefetch = 0 : i64, scratch_operands = 0 : i64, tpu.core_type = #tpu.core_type<tc>, window_params = [{transform_indices = @transform_0, window_bounds = array<i64: 1000, 80>}, {transform_indices = @transform_1, window_bounds = array<i64: 1000, 80>}, {transform_indices = @transform_2, window_bounds = array<i64: 2, 1000, 80>}, {transform_indices = @transform_3, window_bounds = array<i64: 1000, 32>}, {pipeline_mode = #tpu.pipeline_mode<synchronous>, transform_indices = @transform_4, window_bounds = array<i64: 160, 152>}, {pipeline_mode = #tpu.pipeline_mode<synchronous>, transform_indices = @transform_5, window_bounds = array<i64: 16, 152>}, {pipeline_mode = #tpu.pipeline_mode<synchronous>, transform_indices = @transform_6, window_bounds = array<i64: 152>}, {pipeline_mode = #tpu.pipeline_mode<synchronous>, transform_indices = @transform_7, window_bounds = array<i64: 160, 152>}, {pipeline_mode = #tpu.pipeline_mode<synchronous>, transform_indices = @transform_8, window_bounds = array<i64: 152, 152>}, {pipeline_mode = #tpu.pipeline_mode<synchronous>, transform_indices = @transform_9, window_bounds = array<i64: 152>}, {pipeline_mode = #tpu.pipeline_mode<synchronous>, transform_indices = @transform_10, window_bounds = array<i64: 152, 128>}, {transform_indices = @transform_11, window_bounds = array<i64: 1000, 80>}, {transform_indices = @transform_12, window_bounds = array<i64: 1000, 80>}, {transform_indices = @transform_13, window_bounds = array<i64: 1000, 64>}, {transform_indices = @transform_14, window_bounds = array<i64: 1000, 64>}]} {
    %get3A = arith.constant 0 : index
    %get3A_0 = arith.constant 0 : index
    %get3A_1 = arith.constant 0 : index
    %get3A_2 = vector.load %arg3[%get3A, %get3A_0, %get3A_1] : memref<2x1000x80xf32, #tpu.memory_space<vmem>>, vector<1x1000x80xf32>
    %get3A_3 = vector.shape_cast %get3A_2 : vector<1x1000x80xf32> to vector<1000x80xf32>
    %get3A_4 = arith.constant 1 : index
    %get3A_5 = arith.constant 0 : index
    %get3A_6 = arith.constant 0 : index
    %get3A_7 = vector.load %arg3[%get3A_4, %get3A_5, %get3A_6] : memref<2x1000x80xf32, #tpu.memory_space<vmem>>, vector<1x1000x80xf32>
    %get3A_8 = vector.shape_cast %get3A_7 : vector<1x1000x80xf32> to vector<1000x80xf32>
    %concatenate3A = tpu.concatenate %get3A_3, %get3A_8 in 1 : vector<1000x80xf32>, vector<1000x80xf32> -> vector<1000x160xf32>
    %get3A_9 = arith.constant 0 : index
    %get3A_10 = arith.constant 0 : index
    %get3A_11 = vector.load %arg4[%get3A_9, %get3A_10] : memref<1000x32xf32, #tpu.memory_space<vmem>>, vector<1000x16xf32>
    %get3A_12 = arith.constant 0 : index
    %get3A_13 = arith.constant 16 : index
    %get3A_14 = vector.load %arg4[%get3A_12, %get3A_13] : memref<1000x32xf32, #tpu.memory_space<vmem>>, vector<1000x1xf32>
    %get3A_15 = arith.constant 0 : index
    %get3A_16 = arith.constant 17 : index
    %get3A_17 = vector.load %arg4[%get3A_15, %get3A_16] : memref<1000x32xf32, #tpu.memory_space<vmem>>, vector<1000x1xf32>
    %get3A_18 = arith.constant 0 : index
    %get3A_19 = arith.constant 0 : index
    %get3A_20 = vector.load %arg1[%get3A_18, %get3A_19] : memref<1000x80xf32, #tpu.memory_space<vmem>>, vector<1000x80xf32>
    %get3A_21 = arith.constant 0 : index
    %get3A_22 = arith.constant 0 : index
    %get3A_23 = vector.load %arg2[%get3A_21, %get3A_22] : memref<1000x80xf32, #tpu.memory_space<vmem>>, vector<1000x80xf32>
    %concatenate3A_24 = tpu.concatenate %get3A_20, %get3A_23 in 1 : vector<1000x80xf32>, vector<1000x80xf32> -> vector<1000x160xf32>
    %get3A_25 = arith.constant 0 : index
    %get3A_26 = arith.constant 0 : index
    %get3A_27 = vector.load %arg5[%get3A_25, %get3A_26] : memref<160x152xf32, #tpu.memory_space<vmem>>, vector<160x152xf32>
    %dot_general3A = arith.constant dense<0.000000e+00> : vector<1000x152xf32>
    %dot_general3A_28 = tpu.matmul %concatenate3A, %get3A_27, %dot_general3A {dimension_numbers = #tpu.dot_dimension_numbers<[1], [0], [0], [1], [0, 0, 1, 1], [], []>, transpose_lhs_hint = false} : vector<1000x160xf32>, vector<160x152xf32>, vector<1000x152xf32> -> vector<1000x152xf32>
    %get3A_29 = arith.constant 0 : index
    %get3A_30 = arith.constant 0 : index
    %get3A_31 = vector.load %arg6[%get3A_29, %get3A_30] : memref<16x152xf32, #tpu.memory_space<vmem>>, vector<16x152xf32>
    %dot_general3A_32 = arith.constant dense<0.000000e+00> : vector<1000x152xf32>
    %dot_general3A_33 = tpu.matmul %get3A_11, %get3A_31, %dot_general3A_32 {dimension_numbers = #tpu.dot_dimension_numbers<[1], [0], [0], [1], [0, 0, 1, 1], [], []>, transpose_lhs_hint = false} : vector<1000x16xf32>, vector<16x152xf32>, vector<1000x152xf32> -> vector<1000x152xf32>
    %add3A = arith.addf %dot_general3A_28, %dot_general3A_33 : vector<1000x152xf32>
    %get3A_34 = arith.constant 0 : index
    %get3A_35 = vector.load %arg7[%get3A_34] : memref<152xf32, #tpu.memory_space<vmem>>, vector<152xf32>
    %broadcast_in_dim3A = vector.shape_cast %get3A_35 : vector<152xf32> to vector<1x152xf32>
    %mul3A = vector.broadcast %broadcast_in_dim3A : vector<1x152xf32> to vector<1000x152xf32>
    %mul3A_36 = vector.broadcast %get3A_14 : vector<1000x1xf32> to vector<1000x152xf32>
    %mul3A_37 = arith.mulf %mul3A, %mul3A_36 : vector<1000x152xf32>
    %add3A_38 = arith.addf %add3A, %mul3A_37 : vector<1000x152xf32>
    %mul3A_39 = vector.broadcast %get3A_17 : vector<1000x1xf32> to vector<1000x152xf32>
    %mul3A_40 = arith.mulf %add3A_38, %mul3A_39 : vector<1000x152xf32>
    %get3A_41 = arith.constant 0 : index
    %get3A_42 = arith.constant 0 : index
    %get3A_43 = vector.load %arg8[%get3A_41, %get3A_42] : memref<160x152xf32, #tpu.memory_space<vmem>>, vector<160x152xf32>
    %dot_general3A_44 = arith.constant dense<0.000000e+00> : vector<1000x152xf32>
    %dot_general3A_45 = tpu.matmul %concatenate3A_24, %get3A_43, %dot_general3A_44 {dimension_numbers = #tpu.dot_dimension_numbers<[1], [0], [0], [1], [0, 0, 1, 1], [], []>, transpose_lhs_hint = false} : vector<1000x160xf32>, vector<160x152xf32>, vector<1000x152xf32> -> vector<1000x152xf32>
    %get3A_46 = arith.constant 0 : index
    %get3A_47 = arith.constant 0 : index
    %get3A_48 = vector.load %arg9[%get3A_46, %get3A_47] : memref<152x152xf32, #tpu.memory_space<vmem>>, vector<152x152xf32>
    %dot_general3A_49 = arith.constant dense<0.000000e+00> : vector<1000x152xf32>
    %dot_general3A_50 = tpu.matmul %mul3A_40, %get3A_48, %dot_general3A_49 {dimension_numbers = #tpu.dot_dimension_numbers<[1], [0], [0], [1], [0, 0, 1, 1], [], []>, transpose_lhs_hint = false} : vector<1000x152xf32>, vector<152x152xf32>, vector<1000x152xf32> -> vector<1000x152xf32>
    %add3A_51 = arith.addf %dot_general3A_45, %dot_general3A_50 : vector<1000x152xf32>
    %get3A_52 = arith.constant 0 : index
    %get3A_53 = vector.load %arg10[%get3A_52] : memref<152xf32, #tpu.memory_space<vmem>>, vector<152xf32>
    %broadcast_in_dim3A_54 = vector.shape_cast %get3A_53 : vector<152xf32> to vector<1x152xf32>
    %add3A_55 = vector.broadcast %broadcast_in_dim3A_54 : vector<1x152xf32> to vector<1000x152xf32>
    %add3A_56 = arith.addf %add3A_51, %add3A_55 : vector<1000x152xf32>
    %max3A = arith.constant 0.000000e+00 : f32
    %max3A_57 = vector.broadcast %max3A : f32 to vector<1000x152xf32>
    %max3A_58 = arith.maximumf %add3A_56, %max3A_57 : vector<1000x152xf32>
    %slice3A = vector.extract_strided_slice %max3A_58 {offsets = [0, 0], sizes = [1000, 80], strides = [1, 1]} : vector<1000x152xf32> to vector<1000x80xf32>
    %swap3A = arith.constant 0 : index
    %swap3A_59 = arith.constant 0 : index
    %swap3A_60 = vector.load %arg12[%swap3A, %swap3A_59] : memref<1000x80xf32, #tpu.memory_space<vmem>>, vector<1000x80xf32>
    tpu.vector_store %arg12[%swap3A, %swap3A_59], %slice3A {strides = array<i32>} : memref<1000x80xf32, #tpu.memory_space<vmem>>, vector<1000x80xf32>,
    %slice3A_61 = vector.extract_strided_slice %max3A_58 {offsets = [0, 80], sizes = [1000, 72], strides = [1, 1]} : vector<1000x152xf32> to vector<1000x72xf32>
    %broadcast_in_dim3A_62 = arith.constant 0.000000e+00 : f32
    %broadcast_in_dim3A_63 = vector.broadcast %broadcast_in_dim3A_62 : f32 to vector<1000x8xf32>
    %concatenate3A_64 = tpu.concatenate %slice3A_61, %broadcast_in_dim3A_63 in 1 : vector<1000x72xf32>, vector<1000x8xf32> -> vector<1000x80xf32>
    %swap3A_65 = arith.constant 0 : index
    %swap3A_66 = arith.constant 0 : index
    %swap3A_67 = vector.load %arg13[%swap3A_65, %swap3A_66] : memref<1000x80xf32, #tpu.memory_space<vmem>>, vector<1000x80xf32>
    tpu.vector_store %arg13[%swap3A_65, %swap3A_66], %concatenate3A_64 {strides = array<i32>} : memref<1000x80xf32, #tpu.memory_space<vmem>>, vector<1000x80xf32>,
    %get3A_68 = arith.constant 0 : index
    %get3A_69 = arith.constant 0 : index
    %get3A_70 = vector.load %arg11[%get3A_68, %get3A_69] : memref<152x128xf32, #tpu.memory_space<vmem>>, vector<152x128xf32>
    %dot_general3A_71 = arith.constant dense<0.000000e+00> : vector<1000x128xf32>
    %dot_general3A_72 = tpu.matmul %max3A_58, %get3A_70, %dot_general3A_71 {dimension_numbers = #tpu.dot_dimension_numbers<[1], [0], [0], [1], [0, 0, 1, 1], [], []>, transpose_lhs_hint = false} : vector<1000x152xf32>, vector<152x128xf32>, vector<1000x128xf32> -> vector<1000x128xf32>
    %slice3A_73 = vector.extract_strided_slice %dot_general3A_72 {offsets = [0, 0], sizes = [1000, 64], strides = [1, 1]} : vector<1000x128xf32> to vector<1000x64xf32>
    %swap3A_74 = arith.constant 0 : index
    %swap3A_75 = arith.constant 0 : index
    %swap3A_76 = vector.load %arg14[%swap3A_74, %swap3A_75] : memref<1000x64xf32, #tpu.memory_space<vmem>>, vector<1000x64xf32>
    tpu.vector_store %arg14[%swap3A_74, %swap3A_75], %slice3A_73 {strides = array<i32>} : memref<1000x64xf32, #tpu.memory_space<vmem>>, vector<1000x64xf32>,
    %slice3A_77 = vector.extract_strided_slice %dot_general3A_72 {offsets = [0, 64], sizes = [1000, 64], strides = [1, 1]} : vector<1000x128xf32> to vector<1000x64xf32>
    %swap3A_78 = arith.constant 0 : index
    %swap3A_79 = arith.constant 0 : index
    %swap3A_80 = vector.load %arg15[%swap3A_78, %swap3A_79] : memref<1000x64xf32, #tpu.memory_space<vmem>>, vector<1000x64xf32>
    tpu.vector_store %arg15[%swap3A_78, %swap3A_79], %slice3A_77 {strides = array<i32>} : memref<1000x64xf32, #tpu.memory_space<vmem>>, vector<1000x64xf32>,
    return
  }
  func.func @transform_0(%arg0: i32) -> (i32, i32) {
    %c0_i32 = arith.constant 0 : i32
    %c0_i32_0 = arith.constant 0 : i32
    return %arg0, %c0_i32 : i32, i32
  }
  func.func @transform_1(%arg0: i32) -> (i32, i32) {
    %c0_i32 = arith.constant 0 : i32
    %c0_i32_0 = arith.constant 0 : i32
    return %arg0, %c0_i32 : i32, i32
  }
  func.func @transform_2(%arg0: i32) -> (i32, i32, i32) {
    %c0_i32 = arith.constant 0 : i32
    %c0_i32_0 = arith.constant 0 : i32
    %c0_i32_1 = arith.constant 0 : i32
    return %c0_i32, %arg0, %c0_i32_0 : i32, i32, i32
  }
  func.func @transform_3(%arg0: i32) -> (i32, i32) {
    %c0_i32 = arith.constant 0 : i32
    %c0_i32_0 = arith.constant 0 : i32
    return %arg0, %c0_i32 : i32, i32
  }
  func.func @transform_4(%arg0: i32) -> (i32, i32) {
    %c0_i32 = arith.constant 0 : i32
    %c0_i32_0 = arith.constant 0 : i32
    %c0_i32_1 = arith.constant 0 : i32
    return %c0_i32, %c0_i32_0 : i32, i32
  }
  func.func @transform_5(%arg0: i32) -> (i32, i32) {
    %c0_i32 = arith.constant 0 : i32
    %c0_i32_0 = arith.constant 0 : i32
    %c0_i32_1 = arith.constant 0 : i32
    return %c0_i32, %c0_i32_0 : i32, i32
  }
  func.func @transform_6(%arg0: i32) -> i32 {
    %c0_i32 = arith.constant 0 : i32
    %c0_i32_0 = arith.constant 0 : i32
    return %c0_i32 : i32
  }
  func.func @transform_7(%arg0: i32) -> (i32, i32) {
    %c0_i32 = arith.constant 0 : i32
    %c0_i32_0 = arith.constant 0 : i32
    %c0_i32_1 = arith.constant 0 : i32
    return %c0_i32, %c0_i32_0 : i32, i32
  }
  func.func @transform_8(%arg0: i32) -> (i32, i32) {
    %c0_i32 = arith.constant 0 : i32
    %c0_i32_0 = arith.constant 0 : i32
    %c0_i32_1 = arith.constant 0 : i32
    return %c0_i32, %c0_i32_0 : i32, i32
  }
  func.func @transform_9(%arg0: i32) -> i32 {
    %c0_i32 = arith.constant 0 : i32
    %c0_i32_0 = arith.constant 0 : i32
    return %c0_i32 : i32
  }
  func.func @transform_10(%arg0: i32) -> (i32, i32) {
    %c0_i32 = arith.constant 0 : i32
    %c0_i32_0 = arith.constant 0 : i32
    %c0_i32_1 = arith.constant 0 : i32
    return %c0_i32, %c0_i32_0 : i32, i32
  }
  func.func @transform_11(%arg0: i32) -> (i32, i32) {
    %c0_i32 = arith.constant 0 : i32
    %c0_i32_0 = arith.constant 0 : i32
    return %arg0, %c0_i32 : i32, i32
  }
  func.func @transform_12(%arg0: i32) -> (i32, i32) {
    %c0_i32 = arith.constant 0 : i32
    %c0_i32_0 = arith.constant 0 : i32
    return %arg0, %c0_i32 : i32, i32
  }
  func.func @transform_13(%arg0: i32) -> (i32, i32) {
    %c0_i32 = arith.constant 0 : i32
    %c0_i32_0 = arith.constant 0 : i32
    return %arg0, %c0_i32 : i32, i32
  }
  func.func @transform_14(%arg0: i32) -> (i32, i32) {
    %c0_i32 = arith.constant 0 : i32
    %c0_i32_0 = arith.constant 0 : i32
    return %arg0, %c0_i32 : i32, i32
  }
}

module attributes {stable_mosaic.version = 14 : i64} {
  func.func @_tc3_body(%arg0: i32, %arg1: memref<1000x80xf32, #tpu.memory_space<vmem>>, %arg2: memref<1000x80xf32, #tpu.memory_space<vmem>>, %arg3: memref<2x1000x64xf32, #tpu.memory_space<vmem>>, %arg4: memref<1000x32xf32, #tpu.memory_space<vmem>>, %arg5: memref<16x128xf32, #tpu.memory_space<vmem>>, %arg6: memref<128xf32, #tpu.memory_space<vmem>>, %arg7: memref<160x128xf32, #tpu.memory_space<vmem>>, %arg8: memref<128x128xf32, #tpu.memory_space<vmem>>, %arg9: memref<128xf32, #tpu.memory_space<vmem>>, %arg10: memref<128x16xf32, #tpu.memory_space<vmem>>, %arg11: memref<16xf32, #tpu.memory_space<vmem>>, %arg12: memref<128x16xf32, #tpu.memory_space<vmem>>, %arg13: memref<1000x16xf32, #tpu.memory_space<vmem>>, %arg14: memref<1000x16xf32, #tpu.memory_space<vmem>>) attributes {dimension_semantics = [#tpu.dimension_semantics<arbitrary>], iteration_bounds = array<i64: 10>, scalar_prefetch = 0 : i64, scratch_operands = 0 : i64, tpu.core_type = #tpu.core_type<tc>, window_params = [{transform_indices = @transform_0, window_bounds = array<i64: 1000, 80>}, {transform_indices = @transform_1, window_bounds = array<i64: 1000, 80>}, {transform_indices = @transform_2, window_bounds = array<i64: 2, 1000, 64>}, {transform_indices = @transform_3, window_bounds = array<i64: 1000, 32>}, {pipeline_mode = #tpu.pipeline_mode<synchronous>, transform_indices = @transform_4, window_bounds = array<i64: 16, 128>}, {pipeline_mode = #tpu.pipeline_mode<synchronous>, transform_indices = @transform_5, window_bounds = array<i64: 128>}, {pipeline_mode = #tpu.pipeline_mode<synchronous>, transform_indices = @transform_6, window_bounds = array<i64: 160, 128>}, {pipeline_mode = #tpu.pipeline_mode<synchronous>, transform_indices = @transform_7, window_bounds = array<i64: 128, 128>}, {pipeline_mode = #tpu.pipeline_mode<synchronous>, transform_indices = @transform_8, window_bounds = array<i64: 128>}, {pipeline_mode = #tpu.pipeline_mode<synchronous>, transform_indices = @transform_9, window_bounds = array<i64: 128, 16>}, {pipeline_mode = #tpu.pipeline_mode<synchronous>, transform_indices = @transform_10, window_bounds = array<i64: 16>}, {pipeline_mode = #tpu.pipeline_mode<synchronous>, transform_indices = @transform_11, window_bounds = array<i64: 128, 16>}, {transform_indices = @transform_12, window_bounds = array<i64: 1000, 16>}, {transform_indices = @transform_13, window_bounds = array<i64: 1000, 16>}]} {
    %get3A = arith.constant 0 : index
    %get3A_0 = arith.constant 0 : index
    %get3A_1 = arith.constant 0 : index
    %get3A_2 = vector.load %arg3[%get3A, %get3A_0, %get3A_1] : memref<2x1000x64xf32, #tpu.memory_space<vmem>>, vector<1x1000x64xf32>
    %get3A_3 = vector.shape_cast %get3A_2 : vector<1x1000x64xf32> to vector<1000x64xf32>
    %get3A_4 = arith.constant 1 : index
    %get3A_5 = arith.constant 0 : index
    %get3A_6 = arith.constant 0 : index
    %get3A_7 = vector.load %arg3[%get3A_4, %get3A_5, %get3A_6] : memref<2x1000x64xf32, #tpu.memory_space<vmem>>, vector<1x1000x64xf32>
    %get3A_8 = vector.shape_cast %get3A_7 : vector<1x1000x64xf32> to vector<1000x64xf32>
    %concatenate3A = tpu.concatenate %get3A_3, %get3A_8 in 1 : vector<1000x64xf32>, vector<1000x64xf32> -> vector<1000x128xf32>
    %get3A_9 = arith.constant 0 : index
    %get3A_10 = arith.constant 0 : index
    %get3A_11 = vector.load %arg4[%get3A_9, %get3A_10] : memref<1000x32xf32, #tpu.memory_space<vmem>>, vector<1000x16xf32>
    %get3A_12 = arith.constant 0 : index
    %get3A_13 = arith.constant 16 : index
    %get3A_14 = vector.load %arg4[%get3A_12, %get3A_13] : memref<1000x32xf32, #tpu.memory_space<vmem>>, vector<1000x1xf32>
    %get3A_15 = arith.constant 0 : index
    %get3A_16 = arith.constant 17 : index
    %get3A_17 = vector.load %arg4[%get3A_15, %get3A_16] : memref<1000x32xf32, #tpu.memory_space<vmem>>, vector<1000x1xf32>
    %get3A_18 = arith.constant 0 : index
    %get3A_19 = arith.constant 0 : index
    %get3A_20 = vector.load %arg5[%get3A_18, %get3A_19] : memref<16x128xf32, #tpu.memory_space<vmem>>, vector<16x128xf32>
    %dot_general3A = arith.constant dense<0.000000e+00> : vector<1000x128xf32>
    %dot_general3A_21 = tpu.matmul %get3A_11, %get3A_20, %dot_general3A {dimension_numbers = #tpu.dot_dimension_numbers<[1], [0], [0], [1], [0, 0, 1, 1], [], []>, transpose_lhs_hint = false} : vector<1000x16xf32>, vector<16x128xf32>, vector<1000x128xf32> -> vector<1000x128xf32>
    %add3A = arith.addf %concatenate3A, %dot_general3A_21 : vector<1000x128xf32>
    %get3A_22 = arith.constant 0 : index
    %get3A_23 = vector.load %arg6[%get3A_22] : memref<128xf32, #tpu.memory_space<vmem>>, vector<128xf32>
    %broadcast_in_dim3A = vector.shape_cast %get3A_23 : vector<128xf32> to vector<1x128xf32>
    %mul3A = vector.broadcast %broadcast_in_dim3A : vector<1x128xf32> to vector<1000x128xf32>
    %mul3A_24 = vector.broadcast %get3A_14 : vector<1000x1xf32> to vector<1000x128xf32>
    %mul3A_25 = arith.mulf %mul3A, %mul3A_24 : vector<1000x128xf32>
    %add3A_26 = arith.addf %add3A, %mul3A_25 : vector<1000x128xf32>
    %mul3A_27 = vector.broadcast %get3A_17 : vector<1000x1xf32> to vector<1000x128xf32>
    %mul3A_28 = arith.mulf %add3A_26, %mul3A_27 : vector<1000x128xf32>
    %get3A_29 = arith.constant 0 : index
    %get3A_30 = arith.constant 0 : index
    %get3A_31 = vector.load %arg1[%get3A_29, %get3A_30] : memref<1000x80xf32, #tpu.memory_space<vmem>>, vector<1000x80xf32>
    %get3A_32 = arith.constant 0 : index
    %get3A_33 = arith.constant 0 : index
    %get3A_34 = vector.load %arg2[%get3A_32, %get3A_33] : memref<1000x80xf32, #tpu.memory_space<vmem>>, vector<1000x80xf32>
    %concatenate3A_35 = tpu.concatenate %get3A_31, %get3A_34 in 1 : vector<1000x80xf32>, vector<1000x80xf32> -> vector<1000x160xf32>
    %get3A_36 = arith.constant 0 : index
    %get3A_37 = arith.constant 0 : index
    %get3A_38 = vector.load %arg7[%get3A_36, %get3A_37] : memref<160x128xf32, #tpu.memory_space<vmem>>, vector<160x128xf32>
    %dot_general3A_39 = arith.constant dense<0.000000e+00> : vector<1000x128xf32>
    %dot_general3A_40 = tpu.matmul %concatenate3A_35, %get3A_38, %dot_general3A_39 {dimension_numbers = #tpu.dot_dimension_numbers<[1], [0], [0], [1], [0, 0, 1, 1], [], []>, transpose_lhs_hint = false} : vector<1000x160xf32>, vector<160x128xf32>, vector<1000x128xf32> -> vector<1000x128xf32>
    %get3A_41 = arith.constant 0 : index
    %get3A_42 = arith.constant 0 : index
    %get3A_43 = vector.load %arg8[%get3A_41, %get3A_42] : memref<128x128xf32, #tpu.memory_space<vmem>>, vector<128x128xf32>
    %dot_general3A_44 = arith.constant dense<0.000000e+00> : vector<1000x128xf32>
    %dot_general3A_45 = tpu.matmul %mul3A_28, %get3A_43, %dot_general3A_44 {dimension_numbers = #tpu.dot_dimension_numbers<[1], [0], [0], [1], [0, 0, 1, 1], [], []>, transpose_lhs_hint = false} : vector<1000x128xf32>, vector<128x128xf32>, vector<1000x128xf32> -> vector<1000x128xf32>
    %add3A_46 = arith.addf %dot_general3A_40, %dot_general3A_45 : vector<1000x128xf32>
    %get3A_47 = arith.constant 0 : index
    %get3A_48 = vector.load %arg9[%get3A_47] : memref<128xf32, #tpu.memory_space<vmem>>, vector<128xf32>
    %broadcast_in_dim3A_49 = vector.shape_cast %get3A_48 : vector<128xf32> to vector<1x128xf32>
    %add3A_50 = vector.broadcast %broadcast_in_dim3A_49 : vector<1x128xf32> to vector<1000x128xf32>
    %add3A_51 = arith.addf %add3A_46, %add3A_50 : vector<1000x128xf32>
    %max3A = arith.constant 0.000000e+00 : f32
    %max3A_52 = vector.broadcast %max3A : f32 to vector<1000x128xf32>
    %max3A_53 = arith.maximumf %add3A_51, %max3A_52 : vector<1000x128xf32>
    %get3A_54 = arith.constant 0 : index
    %get3A_55 = arith.constant 0 : index
    %get3A_56 = vector.load %arg10[%get3A_54, %get3A_55] : memref<128x16xf32, #tpu.memory_space<vmem>>, vector<128x16xf32>
    %dot_general3A_57 = arith.constant dense<0.000000e+00> : vector<1000x16xf32>
    %dot_general3A_58 = tpu.matmul %max3A_53, %get3A_56, %dot_general3A_57 {dimension_numbers = #tpu.dot_dimension_numbers<[1], [0], [0], [1], [0, 0, 1, 1], [], []>, transpose_lhs_hint = false} : vector<1000x128xf32>, vector<128x16xf32>, vector<1000x16xf32> -> vector<1000x16xf32>
    %get3A_59 = arith.constant 0 : index
    %get3A_60 = vector.load %arg11[%get3A_59] : memref<16xf32, #tpu.memory_space<vmem>>, vector<16xf32>
    %broadcast_in_dim3A_61 = vector.shape_cast %get3A_60 : vector<16xf32> to vector<1x16xf32>
    %add3A_62 = vector.broadcast %broadcast_in_dim3A_61 : vector<1x16xf32> to vector<1000x16xf32>
    %add3A_63 = arith.addf %dot_general3A_58, %add3A_62 : vector<1000x16xf32>
    %swap3A = arith.constant 0 : index
    %swap3A_64 = arith.constant 0 : index
    %swap3A_65 = vector.load %arg13[%swap3A, %swap3A_64] : memref<1000x16xf32, #tpu.memory_space<vmem>>, vector<1000x16xf32>
    tpu.vector_store %arg13[%swap3A, %swap3A_64], %add3A_63 {strides = array<i32>} : memref<1000x16xf32, #tpu.memory_space<vmem>>, vector<1000x16xf32>,
    %get3A_66 = arith.constant 0 : index
    %get3A_67 = arith.constant 0 : index
    %get3A_68 = vector.load %arg12[%get3A_66, %get3A_67] : memref<128x16xf32, #tpu.memory_space<vmem>>, vector<128x16xf32>
    %dot_general3A_69 = arith.constant dense<0.000000e+00> : vector<1000x16xf32>
    %dot_general3A_70 = tpu.matmul %max3A_53, %get3A_68, %dot_general3A_69 {dimension_numbers = #tpu.dot_dimension_numbers<[1], [0], [0], [1], [0, 0, 1, 1], [], []>, transpose_lhs_hint = false} : vector<1000x128xf32>, vector<128x16xf32>, vector<1000x16xf32> -> vector<1000x16xf32>
    %swap3A_71 = arith.constant 0 : index
    %swap3A_72 = arith.constant 0 : index
    %swap3A_73 = vector.load %arg14[%swap3A_71, %swap3A_72] : memref<1000x16xf32, #tpu.memory_space<vmem>>, vector<1000x16xf32>
    tpu.vector_store %arg14[%swap3A_71, %swap3A_72], %dot_general3A_70 {strides = array<i32>} : memref<1000x16xf32, #tpu.memory_space<vmem>>, vector<1000x16xf32>,
    return
  }
  func.func @transform_0(%arg0: i32) -> (i32, i32) {
    %c0_i32 = arith.constant 0 : i32
    %c0_i32_0 = arith.constant 0 : i32
    return %arg0, %c0_i32 : i32, i32
  }
  func.func @transform_1(%arg0: i32) -> (i32, i32) {
    %c0_i32 = arith.constant 0 : i32
    %c0_i32_0 = arith.constant 0 : i32
    return %arg0, %c0_i32 : i32, i32
  }
  func.func @transform_2(%arg0: i32) -> (i32, i32, i32) {
    %c0_i32 = arith.constant 0 : i32
    %c0_i32_0 = arith.constant 0 : i32
    %c0_i32_1 = arith.constant 0 : i32
    return %c0_i32, %arg0, %c0_i32_0 : i32, i32, i32
  }
  func.func @transform_3(%arg0: i32) -> (i32, i32) {
    %c0_i32 = arith.constant 0 : i32
    %c0_i32_0 = arith.constant 0 : i32
    return %arg0, %c0_i32 : i32, i32
  }
  func.func @transform_4(%arg0: i32) -> (i32, i32) {
    %c0_i32 = arith.constant 0 : i32
    %c0_i32_0 = arith.constant 0 : i32
    %c0_i32_1 = arith.constant 0 : i32
    return %c0_i32, %c0_i32_0 : i32, i32
  }
  func.func @transform_5(%arg0: i32) -> i32 {
    %c0_i32 = arith.constant 0 : i32
    %c0_i32_0 = arith.constant 0 : i32
    return %c0_i32 : i32
  }
  func.func @transform_6(%arg0: i32) -> (i32, i32) {
    %c0_i32 = arith.constant 0 : i32
    %c0_i32_0 = arith.constant 0 : i32
    %c0_i32_1 = arith.constant 0 : i32
    return %c0_i32, %c0_i32_0 : i32, i32
  }
  func.func @transform_7(%arg0: i32) -> (i32, i32) {
    %c0_i32 = arith.constant 0 : i32
    %c0_i32_0 = arith.constant 0 : i32
    %c0_i32_1 = arith.constant 0 : i32
    return %c0_i32, %c0_i32_0 : i32, i32
  }
  func.func @transform_8(%arg0: i32) -> i32 {
    %c0_i32 = arith.constant 0 : i32
    %c0_i32_0 = arith.constant 0 : i32
    return %c0_i32 : i32
  }
  func.func @transform_9(%arg0: i32) -> (i32, i32) {
    %c0_i32 = arith.constant 0 : i32
    %c0_i32_0 = arith.constant 0 : i32
    %c0_i32_1 = arith.constant 0 : i32
    return %c0_i32, %c0_i32_0 : i32, i32
  }
  func.func @transform_10(%arg0: i32) -> i32 {
    %c0_i32 = arith.constant 0 : i32
    %c0_i32_0 = arith.constant 0 : i32
    return %c0_i32 : i32
  }
  func.func @transform_11(%arg0: i32) -> (i32, i32) {
    %c0_i32 = arith.constant 0 : i32
    %c0_i32_0 = arith.constant 0 : i32
    %c0_i32_1 = arith.constant 0 : i32
    return %c0_i32, %c0_i32_0 : i32, i32
  }
  func.func @transform_12(%arg0: i32) -> (i32, i32) {
    %c0_i32 = arith.constant 0 : i32
    %c0_i32_0 = arith.constant 0 : i32
    return %arg0, %c0_i32 : i32, i32
  }
  func.func @transform_13(%arg0: i32) -> (i32, i32) {
    %c0_i32 = arith.constant 0 : i32
    %c0_i32_0 = arith.constant 0 : i32
    return %arg0, %c0_i32 : i32, i32
  }
}

</mosaic_0001>

<sc_bundles>
// kernel: kernel.10.cloned.1.call-start
scs
__scs_entry_jumppad:
0x0: {  	(pc) =	sbr.rel $0x88, $3  }
0x1: {  	(tag) =	ssettag $0x0;
	lr =	simm.s32 $0x1  }
0x2: {  	[smem:$0x3F90] =	sst lr;
	_ =	strace $0xD0000000  }
0x3: {  	_ = 	snop  }
0x4: {  	_ = 	snop  }
0x5: {  	_ = 	snop  }
0x6: {  	_ = 	snop  }
0x7: {  	_ = 	snop  }
__scs_overlays_trampoline_lowered:
0x8: {  	[smem:$0x3F9F] =	sst s0  }
0x9: {  	[smem:$0x3FA0] =	sst s1  }
0xa: {  	[smem:$0x3FA1] =	sst s2  }
0xb: {  	[smem:$0x3FA2] =	sst s3  }
0xc: {  	[smem:$0x3FA3] =	sst s4  }
0xd: {  	[smem:$0x3FA4] =	sst s5  }
0xe: {  	[smem:$0x3FA5] =	sst s6  }
0xf: {  	[smem:$0x3FA6] =	sst s7  }
0x10: {  	[smem:$0x3FA7] =	sst s8  }
0x11: {  	[smem:$0x3FA8] =	sst s9;
	s0 =	simm.s32 @!p0 $0x0  }
0x12: {  	s1 =	sld [smem:$0x3F8E];
	s0 =	simm.s32 @p0 $0x1  }
0x13: {  	[smem:$0x3FA9] =	sst s0;
	s0 =	simm.s32 @!p1 $0x0  }
0x14: {  	s2 =	sld [smem:$0x3F8D];
	s0 =	simm.s32 @p1 $0x1  }
0x15: {  	[smem:$0x3FAA] =	sst s0;
	s0 =	simm.s32 @!p2 $0x0  }
0x16: {  	s3 =	sld [smem:$0x3FDB];
	s0 =	simm.s32 @p2 $0x1  }
0x17: {  	s4 =	simm.s32 $0x1BF5;
	[smem:$0x3FAC] =	sst s0  }
0x18: {  	s0 =	sld [smem:$0x3F8F];
	_ =	swait.ge [sflag:s4], $0x0  }
0x19: {  	s7 =	sld [smem:$0x3F90]  }
0x1a: {  	s8 =	sadd.s32 $0xFFFFE003, lr  }
0x1b: {  	s9 =	sadd.s32 $0xFFFFFEF7, lr;
	s5 =	simm.s32 $0xFFFFFFFF;
	p2 =	slt.u32 s8, $0xFFFFF086  }
0x1c: {  	p1 =	slt.u32 s9, $0xF7A;
	s5 =	simm.s32 @!p2 $0x0  }
0x1d: {  	s5 =	simm.s32 @p1 $0x1;
	p0 =	seq.s32 s7, s2  }
0x1e: {  	s7 =	smul.u32 @!p0 $0xF7A, s2;
	p2 =	seq.s32 @!p0 s5, $0x0  }
0x1f: {  	s9 =	smul.u32 $0xF7A, s1;
	s8 =	simm.s32 @!p0 $0x1BF5;
	p2 =	por !p2, p0  }
0x20: {  	[sflag:s8] =	ssyncset.s32 @!p0 $0xFFFFF086;
	s6 =	sadd.s32 @!p0 s3, s7;
	s7 =	simm.s32 @!p0 $0x108  }
0x21: {  	s3 =	sadd.s32 s3, s9;
	s6 =	sadd.s32 @!p0 $0x88, s6;
	s7 =	simm.s32 @p2 $0x1082  }
0x22: {  	[simem:s7], [sflag:s8] =	dma.local @!p0 [hbm:s6], $0xF7A  }
0x23: {  	s9 =	sor.u32 $0xD0000000, s2;
	s6 =	simm.s32 $0x108;
	_ =	swait.ge @!p0 [sflag:s8], $0x0  }
0x24: {  	s3 =	sadd.s32 $0x88, s3;
	s6 =	simm.s32 @!p1 $0x1082;
	[sflag:s4] =	ssyncset.s32 $0xFFFFF086  }
0x25: {  	[simem:s6], [sflag:s4] =	dma.local [hbm:s3], $0xF7A  }
0x26: {  	[smem:$0x3F90] =	sst s1;
	(tag) =	ssettag s2;
	_ =	strace s9  }
0x27: {  	s1 =	sld [smem:$0x3FA0]  }
0x28: {  	s2 =	sld [smem:$0x3FA1]  }
0x29: {  	s4 =	sld [smem:$0x3FA3]  }
0x2a: {  	p0 =	seq.s32 s5, $0x0;
	s5 =	sld [smem:$0x3FA4]  }
0x2b: {  	s6 =	sld [smem:$0x3FA5]  }
0x2c: {  	s7 =	sld [smem:$0x3FA6]  }
0x2d: {  	s3 =	simm.s32 $0x108;
	s8 =	sld [smem:$0x3FA7]  }
0x2e: {  	s3 =	simm.s32 @!p0 $0x1082;
	s9 =	sld [smem:$0x3FA8]  }
0x2f: {  	lr =	sadd.s32 s0, s3;
	s0 =	sld [smem:$0x3F9F]  }
0x30: {  	s3 =	sld [smem:$0x3FA2]  }
0x31: {  	[smem:$0x3FAB] =	sst s10  }
0x32: {  	s10 =	sld [smem:$0x3FA9];
	_ =	sdelay $0x3  }
0x33: {  	p0 =	seq.s32 s10, $0x1;
	s10 =	sld [smem:$0x3FAB];
	_ =	sdelay $0x3  }
0x34: {  	[smem:$0x3FAB] =	sst s10  }
0x35: {  	s10 =	sld [smem:$0x3FAA];
	_ =	sdelay $0x3  }
0x36: {  	p1 =	seq.s32 s10, $0x1;
	s10 =	sld [smem:$0x3FAB];
	_ =	sdelay $0x3  }
0x37: {  	[smem:$0x3FAB] =	sst s10  }
0x38: {  	s10 =	sld [smem:$0x3FAC]  }
0x39: {  	_ = 	snop;
	(pc) =	sbr.ind lr, $3  }
0x3a: {  	_ = 	snop  }
0x3b: {  	_ = 	snop  }
0x3c: {  	p2 =	seq.s32 s10, $0x1;
	s10 =	sld [smem:$0x3FAB]  }
0x3d: {  	_ =	shalt  }
0x3e: {  	_ =	shalt  }
0x3f: {  	_ =	shalt  }
0x40: {  	_ =	shalt  }
0x41: {  	_ =	shalt  }
0x42: {  	_ =	shalt  }
0x43: {  	_ =	shalt  }
0x44: {  	_ =	shalt  }
0x45: {  	_ =	shalt  }
0x46: {  	_ =	shalt  }
0x47: {  	_ =	shalt  }
0x48: {  	_ =	shalt  }
0x49: {  	_ =	shalt  }
0x4a: {  	_ =	shalt  }
0x4b: {  	_ =	shalt  }
0x4c: {  	_ =	shalt  }
0x4d: {  	_ =	shalt  }
0x4e: {  	_ =	shalt  }
0x4f: {  	_ =	shalt  }
0x50: {  	_ =	shalt  }
0x51: {  	_ =	shalt  }
0x52: {  	_ =	shalt  }
0x53: {  	_ =	shalt  }
0x54: {  	_ =	shalt  }
0x55: {  	_ =	shalt  }
0x56: {  	_ =	shalt  }
0x57: {  	_ =	shalt  }
0x58: {  	_ =	shalt  }
0x59: {  	_ =	shalt  }
0x5a: {  	_ =	shalt  }
0x5b: {  	_ =	shalt  }
0x5c: {  	_ =	shalt  }
0x5d: {  	_ =	shalt  }
0x5e: {  	_ =	shalt  }
0x5f: {  	_ =	shalt  }
0x60: {  	_ =	shalt  }
0x61: {  	_ =	shalt  }
0x62: {  	_ =	shalt  }
0x63: {  	_ =	shalt  }
0x64: {  	_ =	shalt  }
0x65: {  	_ =	shalt  }
0x66: {  	_ =	shalt  }
0x67: {  	_ =	shalt  }
0x68: {  	_ =	shalt  }
0x69: {  	_ =	shalt  }
0x6a: {  	_ =	shalt  }
0x6b: {  	_ =	shalt  }
0x6c: {  	_ =	shalt  }
0x6d: {  	_ =	shalt  }
0x6e: {  	_ =	shalt  }
0x6f: {  	_ =	shalt  }
0x70: {  	_ =	shalt  }
0x71: {  	_ =	shalt  }
0x72: {  	_ =	shalt  }
0x73: {  	_ =	shalt  }
0x74: {  	_ =	shalt  }
0x75: {  	_ =	shalt  }
0x76: {  	_ =	shalt  }
0x77: {  	_ =	shalt  }
0x78: {  	_ =	shalt  }
0x79: {  	_ =	shalt  }
0x7a: {  	_ =	shalt  }
0x7b: {  	_ =	shalt  }
0x7c: {  	_ =	shalt  }
0x7d: {  	_ =	shalt  }
0x7e: {  	_ =	shalt  }
0x7f: {  	_ =	shalt  }
0x80: {  	_ =	shalt  }
0x81: {  	_ =	shalt  }
0x82: {  	_ =	shalt  }
0x83: {  	_ =	shalt  }
0x84: {  	_ =	shalt  }
0x85: {  	_ =	shalt  }
0x86: {  	_ =	shalt  }
0x87: {  	_ =	shalt  }
.Lfunc_end0:
.L_simem_size_0:
called_computation_lowered:
.L_overlay_start_0:
0x88: {  	s2 =	sld [smem:$0x3FD9]  }
0x89: {  	s3 =	sld [smem:$0x3FFE];
	_ =	sdelay $0x1  }
0x8a: {  	s1 =	srdreg.scid  }
0x8b: {  	s0 =	sand.u32 $0x1, s1  }
0x8c: {  	s16 =	sshll.u32 s0, $0xA;
	s2 =	sadd.s32 s3, s2  }
0x8d: {  	s2 =	sadd.s32 s2, s16  }
0x8e: {  	[smem:$0x3FB7] =	sst s2  }
0x8f: {  	_ = 	snop  }
0x90: {  	(tm) =	ssettm $0x1  }
0x91: {  	s17 =	sld [smem:$0x3FFB];
	_ =	sdelay $0x3  }
0x92: {  	_ =	strace s17  }
0x93: {  	s2 =	sld [smem:$0x3FFC];
	_ =	sdelay $0x3  }
0x94: {  	_ =	strace s2  }
0x95: {  	s2 =	sld [smem:$0x3FFD];
	_ =	sdelay $0x3  }
0x96: {  	_ =	strace s2  }
0x97: {  	_ =	strace $0x8FFFFFFF  }
0x98: {  	s18 =	sld [smem:$0x3FDB];
	_ =	sdelay $0x1  }
0x99: {  	s19 =	simm.s32 $_scs_section_size  }
0x9a: {  	s4 =	simm.s32 $_size__tile_overlayer_lowered;
	s5 =	simm.s32 $_tile_overlayer_lowered  }
0x9b: {  	s22 =	simm.s32 $0x1BFF;
	s21 =	sshll.u32 s5, $0x1;
	s2 =	sadd.s32 s19, s18  }
0x9c: {  	s6 =	simm.s32 $0x0;
	s20 =	sshll.u32 s4, $0x1;
	s4 =	sadd.s32 s21, s2  }
0x9d: {  	[timem:s6], [sflag:s22] =	dma.local [hbm:s4], s20  }
0x9e: {  	_ =	swait.ge [sflag:s22], s20  }
0x9f: {  	s3 =	ssub.s32 $0x0, s20;
	[sflag:s22] =	ssyncset.done $0x0  }
0xa0: {  	[sflag:s22] =	ssyncadd.s32 s3;
	_ =	sdelay $0x1  }
0xa1: {  	s23 =	simm.s32 $0x1B8B  }
0xa2: {  	_ =	swait.ge [sflag:s23], $0x1  }
0xa3: {  	[sflag:s23] =	ssyncset.done $0x0  }
0xa4: {  	s25 =	simm.s32 $0x1B8E;
	s24 =	sld [smem:$0x3FFE];
	[sflag:s23] =	ssyncadd.s32 $0xFFFFFFFF  }
0xa5: {  	s26 =	simm.s32 $execute0_lowered;
	[smem:$0x3FD2] =	sst s25  }
0xa6: {  	s4 =	sshll.u32 s26, $0x1;
	_ =	strace $0x80000046;
	[dreg:$0x1] =	wrdreg $0xFFFFFFFF  }
0xa7: {  	s28 =	simm.s32 $_size_execute0_lowered;
	s2 =	sadd.s32 s2, s4;
	[dreg:$0x0] =	wrdreg $0x0  }
0xa8: {  	s4 =	sshll.u32 s28, $0x1;
	[dreg:$0x2] =	wrdreg s2  }
0xa9: {  	[dreg:$0x3] =	wrdreg s4  }
0xaa: {  	[dreg:$0x4] =	wrdreg $0xC0  }
0xab: {  	_ =	task [dreg:s6], $0x5FFFF  }
0xac: {  	[dreg:$0x1] =	wrdreg $0xFFFFFFFF  }
0xad: {  	[dreg:$0x0] =	wrdreg $0x60  }
0xae: {  	[dreg:$0x2] =	wrdreg s24  }
0xaf: {  	[dreg:$0x3] =	wrdreg $0x0  }
0xb0: {  	[dreg:$0x4] =	wrdreg $0x9  }
0xb1: {  	_ =	task.clear_ibuf [dreg:s6], $0x5FFFF;
	_ =	strace $0x90000046  }
0xb2: {  	s29 =	simm.s32 $0x9;
	_ =	strace $0x80000048  }
0xb3: {  	_ =	swait.ge [sflag:s29], $0x1  }
0xb4: {  	[sflag:s29] =	ssyncadd.s32 $0xFFFFFFFF  }
0xb5: {  	_ =	strace $0x90000048  }
0xb6: {  	_ =	sfence  }
0xb7: {  	s30 =	sld [smem:$0x0];
	_ =	sdelay $0x2  }
0xb8: {  	s31 =	sshll.u32 s1, $0xD;
	s1 =	sshrl.u32 s1, $0x2  }
0xb9: {  	s3 =	sand.u32 $0x4000, s31;
	s1 =	sadd.s32 s1, s30  }
0xba: {  	s0 =	sor.u32 s3, s0;
	s1 =	sshll.u32 s1, $0x11  }
0xbb: {  	s0 =	sor.u32 s1, s0  }
0xbc: {  	s0 =	sadd.s32 $0x8F2B, s0  }
0xbd: {  	[sflag:s0] =	ssyncadd.remote.s32 $0x1  }
0xbe: {  	_ =	sfence.sel $0xFFFF  }
0xbf: {  	[dreg:$0x0] =	wrdreg $0xFFFFFFFF;
	(pc) =	sbr.abs _section_cstart, $3  }
0xc0: {  	[dreg:$0x1] =	wrdreg $0xFFFFFFFF  }
0xc1: {  	_ =	task.clear_ibuf [dreg:s6], $0x2FFFF;
	_ =	strace $0x9FFFFFFF  }
0xc2: {  	(tm) =	ssettm $0x7FFFFFFF  }
0xc3: {  	_ =	shalt  }
tec
execute0_lowered:
.L_overlay_start_1:
0x0: {  	(tag) =	ssettag $0x1  }
0x1: {  	s6 =	rddreg [dreg:$0x0]  }
0x2: {  	s2 =	rddreg [dreg:$0x1]  }
0x3: {  	s0 =	rddreg [dreg:$0x2];
	s1 =	stileid.u32;
	s3 =	simm.s32 $0x0  }
0x4: {  	s5 =	srdreg.scid;
	s15 =	simm.s32 $0xEA60;
	s16 =	simm.s32 $0x50  }
0x5: {  	s17 =	simm.s32 $0x13880;
	s18 =	simm.s32 $0x14C80;
	s19 =	simm.s32 $0x1  }
0x6: {  	s20 =	simm.s32 $0x2;
	s21 =	simm.s32 $0xEA10;
	s22 =	simm.s32 $0x137E0  }
0x7: {  	s23 =	simm.s32 $0x13830;
	s24 =	simm.s32 $0x0;
	s4 =	smul.u32 $0x4E20, s1  }
0x8: {  	[smem:$0x7FF] =	sst s3;
	s7 =	smul.u32 $0x9C40, s1;
	s10 =	sand.u32 $0x1, s5  }
0x9: {  	s5 =	sadd.s32 $0x41200, s6;
	s30 =	sshll.u32 s1, $0x6;
	_ =	strace $0x80000047  }
0xa: {  	s8 =	smul.u32 $0x9C400, s10;
	s12 =	ssub.s32 $0x2, s10;
	p0 =	seq.s32 s10, $0x1  }
0xb: {  	s4 =	sshrl.u32 s4, $0x3;
	s11 =	sshrl.u32 s7, $0x3;
	s13 =	sshrl.u32 s12, $0x1  }
0xc: {  	s31 =	sadd.s32 s7, s2;
	s9 =	sadd.s32 s4, s6;
	s4 =	sadd.s32 $0x54C00, s6  }
.Ltmp0:
0xd: {  	s8 =	sadd.s32 s7, s8;
	s11 =	sadd.s32 s11, s6;
	(pc) =	sbr.rel .LBB2_1-.Ltmp0, $4  }
0xe: {  	s12 =	ssub.s32 s12, s13;
	s7 =	sor.u32 $0x1C03, s30;
	s8 =	sshrl.u32 s8, $0x3  }
0xf: {  	s13 =	simm.s32 $0x3;
	s14 =	sadd.s32 s8, s6;
	s6 =	sadd.s32 $0x68600, s11  }
0x10: {  	s8 =	sadd.s32 $0x6600, s9;
	s9 =	sadd.s32 $0x10240, s9;
	s11 =	smax.u32 s12, $0x1  }
0x11: {  	s12 =	sshrl.u32 s31, $0x3;
	s10 =	sadd.s32 $0x7C000, s14;
	s14 =	simm.s32 $0x9C40  }
.LBB2_7:
0x12: {  	s26 =	sadd.s32 $0x9C90, s25;
	[sflag:s13] =	ssyncadd.s32 $0xFFFFEC00  }
0x13: {  	[tilespmem:s18], [sflag:$0x2] =	stream.indirect.gather [hbm4b:s5+s16], $0x40, s26, s16, $0xb8;
	[tilespmem:$0x16080] =	vst v63  }
0x14: {  	_ =	swait.ge [sflag:s19], $0x1400  }
0x15: {  	[sflag:s19] =	ssyncset.done $0x0  }
0x16: {  	s29 =	sadd.s32 $0xEA60, s25;
	[sflag:s19] =	ssyncadd.s32 $0xFFFFEC00  }
0x17: {  	[spmem:s2] =	stream.indirect.scatter.add.f32 [tilespmem:s17], [sflag:$0x3], $0x40, s29, s16, $0xb8;
	[tilespmem:$0x16080] =	vst v63  }
0x18: {  	_ =	swait.ge [sflag:s13], $0x1400  }
0x19: {  	[sflag:s13] =	ssyncset.done $0x0  }
0x1a: {  	s30 =	sadd.s32 $0x9CE0, s25;
	[sflag:s13] =	ssyncadd.s32 $0xFFFFEC00  }
0x1b: {  	[tilespmem:s17], [sflag:$0x1] =	stream.indirect.gather [hbm4b:s5+s16], $0x40, s30, s16, $0xb8;
	[tilespmem:$0x16080] =	vst v63  }
0x1c: {  	_ =	swait.ge [sflag:s20], $0x1400  }
0x1d: {  	[sflag:s20] =	ssyncset.done $0x0  }
0x1e: {  	s31 =	sadd.s32 $0xEAB0, s25;
	[sflag:s20] =	ssyncadd.s32 $0xFFFFEC00  }
0x1f: {  	[spmem:s2] =	stream.indirect.scatter.add.f32 [tilespmem:s18], [sflag:$0x3], $0x40, s31, s16, $0xb8;
	[tilespmem:$0x16080] =	vst v63  }
0x20: {  	_ =	swait.ge [sflag:s13], $0x1400  }
0x21: {  	[sflag:s13] =	ssyncset.done $0x0  }
0x22: {  	[sflag:s13] =	ssyncadd.s32 $0xFFFFEC00  }
0x23: {  	[tilespmem:s18], [sflag:$0x2] =	stream.indirect.gather [hbm4b:s5+s16], $0x40, s21, s16, $0xb8;
	[tilespmem:$0x16080] =	vst v63  }
.LBB2_8:
0x24: {  	_ =	swait.ge [sflag:s19], $0x1400  }
0x25: {  	[sflag:s19] =	ssyncset.done $0x0  }
0x26: {  	[sflag:s19] =	ssyncadd.s32 $0xFFFFEC00  }
0x27: {  	[spmem:s2] =	stream.indirect.scatter.add.f32 [tilespmem:s17], [sflag:$0x3], $0x40, s22, s16, $0xb8;
	[tilespmem:$0x16080] =	vst v63  }
0x28: {  	_ =	swait.ge [sflag:s13], $0x1400  }
0x29: {  	[sflag:s13] =	ssyncset.done $0x0  }
0x2a: {  	[sflag:s13] =	ssyncadd.s32 $0xFFFFEC00  }
0x2b: {  	_ =	swait.ge [sflag:s20], $0x1400  }
0x2c: {  	[sflag:s20] =	ssyncset.done $0x0  }
0x2d: {  	[sflag:s20] =	ssyncadd.s32 $0xFFFFEC00  }
0x2e: {  	[spmem:s2] =	stream.indirect.scatter.add.f32 [tilespmem:s18], [sflag:$0x3], $0x40, s23, s16, $0xb8;
	[tilespmem:$0x16080] =	vst v63  }
0x2f: {  	_ =	swait.ge [sflag:s13], $0x1400  }
0x30: {  	s24 =	sadd.s32 $0x1, s24;
	[sflag:s13] =	ssyncset.done $0x0  }
0x31: {  	p1 =	sne.s32 s24, s11;
	[sflag:s13] =	ssyncadd.s32 $0xFFFFEC00  }
.Ltmp1:
0x32: {  	[bflag:$0x0] =	sbarrier.arrive $0xFFFF;
	(pc) =	sbr.rel @!p1 .LBB2_9-.Ltmp1, $4  }
0x33: {  	[hbm:s10], [sflag:s7] =	dma.local [spmem:s12], $0x1388  }
0x34: {  	_ =	swait.ge [sflag:s13], $0x1388  }
0x35: {  	[sflag:s13] =	ssyncset.done $0x0  }
0x36: {  	[sflag:s13] =	ssyncadd.s32 $0xFFFFEC78  }
.LBB2_1:
0x37: {  	[spmem:s12], [sflag:s7] =	dma.local [hbm:s6], $0x1388  }
0x38: {  	_ =	swait.ge [sflag:s13], $0x1388  }
0x39: {  	[sflag:s13] =	ssyncset.done $0x0  }
0x3a: {  	[sflag:s13] =	ssyncadd.s32 $0xFFFFEC78  }
0x3b: {  	[tilespmem:s14], [sflag:$0x3] =	stream.linear.gather [hbm4b:s8+s3], $0x4E20, $0x38;
	[tilespmem:$0x16080] =	vst v63  }
0x3c: {  	_ =	swait.ge [sflag:s13], $0x4E20  }
0x3d: {  	[sflag:s13] =	ssyncset.done $0x0  }
0x3e: {  	[sflag:s13] =	ssyncadd.s32 $0xFFFFB1E0  }
0x3f: {  	[tilespmem:s15], [sflag:$0x3] =	stream.linear.gather [hbm4b:s9+s3], $0x4E20, $0x38;
	[tilespmem:$0x16080] =	vst v63  }
.Ltmp2:
0x40: {  	_ =	swait.ge [sflag:s13], $0x4E20;
	(pc) =	sbr.rel @!p0 .LBB2_2-.Ltmp2, $3  }
0x41: {  	[sflag:s13] =	ssyncset.done $0x0  }
0x42: {  	[sflag:s13] =	ssyncadd.s32 $0xFFFFB1E0  }
0x43: {  	[bflag:$0x0] =	sbarrier.arrive $0xFFFF;
	_ =	sdelay $0x1  }
0x44: {  	[tilespmem:s17], [sflag:$0x1] =	stream.indirect.gather [hbm4b:s5+s16], $0x40, s14, s16, $0xb8;
	[tilespmem:$0x16080] =	vst v63  }
0x45: {  	s25 =	simm.s32 $0x9C90  }
0x46: {  	[tilespmem:s18], [sflag:$0x2] =	stream.indirect.gather [hbm4b:s5+s16], $0x40, s25, s16, $0xb8;
	[tilespmem:$0x16080] =	vst v63  }
0x47: {  	_ =	swait.ge [sflag:s19], $0x1400  }
0x48: {  	[sflag:s19] =	ssyncset.done $0x0  }
0x49: {  	s29 =	simm.s32 $0xEA60;
	[sflag:s19] =	ssyncadd.s32 $0xFFFFEC00  }
0x4a: {  	[spmem:s2] =	stream.indirect.scatter.add.f32 [tilespmem:s17], [sflag:$0x3], $0x40, s29, s16, $0xb8;
	[tilespmem:$0x16080] =	vst v63  }
0x4b: {  	_ =	swait.ge [sflag:s13], $0x1400  }
0x4c: {  	[sflag:s13] =	ssyncset.done $0x0  }
0x4d: {  	s30 =	simm.s32 $0x9CE0;
	[sflag:s13] =	ssyncadd.s32 $0xFFFFEC00  }
0x4e: {  	[tilespmem:s17], [sflag:$0x1] =	stream.indirect.gather [hbm4b:s5+s16], $0x40, s30, s16, $0xb8;
	[tilespmem:$0x16080] =	vst v63  }
0x4f: {  	_ =	swait.ge [sflag:s20], $0x1400  }
0x50: {  	[sflag:s20] =	ssyncset.done $0x0  }
0x51: {  	s31 =	simm.s32 $0xEAB0;
	[sflag:s20] =	ssyncadd.s32 $0xFFFFEC00  }
0x52: {  	[spmem:s2] =	stream.indirect.scatter.add.f32 [tilespmem:s18], [sflag:$0x3], $0x40, s31, s16, $0xb8;
	[tilespmem:$0x16080] =	vst v63  }
0x53: {  	_ =	swait.ge [sflag:s13], $0x1400  }
0x54: {  	s26 =	simm.s32 $0x500;
	s25 =	simm.s32 $0xA0;
	[sflag:s13] =	ssyncset.done $0x0  }
.LBB2_6:
0x55: {  	s28 =	sadd.s32 $0x9C90, s25  }
0x56: {  	[sflag:s13] =	ssyncadd.s32 $0xFFFFEC00;
	s29 =	smov.u32 s26;
	s30 =	sadd.s32 $0x280, s26  }
0x57: {  	[tilespmem:s18], [sflag:$0x2] =	stream.indirect.gather [hbm4b:s5+s16], $0x40, s28, s16, $0xb8;
	[tilespmem:$0x16080] =	vst v63  }
0x58: {  	p1 =	sne.s32 s26, $0x13380;
	_ =	swait.ge [sflag:s19], $0x1400  }
0x59: {  	[sflag:s19] =	ssyncset.done $0x0  }
0x5a: {  	s26 =	sadd.s32 $0xEA60, s25;
	[sflag:s19] =	ssyncadd.s32 $0xFFFFEC00  }
0x5b: {  	[spmem:s2] =	stream.indirect.scatter.add.f32 [tilespmem:s17], [sflag:$0x3], $0x40, s26, s16, $0xb8;
	[tilespmem:$0x16080] =	vst v63  }
0x5c: {  	_ =	swait.ge [sflag:s13], $0x1400  }
0x5d: {  	[sflag:s13] =	ssyncset.done $0x0  }
0x5e: {  	s26 =	sadd.s32 $0x9CE0, s25;
	[sflag:s13] =	ssyncadd.s32 $0xFFFFEC00  }
0x5f: {  	[tilespmem:s17], [sflag:$0x1] =	stream.indirect.gather [hbm4b:s5+s16], $0x40, s26, s16, $0xb8;
	[tilespmem:$0x16080] =	vst v63  }
0x60: {  	_ =	swait.ge [sflag:s20], $0x1400  }
.Ltmp3:
0x61: {  	[sflag:s20] =	ssyncset.done $0x0;
	(pc) =	sbr.rel @p1 .LBB2_6-.Ltmp3, $4  }
0x62: {  	s25 =	sadd.s32 $0xEAB0, s25;
	[sflag:s20] =	ssyncadd.s32 $0xFFFFEC00  }
0x63: {  	[spmem:s2] =	stream.indirect.scatter.add.f32 [tilespmem:s18], [sflag:$0x3], $0x40, s25, s16, $0xb8;
	[tilespmem:$0x16080] =	vst v63  }
0x64: {  	_ =	swait.ge [sflag:s13], $0x1400  }
0x65: {  	s26 =	smov.u32 s30;
	s25 =	sshra.s32 s29, $0x2;
	[sflag:s13] =	ssyncset.done $0x0  }
.Ltmp4:
0x66: {  	_ = 	snop;
	(pc) =	sbr.rel .LBB2_7-.Ltmp4, $1  }
0x67: {  	_ =	sdelay $0x3  }
.LBB2_2:
0x68: {  	[tilespmem:s17], [sflag:$0x1] =	stream.indirect.gather [hbm4b:s4+s16], $0x40, s14, s16, $0xb8;
	[tilespmem:$0x16080] =	vst v63  }
0x69: {  	s25 =	simm.s32 $0x9C90  }
0x6a: {  	[tilespmem:s18], [sflag:$0x2] =	stream.indirect.gather [hbm4b:s4+s16], $0x40, s25, s16, $0xb8;
	[tilespmem:$0x16080] =	vst v63  }
0x6b: {  	_ =	swait.ge [sflag:s19], $0x1400  }
0x6c: {  	[sflag:s19] =	ssyncset.done $0x0  }
0x6d: {  	s29 =	simm.s32 $0xEA60;
	[sflag:s19] =	ssyncadd.s32 $0xFFFFEC00  }
0x6e: {  	[spmem:s2] =	stream.indirect.scatter.add.f32 [tilespmem:s17], [sflag:$0x3], $0x40, s29, s16, $0xb8;
	[tilespmem:$0x16080] =	vst v63  }
0x6f: {  	_ =	swait.ge [sflag:s13], $0x1400  }
0x70: {  	[sflag:s13] =	ssyncset.done $0x0  }
0x71: {  	s30 =	simm.s32 $0x9CE0;
	[sflag:s13] =	ssyncadd.s32 $0xFFFFEC00  }
0x72: {  	[tilespmem:s17], [sflag:$0x1] =	stream.indirect.gather [hbm4b:s4+s16], $0x40, s30, s16, $0xb8;
	[tilespmem:$0x16080] =	vst v63  }
0x73: {  	_ =	swait.ge [sflag:s20], $0x1400  }
0x74: {  	[sflag:s20] =	ssyncset.done $0x0  }
0x75: {  	s31 =	simm.s32 $0xEAB0;
	[sflag:s20] =	ssyncadd.s32 $0xFFFFEC00  }
0x76: {  	[spmem:s2] =	stream.indirect.scatter.add.f32 [tilespmem:s18], [sflag:$0x3], $0x40, s31, s16, $0xb8;
	[tilespmem:$0x16080] =	vst v63  }
0x77: {  	_ =	swait.ge [sflag:s13], $0x1400  }
0x78: {  	s26 =	simm.s32 $0x500;
	s25 =	simm.s32 $0xA0;
	[sflag:s13] =	ssyncset.done $0x0  }
.LBB2_3:
0x79: {  	s28 =	sadd.s32 $0x9C90, s25  }
0x7a: {  	[sflag:s13] =	ssyncadd.s32 $0xFFFFEC00;
	s29 =	smov.u32 s26;
	s30 =	sadd.s32 $0x280, s26  }
0x7b: {  	[tilespmem:s18], [sflag:$0x2] =	stream.indirect.gather [hbm4b:s4+s16], $0x40, s28, s16, $0xb8;
	[tilespmem:$0x16080] =	vst v63  }
0x7c: {  	p1 =	seq.s32 s26, $0x13380;
	_ =	swait.ge [sflag:s19], $0x1400  }
0x7d: {  	[sflag:s19] =	ssyncset.done $0x0  }
0x7e: {  	s26 =	sadd.s32 $0xEA60, s25;
	[sflag:s19] =	ssyncadd.s32 $0xFFFFEC00  }
0x7f: {  	[spmem:s2] =	stream.indirect.scatter.add.f32 [tilespmem:s17], [sflag:$0x3], $0x40, s26, s16, $0xb8;
	[tilespmem:$0x16080] =	vst v63  }
0x80: {  	_ =	swait.ge [sflag:s13], $0x1400  }
0x81: {  	[sflag:s13] =	ssyncset.done $0x0  }
0x82: {  	s26 =	sadd.s32 $0x9CE0, s25;
	[sflag:s13] =	ssyncadd.s32 $0xFFFFEC00  }
0x83: {  	[tilespmem:s17], [sflag:$0x1] =	stream.indirect.gather [hbm4b:s4+s16], $0x40, s26, s16, $0xb8;
	[tilespmem:$0x16080] =	vst v63  }
0x84: {  	_ =	swait.ge [sflag:s20], $0x1400  }
.Ltmp5:
0x85: {  	[sflag:s20] =	ssyncset.done $0x0;
	(pc) =	sbr.rel @!p1 .LBB2_3-.Ltmp5, $4  }
0x86: {  	s25 =	sadd.s32 $0xEAB0, s25;
	[sflag:s20] =	ssyncadd.s32 $0xFFFFEC00  }
0x87: {  	[spmem:s2] =	stream.indirect.scatter.add.f32 [tilespmem:s18], [sflag:$0x3], $0x40, s25, s16, $0xb8;
	[tilespmem:$0x16080] =	vst v63  }
0x88: {  	_ =	swait.ge [sflag:s13], $0x1400  }
0x89: {  	s26 =	smov.u32 s30;
	s25 =	sshra.s32 s29, $0x2;
	[sflag:s13] =	ssyncset.done $0x0  }
0x8a: {  	s26 =	sadd.s32 $0x9C90, s25;
	[sflag:s13] =	ssyncadd.s32 $0xFFFFEC00  }
0x8b: {  	[tilespmem:s18], [sflag:$0x2] =	stream.indirect.gather [hbm4b:s4+s16], $0x40, s26, s16, $0xb8;
	[tilespmem:$0x16080] =	vst v63  }
0x8c: {  	_ =	swait.ge [sflag:s19], $0x1400  }
0x8d: {  	[sflag:s19] =	ssyncset.done $0x0  }
0x8e: {  	s29 =	sadd.s32 $0xEA60, s25;
	[sflag:s19] =	ssyncadd.s32 $0xFFFFEC00  }
0x8f: {  	[spmem:s2] =	stream.indirect.scatter.add.f32 [tilespmem:s17], [sflag:$0x3], $0x40, s29, s16, $0xb8;
	[tilespmem:$0x16080] =	vst v63  }
0x90: {  	_ =	swait.ge [sflag:s13], $0x1400  }
0x91: {  	[sflag:s13] =	ssyncset.done $0x0  }
0x92: {  	s30 =	sadd.s32 $0x9CE0, s25;
	[sflag:s13] =	ssyncadd.s32 $0xFFFFEC00  }
0x93: {  	[tilespmem:s17], [sflag:$0x1] =	stream.indirect.gather [hbm4b:s4+s16], $0x40, s30, s16, $0xb8;
	[tilespmem:$0x16080] =	vst v63  }
0x94: {  	_ =	swait.ge [sflag:s20], $0x1400  }
0x95: {  	[sflag:s20] =	ssyncset.done $0x0  }
0x96: {  	s31 =	sadd.s32 $0xEAB0, s25;
	[sflag:s20] =	ssyncadd.s32 $0xFFFFEC00  }
0x97: {  	[spmem:s2] =	stream.indirect.scatter.add.f32 [tilespmem:s18], [sflag:$0x3], $0x40, s31, s16, $0xb8;
	[tilespmem:$0x16080] =	vst v63  }
.Ltmp6:
0x98: {  	_ = 	snop;
	(pc) =	sbr.rel .LBB2_8-.Ltmp6, $4  }
0x99: {  	_ =	swait.ge [sflag:s13], $0x1400  }
0x9a: {  	[sflag:s13] =	ssyncset.done $0x0  }
0x9b: {  	[sflag:s13] =	ssyncadd.s32 $0xFFFFEC00  }
0x9c: {  	[tilespmem:s18], [sflag:$0x2] =	stream.indirect.gather [hbm4b:s4+s16], $0x40, s21, s16, $0xb8;
	[tilespmem:$0x16080] =	vst v63  }
.LBB2_9:
0x9d: {  	_ =	sfence.sel $0x180000  }
0x9e: {  	[bflag:$0x0] =	sbarrier.arrive $0xFFFF  }
0x9f: {  	p0 =	sne.s32 s1, $0x0;
	_ =	strace $0x90000047  }
0xa0: {  	s0 =	sadd.s32 @!p0 $0x100000, s0;
	[bflag:$0x2] =	sbarrier.arrive $0xFFFF  }
0xa1: {  	[sflag:s0] =	ssyncadd.tile.s32 @!p0 $0x1;
	_ =	shalt  }
.Lfunc_end2:
_tile_overlayer_lowered:
.L_overlay_start_2:
0xa2: {  	(tag) =	ssettag $0x2  }
0xa3: {  	s0 =	rddreg [dreg:$0x0];
	s2 =	stileid.u32  }
0xa4: {  	s1 =	rddreg [dreg:$0x1];
	p0 =	sne.s32 s2, $0x0  }
0xa5: {  	s3 =	rddreg [dreg:$0x2];
	[bflag:$0x3] =	sbarrier.arrive $0xFFFF;
	s2 =	simm.s32 @!p0 $0x1C03  }
0xa6: {  	[timem:s3], [sflag:s2] =	dma.local @!p0 [hbm:s0], s1  }
0xa7: {  	s0 =	simm.s32 @!p0 $0x3  }
0xa8: {  	_ =	swait.ge @!p0 [sflag:s0], s1  }
0xa9: {  	s1 =	ssub.s32 @!p0 $0x0, s1;
	[sflag:s0] =	ssyncset.done @!p0 $0x0  }
0xaa: {  	[sflag:s0] =	ssyncadd.s32 @!p0 s1  }
0xab: {  	[bflag:$0x3] =	sbarrier.arrive $0xFFFF  }
0xac: {  	_ =	shalt  }

// kernel: kernel.13.cloned.1.call-start
scs
__scs_entry_jumppad:
0x0: {  	(pc) =	sbr.rel $0x88, $3  }
0x1: {  	(tag) =	ssettag $0x0;
	lr =	simm.s32 $0x1  }
0x2: {  	[smem:$0x3F90] =	sst lr;
	_ =	strace $0xD0000000  }
0x3: {  	_ = 	snop  }
0x4: {  	_ = 	snop  }
0x5: {  	_ = 	snop  }
0x6: {  	_ = 	snop  }
0x7: {  	_ = 	snop  }
__scs_overlays_trampoline_lowered:
0x8: {  	[smem:$0x3F9F] =	sst s0  }
0x9: {  	[smem:$0x3FA0] =	sst s1  }
0xa: {  	[smem:$0x3FA1] =	sst s2  }
0xb: {  	[smem:$0x3FA2] =	sst s3  }
0xc: {  	[smem:$0x3FA3] =	sst s4  }
0xd: {  	[smem:$0x3FA4] =	sst s5  }
0xe: {  	[smem:$0x3FA5] =	sst s6  }
0xf: {  	[smem:$0x3FA6] =	sst s7  }
0x10: {  	[smem:$0x3FA7] =	sst s8  }
0x11: {  	[smem:$0x3FA8] =	sst s9;
	s0 =	simm.s32 @!p0 $0x0  }
0x12: {  	s1 =	sld [smem:$0x3F8E];
	s0 =	simm.s32 @p0 $0x1  }
0x13: {  	[smem:$0x3FA9] =	sst s0;
	s0 =	simm.s32 @!p1 $0x0  }
0x14: {  	s2 =	sld [smem:$0x3F8D];
	s0 =	simm.s32 @p1 $0x1  }
0x15: {  	[smem:$0x3FAA] =	sst s0;
	s0 =	simm.s32 @!p2 $0x0  }
0x16: {  	s3 =	sld [smem:$0x3FDB];
	s0 =	simm.s32 @p2 $0x1  }
0x17: {  	s4 =	simm.s32 $0x1BF5;
	[smem:$0x3FAC] =	sst s0  }
0x18: {  	s0 =	sld [smem:$0x3F8F];
	_ =	swait.ge [sflag:s4], $0x0  }
0x19: {  	s7 =	sld [smem:$0x3F90]  }
0x1a: {  	s8 =	sadd.s32 $0xFFFFE003, lr  }
0x1b: {  	s9 =	sadd.s32 $0xFFFFFEF7, lr;
	s5 =	simm.s32 $0xFFFFFFFF;
	p2 =	slt.u32 s8, $0xFFFFF086  }
0x1c: {  	p1 =	slt.u32 s9, $0xF7A;
	s5 =	simm.s32 @!p2 $0x0  }
0x1d: {  	s5 =	simm.s32 @p1 $0x1;
	p0 =	seq.s32 s7, s2  }
0x1e: {  	s7 =	smul.u32 @!p0 $0xF7A, s2;
	p2 =	seq.s32 @!p0 s5, $0x0  }
0x1f: {  	s9 =	smul.u32 $0xF7A, s1;
	s8 =	simm.s32 @!p0 $0x1BF5;
	p2 =	por !p2, p0  }
0x20: {  	[sflag:s8] =	ssyncset.s32 @!p0 $0xFFFFF086;
	s6 =	sadd.s32 @!p0 s3, s7;
	s7 =	simm.s32 @!p0 $0x108  }
0x21: {  	s3 =	sadd.s32 s3, s9;
	s6 =	sadd.s32 @!p0 $0x88, s6;
	s7 =	simm.s32 @p2 $0x1082  }
0x22: {  	[simem:s7], [sflag:s8] =	dma.local @!p0 [hbm:s6], $0xF7A  }
0x23: {  	s9 =	sor.u32 $0xD0000000, s2;
	s6 =	simm.s32 $0x108;
	_ =	swait.ge @!p0 [sflag:s8], $0x0  }
0x24: {  	s3 =	sadd.s32 $0x88, s3;
	s6 =	simm.s32 @!p1 $0x1082;
	[sflag:s4] =	ssyncset.s32 $0xFFFFF086  }
0x25: {  	[simem:s6], [sflag:s4] =	dma.local [hbm:s3], $0xF7A  }
0x26: {  	[smem:$0x3F90] =	sst s1;
	(tag) =	ssettag s2;
	_ =	strace s9  }
0x27: {  	s1 =	sld [smem:$0x3FA0]  }
0x28: {  	s2 =	sld [smem:$0x3FA1]  }
0x29: {  	s4 =	sld [smem:$0x3FA3]  }
0x2a: {  	p0 =	seq.s32 s5, $0x0;
	s5 =	sld [smem:$0x3FA4]  }
0x2b: {  	s6 =	sld [smem:$0x3FA5]  }
0x2c: {  	s7 =	sld [smem:$0x3FA6]  }
0x2d: {  	s3 =	simm.s32 $0x108;
	s8 =	sld [smem:$0x3FA7]  }
0x2e: {  	s3 =	simm.s32 @!p0 $0x1082;
	s9 =	sld [smem:$0x3FA8]  }
0x2f: {  	lr =	sadd.s32 s0, s3;
	s0 =	sld [smem:$0x3F9F]  }
0x30: {  	s3 =	sld [smem:$0x3FA2]  }
0x31: {  	[smem:$0x3FAB] =	sst s10  }
0x32: {  	s10 =	sld [smem:$0x3FA9];
	_ =	sdelay $0x3  }
0x33: {  	p0 =	seq.s32 s10, $0x1;
	s10 =	sld [smem:$0x3FAB];
	_ =	sdelay $0x3  }
0x34: {  	[smem:$0x3FAB] =	sst s10  }
0x35: {  	s10 =	sld [smem:$0x3FAA];
	_ =	sdelay $0x3  }
0x36: {  	p1 =	seq.s32 s10, $0x1;
	s10 =	sld [smem:$0x3FAB];
	_ =	sdelay $0x3  }
0x37: {  	[smem:$0x3FAB] =	sst s10  }
0x38: {  	s10 =	sld [smem:$0x3FAC]  }
0x39: {  	_ = 	snop;
	(pc) =	sbr.ind lr, $3  }
0x3a: {  	_ = 	snop  }
0x3b: {  	_ = 	snop  }
0x3c: {  	p2 =	seq.s32 s10, $0x1;
	s10 =	sld [smem:$0x3FAB]  }
0x3d: {  	_ =	shalt  }
0x3e: {  	_ =	shalt  }
0x3f: {  	_ =	shalt  }
0x40: {  	_ =	shalt  }
0x41: {  	_ =	shalt  }
0x42: {  	_ =	shalt  }
0x43: {  	_ =	shalt  }
0x44: {  	_ =	shalt  }
0x45: {  	_ =	shalt  }
0x46: {  	_ =	shalt  }
0x47: {  	_ =	shalt  }
0x48: {  	_ =	shalt  }
0x49: {  	_ =	shalt  }
0x4a: {  	_ =	shalt  }
0x4b: {  	_ =	shalt  }
0x4c: {  	_ =	shalt  }
0x4d: {  	_ =	shalt  }
0x4e: {  	_ =	shalt  }
0x4f: {  	_ =	shalt  }
0x50: {  	_ =	shalt  }
0x51: {  	_ =	shalt  }
0x52: {  	_ =	shalt  }
0x53: {  	_ =	shalt  }
0x54: {  	_ =	shalt  }
0x55: {  	_ =	shalt  }
0x56: {  	_ =	shalt  }
0x57: {  	_ =	shalt  }
0x58: {  	_ =	shalt  }
0x59: {  	_ =	shalt  }
0x5a: {  	_ =	shalt  }
0x5b: {  	_ =	shalt  }
0x5c: {  	_ =	shalt  }
0x5d: {  	_ =	shalt  }
0x5e: {  	_ =	shalt  }
0x5f: {  	_ =	shalt  }
0x60: {  	_ =	shalt  }
0x61: {  	_ =	shalt  }
0x62: {  	_ =	shalt  }
0x63: {  	_ =	shalt  }
0x64: {  	_ =	shalt  }
0x65: {  	_ =	shalt  }
0x66: {  	_ =	shalt  }
0x67: {  	_ =	shalt  }
0x68: {  	_ =	shalt  }
0x69: {  	_ =	shalt  }
0x6a: {  	_ =	shalt  }
0x6b: {  	_ =	shalt  }
0x6c: {  	_ =	shalt  }
0x6d: {  	_ =	shalt  }
0x6e: {  	_ =	shalt  }
0x6f: {  	_ =	shalt  }
0x70: {  	_ =	shalt  }
0x71: {  	_ =	shalt  }
0x72: {  	_ =	shalt  }
0x73: {  	_ =	shalt  }
0x74: {  	_ =	shalt  }
0x75: {  	_ =	shalt  }
0x76: {  	_ =	shalt  }
0x77: {  	_ =	shalt  }
0x78: {  	_ =	shalt  }
0x79: {  	_ =	shalt  }
0x7a: {  	_ =	shalt  }
0x7b: {  	_ =	shalt  }
0x7c: {  	_ =	shalt  }
0x7d: {  	_ =	shalt  }
0x7e: {  	_ =	shalt  }
0x7f: {  	_ =	shalt  }
0x80: {  	_ =	shalt  }
0x81: {  	_ =	shalt  }
0x82: {  	_ =	shalt  }
0x83: {  	_ =	shalt  }
0x84: {  	_ =	shalt  }
0x85: {  	_ =	shalt  }
0x86: {  	_ =	shalt  }
0x87: {  	_ =	shalt  }
.Lfunc_end0:
.L_simem_size_0:
called_computation.1_lowered:
.L_overlay_start_0:
0x88: {  	s2 =	sld [smem:$0x3FD9]  }
0x89: {  	s3 =	sld [smem:$0x3FFE];
	_ =	sdelay $0x1  }
0x8a: {  	s1 =	srdreg.scid  }
0x8b: {  	s0 =	sand.u32 $0x1, s1  }
0x8c: {  	s17 =	sshll.u32 s0, $0xA;
	s2 =	sadd.s32 s3, s2  }
0x8d: {  	s2 =	sadd.s32 s2, s17  }
0x8e: {  	[smem:$0x3FB7] =	sst s2  }
0x8f: {  	_ = 	snop  }
0x90: {  	s18 =	sld [smem:$0x3FD0];
	(tm) =	ssettm $0x1  }
0x91: {  	s19 =	sld [smem:$0x3FFB];
	_ =	sdelay $0x3  }
0x92: {  	_ =	strace s19  }
0x93: {  	s2 =	sld [smem:$0x3FFC];
	_ =	sdelay $0x3  }
0x94: {  	_ =	strace s2  }
0x95: {  	s2 =	sld [smem:$0x3FFD];
	_ =	sdelay $0x3  }
0x96: {  	_ =	strace s2  }
0x97: {  	_ =	strace $0x8FFFFFFF  }
0x98: {  	s20 =	sld [smem:$0x3FDB];
	_ =	sdelay $0x1  }
0x99: {  	s4 =	simm.s32 $_scs_section_size  }
0x9a: {  	s5 =	simm.s32 $_size__tile_overlayer_lowered;
	s6 =	simm.s32 $_tile_overlayer_lowered  }
0x9b: {  	s7 =	simm.s32 $0x1BFF;
	s21 =	sshll.u32 s6, $0x1;
	s4 =	sadd.s32 s4, s20  }
0x9c: {  	s22 =	simm.s32 $0x0;
	s5 =	sshll.u32 s5, $0x1;
	s6 =	sadd.s32 s21, s4  }
0x9d: {  	[timem:s22], [sflag:s7] =	dma.local [hbm:s6], s5  }
0x9e: {  	_ =	swait.ge [sflag:s7], s5  }
0x9f: {  	s5 =	ssub.s32 $0x0, s5;
	[sflag:s7] =	ssyncset.done $0x0  }
0xa0: {  	[sflag:s7] =	ssyncadd.s32 s5;
	_ =	sdelay $0x1  }
0xa1: {  	s23 =	simm.s32 $0x1B8B  }
0xa2: {  	_ =	swait.ge [sflag:s23], $0x1  }
0xa3: {  	[sflag:s23] =	ssyncset.done $0x0  }
0xa4: {  	[sflag:s23] =	ssyncadd.s32 $0xFFFFFFFF  }
0xa5: {  	s5 =	sld [smem:$0x0]  }
0xa6: {  	s6 =	sand.u32 $0xFFFFFFFE, s1  }
0xa7: {  	p0 =	sne.s32 s1, s6  }
0xa8: {  	s6 =	sshll.u32 @p0 s6, $0xE  }
0xa9: {  	s6 =	sadd.s32 @p0 $0x11B8D, s6;
	s7 =	sshll.u32 @p0 s5, $0x11  }
0xaa: {  	s6 =	sor.u32 @p0 s7, s6  }
0xab: {  	[sflag:s6] =	ssyncadd.remote.s32 @p0 $0x1;
	_ =	sdelay $0x1  }
0xac: {  	s6 =	simm.s32 @p0 $0x1B8D  }
0xad: {  	_ =	swait.eq @p0 [sflag:s6], $0x1  }
0xae: {  	[sflag:s6] =	ssyncadd.s32 @p0 $0xFFFFFFFF  }
0xaf: {  	s7 =	sshll.u32 @!p0 s1, $0xE  }
0xb0: {  	s7 =	sor.u32 @!p0 $0x4000, s7;
	s6 =	simm.s32 @!p0 $0x1B8D  }
0xb1: {  	s5 =	sshll.u32 @!p0 s5, $0x11;
	s7 =	sadd.s32 @!p0 $0x11B8D, s7;
	_ =	swait.eq @!p0 [sflag:s6], $0x1  }
0xb2: {  	s5 =	sor.u32 @!p0 s5, s7;
	[sflag:s6] =	ssyncadd.s32 @!p0 $0xFFFFFFFF  }
0xb3: {  	s25 =	simm.s32 $0x1B8E;
	s24 =	sld [smem:$0x3FFE];
	[sflag:s5] =	ssyncadd.remote.s32 @!p0 $0x1  }
0xb4: {  	s26 =	simm.s32 $execute0_lowered;
	[smem:$0x3FD2] =	sst s25  }
0xb5: {  	s6 =	sshll.u32 s26, $0x1;
	_ =	strace $0x80000049;
	[dreg:$0x1] =	wrdreg $0xFFFFFFFF  }
0xb6: {  	s28 =	simm.s32 $_size_execute0_lowered;
	s4 =	sadd.s32 s4, s6;
	[dreg:$0x0] =	wrdreg $0x0  }
0xb7: {  	s6 =	sshll.u32 s28, $0x1;
	[dreg:$0x2] =	wrdreg s4  }
0xb8: {  	[dreg:$0x3] =	wrdreg s6  }
0xb9: {  	[dreg:$0x4] =	wrdreg $0xC0  }
0xba: {  	_ =	task [dreg:s22], $0x5FFFF  }
0xbb: {  	[dreg:$0x1] =	wrdreg $0xFFFFFFFF  }
0xbc: {  	[dreg:$0x0] =	wrdreg $0x60  }
0xbd: {  	[dreg:$0x2] =	wrdreg s24  }
0xbe: {  	[dreg:$0x3] =	wrdreg s18  }
0xbf: {  	[dreg:$0x4] =	wrdreg $0x0  }
0xc0: {  	[dreg:$0x5] =	wrdreg $0x27100  }
0xc1: {  	[dreg:$0x6] =	wrdreg $0xA  }
0xc2: {  	_ =	task.clear_ibuf [dreg:s22], $0x7FFFF;
	_ =	strace $0x90000049  }
0xc3: {  	s29 =	simm.s32 $0xA;
	_ =	strace $0x8000004B  }
0xc4: {  	_ =	swait.ge [sflag:s29], $0x1  }
0xc5: {  	[sflag:s29] =	ssyncadd.s32 $0xFFFFFFFF  }
0xc6: {  	_ =	strace $0x9000004B  }
0xc7: {  	_ =	sfence  }
0xc8: {  	s30 =	sld [smem:$0x0];
	_ =	sdelay $0x2  }
0xc9: {  	s31 =	sshll.u32 s1, $0xD;
	s1 =	sshrl.u32 s1, $0x2  }
0xca: {  	s4 =	sand.u32 $0x4000, s31;
	s1 =	sadd.s32 s1, s30  }
0xcb: {  	s0 =	sor.u32 s4, s0;
	s1 =	sshll.u32 s1, $0x11  }
0xcc: {  	s0 =	sor.u32 s1, s0  }
0xcd: {  	s0 =	sadd.s32 $0x8F2B, s0  }
0xce: {  	[sflag:s0] =	ssyncadd.remote.s32 $0x1  }
0xcf: {  	_ =	sfence.sel $0xFFFF  }
0xd0: {  	[dreg:$0x0] =	wrdreg $0xFFFFFFFF;
	(pc) =	sbr.abs _section_cstart, $3  }
0xd1: {  	[dreg:$0x1] =	wrdreg $0xFFFFFFFF  }
0xd2: {  	_ =	task.clear_ibuf [dreg:s22], $0x2FFFF;
	_ =	strace $0x9FFFFFFF  }
0xd3: {  	(tm) =	ssettm $0x7FFFFFFF  }
tec
execute0_lowered:
.L_overlay_start_1:
0x0: {  	(tag) =	ssettag $0x1  }
0x1: {  	s8 =	rddreg [dreg:$0x0]  }
0x2: {  	s11 =	rddreg [dreg:$0x1]  }
0x3: {  	s2 =	rddreg [dreg:$0x2]  }
0x4: {  	s3 =	rddreg [dreg:$0x3]  }
0x5: {  	s1 =	stileid.u32;
	s4 =	simm.s32 $0x0;
	s5 =	srdreg.scid  }
0x6: {  	s18 =	simm.s32 $0x7F30;
	s19 =	simm.s32 $0x7530;
	s20 =	simm.s32 $0x7A30  }
0x7: {  	s21 =	simm.s32 $0x1;
	s22 =	simm.s32 $0x50;
	s23 =	simm.s32 $0x2  }
0x8: {  	s24 =	simm.s32 $0x74E0;
	s25 =	simm.s32 $0x0;
	s9 =	smul.u32 $0x2710, s1  }
0x9: {  	[smem:$0x7FF] =	sst s4;
	s6 =	sand.u32 $0x1, s5;
	s5 =	sadd.s32 $0xA8200, s8  }
0xa: {  	s30 =	sshll.u32 s1, $0x6;
	_ =	strace $0x8000004A;
	s10 =	smul.u32 $0x27100, s6  }
0xb: {  	s12 =	sshll.u32 s6, $0x4;
	s6 =	ssub.s32 $0x2, s6;
	s7 =	sshrl.u32 s9, $0x3  }
0xc: {  	s12 =	sor.u32 s1, s12;
	s14 =	sshrl.u32 s6, $0x1;
	s16 =	sadd.s32 s9, s2  }
0xd: {  	s17 =	sadd.s32 s9, s3;
	s7 =	sadd.s32 s7, s8;
	s15 =	smul.u32 $0x2710, s12  }
0xe: {  	s10 =	sadd.s32 s9, s10;
	s14 =	ssub.s32 s6, s14;
	s12 =	smul.u32 $0x4E20, s12  }
0xf: {  	s17 =	sshrl.u32 s17, $0x3;
	s13 =	sshrl.u32 s10, $0x3;
	s6 =	sadd.s32 $0xA3200, s7  }
0x10: {  	s7 =	sor.u32 $0x1C03, s30;
	s31 =	sshll.u32 s10, $0x1;
	s13 =	sadd.s32 s13, s8  }
0x11: {  	s15 =	sshrl.u32 s15, $0x3;
	s9 =	sadd.s32 s11, s12;
	s12 =	smax.u32 s14, $0x1  }
0x12: {  	s8 =	sadd.s32 s8, s15;
	s10 =	sadd.s32 $0xB2200, s13;
	s15 =	sadd.s32 s11, s31  }
0x13: {  	s11 =	sadd.s32 $0xA8400, s13;
	s8 =	sadd.s32 $0x10240, s8;
	s13 =	sadd.s32 $0x140, s15  }
0x14: {  	s14 =	sadd.s32 $0xA0, s15;
	s15 =	sshrl.u32 s16, $0x3;
	s16 =	simm.s32 $0x3  }
.LBB2_1:
0x15: {  	[spmem:s15], [sflag:s7] =	dma.local [hbm:s6], $0x4E2  }
0x16: {  	_ =	swait.ge [sflag:s16], $0x4E2  }
0x17: {  	[sflag:s16] =	ssyncset.done $0x0  }
0x18: {  	[sflag:s16] =	ssyncadd.s32 $0xFFFFFB1E  }
0x19: {  	[spmem:s17], [sflag:s7] =	dma.local [hbm:s6], $0x4E2  }
0x1a: {  	_ =	swait.ge [sflag:s16], $0x4E2  }
0x1b: {  	[sflag:s16] =	ssyncset.done $0x0  }
0x1c: {  	[sflag:s16] =	ssyncadd.s32 $0xFFFFFB1E  }
0x1d: {  	[tilespmem:s18], [sflag:$0x3] =	stream.linear.gather [hbm4b:s5+s4], $0x500, $0x38;
	[tilespmem:$0x8430] =	vst v63  }
0x1e: {  	_ =	swait.ge [sflag:s16], $0x500  }
0x1f: {  	[sflag:s16] =	ssyncset.done $0x0  }
0x20: {  	s26 =	simm.s32 $0x4E20;
	[sflag:s16] =	ssyncadd.s32 $0xFFFFFB00  }
0x21: {  	[tilespmem:s26], [sflag:$0x3] =	stream.linear.gather [hbm4b:s8+s4], $0x2710, $0x38;
	[tilespmem:$0x8430] =	vst v63  }
0x22: {  	_ =	swait.ge [sflag:s16], $0x2710  }
0x23: {  	[sflag:s16] =	ssyncset.done $0x0  }
0x24: {  	[sflag:s16] =	ssyncadd.s32 $0xFFFFD8F0  }
0x25: {  	[bflag:$0x0] =	sbarrier.arrive $0xFFFF  }
0x26: {  	[tilespmem:s19], [sflag:$0x1] =	stream.linear.gather [hbm4b:s9+s4], $0x500, $0x38;
	[tilespmem:$0x8430] =	vst v63  }
0x27: {  	s28 =	sadd.s32 $0x0, s14  }
0x28: {  	[tilespmem:s20], [sflag:$0x2] =	stream.linear.gather [hbm4b:s28+s4], $0x500, $0x38;
	[tilespmem:$0x8430] =	vst v63  }
0x29: {  	_ =	swait.ge [sflag:s21], $0x500  }
0x2a: {  	[sflag:s21] =	ssyncset.done $0x0  }
0x2b: {  	[sflag:s21] =	ssyncadd.s32 $0xFFFFFB00  }
0x2c: {  	[spmem:s2] =	stream.indirect.scatter.add.f32 [tilespmem:s19], [sflag:$0x3], $0x10, s26, s22, $0xb8;
	[tilespmem:$0x8430] =	vst v63  }
0x2d: {  	_ =	swait.ge [sflag:s16], $0x500  }
0x2e: {  	[sflag:s16] =	ssyncset.done $0x0  }
0x2f: {  	[sflag:s16] =	ssyncadd.s32 $0xFFFFFB00  }
0x30: {  	[spmem:s3] =	stream.indirect.scatter.add.f32 [tilespmem:s18], [sflag:$0x3], $0x10, s26, s22, $0xb8;
	[tilespmem:$0x8430] =	vst v63  }
0x31: {  	_ =	swait.ge [sflag:s16], $0x500  }
0x32: {  	[sflag:s16] =	ssyncset.done $0x0  }
0x33: {  	s30 =	sadd.s32 $0x0, s13;
	[sflag:s16] =	ssyncadd.s32 $0xFFFFFB00  }
0x34: {  	[tilespmem:s19], [sflag:$0x1] =	stream.linear.gather [hbm4b:s30+s4], $0x500, $0x38;
	[tilespmem:$0x8430] =	vst v63  }
0x35: {  	_ =	swait.ge [sflag:s23], $0x500  }
0x36: {  	[sflag:s23] =	ssyncset.done $0x0  }
0x37: {  	s31 =	simm.s32 $0x4E70;
	[sflag:s23] =	ssyncadd.s32 $0xFFFFFB00  }
0x38: {  	[spmem:s2] =	stream.indirect.scatter.add.f32 [tilespmem:s20], [sflag:$0x3], $0x10, s31, s22, $0xb8;
	[tilespmem:$0x8430] =	vst v63  }
0x39: {  	_ =	swait.ge [sflag:s16], $0x500  }
0x3a: {  	[sflag:s16] =	ssyncset.done $0x0  }
0x3b: {  	[sflag:s16] =	ssyncadd.s32 $0xFFFFFB00  }
0x3c: {  	[spmem:s3] =	stream.indirect.scatter.add.f32 [tilespmem:s18], [sflag:$0x3], $0x10, s31, s22, $0xb8;
	[tilespmem:$0x8430] =	vst v63  }
0x3d: {  	s29 =	simm.s32 $0x280;
	_ =	swait.ge [sflag:s16], $0x500  }
0x3e: {  	s28 =	simm.s32 $0x140;
	s26 =	simm.s32 $0x4EC0;
	[sflag:s16] =	ssyncset.done $0x0  }
.LBB2_2:
0x3f: {  	s30 =	sadd.s32 s28, s14  }
0x40: {  	[sflag:s16] =	ssyncadd.s32 $0xFFFFFB00;
	s31 =	smov.u32 s29;
	s0 =	sadd.s32 $0x140, s29  }
0x41: {  	[tilespmem:s20], [sflag:$0x2] =	stream.linear.gather [hbm4b:s30+s4], $0x500, $0x38;
	[tilespmem:$0x8430] =	vst v63  }
0x42: {  	p0 =	sne.s32 s29, $0x4C40;
	_ =	swait.ge [sflag:s21], $0x500  }
0x43: {  	[sflag:s21] =	ssyncset.done $0x0  }
0x44: {  	[sflag:s21] =	ssyncadd.s32 $0xFFFFFB00  }
0x45: {  	[spmem:s2] =	stream.indirect.scatter.add.f32 [tilespmem:s19], [sflag:$0x3], $0x10, s26, s22, $0xb8;
	[tilespmem:$0x8430] =	vst v63  }
0x46: {  	_ =	swait.ge [sflag:s16], $0x500  }
0x47: {  	[sflag:s16] =	ssyncset.done $0x0  }
0x48: {  	[sflag:s16] =	ssyncadd.s32 $0xFFFFFB00  }
0x49: {  	[spmem:s3] =	stream.indirect.scatter.add.f32 [tilespmem:s18], [sflag:$0x3], $0x10, s26, s22, $0xb8;
	[tilespmem:$0x8430] =	vst v63  }
0x4a: {  	_ =	swait.ge [sflag:s16], $0x500  }
0x4b: {  	[sflag:s16] =	ssyncset.done $0x0  }
0x4c: {  	s29 =	sadd.s32 s28, s13;
	s28 =	smov.u32 s31;
	[sflag:s16] =	ssyncadd.s32 $0xFFFFFB00  }
0x4d: {  	[tilespmem:s19], [sflag:$0x1] =	stream.linear.gather [hbm4b:s29+s4], $0x500, $0x38;
	[tilespmem:$0x8430] =	vst v63  }
0x4e: {  	_ =	swait.ge [sflag:s23], $0x500  }
0x4f: {  	[sflag:s23] =	ssyncset.done $0x0  }
0x50: {  	s29 =	sadd.s32 $0x50, s26;
	[sflag:s23] =	ssyncadd.s32 $0xFFFFFB00  }
0x51: {  	[spmem:s2] =	stream.indirect.scatter.add.f32 [tilespmem:s20], [sflag:$0x3], $0x10, s29, s22, $0xb8;
	[tilespmem:$0x8430] =	vst v63  }
0x52: {  	_ =	swait.ge [sflag:s16], $0x500  }
.Ltmp0:
0x53: {  	[sflag:s16] =	ssyncset.done $0x0;
	(pc) =	sbr.rel @p0 .LBB2_2-.Ltmp0, $4  }
0x54: {  	[sflag:s16] =	ssyncadd.s32 $0xFFFFFB00  }
0x55: {  	[spmem:s3] =	stream.indirect.scatter.add.f32 [tilespmem:s18], [sflag:$0x3], $0x10, s29, s22, $0xb8;
	[tilespmem:$0x8430] =	vst v63  }
0x56: {  	_ =	swait.ge [sflag:s16], $0x500  }
0x57: {  	s26 =	sadd.s32 $0xA0, s26;
	s29 =	smov.u32 s0;
	[sflag:s16] =	ssyncset.done $0x0  }
0x58: {  	s0 =	sadd.s32 s28, s14;
	[sflag:s16] =	ssyncadd.s32 $0xFFFFFB00  }
0x59: {  	[tilespmem:s20], [sflag:$0x2] =	stream.linear.gather [hbm4b:s0+s4], $0x500, $0x38;
	[tilespmem:$0x8430] =	vst v63  }
0x5a: {  	_ =	swait.ge [sflag:s21], $0x500  }
0x5b: {  	[sflag:s21] =	ssyncset.done $0x0  }
0x5c: {  	[sflag:s21] =	ssyncadd.s32 $0xFFFFFB00  }
0x5d: {  	[spmem:s2] =	stream.indirect.scatter.add.f32 [tilespmem:s19], [sflag:$0x3], $0x10, s26, s22, $0xb8;
	[tilespmem:$0x8430] =	vst v63  }
0x5e: {  	_ =	swait.ge [sflag:s16], $0x500  }
0x5f: {  	[sflag:s16] =	ssyncset.done $0x0  }
0x60: {  	[sflag:s16] =	ssyncadd.s32 $0xFFFFFB00  }
0x61: {  	[spmem:s3] =	stream.indirect.scatter.add.f32 [tilespmem:s18], [sflag:$0x3], $0x10, s26, s22, $0xb8;
	[tilespmem:$0x8430] =	vst v63  }
0x62: {  	_ =	swait.ge [sflag:s16], $0x500  }
0x63: {  	[sflag:s16] =	ssyncset.done $0x0  }
0x64: {  	s30 =	sadd.s32 s28, s13;
	[sflag:s16] =	ssyncadd.s32 $0xFFFFFB00  }
0x65: {  	[tilespmem:s19], [sflag:$0x1] =	stream.linear.gather [hbm4b:s30+s4], $0x500, $0x38;
	[tilespmem:$0x8430] =	vst v63  }
0x66: {  	_ =	swait.ge [sflag:s23], $0x500  }
0x67: {  	[sflag:s23] =	ssyncset.done $0x0  }
0x68: {  	s31 =	sadd.s32 $0x50, s26;
	[sflag:s23] =	ssyncadd.s32 $0xFFFFFB00  }
0x69: {  	[spmem:s2] =	stream.indirect.scatter.add.f32 [tilespmem:s20], [sflag:$0x3], $0x10, s31, s22, $0xb8;
	[tilespmem:$0x8430] =	vst v63  }
0x6a: {  	_ =	swait.ge [sflag:s16], $0x500  }
0x6b: {  	[sflag:s16] =	ssyncset.done $0x0  }
0x6c: {  	[sflag:s16] =	ssyncadd.s32 $0xFFFFFB00  }
0x6d: {  	[spmem:s3] =	stream.indirect.scatter.add.f32 [tilespmem:s18], [sflag:$0x3], $0x10, s31, s22, $0xb8;
	[tilespmem:$0x8430] =	vst v63  }
0x6e: {  	_ =	swait.ge [sflag:s16], $0x500  }
0x6f: {  	[sflag:s16] =	ssyncset.done $0x0  }
0x70: {  	[sflag:s16] =	ssyncadd.s32 $0xFFFFFB00  }
0x71: {  	_ =	swait.ge [sflag:s21], $0x500  }
0x72: {  	[sflag:s21] =	ssyncset.done $0x0  }
0x73: {  	[sflag:s21] =	ssyncadd.s32 $0xFFFFFB00  }
0x74: {  	[spmem:s2] =	stream.indirect.scatter.add.f32 [tilespmem:s19], [sflag:$0x3], $0x10, s24, s22, $0xb8;
	[tilespmem:$0x8430] =	vst v63  }
0x75: {  	_ =	swait.ge [sflag:s16], $0x500  }
0x76: {  	[sflag:s16] =	ssyncset.done $0x0  }
0x77: {  	[sflag:s16] =	ssyncadd.s32 $0xFFFFFB00  }
0x78: {  	[spmem:s3] =	stream.indirect.scatter.add.f32 [tilespmem:s18], [sflag:$0x3], $0x10, s24, s22, $0xb8;
	[tilespmem:$0x8430] =	vst v63  }
0x79: {  	_ =	swait.ge [sflag:s16], $0x500  }
0x7a: {  	[sflag:s16] =	ssyncset.done $0x0  }
0x7b: {  	[sflag:s16] =	ssyncadd.s32 $0xFFFFFB00  }
0x7c: {  	[bflag:$0x0] =	sbarrier.arrive $0xFFFF  }
0x7d: {  	[hbm:s10], [sflag:s7] =	dma.local [spmem:s15], $0x4E2  }
0x7e: {  	s25 =	sadd.s32 $0x1, s25;
	_ =	swait.ge [sflag:s16], $0x4E2  }
0x7f: {  	p0 =	sne.s32 s25, s12;
	[sflag:s16] =	ssyncset.done $0x0  }
.Ltmp1:
0x80: {  	[sflag:s16] =	ssyncadd.s32 $0xFFFFFB1E;
	(pc) =	sbr.rel @p0 .LBB2_1-.Ltmp1, $4  }
0x81: {  	[hbm:s11], [sflag:s7] =	dma.local [spmem:s17], $0x4E2  }
0x82: {  	_ =	swait.ge [sflag:s16], $0x4E2  }
0x83: {  	[sflag:s16] =	ssyncset.done $0x0  }
0x84: {  	[sflag:s16] =	ssyncadd.s32 $0xFFFFFB1E  }
0x85: {  	_ =	sfence.sel $0x180000  }
0x86: {  	[bflag:$0x0] =	sbarrier.arrive $0xFFFF  }
0x87: {  	_ =	strace $0x9000004A  }
0x88: {  	[bflag:$0x2] =	sbarrier.arrive $0xFFFF  }
0x89: {  	p0 =	sne.s32 s1, $0x0;
	s0 =	rddreg [dreg:$0x4]  }
0x8a: {  	s0 =	sadd.s32 @!p0 $0x100000, s0  }
0x8b: {  	[sflag:s0] =	ssyncadd.tile.s32 @!p0 $0x1;
	_ =	shalt  }
.Lfunc_end2:
_tile_overlayer_lowered:
.L_overlay_start_2:
0x8c: {  	(tag) =	ssettag $0x2  }
0x8d: {  	s0 =	rddreg [dreg:$0x0];
	s2 =	stileid.u32  }
0x8e: {  	s1 =	rddreg [dreg:$0x1];
	p0 =	sne.s32 s2, $0x0  }
0x8f: {  	s3 =	rddreg [dreg:$0x2];
	[bflag:$0x3] =	sbarrier.arrive $0xFFFF;
	s2 =	simm.s32 @!p0 $0x1C03  }
0x90: {  	[timem:s3], [sflag:s2] =	dma.local @!p0 [hbm:s0], s1  }
0x91: {  	s0 =	simm.s32 @!p0 $0x3  }
0x92: {  	_ =	swait.ge @!p0 [sflag:s0], s1  }
0x93: {  	s1 =	ssub.s32 @!p0 $0x0, s1;
	[sflag:s0] =	ssyncset.done @!p0 $0x0  }
0x94: {  	[sflag:s0] =	ssyncadd.s32 @!p0 s1  }
0x95: {  	[bflag:$0x3] =	sbarrier.arrive $0xFFFF  }
0x96: {  	_ =	shalt  }

// kernel: kernel.16.cloned.1.call-start
scs
__scs_entry_jumppad:
0x0: {  	(pc) =	sbr.rel $0x88, $3  }
0x1: {  	(tag) =	ssettag $0x0;
	lr =	simm.s32 $0x1  }
0x2: {  	[smem:$0x3F90] =	sst lr;
	_ =	strace $0xD0000000  }
0x3: {  	_ = 	snop  }
0x4: {  	_ = 	snop  }
0x5: {  	_ = 	snop  }
0x6: {  	_ = 	snop  }
0x7: {  	_ = 	snop  }
__scs_overlays_trampoline_lowered:
0x8: {  	[smem:$0x3F9F] =	sst s0  }
0x9: {  	[smem:$0x3FA0] =	sst s1  }
0xa: {  	[smem:$0x3FA1] =	sst s2  }
0xb: {  	[smem:$0x3FA2] =	sst s3  }
0xc: {  	[smem:$0x3FA3] =	sst s4  }
0xd: {  	[smem:$0x3FA4] =	sst s5  }
0xe: {  	[smem:$0x3FA5] =	sst s6  }
0xf: {  	[smem:$0x3FA6] =	sst s7  }
0x10: {  	[smem:$0x3FA7] =	sst s8  }
0x11: {  	[smem:$0x3FA8] =	sst s9;
	s0 =	simm.s32 @!p0 $0x0  }
0x12: {  	s1 =	sld [smem:$0x3F8E];
	s0 =	simm.s32 @p0 $0x1  }
0x13: {  	[smem:$0x3FA9] =	sst s0;
	s0 =	simm.s32 @!p1 $0x0  }
0x14: {  	s2 =	sld [smem:$0x3F8D];
	s0 =	simm.s32 @p1 $0x1  }
0x15: {  	[smem:$0x3FAA] =	sst s0;
	s0 =	simm.s32 @!p2 $0x0  }
0x16: {  	s3 =	sld [smem:$0x3FDB];
	s0 =	simm.s32 @p2 $0x1  }
0x17: {  	s4 =	simm.s32 $0x1BF5;
	[smem:$0x3FAC] =	sst s0  }
0x18: {  	s0 =	sld [smem:$0x3F8F];
	_ =	swait.ge [sflag:s4], $0x0  }
0x19: {  	s7 =	sld [smem:$0x3F90]  }
0x1a: {  	s8 =	sadd.s32 $0xFFFFE003, lr  }
0x1b: {  	s9 =	sadd.s32 $0xFFFFFEF7, lr;
	s5 =	simm.s32 $0xFFFFFFFF;
	p2 =	slt.u32 s8, $0xFFFFF086  }
0x1c: {  	p1 =	slt.u32 s9, $0xF7A;
	s5 =	simm.s32 @!p2 $0x0  }
0x1d: {  	s5 =	simm.s32 @p1 $0x1;
	p0 =	seq.s32 s7, s2  }
0x1e: {  	s7 =	smul.u32 @!p0 $0xF7A, s2;
	p2 =	seq.s32 @!p0 s5, $0x0  }
0x1f: {  	s9 =	smul.u32 $0xF7A, s1;
	s8 =	simm.s32 @!p0 $0x1BF5;
	p2 =	por !p2, p0  }
0x20: {  	[sflag:s8] =	ssyncset.s32 @!p0 $0xFFFFF086;
	s6 =	sadd.s32 @!p0 s3, s7;
	s7 =	simm.s32 @!p0 $0x108  }
0x21: {  	s3 =	sadd.s32 s3, s9;
	s6 =	sadd.s32 @!p0 $0x88, s6;
	s7 =	simm.s32 @p2 $0x1082  }
0x22: {  	[simem:s7], [sflag:s8] =	dma.local @!p0 [hbm:s6], $0xF7A  }
0x23: {  	s9 =	sor.u32 $0xD0000000, s2;
	s6 =	simm.s32 $0x108;
	_ =	swait.ge @!p0 [sflag:s8], $0x0  }
0x24: {  	s3 =	sadd.s32 $0x88, s3;
	s6 =	simm.s32 @!p1 $0x1082;
	[sflag:s4] =	ssyncset.s32 $0xFFFFF086  }
0x25: {  	[simem:s6], [sflag:s4] =	dma.local [hbm:s3], $0xF7A  }
0x26: {  	[smem:$0x3F90] =	sst s1;
	(tag) =	ssettag s2;
	_ =	strace s9  }
0x27: {  	s1 =	sld [smem:$0x3FA0]  }
0x28: {  	s2 =	sld [smem:$0x3FA1]  }
0x29: {  	s4 =	sld [smem:$0x3FA3]  }
0x2a: {  	p0 =	seq.s32 s5, $0x0;
	s5 =	sld [smem:$0x3FA4]  }
0x2b: {  	s6 =	sld [smem:$0x3FA5]  }
0x2c: {  	s7 =	sld [smem:$0x3FA6]  }
0x2d: {  	s3 =	simm.s32 $0x108;
	s8 =	sld [smem:$0x3FA7]  }
0x2e: {  	s3 =	simm.s32 @!p0 $0x1082;
	s9 =	sld [smem:$0x3FA8]  }
0x2f: {  	lr =	sadd.s32 s0, s3;
	s0 =	sld [smem:$0x3F9F]  }
0x30: {  	s3 =	sld [smem:$0x3FA2]  }
0x31: {  	[smem:$0x3FAB] =	sst s10  }
0x32: {  	s10 =	sld [smem:$0x3FA9];
	_ =	sdelay $0x3  }
0x33: {  	p0 =	seq.s32 s10, $0x1;
	s10 =	sld [smem:$0x3FAB];
	_ =	sdelay $0x3  }
0x34: {  	[smem:$0x3FAB] =	sst s10  }
0x35: {  	s10 =	sld [smem:$0x3FAA];
	_ =	sdelay $0x3  }
0x36: {  	p1 =	seq.s32 s10, $0x1;
	s10 =	sld [smem:$0x3FAB];
	_ =	sdelay $0x3  }
0x37: {  	[smem:$0x3FAB] =	sst s10  }
0x38: {  	s10 =	sld [smem:$0x3FAC]  }
0x39: {  	_ = 	snop;
	(pc) =	sbr.ind lr, $3  }
0x3a: {  	_ = 	snop  }
0x3b: {  	_ = 	snop  }
0x3c: {  	p2 =	seq.s32 s10, $0x1;
	s10 =	sld [smem:$0x3FAB]  }
0x3d: {  	_ =	shalt  }
0x3e: {  	_ =	shalt  }
0x3f: {  	_ =	shalt  }
0x40: {  	_ =	shalt  }
0x41: {  	_ =	shalt  }
0x42: {  	_ =	shalt  }
0x43: {  	_ =	shalt  }
0x44: {  	_ =	shalt  }
0x45: {  	_ =	shalt  }
0x46: {  	_ =	shalt  }
0x47: {  	_ =	shalt  }
0x48: {  	_ =	shalt  }
0x49: {  	_ =	shalt  }
0x4a: {  	_ =	shalt  }
0x4b: {  	_ =	shalt  }
0x4c: {  	_ =	shalt  }
0x4d: {  	_ =	shalt  }
0x4e: {  	_ =	shalt  }
0x4f: {  	_ =	shalt  }
0x50: {  	_ =	shalt  }
0x51: {  	_ =	shalt  }
0x52: {  	_ =	shalt  }
0x53: {  	_ =	shalt  }
0x54: {  	_ =	shalt  }
0x55: {  	_ =	shalt  }
0x56: {  	_ =	shalt  }
0x57: {  	_ =	shalt  }
0x58: {  	_ =	shalt  }
0x59: {  	_ =	shalt  }
0x5a: {  	_ =	shalt  }
0x5b: {  	_ =	shalt  }
0x5c: {  	_ =	shalt  }
0x5d: {  	_ =	shalt  }
0x5e: {  	_ =	shalt  }
0x5f: {  	_ =	shalt  }
0x60: {  	_ =	shalt  }
0x61: {  	_ =	shalt  }
0x62: {  	_ =	shalt  }
0x63: {  	_ =	shalt  }
0x64: {  	_ =	shalt  }
0x65: {  	_ =	shalt  }
0x66: {  	_ =	shalt  }
0x67: {  	_ =	shalt  }
0x68: {  	_ =	shalt  }
0x69: {  	_ =	shalt  }
0x6a: {  	_ =	shalt  }
0x6b: {  	_ =	shalt  }
0x6c: {  	_ =	shalt  }
0x6d: {  	_ =	shalt  }
0x6e: {  	_ =	shalt  }
0x6f: {  	_ =	shalt  }
0x70: {  	_ =	shalt  }
0x71: {  	_ =	shalt  }
0x72: {  	_ =	shalt  }
0x73: {  	_ =	shalt  }
0x74: {  	_ =	shalt  }
0x75: {  	_ =	shalt  }
0x76: {  	_ =	shalt  }
0x77: {  	_ =	shalt  }
0x78: {  	_ =	shalt  }
0x79: {  	_ =	shalt  }
0x7a: {  	_ =	shalt  }
0x7b: {  	_ =	shalt  }
0x7c: {  	_ =	shalt  }
0x7d: {  	_ =	shalt  }
0x7e: {  	_ =	shalt  }
0x7f: {  	_ =	shalt  }
0x80: {  	_ =	shalt  }
0x81: {  	_ =	shalt  }
0x82: {  	_ =	shalt  }
0x83: {  	_ =	shalt  }
0x84: {  	_ =	shalt  }
0x85: {  	_ =	shalt  }
0x86: {  	_ =	shalt  }
0x87: {  	_ =	shalt  }
.Lfunc_end0:
.L_simem_size_0:
called_computation.2_lowered:
.L_overlay_start_0:
0x88: {  	s2 =	sld [smem:$0x3FD9]  }
0x89: {  	s3 =	sld [smem:$0x3FFE];
	_ =	sdelay $0x1  }
0x8a: {  	s1 =	srdreg.scid  }
0x8b: {  	s0 =	sand.u32 $0x1, s1  }
0x8c: {  	s17 =	sshll.u32 s0, $0xA;
	s2 =	sadd.s32 s3, s2  }
0x8d: {  	s2 =	sadd.s32 s2, s17  }
0x8e: {  	[smem:$0x3FB7] =	sst s2  }
0x8f: {  	_ = 	snop  }
0x90: {  	s2 =	sld [smem:$0x3FD0];
	(tm) =	ssettm $0x1  }
0x91: {  	s18 =	sld [smem:$0x3FFB];
	_ =	sdelay $0x3  }
0x92: {  	_ =	strace s18  }
0x93: {  	s3 =	sld [smem:$0x3FFC];
	_ =	sdelay $0x3  }
0x94: {  	_ =	strace s3  }
0x95: {  	s3 =	sld [smem:$0x3FFD];
	_ =	sdelay $0x3  }
0x96: {  	_ =	strace s3  }
0x97: {  	_ =	strace $0x8FFFFFFF  }
0x98: {  	s19 =	sld [smem:$0x3FDB];
	_ =	sdelay $0x1  }
0x99: {  	s4 =	simm.s32 $_scs_section_size  }
0x9a: {  	s5 =	simm.s32 $_size__tile_overlayer_lowered;
	s6 =	simm.s32 $_tile_overlayer_lowered  }
0x9b: {  	s22 =	simm.s32 $0x1BFF;
	s21 =	sshll.u32 s6, $0x1;
	s3 =	sadd.s32 s4, s19  }
0x9c: {  	s7 =	simm.s32 $0x0;
	s20 =	sshll.u32 s5, $0x1;
	s5 =	sadd.s32 s21, s3  }
0x9d: {  	[timem:s7], [sflag:s22] =	dma.local [hbm:s5], s20  }
0x9e: {  	_ =	swait.ge [sflag:s22], s20  }
0x9f: {  	s4 =	ssub.s32 $0x0, s20;
	[sflag:s22] =	ssyncset.done $0x0  }
0xa0: {  	[sflag:s22] =	ssyncadd.s32 s4;
	_ =	sdelay $0x1  }
0xa1: {  	s23 =	simm.s32 $0x1B8B  }
0xa2: {  	_ =	swait.ge [sflag:s23], $0x1  }
0xa3: {  	[sflag:s23] =	ssyncset.done $0x0  }
0xa4: {  	s25 =	simm.s32 $0x1B8E;
	s24 =	sld [smem:$0x3FFE];
	[sflag:s23] =	ssyncadd.s32 $0xFFFFFFFF  }
0xa5: {  	s26 =	simm.s32 $execute0_lowered;
	[smem:$0x3FD2] =	sst s25  }
0xa6: {  	s5 =	sshll.u32 s26, $0x1;
	_ =	strace $0x8000004C;
	[dreg:$0x1] =	wrdreg $0xFFFFFFFF  }
0xa7: {  	s28 =	simm.s32 $_size_execute0_lowered;
	s3 =	sadd.s32 s3, s5;
	[dreg:$0x0] =	wrdreg $0x0  }
0xa8: {  	s5 =	sshll.u32 s28, $0x1;
	[dreg:$0x2] =	wrdreg s3  }
0xa9: {  	[dreg:$0x3] =	wrdreg s5  }
0xaa: {  	[dreg:$0x4] =	wrdreg $0xC0  }
0xab: {  	_ =	task [dreg:s7], $0x5FFFF  }
0xac: {  	[dreg:$0x1] =	wrdreg $0xFFFFFFFF  }
0xad: {  	[dreg:$0x0] =	wrdreg $0x60  }
0xae: {  	[dreg:$0x2] =	wrdreg s24  }
0xaf: {  	[dreg:$0x3] =	wrdreg s2  }
0xb0: {  	[dreg:$0x4] =	wrdreg $0x0  }
0xb1: {  	[dreg:$0x5] =	wrdreg $0x9  }
0xb2: {  	_ =	task.clear_ibuf [dreg:s7], $0x6FFFF;
	_ =	strace $0x9000004C  }
0xb3: {  	s29 =	simm.s32 $0x9;
	_ =	strace $0x8000004E  }
0xb4: {  	_ =	swait.ge [sflag:s29], $0x1  }
0xb5: {  	[sflag:s29] =	ssyncadd.s32 $0xFFFFFFFF  }
0xb6: {  	_ =	strace $0x9000004E  }
0xb7: {  	_ =	sfence  }
0xb8: {  	s30 =	sld [smem:$0x0];
	_ =	sdelay $0x2  }
0xb9: {  	s31 =	sshll.u32 s1, $0xD;
	s1 =	sshrl.u32 s1, $0x2  }
0xba: {  	s3 =	sand.u32 $0x4000, s31;
	s1 =	sadd.s32 s1, s30  }
0xbb: {  	s0 =	sor.u32 s3, s0;
	s1 =	sshll.u32 s1, $0x11  }
0xbc: {  	s0 =	sor.u32 s1, s0  }
0xbd: {  	s0 =	sadd.s32 $0x8F2B, s0  }
0xbe: {  	[sflag:s0] =	ssyncadd.remote.s32 $0x1  }
0xbf: {  	_ =	sfence.sel $0xFFFF  }
0xc0: {  	[dreg:$0x0] =	wrdreg $0xFFFFFFFF;
	(pc) =	sbr.abs _section_cstart, $3  }
0xc1: {  	[dreg:$0x1] =	wrdreg $0xFFFFFFFF  }
0xc2: {  	_ =	task.clear_ibuf [dreg:s7], $0x2FFFF;
	_ =	strace $0x9FFFFFFF  }
0xc3: {  	(tm) =	ssettm $0x7FFFFFFF  }
tec
execute0_lowered:
.L_overlay_start_1:
0x0: {  	(tag) =	ssettag $0x1  }
0x1: {  	s6 =	rddreg [dreg:$0x0]  }
0x2: {  	s2 =	rddreg [dreg:$0x1]  }
0x3: {  	s3 =	rddreg [dreg:$0x2]  }
0x4: {  	s0 =	rddreg [dreg:$0x3];
	s1 =	stileid.u32  }
0x5: {  	s7 =	srdreg.scid;
	s4 =	simm.s32 $0x0;
	s15 =	simm.s32 $0x11170  }
0x6: {  	s16 =	simm.s32 $0x50;
	s17 =	simm.s32 $0x15F90;
	s18 =	simm.s32 $0x17890  }
0x7: {  	s19 =	simm.s32 $0x1;
	s20 =	simm.s32 $0x2;
	s21 =	simm.s32 $0x11120  }
0x8: {  	s22 =	simm.s32 $0x15EF0;
	s23 =	simm.s32 $0x15F40;
	s5 =	smul.u32 $0x4E20, s1  }
0x9: {  	s24 =	simm.s32 $0x0;
	s8 =	smul.u32 $0xC350, s1;
	s10 =	sand.u32 $0x1, s7  }
0xa: {  	[smem:$0x7FF] =	sst s4;
	s30 =	sshll.u32 s1, $0x6;
	s7 =	smul.u32 $0xC3500, s10  }
0xb: {  	_ =	strace $0x8000004D;
	s12 =	ssub.s32 $0x2, s10;
	p0 =	seq.s32 s10, $0x1  }
0xc: {  	s5 =	sshrl.u32 s5, $0x3;
	s11 =	sshrl.u32 s8, $0x3;
	s13 =	sshrl.u32 s12, $0x1  }
0xd: {  	s31 =	sadd.s32 s8, s3;
	s9 =	sadd.s32 s5, s6;
	s5 =	sadd.s32 $0xA3200, s6  }
.Ltmp0:
0xe: {  	s7 =	sadd.s32 s8, s7;
	s11 =	sadd.s32 s11, s6;
	(pc) =	sbr.rel .LBB2_1-.Ltmp0, $4  }
0xf: {  	s12 =	ssub.s32 s12, s13;
	s13 =	simm.s32 $0x3;
	s7 =	sshrl.u32 s7, $0x3  }
0x10: {  	s8 =	sadd.s32 $0x6600, s9;
	s9 =	sadd.s32 $0x10240, s9;
	s14 =	sadd.s32 s7, s6  }
0x11: {  	s6 =	sadd.s32 $0xBBA00, s11;
	s7 =	sor.u32 $0x1C03, s30;
	s11 =	smax.u32 s12, $0x1  }
0x12: {  	s12 =	sshrl.u32 s31, $0x3;
	s10 =	sadd.s32 $0xD4200, s14;
	s14 =	simm.s32 $0xC350  }
.LBB2_7:
0x13: {  	s26 =	sadd.s32 $0xC3A0, s25;
	[sflag:s13] =	ssyncadd.s32 $0xFFFFE700  }
0x14: {  	[tilespmem:s18], [sflag:$0x2] =	stream.indirect.gather [hbm4b:s5+s16], $0x50, s26, s16, $0xb8;
	[tilespmem:$0x19190] =	vst v63  }
0x15: {  	_ =	swait.ge [sflag:s19], $0x1900  }
0x16: {  	[sflag:s19] =	ssyncset.done $0x0  }
0x17: {  	s29 =	sadd.s32 $0x11170, s25;
	[sflag:s19] =	ssyncadd.s32 $0xFFFFE700  }
0x18: {  	[spmem:s3] =	stream.indirect.scatter.add.f32 [tilespmem:s17], [sflag:$0x3], $0x50, s29, s16, $0xb8;
	[tilespmem:$0x19190] =	vst v63  }
0x19: {  	_ =	swait.ge [sflag:s13], $0x1900  }
0x1a: {  	[sflag:s13] =	ssyncset.done $0x0  }
0x1b: {  	s30 =	sadd.s32 $0xC3F0, s25;
	[sflag:s13] =	ssyncadd.s32 $0xFFFFE700  }
0x1c: {  	[tilespmem:s17], [sflag:$0x1] =	stream.indirect.gather [hbm4b:s5+s16], $0x50, s30, s16, $0xb8;
	[tilespmem:$0x19190] =	vst v63  }
0x1d: {  	_ =	swait.ge [sflag:s20], $0x1900  }
0x1e: {  	[sflag:s20] =	ssyncset.done $0x0  }
0x1f: {  	s31 =	sadd.s32 $0x111C0, s25;
	[sflag:s20] =	ssyncadd.s32 $0xFFFFE700  }
0x20: {  	[spmem:s3] =	stream.indirect.scatter.add.f32 [tilespmem:s18], [sflag:$0x3], $0x50, s31, s16, $0xb8;
	[tilespmem:$0x19190] =	vst v63  }
0x21: {  	_ =	swait.ge [sflag:s13], $0x1900  }
0x22: {  	[sflag:s13] =	ssyncset.done $0x0  }
0x23: {  	[sflag:s13] =	ssyncadd.s32 $0xFFFFE700  }
0x24: {  	[tilespmem:s18], [sflag:$0x2] =	stream.indirect.gather [hbm4b:s5+s16], $0x50, s21, s16, $0xb8;
	[tilespmem:$0x19190] =	vst v63  }
.LBB2_8:
0x25: {  	_ =	swait.ge [sflag:s19], $0x1900  }
0x26: {  	[sflag:s19] =	ssyncset.done $0x0  }
0x27: {  	[sflag:s19] =	ssyncadd.s32 $0xFFFFE700  }
0x28: {  	[spmem:s3] =	stream.indirect.scatter.add.f32 [tilespmem:s17], [sflag:$0x3], $0x50, s22, s16, $0xb8;
	[tilespmem:$0x19190] =	vst v63  }
0x29: {  	_ =	swait.ge [sflag:s13], $0x1900  }
0x2a: {  	[sflag:s13] =	ssyncset.done $0x0  }
0x2b: {  	[sflag:s13] =	ssyncadd.s32 $0xFFFFE700  }
0x2c: {  	_ =	swait.ge [sflag:s20], $0x1900  }
0x2d: {  	[sflag:s20] =	ssyncset.done $0x0  }
0x2e: {  	[sflag:s20] =	ssyncadd.s32 $0xFFFFE700  }
0x2f: {  	[spmem:s3] =	stream.indirect.scatter.add.f32 [tilespmem:s18], [sflag:$0x3], $0x50, s23, s16, $0xb8;
	[tilespmem:$0x19190] =	vst v63  }
0x30: {  	_ =	swait.ge [sflag:s13], $0x1900  }
0x31: {  	s24 =	sadd.s32 $0x1, s24;
	[sflag:s13] =	ssyncset.done $0x0  }
0x32: {  	p1 =	sne.s32 s24, s11;
	[sflag:s13] =	ssyncadd.s32 $0xFFFFE700  }
.Ltmp1:
0x33: {  	[bflag:$0x0] =	sbarrier.arrive $0xFFFF;
	(pc) =	sbr.rel @!p1 .LBB2_9-.Ltmp1, $4  }
0x34: {  	[hbm:s10], [sflag:s7] =	dma.local [spmem:s12], $0x186A  }
0x35: {  	_ =	swait.ge [sflag:s13], $0x186A  }
0x36: {  	[sflag:s13] =	ssyncset.done $0x0  }
0x37: {  	[sflag:s13] =	ssyncadd.s32 $0xFFFFE796  }
.LBB2_1:
0x38: {  	[spmem:s12], [sflag:s7] =	dma.local [hbm:s6], $0x186A  }
0x39: {  	_ =	swait.ge [sflag:s13], $0x186A  }
0x3a: {  	[sflag:s13] =	ssyncset.done $0x0  }
0x3b: {  	[sflag:s13] =	ssyncadd.s32 $0xFFFFE796  }
0x3c: {  	[tilespmem:s14], [sflag:$0x3] =	stream.linear.gather [hbm4b:s8+s4], $0x4E20, $0x38;
	[tilespmem:$0x19190] =	vst v63  }
0x3d: {  	_ =	swait.ge [sflag:s13], $0x4E20  }
0x3e: {  	[sflag:s13] =	ssyncset.done $0x0  }
0x3f: {  	[sflag:s13] =	ssyncadd.s32 $0xFFFFB1E0  }
0x40: {  	[tilespmem:s15], [sflag:$0x3] =	stream.linear.gather [hbm4b:s9+s4], $0x4E20, $0x38;
	[tilespmem:$0x19190] =	vst v63  }
.Ltmp2:
0x41: {  	_ =	swait.ge [sflag:s13], $0x4E20;
	(pc) =	sbr.rel @!p0 .LBB2_2-.Ltmp2, $3  }
0x42: {  	[sflag:s13] =	ssyncset.done $0x0  }
0x43: {  	[sflag:s13] =	ssyncadd.s32 $0xFFFFB1E0  }
0x44: {  	[bflag:$0x0] =	sbarrier.arrive $0xFFFF;
	_ =	sdelay $0x1  }
0x45: {  	[tilespmem:s17], [sflag:$0x1] =	stream.indirect.gather [hbm4b:s5+s16], $0x50, s14, s16, $0xb8;
	[tilespmem:$0x19190] =	vst v63  }
0x46: {  	s25 =	simm.s32 $0xC3A0  }
0x47: {  	[tilespmem:s18], [sflag:$0x2] =	stream.indirect.gather [hbm4b:s5+s16], $0x50, s25, s16, $0xb8;
	[tilespmem:$0x19190] =	vst v63  }
0x48: {  	_ =	swait.ge [sflag:s19], $0x1900  }
0x49: {  	[sflag:s19] =	ssyncset.done $0x0  }
0x4a: {  	s29 =	simm.s32 $0x11170;
	[sflag:s19] =	ssyncadd.s32 $0xFFFFE700  }
0x4b: {  	[spmem:s3] =	stream.indirect.scatter.add.f32 [tilespmem:s17], [sflag:$0x3], $0x50, s29, s16, $0xb8;
	[tilespmem:$0x19190] =	vst v63  }
0x4c: {  	_ =	swait.ge [sflag:s13], $0x1900  }
0x4d: {  	[sflag:s13] =	ssyncset.done $0x0  }
0x4e: {  	s30 =	simm.s32 $0xC3F0;
	[sflag:s13] =	ssyncadd.s32 $0xFFFFE700  }
0x4f: {  	[tilespmem:s17], [sflag:$0x1] =	stream.indirect.gather [hbm4b:s5+s16], $0x50, s30, s16, $0xb8;
	[tilespmem:$0x19190] =	vst v63  }
0x50: {  	_ =	swait.ge [sflag:s20], $0x1900  }
0x51: {  	[sflag:s20] =	ssyncset.done $0x0  }
0x52: {  	s31 =	simm.s32 $0x111C0;
	[sflag:s20] =	ssyncadd.s32 $0xFFFFE700  }
0x53: {  	[spmem:s3] =	stream.indirect.scatter.add.f32 [tilespmem:s18], [sflag:$0x3], $0x50, s31, s16, $0xb8;
	[tilespmem:$0x19190] =	vst v63  }
0x54: {  	_ =	swait.ge [sflag:s13], $0x1900  }
0x55: {  	s26 =	simm.s32 $0x500;
	s25 =	simm.s32 $0xA0;
	[sflag:s13] =	ssyncset.done $0x0  }
.LBB2_6:
0x56: {  	s28 =	sadd.s32 $0xC3A0, s25  }
0x57: {  	[sflag:s13] =	ssyncadd.s32 $0xFFFFE700;
	s29 =	smov.u32 s26;
	s30 =	sadd.s32 $0x280, s26  }
0x58: {  	[tilespmem:s18], [sflag:$0x2] =	stream.indirect.gather [hbm4b:s5+s16], $0x50, s28, s16, $0xb8;
	[tilespmem:$0x19190] =	vst v63  }
0x59: {  	p1 =	sne.s32 s26, $0x13380;
	_ =	swait.ge [sflag:s19], $0x1900  }
0x5a: {  	[sflag:s19] =	ssyncset.done $0x0  }
0x5b: {  	s26 =	sadd.s32 $0x11170, s25;
	[sflag:s19] =	ssyncadd.s32 $0xFFFFE700  }
0x5c: {  	[spmem:s3] =	stream.indirect.scatter.add.f32 [tilespmem:s17], [sflag:$0x3], $0x50, s26, s16, $0xb8;
	[tilespmem:$0x19190] =	vst v63  }
0x5d: {  	_ =	swait.ge [sflag:s13], $0x1900  }
0x5e: {  	[sflag:s13] =	ssyncset.done $0x0  }
0x5f: {  	s26 =	sadd.s32 $0xC3F0, s25;
	[sflag:s13] =	ssyncadd.s32 $0xFFFFE700  }
0x60: {  	[tilespmem:s17], [sflag:$0x1] =	stream.indirect.gather [hbm4b:s5+s16], $0x50, s26, s16, $0xb8;
	[tilespmem:$0x19190] =	vst v63  }
0x61: {  	_ =	swait.ge [sflag:s20], $0x1900  }
.Ltmp3:
0x62: {  	[sflag:s20] =	ssyncset.done $0x0;
	(pc) =	sbr.rel @p1 .LBB2_6-.Ltmp3, $4  }
0x63: {  	s25 =	sadd.s32 $0x111C0, s25;
	[sflag:s20] =	ssyncadd.s32 $0xFFFFE700  }
0x64: {  	[spmem:s3] =	stream.indirect.scatter.add.f32 [tilespmem:s18], [sflag:$0x3], $0x50, s25, s16, $0xb8;
	[tilespmem:$0x19190] =	vst v63  }
0x65: {  	_ =	swait.ge [sflag:s13], $0x1900  }
0x66: {  	s26 =	smov.u32 s30;
	s25 =	sshra.s32 s29, $0x2;
	[sflag:s13] =	ssyncset.done $0x0  }
.Ltmp4:
0x67: {  	_ = 	snop;
	(pc) =	sbr.rel .LBB2_7-.Ltmp4, $1  }
0x68: {  	_ =	sdelay $0x3  }
.LBB2_2:
0x69: {  	[tilespmem:s17], [sflag:$0x1] =	stream.indirect.gather [hbm4b:s2+s16], $0x50, s14, s16, $0xb8;
	[tilespmem:$0x19190] =	vst v63  }
0x6a: {  	s25 =	simm.s32 $0xC3A0  }
0x6b: {  	[tilespmem:s18], [sflag:$0x2] =	stream.indirect.gather [hbm4b:s2+s16], $0x50, s25, s16, $0xb8;
	[tilespmem:$0x19190] =	vst v63  }
0x6c: {  	_ =	swait.ge [sflag:s19], $0x1900  }
0x6d: {  	[sflag:s19] =	ssyncset.done $0x0  }
0x6e: {  	s29 =	simm.s32 $0x11170;
	[sflag:s19] =	ssyncadd.s32 $0xFFFFE700  }
0x6f: {  	[spmem:s3] =	stream.indirect.scatter.add.f32 [tilespmem:s17], [sflag:$0x3], $0x50, s29, s16, $0xb8;
	[tilespmem:$0x19190] =	vst v63  }
0x70: {  	_ =	swait.ge [sflag:s13], $0x1900  }
0x71: {  	[sflag:s13] =	ssyncset.done $0x0  }
0x72: {  	s30 =	simm.s32 $0xC3F0;
	[sflag:s13] =	ssyncadd.s32 $0xFFFFE700  }
0x73: {  	[tilespmem:s17], [sflag:$0x1] =	stream.indirect.gather [hbm4b:s2+s16], $0x50, s30, s16, $0xb8;
	[tilespmem:$0x19190] =	vst v63  }
0x74: {  	_ =	swait.ge [sflag:s20], $0x1900  }
0x75: {  	[sflag:s20] =	ssyncset.done $0x0  }
0x76: {  	s31 =	simm.s32 $0x111C0;
	[sflag:s20] =	ssyncadd.s32 $0xFFFFE700  }
0x77: {  	[spmem:s3] =	stream.indirect.scatter.add.f32 [tilespmem:s18], [sflag:$0x3], $0x50, s31, s16, $0xb8;
	[tilespmem:$0x19190] =	vst v63  }
0x78: {  	_ =	swait.ge [sflag:s13], $0x1900  }
0x79: {  	s26 =	simm.s32 $0x500;
	s25 =	simm.s32 $0xA0;
	[sflag:s13] =	ssyncset.done $0x0  }
.LBB2_3:
0x7a: {  	s28 =	sadd.s32 $0xC3A0, s25  }
0x7b: {  	[sflag:s13] =	ssyncadd.s32 $0xFFFFE700;
	s29 =	smov.u32 s26;
	s30 =	sadd.s32 $0x280, s26  }
0x7c: {  	[tilespmem:s18], [sflag:$0x2] =	stream.indirect.gather [hbm4b:s2+s16], $0x50, s28, s16, $0xb8;
	[tilespmem:$0x19190] =	vst v63  }
0x7d: {  	p1 =	seq.s32 s26, $0x13380;
	_ =	swait.ge [sflag:s19], $0x1900  }
0x7e: {  	[sflag:s19] =	ssyncset.done $0x0  }
0x7f: {  	s26 =	sadd.s32 $0x11170, s25;
	[sflag:s19] =	ssyncadd.s32 $0xFFFFE700  }
0x80: {  	[spmem:s3] =	stream.indirect.scatter.add.f32 [tilespmem:s17], [sflag:$0x3], $0x50, s26, s16, $0xb8;
	[tilespmem:$0x19190] =	vst v63  }
0x81: {  	_ =	swait.ge [sflag:s13], $0x1900  }
0x82: {  	[sflag:s13] =	ssyncset.done $0x0  }
0x83: {  	s26 =	sadd.s32 $0xC3F0, s25;
	[sflag:s13] =	ssyncadd.s32 $0xFFFFE700  }
0x84: {  	[tilespmem:s17], [sflag:$0x1] =	stream.indirect.gather [hbm4b:s2+s16], $0x50, s26, s16, $0xb8;
	[tilespmem:$0x19190] =	vst v63  }
0x85: {  	_ =	swait.ge [sflag:s20], $0x1900  }
.Ltmp5:
0x86: {  	[sflag:s20] =	ssyncset.done $0x0;
	(pc) =	sbr.rel @!p1 .LBB2_3-.Ltmp5, $4  }
0x87: {  	s25 =	sadd.s32 $0x111C0, s25;
	[sflag:s20] =	ssyncadd.s32 $0xFFFFE700  }
0x88: {  	[spmem:s3] =	stream.indirect.scatter.add.f32 [tilespmem:s18], [sflag:$0x3], $0x50, s25, s16, $0xb8;
	[tilespmem:$0x19190] =	vst v63  }
0x89: {  	_ =	swait.ge [sflag:s13], $0x1900  }
0x8a: {  	s26 =	smov.u32 s30;
	s25 =	sshra.s32 s29, $0x2;
	[sflag:s13] =	ssyncset.done $0x0  }
0x8b: {  	s26 =	sadd.s32 $0xC3A0, s25;
	[sflag:s13] =	ssyncadd.s32 $0xFFFFE700  }
0x8c: {  	[tilespmem:s18], [sflag:$0x2] =	stream.indirect.gather [hbm4b:s2+s16], $0x50, s26, s16, $0xb8;
	[tilespmem:$0x19190] =	vst v63  }
0x8d: {  	_ =	swait.ge [sflag:s19], $0x1900  }
0x8e: {  	[sflag:s19] =	ssyncset.done $0x0  }
0x8f: {  	s29 =	sadd.s32 $0x11170, s25;
	[sflag:s19] =	ssyncadd.s32 $0xFFFFE700  }
0x90: {  	[spmem:s3] =	stream.indirect.scatter.add.f32 [tilespmem:s17], [sflag:$0x3], $0x50, s29, s16, $0xb8;
	[tilespmem:$0x19190] =	vst v63  }
0x91: {  	_ =	swait.ge [sflag:s13], $0x1900  }
0x92: {  	[sflag:s13] =	ssyncset.done $0x0  }
0x93: {  	s30 =	sadd.s32 $0xC3F0, s25;
	[sflag:s13] =	ssyncadd.s32 $0xFFFFE700  }
0x94: {  	[tilespmem:s17], [sflag:$0x1] =	stream.indirect.gather [hbm4b:s2+s16], $0x50, s30, s16, $0xb8;
	[tilespmem:$0x19190] =	vst v63  }
0x95: {  	_ =	swait.ge [sflag:s20], $0x1900  }
0x96: {  	[sflag:s20] =	ssyncset.done $0x0  }
0x97: {  	s31 =	sadd.s32 $0x111C0, s25;
	[sflag:s20] =	ssyncadd.s32 $0xFFFFE700  }
0x98: {  	[spmem:s3] =	stream.indirect.scatter.add.f32 [tilespmem:s18], [sflag:$0x3], $0x50, s31, s16, $0xb8;
	[tilespmem:$0x19190] =	vst v63  }
.Ltmp6:
0x99: {  	_ = 	snop;
	(pc) =	sbr.rel .LBB2_8-.Ltmp6, $4  }
0x9a: {  	_ =	swait.ge [sflag:s13], $0x1900  }
0x9b: {  	[sflag:s13] =	ssyncset.done $0x0  }
0x9c: {  	[sflag:s13] =	ssyncadd.s32 $0xFFFFE700  }
0x9d: {  	[tilespmem:s18], [sflag:$0x2] =	stream.indirect.gather [hbm4b:s2+s16], $0x50, s21, s16, $0xb8;
	[tilespmem:$0x19190] =	vst v63  }
.LBB2_9:
0x9e: {  	_ =	sfence.sel $0x180000  }
0x9f: {  	[bflag:$0x0] =	sbarrier.arrive $0xFFFF  }
0xa0: {  	p0 =	sne.s32 s1, $0x0;
	_ =	strace $0x9000004D  }
0xa1: {  	s0 =	sadd.s32 @!p0 $0x100000, s0;
	[bflag:$0x2] =	sbarrier.arrive $0xFFFF  }
0xa2: {  	[sflag:s0] =	ssyncadd.tile.s32 @!p0 $0x1;
	_ =	shalt  }
.Lfunc_end2:
_tile_overlayer_lowered:
.L_overlay_start_2:
0xa3: {  	(tag) =	ssettag $0x2  }
0xa4: {  	s0 =	rddreg [dreg:$0x0];
	s2 =	stileid.u32  }
0xa5: {  	s1 =	rddreg [dreg:$0x1];
	p0 =	sne.s32 s2, $0x0  }
0xa6: {  	s3 =	rddreg [dreg:$0x2];
	[bflag:$0x3] =	sbarrier.arrive $0xFFFF;
	s2 =	simm.s32 @!p0 $0x1C03  }
0xa7: {  	[timem:s3], [sflag:s2] =	dma.local @!p0 [hbm:s0], s1  }
0xa8: {  	s0 =	simm.s32 @!p0 $0x3  }
0xa9: {  	_ =	swait.ge @!p0 [sflag:s0], s1  }
0xaa: {  	s1 =	ssub.s32 @!p0 $0x0, s1;
	[sflag:s0] =	ssyncset.done @!p0 $0x0  }
0xab: {  	[sflag:s0] =	ssyncadd.s32 @!p0 s1  }
0xac: {  	[bflag:$0x3] =	sbarrier.arrive $0xFFFF  }
0xad: {  	_ =	shalt  }

// kernel: kernel.19.cloned.1.call-start
scs
__scs_entry_jumppad:
0x0: {  	(pc) =	sbr.rel $0x88, $3  }
0x1: {  	(tag) =	ssettag $0x0;
	lr =	simm.s32 $0x1  }
0x2: {  	[smem:$0x3F90] =	sst lr;
	_ =	strace $0xD0000000  }
0x3: {  	_ = 	snop  }
0x4: {  	_ = 	snop  }
0x5: {  	_ = 	snop  }
0x6: {  	_ = 	snop  }
0x7: {  	_ = 	snop  }
__scs_overlays_trampoline_lowered:
0x8: {  	[smem:$0x3F9F] =	sst s0  }
0x9: {  	[smem:$0x3FA0] =	sst s1  }
0xa: {  	[smem:$0x3FA1] =	sst s2  }
0xb: {  	[smem:$0x3FA2] =	sst s3  }
0xc: {  	[smem:$0x3FA3] =	sst s4  }
0xd: {  	[smem:$0x3FA4] =	sst s5  }
0xe: {  	[smem:$0x3FA5] =	sst s6  }
0xf: {  	[smem:$0x3FA6] =	sst s7  }
0x10: {  	[smem:$0x3FA7] =	sst s8  }
0x11: {  	[smem:$0x3FA8] =	sst s9;
	s0 =	simm.s32 @!p0 $0x0  }
0x12: {  	s1 =	sld [smem:$0x3F8E];
	s0 =	simm.s32 @p0 $0x1  }
0x13: {  	[smem:$0x3FA9] =	sst s0;
	s0 =	simm.s32 @!p1 $0x0  }
0x14: {  	s2 =	sld [smem:$0x3F8D];
	s0 =	simm.s32 @p1 $0x1  }
0x15: {  	[smem:$0x3FAA] =	sst s0;
	s0 =	simm.s32 @!p2 $0x0  }
0x16: {  	s3 =	sld [smem:$0x3FDB];
	s0 =	simm.s32 @p2 $0x1  }
0x17: {  	s4 =	simm.s32 $0x1BF5;
	[smem:$0x3FAC] =	sst s0  }
0x18: {  	s0 =	sld [smem:$0x3F8F];
	_ =	swait.ge [sflag:s4], $0x0  }
0x19: {  	s7 =	sld [smem:$0x3F90]  }
0x1a: {  	s8 =	sadd.s32 $0xFFFFE003, lr  }
0x1b: {  	s9 =	sadd.s32 $0xFFFFFEF7, lr;
	s5 =	simm.s32 $0xFFFFFFFF;
	p2 =	slt.u32 s8, $0xFFFFF086  }
0x1c: {  	p1 =	slt.u32 s9, $0xF7A;
	s5 =	simm.s32 @!p2 $0x0  }
0x1d: {  	s5 =	simm.s32 @p1 $0x1;
	p0 =	seq.s32 s7, s2  }
0x1e: {  	s7 =	smul.u32 @!p0 $0xF7A, s2;
	p2 =	seq.s32 @!p0 s5, $0x0  }
0x1f: {  	s9 =	smul.u32 $0xF7A, s1;
	s8 =	simm.s32 @!p0 $0x1BF5;
	p2 =	por !p2, p0  }
0x20: {  	[sflag:s8] =	ssyncset.s32 @!p0 $0xFFFFF086;
	s6 =	sadd.s32 @!p0 s3, s7;
	s7 =	simm.s32 @!p0 $0x108  }
0x21: {  	s3 =	sadd.s32 s3, s9;
	s6 =	sadd.s32 @!p0 $0x88, s6;
	s7 =	simm.s32 @p2 $0x1082  }
0x22: {  	[simem:s7], [sflag:s8] =	dma.local @!p0 [hbm:s6], $0xF7A  }
0x23: {  	s9 =	sor.u32 $0xD0000000, s2;
	s6 =	simm.s32 $0x108;
	_ =	swait.ge @!p0 [sflag:s8], $0x0  }
0x24: {  	s3 =	sadd.s32 $0x88, s3;
	s6 =	simm.s32 @!p1 $0x1082;
	[sflag:s4] =	ssyncset.s32 $0xFFFFF086  }
0x25: {  	[simem:s6], [sflag:s4] =	dma.local [hbm:s3], $0xF7A  }
0x26: {  	[smem:$0x3F90] =	sst s1;
	(tag) =	ssettag s2;
	_ =	strace s9  }
0x27: {  	s1 =	sld [smem:$0x3FA0]  }
0x28: {  	s2 =	sld [smem:$0x3FA1]  }
0x29: {  	s4 =	sld [smem:$0x3FA3]  }
0x2a: {  	p0 =	seq.s32 s5, $0x0;
	s5 =	sld [smem:$0x3FA4]  }
0x2b: {  	s6 =	sld [smem:$0x3FA5]  }
0x2c: {  	s7 =	sld [smem:$0x3FA6]  }
0x2d: {  	s3 =	simm.s32 $0x108;
	s8 =	sld [smem:$0x3FA7]  }
0x2e: {  	s3 =	simm.s32 @!p0 $0x1082;
	s9 =	sld [smem:$0x3FA8]  }
0x2f: {  	lr =	sadd.s32 s0, s3;
	s0 =	sld [smem:$0x3F9F]  }
0x30: {  	s3 =	sld [smem:$0x3FA2]  }
0x31: {  	[smem:$0x3FAB] =	sst s10  }
0x32: {  	s10 =	sld [smem:$0x3FA9];
	_ =	sdelay $0x3  }
0x33: {  	p0 =	seq.s32 s10, $0x1;
	s10 =	sld [smem:$0x3FAB];
	_ =	sdelay $0x3  }
0x34: {  	[smem:$0x3FAB] =	sst s10  }
0x35: {  	s10 =	sld [smem:$0x3FAA];
	_ =	sdelay $0x3  }
0x36: {  	p1 =	seq.s32 s10, $0x1;
	s10 =	sld [smem:$0x3FAB];
	_ =	sdelay $0x3  }
0x37: {  	[smem:$0x3FAB] =	sst s10  }
0x38: {  	s10 =	sld [smem:$0x3FAC]  }
0x39: {  	_ = 	snop;
	(pc) =	sbr.ind lr, $3  }
0x3a: {  	_ = 	snop  }
0x3b: {  	_ = 	snop  }
0x3c: {  	p2 =	seq.s32 s10, $0x1;
	s10 =	sld [smem:$0x3FAB]  }
0x3d: {  	_ =	shalt  }
0x3e: {  	_ =	shalt  }
0x3f: {  	_ =	shalt  }
0x40: {  	_ =	shalt  }
0x41: {  	_ =	shalt  }
0x42: {  	_ =	shalt  }
0x43: {  	_ =	shalt  }
0x44: {  	_ =	shalt  }
0x45: {  	_ =	shalt  }
0x46: {  	_ =	shalt  }
0x47: {  	_ =	shalt  }
0x48: {  	_ =	shalt  }
0x49: {  	_ =	shalt  }
0x4a: {  	_ =	shalt  }
0x4b: {  	_ =	shalt  }
0x4c: {  	_ =	shalt  }
0x4d: {  	_ =	shalt  }
0x4e: {  	_ =	shalt  }
0x4f: {  	_ =	shalt  }
0x50: {  	_ =	shalt  }
0x51: {  	_ =	shalt  }
0x52: {  	_ =	shalt  }
0x53: {  	_ =	shalt  }
0x54: {  	_ =	shalt  }
0x55: {  	_ =	shalt  }
0x56: {  	_ =	shalt  }
0x57: {  	_ =	shalt  }
0x58: {  	_ =	shalt  }
0x59: {  	_ =	shalt  }
0x5a: {  	_ =	shalt  }
0x5b: {  	_ =	shalt  }
0x5c: {  	_ =	shalt  }
0x5d: {  	_ =	shalt  }
0x5e: {  	_ =	shalt  }
0x5f: {  	_ =	shalt  }
0x60: {  	_ =	shalt  }
0x61: {  	_ =	shalt  }
0x62: {  	_ =	shalt  }
0x63: {  	_ =	shalt  }
0x64: {  	_ =	shalt  }
0x65: {  	_ =	shalt  }
0x66: {  	_ =	shalt  }
0x67: {  	_ =	shalt  }
0x68: {  	_ =	shalt  }
0x69: {  	_ =	shalt  }
0x6a: {  	_ =	shalt  }
0x6b: {  	_ =	shalt  }
0x6c: {  	_ =	shalt  }
0x6d: {  	_ =	shalt  }
0x6e: {  	_ =	shalt  }
0x6f: {  	_ =	shalt  }
0x70: {  	_ =	shalt  }
0x71: {  	_ =	shalt  }
0x72: {  	_ =	shalt  }
0x73: {  	_ =	shalt  }
0x74: {  	_ =	shalt  }
0x75: {  	_ =	shalt  }
0x76: {  	_ =	shalt  }
0x77: {  	_ =	shalt  }
0x78: {  	_ =	shalt  }
0x79: {  	_ =	shalt  }
0x7a: {  	_ =	shalt  }
0x7b: {  	_ =	shalt  }
0x7c: {  	_ =	shalt  }
0x7d: {  	_ =	shalt  }
0x7e: {  	_ =	shalt  }
0x7f: {  	_ =	shalt  }
0x80: {  	_ =	shalt  }
0x81: {  	_ =	shalt  }
0x82: {  	_ =	shalt  }
0x83: {  	_ =	shalt  }
0x84: {  	_ =	shalt  }
0x85: {  	_ =	shalt  }
0x86: {  	_ =	shalt  }
0x87: {  	_ =	shalt  }
.Lfunc_end0:
.L_simem_size_0:
called_computation.3_lowered:
.L_overlay_start_0:
0x88: {  	s2 =	sld [smem:$0x3FD9]  }
0x89: {  	s3 =	sld [smem:$0x3FFE];
	_ =	sdelay $0x1  }
0x8a: {  	s1 =	srdreg.scid  }
0x8b: {  	s0 =	sand.u32 $0x1, s1  }
0x8c: {  	s17 =	sshll.u32 s0, $0xA;
	s2 =	sadd.s32 s3, s2  }
0x8d: {  	s2 =	sadd.s32 s2, s17  }
0x8e: {  	[smem:$0x3FB7] =	sst s2  }
0x8f: {  	_ = 	snop  }
0x90: {  	s2 =	sld [smem:$0x3FD0];
	(tm) =	ssettm $0x1  }
0x91: {  	s18 =	sld [smem:$0x3FFB];
	_ =	sdelay $0x3  }
0x92: {  	_ =	strace s18  }
0x93: {  	s3 =	sld [smem:$0x3FFC];
	_ =	sdelay $0x3  }
0x94: {  	_ =	strace s3  }
0x95: {  	s3 =	sld [smem:$0x3FFD];
	_ =	sdelay $0x3  }
0x96: {  	_ =	strace s3  }
0x97: {  	_ =	strace $0x8FFFFFFF  }
0x98: {  	s19 =	sld [smem:$0x3FDB];
	_ =	sdelay $0x1  }
0x99: {  	s4 =	simm.s32 $_scs_section_size  }
0x9a: {  	s5 =	simm.s32 $_size__tile_overlayer_lowered;
	s6 =	simm.s32 $_tile_overlayer_lowered  }
0x9b: {  	s22 =	simm.s32 $0x1BFF;
	s21 =	sshll.u32 s6, $0x1;
	s3 =	sadd.s32 s4, s19  }
0x9c: {  	s7 =	simm.s32 $0x0;
	s20 =	sshll.u32 s5, $0x1;
	s5 =	sadd.s32 s21, s3  }
0x9d: {  	[timem:s7], [sflag:s22] =	dma.local [hbm:s5], s20  }
0x9e: {  	_ =	swait.ge [sflag:s22], s20  }
0x9f: {  	s4 =	ssub.s32 $0x0, s20;
	[sflag:s22] =	ssyncset.done $0x0  }
0xa0: {  	[sflag:s22] =	ssyncadd.s32 s4;
	_ =	sdelay $0x1  }
0xa1: {  	s23 =	simm.s32 $0x1B8B  }
0xa2: {  	_ =	swait.ge [sflag:s23], $0x1  }
0xa3: {  	[sflag:s23] =	ssyncset.done $0x0  }
0xa4: {  	s25 =	simm.s32 $0x1B8E;
	s24 =	sld [smem:$0x3FFE];
	[sflag:s23] =	ssyncadd.s32 $0xFFFFFFFF  }
0xa5: {  	s26 =	simm.s32 $execute0_lowered;
	[smem:$0x3FD2] =	sst s25  }
0xa6: {  	s5 =	sshll.u32 s26, $0x1;
	_ =	strace $0x8000004F;
	[dreg:$0x1] =	wrdreg $0xFFFFFFFF  }
0xa7: {  	s28 =	simm.s32 $_size_execute0_lowered;
	s3 =	sadd.s32 s3, s5;
	[dreg:$0x0] =	wrdreg $0x0  }
0xa8: {  	s5 =	sshll.u32 s28, $0x1;
	[dreg:$0x2] =	wrdreg s3  }
0xa9: {  	[dreg:$0x3] =	wrdreg s5  }
0xaa: {  	[dreg:$0x4] =	wrdreg $0xC0  }
0xab: {  	_ =	task [dreg:s7], $0x5FFFF  }
0xac: {  	[dreg:$0x1] =	wrdreg $0xFFFFFFFF  }
0xad: {  	[dreg:$0x0] =	wrdreg $0x60  }
0xae: {  	[dreg:$0x2] =	wrdreg s24  }
0xaf: {  	[dreg:$0x3] =	wrdreg s2  }
0xb0: {  	[dreg:$0x4] =	wrdreg $0x0  }
0xb1: {  	[dreg:$0x5] =	wrdreg $0x9  }
0xb2: {  	_ =	task.clear_ibuf [dreg:s7], $0x6FFFF;
	_ =	strace $0x9000004F  }
0xb3: {  	s29 =	simm.s32 $0x9;
	_ =	strace $0x80000051  }
0xb4: {  	_ =	swait.ge [sflag:s29], $0x1  }
0xb5: {  	[sflag:s29] =	ssyncadd.s32 $0xFFFFFFFF  }
0xb6: {  	_ =	strace $0x90000051  }
0xb7: {  	_ =	sfence  }
0xb8: {  	s30 =	sld [smem:$0x0];
	_ =	sdelay $0x2  }
0xb9: {  	s31 =	sshll.u32 s1, $0xD;
	s1 =	sshrl.u32 s1, $0x2  }
0xba: {  	s3 =	sand.u32 $0x4000, s31;
	s1 =	sadd.s32 s1, s30  }
0xbb: {  	s0 =	sor.u32 s3, s0;
	s1 =	sshll.u32 s1, $0x11  }
0xbc: {  	s0 =	sor.u32 s1, s0  }
0xbd: {  	s0 =	sadd.s32 $0x8F2B, s0  }
0xbe: {  	[sflag:s0] =	ssyncadd.remote.s32 $0x1  }
0xbf: {  	_ =	sfence.sel $0xFFFF  }
0xc0: {  	[dreg:$0x0] =	wrdreg $0xFFFFFFFF;
	(pc) =	sbr.abs _section_cstart, $3  }
0xc1: {  	[dreg:$0x1] =	wrdreg $0xFFFFFFFF  }
0xc2: {  	_ =	task.clear_ibuf [dreg:s7], $0x2FFFF;
	_ =	strace $0x9FFFFFFF  }
0xc3: {  	(tm) =	ssettm $0x7FFFFFFF  }
tec
execute0_lowered:
.L_overlay_start_1:
0x0: {  	(tag) =	ssettag $0x1  }
0x1: {  	s6 =	rddreg [dreg:$0x0]  }
0x2: {  	s2 =	rddreg [dreg:$0x1]  }
0x3: {  	s3 =	rddreg [dreg:$0x2]  }
0x4: {  	s0 =	rddreg [dreg:$0x3];
	s1 =	stileid.u32  }
0x5: {  	s7 =	srdreg.scid;
	s4 =	simm.s32 $0x0;
	s15 =	simm.s32 $0xEA60  }
0x6: {  	s16 =	simm.s32 $0x50;
	s17 =	simm.s32 $0x13880;
	s18 =	simm.s32 $0x14C80  }
0x7: {  	s19 =	simm.s32 $0x1;
	s20 =	simm.s32 $0x2;
	s21 =	simm.s32 $0xEA10  }
0x8: {  	s22 =	simm.s32 $0x137E0;
	s23 =	simm.s32 $0x13830;
	s5 =	smul.u32 $0x4E20, s1  }
0x9: {  	s24 =	simm.s32 $0x0;
	s8 =	smul.u32 $0x9C40, s1;
	s10 =	sand.u32 $0x1, s7  }
0xa: {  	[smem:$0x7FF] =	sst s4;
	s30 =	sshll.u32 s1, $0x6;
	s7 =	smul.u32 $0x9C400, s10  }
0xb: {  	_ =	strace $0x80000050;
	s12 =	ssub.s32 $0x2, s10;
	p0 =	seq.s32 s10, $0x1  }
0xc: {  	s5 =	sshrl.u32 s5, $0x3;
	s11 =	sshrl.u32 s8, $0x3;
	s13 =	sshrl.u32 s12, $0x1  }
0xd: {  	s31 =	sadd.s32 s8, s3;
	s9 =	sadd.s32 s5, s6;
	s5 =	sadd.s32 $0x1A000, s6  }
.Ltmp0:
0xe: {  	s7 =	sadd.s32 s8, s7;
	s11 =	sadd.s32 s11, s6;
	(pc) =	sbr.rel .LBB2_1-.Ltmp0, $4  }
0xf: {  	s12 =	ssub.s32 s12, s13;
	s13 =	simm.s32 $0x3;
	s7 =	sshrl.u32 s7, $0x3  }
0x10: {  	s8 =	sadd.s32 $0x6600, s9;
	s9 =	sadd.s32 $0x10240, s9;
	s14 =	sadd.s32 s7, s6  }
0x11: {  	s6 =	sadd.s32 $0x68600, s11;
	s7 =	sor.u32 $0x1C03, s30;
	s11 =	smax.u32 s12, $0x1  }
0x12: {  	s12 =	sshrl.u32 s31, $0x3;
	s10 =	sadd.s32 $0x2DA00, s14;
	s14 =	simm.s32 $0x9C40  }
.LBB2_7:
0x13: {  	s26 =	sadd.s32 $0x9C90, s25;
	[sflag:s13] =	ssyncadd.s32 $0xFFFFEC00  }
0x14: {  	[tilespmem:s18], [sflag:$0x2] =	stream.indirect.gather [hbm4b:s5+s16], $0x40, s26, s16, $0xb8;
	[tilespmem:$0x16080] =	vst v63  }
0x15: {  	_ =	swait.ge [sflag:s19], $0x1400  }
0x16: {  	[sflag:s19] =	ssyncset.done $0x0  }
0x17: {  	s29 =	sadd.s32 $0xEA60, s25;
	[sflag:s19] =	ssyncadd.s32 $0xFFFFEC00  }
0x18: {  	[spmem:s3] =	stream.indirect.scatter.add.f32 [tilespmem:s17], [sflag:$0x3], $0x40, s29, s16, $0xb8;
	[tilespmem:$0x16080] =	vst v63  }
0x19: {  	_ =	swait.ge [sflag:s13], $0x1400  }
0x1a: {  	[sflag:s13] =	ssyncset.done $0x0  }
0x1b: {  	s30 =	sadd.s32 $0x9CE0, s25;
	[sflag:s13] =	ssyncadd.s32 $0xFFFFEC00  }
0x1c: {  	[tilespmem:s17], [sflag:$0x1] =	stream.indirect.gather [hbm4b:s5+s16], $0x40, s30, s16, $0xb8;
	[tilespmem:$0x16080] =	vst v63  }
0x1d: {  	_ =	swait.ge [sflag:s20], $0x1400  }
0x1e: {  	[sflag:s20] =	ssyncset.done $0x0  }
0x1f: {  	s31 =	sadd.s32 $0xEAB0, s25;
	[sflag:s20] =	ssyncadd.s32 $0xFFFFEC00  }
0x20: {  	[spmem:s3] =	stream.indirect.scatter.add.f32 [tilespmem:s18], [sflag:$0x3], $0x40, s31, s16, $0xb8;
	[tilespmem:$0x16080] =	vst v63  }
0x21: {  	_ =	swait.ge [sflag:s13], $0x1400  }
0x22: {  	[sflag:s13] =	ssyncset.done $0x0  }
0x23: {  	[sflag:s13] =	ssyncadd.s32 $0xFFFFEC00  }
0x24: {  	[tilespmem:s18], [sflag:$0x2] =	stream.indirect.gather [hbm4b:s5+s16], $0x40, s21, s16, $0xb8;
	[tilespmem:$0x16080] =	vst v63  }
.LBB2_8:
0x25: {  	_ =	swait.ge [sflag:s19], $0x1400  }
0x26: {  	[sflag:s19] =	ssyncset.done $0x0  }
0x27: {  	[sflag:s19] =	ssyncadd.s32 $0xFFFFEC00  }
0x28: {  	[spmem:s3] =	stream.indirect.scatter.add.f32 [tilespmem:s17], [sflag:$0x3], $0x40, s22, s16, $0xb8;
	[tilespmem:$0x16080] =	vst v63  }
0x29: {  	_ =	swait.ge [sflag:s13], $0x1400  }
0x2a: {  	[sflag:s13] =	ssyncset.done $0x0  }
0x2b: {  	[sflag:s13] =	ssyncadd.s32 $0xFFFFEC00  }
0x2c: {  	_ =	swait.ge [sflag:s20], $0x1400  }
0x2d: {  	[sflag:s20] =	ssyncset.done $0x0  }
0x2e: {  	[sflag:s20] =	ssyncadd.s32 $0xFFFFEC00  }
0x2f: {  	[spmem:s3] =	stream.indirect.scatter.add.f32 [tilespmem:s18], [sflag:$0x3], $0x40, s23, s16, $0xb8;
	[tilespmem:$0x16080] =	vst v63  }
0x30: {  	_ =	swait.ge [sflag:s13], $0x1400  }
0x31: {  	s24 =	sadd.s32 $0x1, s24;
	[sflag:s13] =	ssyncset.done $0x0  }
0x32: {  	p1 =	sne.s32 s24, s11;
	[sflag:s13] =	ssyncadd.s32 $0xFFFFEC00  }
.Ltmp1:
0x33: {  	[bflag:$0x0] =	sbarrier.arrive $0xFFFF;
	(pc) =	sbr.rel @!p1 .LBB2_9-.Ltmp1, $4  }
0x34: {  	[hbm:s10], [sflag:s7] =	dma.local [spmem:s12], $0x1388  }
0x35: {  	_ =	swait.ge [sflag:s13], $0x1388  }
0x36: {  	[sflag:s13] =	ssyncset.done $0x0  }
0x37: {  	[sflag:s13] =	ssyncadd.s32 $0xFFFFEC78  }
.LBB2_1:
0x38: {  	[spmem:s12], [sflag:s7] =	dma.local [hbm:s6], $0x1388  }
0x39: {  	_ =	swait.ge [sflag:s13], $0x1388  }
0x3a: {  	[sflag:s13] =	ssyncset.done $0x0  }
0x3b: {  	[sflag:s13] =	ssyncadd.s32 $0xFFFFEC78  }
0x3c: {  	[tilespmem:s14], [sflag:$0x3] =	stream.linear.gather [hbm4b:s8+s4], $0x4E20, $0x38;
	[tilespmem:$0x16080] =	vst v63  }
0x3d: {  	_ =	swait.ge [sflag:s13], $0x4E20  }
0x3e: {  	[sflag:s13] =	ssyncset.done $0x0  }
0x3f: {  	[sflag:s13] =	ssyncadd.s32 $0xFFFFB1E0  }
0x40: {  	[tilespmem:s15], [sflag:$0x3] =	stream.linear.gather [hbm4b:s9+s4], $0x4E20, $0x38;
	[tilespmem:$0x16080] =	vst v63  }
.Ltmp2:
0x41: {  	_ =	swait.ge [sflag:s13], $0x4E20;
	(pc) =	sbr.rel @!p0 .LBB2_2-.Ltmp2, $3  }
0x42: {  	[sflag:s13] =	ssyncset.done $0x0  }
0x43: {  	[sflag:s13] =	ssyncadd.s32 $0xFFFFB1E0  }
0x44: {  	[bflag:$0x0] =	sbarrier.arrive $0xFFFF;
	_ =	sdelay $0x1  }
0x45: {  	[tilespmem:s17], [sflag:$0x1] =	stream.indirect.gather [hbm4b:s5+s16], $0x40, s14, s16, $0xb8;
	[tilespmem:$0x16080] =	vst v63  }
0x46: {  	s25 =	simm.s32 $0x9C90  }
0x47: {  	[tilespmem:s18], [sflag:$0x2] =	stream.indirect.gather [hbm4b:s5+s16], $0x40, s25, s16, $0xb8;
	[tilespmem:$0x16080] =	vst v63  }
0x48: {  	_ =	swait.ge [sflag:s19], $0x1400  }
0x49: {  	[sflag:s19] =	ssyncset.done $0x0  }
0x4a: {  	s29 =	simm.s32 $0xEA60;
	[sflag:s19] =	ssyncadd.s32 $0xFFFFEC00  }
0x4b: {  	[spmem:s3] =	stream.indirect.scatter.add.f32 [tilespmem:s17], [sflag:$0x3], $0x40, s29, s16, $0xb8;
	[tilespmem:$0x16080] =	vst v63  }
0x4c: {  	_ =	swait.ge [sflag:s13], $0x1400  }
0x4d: {  	[sflag:s13] =	ssyncset.done $0x0  }
0x4e: {  	s30 =	simm.s32 $0x9CE0;
	[sflag:s13] =	ssyncadd.s32 $0xFFFFEC00  }
0x4f: {  	[tilespmem:s17], [sflag:$0x1] =	stream.indirect.gather [hbm4b:s5+s16], $0x40, s30, s16, $0xb8;
	[tilespmem:$0x16080] =	vst v63  }
0x50: {  	_ =	swait.ge [sflag:s20], $0x1400  }
0x51: {  	[sflag:s20] =	ssyncset.done $0x0  }
0x52: {  	s31 =	simm.s32 $0xEAB0;
	[sflag:s20] =	ssyncadd.s32 $0xFFFFEC00  }
0x53: {  	[spmem:s3] =	stream.indirect.scatter.add.f32 [tilespmem:s18], [sflag:$0x3], $0x40, s31, s16, $0xb8;
	[tilespmem:$0x16080] =	vst v63  }
0x54: {  	_ =	swait.ge [sflag:s13], $0x1400  }
0x55: {  	s26 =	simm.s32 $0x500;
	s25 =	simm.s32 $0xA0;
	[sflag:s13] =	ssyncset.done $0x0  }
.LBB2_6:
0x56: {  	s28 =	sadd.s32 $0x9C90, s25  }
0x57: {  	[sflag:s13] =	ssyncadd.s32 $0xFFFFEC00;
	s29 =	smov.u32 s26;
	s30 =	sadd.s32 $0x280, s26  }
0x58: {  	[tilespmem:s18], [sflag:$0x2] =	stream.indirect.gather [hbm4b:s5+s16], $0x40, s28, s16, $0xb8;
	[tilespmem:$0x16080] =	vst v63  }
0x59: {  	p1 =	sne.s32 s26, $0x13380;
	_ =	swait.ge [sflag:s19], $0x1400  }
0x5a: {  	[sflag:s19] =	ssyncset.done $0x0  }
0x5b: {  	s26 =	sadd.s32 $0xEA60, s25;
	[sflag:s19] =	ssyncadd.s32 $0xFFFFEC00  }
0x5c: {  	[spmem:s3] =	stream.indirect.scatter.add.f32 [tilespmem:s17], [sflag:$0x3], $0x40, s26, s16, $0xb8;
	[tilespmem:$0x16080] =	vst v63  }
0x5d: {  	_ =	swait.ge [sflag:s13], $0x1400  }
0x5e: {  	[sflag:s13] =	ssyncset.done $0x0  }
0x5f: {  	s26 =	sadd.s32 $0x9CE0, s25;
	[sflag:s13] =	ssyncadd.s32 $0xFFFFEC00  }
0x60: {  	[tilespmem:s17], [sflag:$0x1] =	stream.indirect.gather [hbm4b:s5+s16], $0x40, s26, s16, $0xb8;
	[tilespmem:$0x16080] =	vst v63  }
0x61: {  	_ =	swait.ge [sflag:s20], $0x1400  }
.Ltmp3:
0x62: {  	[sflag:s20] =	ssyncset.done $0x0;
	(pc) =	sbr.rel @p1 .LBB2_6-.Ltmp3, $4  }
0x63: {  	s25 =	sadd.s32 $0xEAB0, s25;
	[sflag:s20] =	ssyncadd.s32 $0xFFFFEC00  }
0x64: {  	[spmem:s3] =	stream.indirect.scatter.add.f32 [tilespmem:s18], [sflag:$0x3], $0x40, s25, s16, $0xb8;
	[tilespmem:$0x16080] =	vst v63  }
0x65: {  	_ =	swait.ge [sflag:s13], $0x1400  }
0x66: {  	s26 =	smov.u32 s30;
	s25 =	sshra.s32 s29, $0x2;
	[sflag:s13] =	ssyncset.done $0x0  }
.Ltmp4:
0x67: {  	_ = 	snop;
	(pc) =	sbr.rel .LBB2_7-.Ltmp4, $1  }
0x68: {  	_ =	sdelay $0x3  }
.LBB2_2:
0x69: {  	[tilespmem:s17], [sflag:$0x1] =	stream.indirect.gather [hbm4b:s2+s16], $0x40, s14, s16, $0xb8;
	[tilespmem:$0x16080] =	vst v63  }
0x6a: {  	s25 =	simm.s32 $0x9C90  }
0x6b: {  	[tilespmem:s18], [sflag:$0x2] =	stream.indirect.gather [hbm4b:s2+s16], $0x40, s25, s16, $0xb8;
	[tilespmem:$0x16080] =	vst v63  }
0x6c: {  	_ =	swait.ge [sflag:s19], $0x1400  }
0x6d: {  	[sflag:s19] =	ssyncset.done $0x0  }
0x6e: {  	s29 =	simm.s32 $0xEA60;
	[sflag:s19] =	ssyncadd.s32 $0xFFFFEC00  }
0x6f: {  	[spmem:s3] =	stream.indirect.scatter.add.f32 [tilespmem:s17], [sflag:$0x3], $0x40, s29, s16, $0xb8;
	[tilespmem:$0x16080] =	vst v63  }
0x70: {  	_ =	swait.ge [sflag:s13], $0x1400  }
0x71: {  	[sflag:s13] =	ssyncset.done $0x0  }
0x72: {  	s30 =	simm.s32 $0x9CE0;
	[sflag:s13] =	ssyncadd.s32 $0xFFFFEC00  }
0x73: {  	[tilespmem:s17], [sflag:$0x1] =	stream.indirect.gather [hbm4b:s2+s16], $0x40, s30, s16, $0xb8;
	[tilespmem:$0x16080] =	vst v63  }
0x74: {  	_ =	swait.ge [sflag:s20], $0x1400  }
0x75: {  	[sflag:s20] =	ssyncset.done $0x0  }
0x76: {  	s31 =	simm.s32 $0xEAB0;
	[sflag:s20] =	ssyncadd.s32 $0xFFFFEC00  }
0x77: {  	[spmem:s3] =	stream.indirect.scatter.add.f32 [tilespmem:s18], [sflag:$0x3], $0x40, s31, s16, $0xb8;
	[tilespmem:$0x16080] =	vst v63  }
0x78: {  	_ =	swait.ge [sflag:s13], $0x1400  }
0x79: {  	s26 =	simm.s32 $0x500;
	s25 =	simm.s32 $0xA0;
	[sflag:s13] =	ssyncset.done $0x0  }
.LBB2_3:
0x7a: {  	s28 =	sadd.s32 $0x9C90, s25  }
0x7b: {  	[sflag:s13] =	ssyncadd.s32 $0xFFFFEC00;
	s29 =	smov.u32 s26;
	s30 =	sadd.s32 $0x280, s26  }
0x7c: {  	[tilespmem:s18], [sflag:$0x2] =	stream.indirect.gather [hbm4b:s2+s16], $0x40, s28, s16, $0xb8;
	[tilespmem:$0x16080] =	vst v63  }
0x7d: {  	p1 =	seq.s32 s26, $0x13380;
	_ =	swait.ge [sflag:s19], $0x1400  }
0x7e: {  	[sflag:s19] =	ssyncset.done $0x0  }
0x7f: {  	s26 =	sadd.s32 $0xEA60, s25;
	[sflag:s19] =	ssyncadd.s32 $0xFFFFEC00  }
0x80: {  	[spmem:s3] =	stream.indirect.scatter.add.f32 [tilespmem:s17], [sflag:$0x3], $0x40, s26, s16, $0xb8;
	[tilespmem:$0x16080] =	vst v63  }
0x81: {  	_ =	swait.ge [sflag:s13], $0x1400  }
0x82: {  	[sflag:s13] =	ssyncset.done $0x0  }
0x83: {  	s26 =	sadd.s32 $0x9CE0, s25;
	[sflag:s13] =	ssyncadd.s32 $0xFFFFEC00  }
0x84: {  	[tilespmem:s17], [sflag:$0x1] =	stream.indirect.gather [hbm4b:s2+s16], $0x40, s26, s16, $0xb8;
	[tilespmem:$0x16080] =	vst v63  }
0x85: {  	_ =	swait.ge [sflag:s20], $0x1400  }
.Ltmp5:
0x86: {  	[sflag:s20] =	ssyncset.done $0x0;
	(pc) =	sbr.rel @!p1 .LBB2_3-.Ltmp5, $4  }
0x87: {  	s25 =	sadd.s32 $0xEAB0, s25;
	[sflag:s20] =	ssyncadd.s32 $0xFFFFEC00  }
0x88: {  	[spmem:s3] =	stream.indirect.scatter.add.f32 [tilespmem:s18], [sflag:$0x3], $0x40, s25, s16, $0xb8;
	[tilespmem:$0x16080] =	vst v63  }
0x89: {  	_ =	swait.ge [sflag:s13], $0x1400  }
0x8a: {  	s26 =	smov.u32 s30;
	s25 =	sshra.s32 s29, $0x2;
	[sflag:s13] =	ssyncset.done $0x0  }
0x8b: {  	s26 =	sadd.s32 $0x9C90, s25;
	[sflag:s13] =	ssyncadd.s32 $0xFFFFEC00  }
0x8c: {  	[tilespmem:s18], [sflag:$0x2] =	stream.indirect.gather [hbm4b:s2+s16], $0x40, s26, s16, $0xb8;
	[tilespmem:$0x16080] =	vst v63  }
0x8d: {  	_ =	swait.ge [sflag:s19], $0x1400  }
0x8e: {  	[sflag:s19] =	ssyncset.done $0x0  }
0x8f: {  	s29 =	sadd.s32 $0xEA60, s25;
	[sflag:s19] =	ssyncadd.s32 $0xFFFFEC00  }
0x90: {  	[spmem:s3] =	stream.indirect.scatter.add.f32 [tilespmem:s17], [sflag:$0x3], $0x40, s29, s16, $0xb8;
	[tilespmem:$0x16080] =	vst v63  }
0x91: {  	_ =	swait.ge [sflag:s13], $0x1400  }
0x92: {  	[sflag:s13] =	ssyncset.done $0x0  }
0x93: {  	s30 =	sadd.s32 $0x9CE0, s25;
	[sflag:s13] =	ssyncadd.s32 $0xFFFFEC00  }
0x94: {  	[tilespmem:s17], [sflag:$0x1] =	stream.indirect.gather [hbm4b:s2+s16], $0x40, s30, s16, $0xb8;
	[tilespmem:$0x16080] =	vst v63  }
0x95: {  	_ =	swait.ge [sflag:s20], $0x1400  }
0x96: {  	[sflag:s20] =	ssyncset.done $0x0  }
0x97: {  	s31 =	sadd.s32 $0xEAB0, s25;
	[sflag:s20] =	ssyncadd.s32 $0xFFFFEC00  }
0x98: {  	[spmem:s3] =	stream.indirect.scatter.add.f32 [tilespmem:s18], [sflag:$0x3], $0x40, s31, s16, $0xb8;
	[tilespmem:$0x16080] =	vst v63  }
.Ltmp6:
0x99: {  	_ = 	snop;
	(pc) =	sbr.rel .LBB2_8-.Ltmp6, $4  }
0x9a: {  	_ =	swait.ge [sflag:s13], $0x1400  }
0x9b: {  	[sflag:s13] =	ssyncset.done $0x0  }
0x9c: {  	[sflag:s13] =	ssyncadd.s32 $0xFFFFEC00  }
0x9d: {  	[tilespmem:s18], [sflag:$0x2] =	stream.indirect.gather [hbm4b:s2+s16], $0x40, s21, s16, $0xb8;
	[tilespmem:$0x16080] =	vst v63  }
.LBB2_9:
0x9e: {  	_ =	sfence.sel $0x180000  }
0x9f: {  	[bflag:$0x0] =	sbarrier.arrive $0xFFFF  }
0xa0: {  	p0 =	sne.s32 s1, $0x0;
	_ =	strace $0x90000050  }
0xa1: {  	s0 =	sadd.s32 @!p0 $0x100000, s0;
	[bflag:$0x2] =	sbarrier.arrive $0xFFFF  }
0xa2: {  	[sflag:s0] =	ssyncadd.tile.s32 @!p0 $0x1;
	_ =	shalt  }
.Lfunc_end2:
_tile_overlayer_lowered:
.L_overlay_start_2:
0xa3: {  	(tag) =	ssettag $0x2  }
0xa4: {  	s0 =	rddreg [dreg:$0x0];
	s2 =	stileid.u32  }
0xa5: {  	s1 =	rddreg [dreg:$0x1];
	p0 =	sne.s32 s2, $0x0  }
0xa6: {  	s3 =	rddreg [dreg:$0x2];
	[bflag:$0x3] =	sbarrier.arrive $0xFFFF;
	s2 =	simm.s32 @!p0 $0x1C03  }
0xa7: {  	[timem:s3], [sflag:s2] =	dma.local @!p0 [hbm:s0], s1  }
0xa8: {  	s0 =	simm.s32 @!p0 $0x3  }
0xa9: {  	_ =	swait.ge @!p0 [sflag:s0], s1  }
0xaa: {  	s1 =	ssub.s32 @!p0 $0x0, s1;
	[sflag:s0] =	ssyncset.done @!p0 $0x0  }
0xab: {  	[sflag:s0] =	ssyncadd.s32 @!p0 s1  }
0xac: {  	[bflag:$0x3] =	sbarrier.arrive $0xFFFF  }
0xad: {  	_ =	shalt  }

// kernel: kernel.22.cloned.1.call-start
scs
__scs_entry_jumppad:
0x0: {  	(pc) =	sbr.rel $0x88, $3  }
0x1: {  	(tag) =	ssettag $0x0;
	lr =	simm.s32 $0x1  }
0x2: {  	[smem:$0x3F90] =	sst lr;
	_ =	strace $0xD0000000  }
0x3: {  	_ = 	snop  }
0x4: {  	_ = 	snop  }
0x5: {  	_ = 	snop  }
0x6: {  	_ = 	snop  }
0x7: {  	_ = 	snop  }
__scs_overlays_trampoline_lowered:
0x8: {  	[smem:$0x3F9F] =	sst s0  }
0x9: {  	[smem:$0x3FA0] =	sst s1  }
0xa: {  	[smem:$0x3FA1] =	sst s2  }
0xb: {  	[smem:$0x3FA2] =	sst s3  }
0xc: {  	[smem:$0x3FA3] =	sst s4  }
0xd: {  	[smem:$0x3FA4] =	sst s5  }
0xe: {  	[smem:$0x3FA5] =	sst s6  }
0xf: {  	[smem:$0x3FA6] =	sst s7  }
0x10: {  	[smem:$0x3FA7] =	sst s8  }
0x11: {  	[smem:$0x3FA8] =	sst s9;
	s0 =	simm.s32 @!p0 $0x0  }
0x12: {  	s1 =	sld [smem:$0x3F8E];
	s0 =	simm.s32 @p0 $0x1  }
0x13: {  	[smem:$0x3FA9] =	sst s0;
	s0 =	simm.s32 @!p1 $0x0  }
0x14: {  	s2 =	sld [smem:$0x3F8D];
	s0 =	simm.s32 @p1 $0x1  }
0x15: {  	[smem:$0x3FAA] =	sst s0;
	s0 =	simm.s32 @!p2 $0x0  }
0x16: {  	s3 =	sld [smem:$0x3FDB];
	s0 =	simm.s32 @p2 $0x1  }
0x17: {  	s4 =	simm.s32 $0x1BF5;
	[smem:$0x3FAC] =	sst s0  }
0x18: {  	s0 =	sld [smem:$0x3F8F];
	_ =	swait.ge [sflag:s4], $0x0  }
0x19: {  	s7 =	sld [smem:$0x3F90]  }
0x1a: {  	s8 =	sadd.s32 $0xFFFFE003, lr  }
0x1b: {  	s9 =	sadd.s32 $0xFFFFFEF7, lr;
	s5 =	simm.s32 $0xFFFFFFFF;
	p2 =	slt.u32 s8, $0xFFFFF086  }
0x1c: {  	p1 =	slt.u32 s9, $0xF7A;
	s5 =	simm.s32 @!p2 $0x0  }
0x1d: {  	s5 =	simm.s32 @p1 $0x1;
	p0 =	seq.s32 s7, s2  }
0x1e: {  	s7 =	smul.u32 @!p0 $0xF7A, s2;
	p2 =	seq.s32 @!p0 s5, $0x0  }
0x1f: {  	s9 =	smul.u32 $0xF7A, s1;
	s8 =	simm.s32 @!p0 $0x1BF5;
	p2 =	por !p2, p0  }
0x20: {  	[sflag:s8] =	ssyncset.s32 @!p0 $0xFFFFF086;
	s6 =	sadd.s32 @!p0 s3, s7;
	s7 =	simm.s32 @!p0 $0x108  }
0x21: {  	s3 =	sadd.s32 s3, s9;
	s6 =	sadd.s32 @!p0 $0x88, s6;
	s7 =	simm.s32 @p2 $0x1082  }
0x22: {  	[simem:s7], [sflag:s8] =	dma.local @!p0 [hbm:s6], $0xF7A  }
0x23: {  	s9 =	sor.u32 $0xD0000000, s2;
	s6 =	simm.s32 $0x108;
	_ =	swait.ge @!p0 [sflag:s8], $0x0  }
0x24: {  	s3 =	sadd.s32 $0x88, s3;
	s6 =	simm.s32 @!p1 $0x1082;
	[sflag:s4] =	ssyncset.s32 $0xFFFFF086  }
0x25: {  	[simem:s6], [sflag:s4] =	dma.local [hbm:s3], $0xF7A  }
0x26: {  	[smem:$0x3F90] =	sst s1;
	(tag) =	ssettag s2;
	_ =	strace s9  }
0x27: {  	s1 =	sld [smem:$0x3FA0]  }
0x28: {  	s2 =	sld [smem:$0x3FA1]  }
0x29: {  	s4 =	sld [smem:$0x3FA3]  }
0x2a: {  	p0 =	seq.s32 s5, $0x0;
	s5 =	sld [smem:$0x3FA4]  }
0x2b: {  	s6 =	sld [smem:$0x3FA5]  }
0x2c: {  	s7 =	sld [smem:$0x3FA6]  }
0x2d: {  	s3 =	simm.s32 $0x108;
	s8 =	sld [smem:$0x3FA7]  }
0x2e: {  	s3 =	simm.s32 @!p0 $0x1082;
	s9 =	sld [smem:$0x3FA8]  }
0x2f: {  	lr =	sadd.s32 s0, s3;
	s0 =	sld [smem:$0x3F9F]  }
0x30: {  	s3 =	sld [smem:$0x3FA2]  }
0x31: {  	[smem:$0x3FAB] =	sst s10  }
0x32: {  	s10 =	sld [smem:$0x3FA9];
	_ =	sdelay $0x3  }
0x33: {  	p0 =	seq.s32 s10, $0x1;
	s10 =	sld [smem:$0x3FAB];
	_ =	sdelay $0x3  }
0x34: {  	[smem:$0x3FAB] =	sst s10  }
0x35: {  	s10 =	sld [smem:$0x3FAA];
	_ =	sdelay $0x3  }
0x36: {  	p1 =	seq.s32 s10, $0x1;
	s10 =	sld [smem:$0x3FAB];
	_ =	sdelay $0x3  }
0x37: {  	[smem:$0x3FAB] =	sst s10  }
0x38: {  	s10 =	sld [smem:$0x3FAC]  }
0x39: {  	_ = 	snop;
	(pc) =	sbr.ind lr, $3  }
0x3a: {  	_ = 	snop  }
0x3b: {  	_ = 	snop  }
0x3c: {  	p2 =	seq.s32 s10, $0x1;
	s10 =	sld [smem:$0x3FAB]  }
0x3d: {  	_ =	shalt  }
0x3e: {  	_ =	shalt  }
0x3f: {  	_ =	shalt  }
0x40: {  	_ =	shalt  }
0x41: {  	_ =	shalt  }
0x42: {  	_ =	shalt  }
0x43: {  	_ =	shalt  }
0x44: {  	_ =	shalt  }
0x45: {  	_ =	shalt  }
0x46: {  	_ =	shalt  }
0x47: {  	_ =	shalt  }
0x48: {  	_ =	shalt  }
0x49: {  	_ =	shalt  }
0x4a: {  	_ =	shalt  }
0x4b: {  	_ =	shalt  }
0x4c: {  	_ =	shalt  }
0x4d: {  	_ =	shalt  }
0x4e: {  	_ =	shalt  }
0x4f: {  	_ =	shalt  }
0x50: {  	_ =	shalt  }
0x51: {  	_ =	shalt  }
0x52: {  	_ =	shalt  }
0x53: {  	_ =	shalt  }
0x54: {  	_ =	shalt  }
0x55: {  	_ =	shalt  }
0x56: {  	_ =	shalt  }
0x57: {  	_ =	shalt  }
0x58: {  	_ =	shalt  }
0x59: {  	_ =	shalt  }
0x5a: {  	_ =	shalt  }
0x5b: {  	_ =	shalt  }
0x5c: {  	_ =	shalt  }
0x5d: {  	_ =	shalt  }
0x5e: {  	_ =	shalt  }
0x5f: {  	_ =	shalt  }
0x60: {  	_ =	shalt  }
0x61: {  	_ =	shalt  }
0x62: {  	_ =	shalt  }
0x63: {  	_ =	shalt  }
0x64: {  	_ =	shalt  }
0x65: {  	_ =	shalt  }
0x66: {  	_ =	shalt  }
0x67: {  	_ =	shalt  }
0x68: {  	_ =	shalt  }
0x69: {  	_ =	shalt  }
0x6a: {  	_ =	shalt  }
0x6b: {  	_ =	shalt  }
0x6c: {  	_ =	shalt  }
0x6d: {  	_ =	shalt  }
0x6e: {  	_ =	shalt  }
0x6f: {  	_ =	shalt  }
0x70: {  	_ =	shalt  }
0x71: {  	_ =	shalt  }
0x72: {  	_ =	shalt  }
0x73: {  	_ =	shalt  }
0x74: {  	_ =	shalt  }
0x75: {  	_ =	shalt  }
0x76: {  	_ =	shalt  }
0x77: {  	_ =	shalt  }
0x78: {  	_ =	shalt  }
0x79: {  	_ =	shalt  }
0x7a: {  	_ =	shalt  }
0x7b: {  	_ =	shalt  }
0x7c: {  	_ =	shalt  }
0x7d: {  	_ =	shalt  }
0x7e: {  	_ =	shalt  }
0x7f: {  	_ =	shalt  }
0x80: {  	_ =	shalt  }
0x81: {  	_ =	shalt  }
0x82: {  	_ =	shalt  }
0x83: {  	_ =	shalt  }
0x84: {  	_ =	shalt  }
0x85: {  	_ =	shalt  }
0x86: {  	_ =	shalt  }
0x87: {  	_ =	shalt  }
.Lfunc_end0:
.L_simem_size_0:
called_computation.4_lowered:
.L_overlay_start_0:
0x88: {  	s2 =	sld [smem:$0x3FD9]  }
0x89: {  	s3 =	sld [smem:$0x3FFE];
	_ =	sdelay $0x1  }
0x8a: {  	s1 =	srdreg.scid  }
0x8b: {  	s0 =	sand.u32 $0x1, s1  }
0x8c: {  	s17 =	sshll.u32 s0, $0xA;
	s2 =	sadd.s32 s3, s2  }
0x8d: {  	s2 =	sadd.s32 s2, s17  }
0x8e: {  	[smem:$0x3FB7] =	sst s2  }
0x8f: {  	_ = 	snop  }
0x90: {  	s2 =	sld [smem:$0x3FD0];
	(tm) =	ssettm $0x1  }
0x91: {  	s18 =	sld [smem:$0x3FFB];
	_ =	sdelay $0x3  }
0x92: {  	_ =	strace s18  }
0x93: {  	s3 =	sld [smem:$0x3FFC];
	_ =	sdelay $0x3  }
0x94: {  	_ =	strace s3  }
0x95: {  	s3 =	sld [smem:$0x3FFD];
	_ =	sdelay $0x3  }
0x96: {  	_ =	strace s3  }
0x97: {  	_ =	strace $0x8FFFFFFF  }
0x98: {  	s19 =	sld [smem:$0x3FDB];
	_ =	sdelay $0x1  }
0x99: {  	s4 =	simm.s32 $_scs_section_size  }
0x9a: {  	s5 =	simm.s32 $_size__tile_overlayer_lowered;
	s6 =	simm.s32 $_tile_overlayer_lowered  }
0x9b: {  	s22 =	simm.s32 $0x1BFF;
	s21 =	sshll.u32 s6, $0x1;
	s3 =	sadd.s32 s4, s19  }
0x9c: {  	s7 =	simm.s32 $0x0;
	s20 =	sshll.u32 s5, $0x1;
	s5 =	sadd.s32 s21, s3  }
0x9d: {  	[timem:s7], [sflag:s22] =	dma.local [hbm:s5], s20  }
0x9e: {  	_ =	swait.ge [sflag:s22], s20  }
0x9f: {  	s4 =	ssub.s32 $0x0, s20;
	[sflag:s22] =	ssyncset.done $0x0  }
0xa0: {  	[sflag:s22] =	ssyncadd.s32 s4;
	_ =	sdelay $0x1  }
0xa1: {  	s23 =	simm.s32 $0x1B8B  }
0xa2: {  	_ =	swait.ge [sflag:s23], $0x1  }
0xa3: {  	[sflag:s23] =	ssyncset.done $0x0  }
0xa4: {  	s25 =	simm.s32 $0x1B8E;
	s24 =	sld [smem:$0x3FFE];
	[sflag:s23] =	ssyncadd.s32 $0xFFFFFFFF  }
0xa5: {  	s26 =	simm.s32 $execute0_lowered;
	[smem:$0x3FD2] =	sst s25  }
0xa6: {  	s5 =	sshll.u32 s26, $0x1;
	_ =	strace $0x80000052;
	[dreg:$0x1] =	wrdreg $0xFFFFFFFF  }
0xa7: {  	s28 =	simm.s32 $_size_execute0_lowered;
	s3 =	sadd.s32 s3, s5;
	[dreg:$0x0] =	wrdreg $0x0  }
0xa8: {  	s5 =	sshll.u32 s28, $0x1;
	[dreg:$0x2] =	wrdreg s3  }
0xa9: {  	[dreg:$0x3] =	wrdreg s5  }
0xaa: {  	[dreg:$0x4] =	wrdreg $0xC0  }
0xab: {  	_ =	task [dreg:s7], $0x5FFFF  }
0xac: {  	[dreg:$0x1] =	wrdreg $0xFFFFFFFF  }
0xad: {  	[dreg:$0x0] =	wrdreg $0x60  }
0xae: {  	[dreg:$0x2] =	wrdreg s24  }
0xaf: {  	[dreg:$0x3] =	wrdreg s2  }
0xb0: {  	[dreg:$0x4] =	wrdreg $0x9  }
0xb1: {  	_ =	task.clear_ibuf [dreg:s7], $0x5FFFF;
	_ =	strace $0x90000052  }
0xb2: {  	s29 =	simm.s32 $0x9;
	_ =	strace $0x80000054  }
0xb3: {  	_ =	swait.ge [sflag:s29], $0x1  }
0xb4: {  	[sflag:s29] =	ssyncadd.s32 $0xFFFFFFFF  }
0xb5: {  	_ =	strace $0x90000054  }
0xb6: {  	_ =	sfence  }
0xb7: {  	s30 =	sld [smem:$0x0];
	_ =	sdelay $0x2  }
0xb8: {  	s31 =	sshll.u32 s1, $0xD;
	s1 =	sshrl.u32 s1, $0x2  }
0xb9: {  	s3 =	sand.u32 $0x4000, s31;
	s1 =	sadd.s32 s1, s30  }
0xba: {  	s0 =	sor.u32 s3, s0;
	s1 =	sshll.u32 s1, $0x11  }
0xbb: {  	s0 =	sor.u32 s1, s0  }
0xbc: {  	s0 =	sadd.s32 $0x8F2B, s0  }
0xbd: {  	[sflag:s0] =	ssyncadd.remote.s32 $0x1  }
0xbe: {  	_ =	sfence.sel $0xFFFF  }
0xbf: {  	[dreg:$0x0] =	wrdreg $0xFFFFFFFF;
	(pc) =	sbr.abs _section_cstart, $3  }
0xc0: {  	[dreg:$0x1] =	wrdreg $0xFFFFFFFF  }
0xc1: {  	_ =	task.clear_ibuf [dreg:s7], $0x2FFFF;
	_ =	strace $0x9FFFFFFF  }
0xc2: {  	(tm) =	ssettm $0x7FFFFFFF  }
0xc3: {  	_ =	shalt  }
tec
execute0_lowered:
.L_overlay_start_1:
0x0: {  	(tag) =	ssettag $0x1  }
0x1: {  	s0 =	srdreg.scid  }
0x2: {  	s2 =	stileid.u32;
	s6 =	rddreg [dreg:$0x0];
	s4 =	simm.s32 $0x0  }
0x3: {  	s13 =	simm.s32 $0x7;
	s15 =	simm.s32 $0x50;
	s16 =	simm.s32 $0x4E20  }
0x4: {  	s17 =	simm.s32 $0x5820;
	s18 =	simm.s32 $0x5320;
	s20 =	simm.s32 $0x5D20  }
0x5: {  	s21 =	simm.s32 $0x1;
	s22 =	simm.s32 $0x3;
	s0 =	sand.u32 $0x1, s0  }
0x6: {  	s23 =	simm.s32 $0x6220;
	s28 =	simm.s32 $0x4;
	s1 =	sshll.u32 s0, $0x4  }
0x7: {  	s29 =	simm.s32 $0x6720;
	s30 =	simm.s32 $0x5;
	s1 =	sor.u32 s2, s1  }
0x8: {  	s31 =	simm.s32 $0x6;
	s0 =	ssub.s32 $0x2, s0;
	s3 =	smul.u32 $0x2710, s1  }
0x9: {  	[smem:$0x7FF] =	sst s4;
	s9 =	sshrl.u32 s0, $0x1;
	s8 =	smul.u32 $0x27100, s1  }
0xa: {  	s2 =	rddreg [dreg:$0x1];
	s1 =	smul.u32 $0x4E20, s1;
	s0 =	ssub.s32 s0, s9  }
0xb: {  	_ =	strace $0x80000053;
	s12 =	smax.u32 s0, $0x1;
	s5 =	sshrl.u32 s3, $0x3  }
0xc: {  	s8 =	sshrl.u32 s8, $0x3;
	s1 =	sadd.s32 s2, s1;
	s7 =	sadd.s32 s5, s6  }
0xd: {  	s5 =	sadd.s32 $0x1F000, s6;
	s6 =	sadd.s32 $0x1A000, s6;
	s8 =	sadd.s32 s2, s8  }
0xe: {  	[dreg:$0x5] =	wrdreg s1;
	s1 =	simm.s32 $0x0;
	s26 =	sadd.s32 $0x6600, s7  }
0xf: {  	s7 =	sadd.s32 $0x10240, s7;
	s10 =	sadd.s32 $0xA0, s8;
	[dreg:$0x3] =	wrdreg s26  }
0x10: {  	s11 =	sadd.s32 $0x4D80, s8;
	[dreg:$0x4] =	wrdreg s7;
	s26 =	simm.s32 $0x2  }
.LBB2_1:
0x11: {  	s0 =	rddreg [dreg:$0x3]  }
0x12: {  	[tilespmem:s4], [sflag:$0x7] =	stream.linear.gather [hbm4b:s0+s4], $0x2710, $0x38;
	[tilespmem:$0x6C20] =	vst v63  }
0x13: {  	_ =	swait.ge [sflag:s13], $0x2710  }
0x14: {  	[sflag:s13] =	ssyncset.done $0x0  }
0x15: {  	s7 =	simm.s32 $0x2710;
	s24 =	rddreg [dreg:$0x4];
	[sflag:s13] =	ssyncadd.s32 $0xFFFFD8F0  }
0x16: {  	[tilespmem:s7], [sflag:$0x7] =	stream.linear.gather [hbm4b:s24+s4], $0x2710, $0x38;
	[tilespmem:$0x6C20] =	vst v63  }
0x17: {  	_ =	swait.ge [sflag:s13], $0x2710  }
0x18: {  	[sflag:s13] =	ssyncset.done $0x0  }
0x19: {  	[sflag:s13] =	ssyncadd.s32 $0xFFFFD8F0  }
0x1a: {  	[tilespmem:s16], [sflag:$0x1] =	stream.indirect.gather [hbm4b:s5+s15], $0x10, s4, s15, $0xb8;
	[tilespmem:$0x6C20] =	vst v63  }
0x1b: {  	_ = 	snop  }
0x1c: {  	[tilespmem:s17], [sflag:$0x3] =	stream.indirect.gather [hbm4b:s6+s15], $0x10, s7, s15, $0xb8;
	[tilespmem:$0x6C20] =	vst v63  }
0x1d: {  	_ = 	snop  }
0x1e: {  	[tilespmem:s18], [sflag:$0x2] =	stream.indirect.gather [hbm4b:s5+s15], $0x10, s15, s15, $0xb8;
	[tilespmem:$0x6C20] =	vst v63  }
0x1f: {  	s25 =	simm.s32 $0x2760  }
0x20: {  	[tilespmem:s20], [sflag:$0x4] =	stream.indirect.gather [hbm4b:s6+s15], $0x10, s25, s15, $0xb8;
	[tilespmem:$0x6C20] =	vst v63  }
0x21: {  	_ =	swait.ge [sflag:s21], $0x500  }
0x22: {  	[sflag:s21] =	ssyncset.done $0x0  }
0x23: {  	[sflag:s21] =	ssyncadd.s32 $0xFFFFFB00  }
0x24: {  	_ =	swait.ge [sflag:s22], $0x500  }
0x25: {  	[sflag:s22] =	ssyncset.done $0x0  }
0x26: {  	s8 =	simm.s32 $0x4E60;
	[sflag:s22] =	ssyncadd.s32 $0xFFFFFB00  }
0x27: {  	s0 =	simm.s32 $0x5860;
	v0 =	vld [tilespmem:s8+$0xFFFFFFC0]  }
0x28: {  	v1 =	vld [tilespmem:s0+$0xFFFFFFC0];
	_ =	sdelay $0x4  }
0x29: {  	v0 =	vadd.f32 v1, v0  }
0x2a: {  	s19 =	simm.s32 $0x6260  }
0x2b: {  	[tilespmem:s19+$0xFFFFFFC0] =	vst v0  }
0x2c: {  	v0 =	vld [tilespmem:s0+$0xFFFFFFD0]  }
0x2d: {  	v1 =	vld [tilespmem:s8+$0xFFFFFFD0];
	_ =	sdelay $0x4  }
0x2e: {  	v0 =	vadd.f32 v0, v1;
	_ =	sdelay $0x1  }
0x2f: {  	[tilespmem:s19+$0xFFFFFFD0] =	vst v0  }
0x30: {  	v0 =	vld [tilespmem:s8+$0xFFFFFFE0]  }
0x31: {  	v1 =	vld [tilespmem:s0+$0xFFFFFFE0];
	_ =	sdelay $0x4  }
0x32: {  	v0 =	vadd.f32 v1, v0;
	_ =	sdelay $0x1  }
0x33: {  	[tilespmem:s19+$0xFFFFFFE0] =	vst v0  }
0x34: {  	v0 =	vld [tilespmem:s8+$0xFFFFFFF0]  }
0x35: {  	v1 =	vld [tilespmem:s0+$0xFFFFFFF0];
	_ =	sdelay $0x4  }
0x36: {  	v0 =	vadd.f32 v1, v0;
	_ =	sdelay $0x1  }
0x37: {  	[tilespmem:s19+$0xFFFFFFF0] =	vst v0  }
0x38: {  	v0 =	vld [tilespmem:s8+$0x0]  }
0x39: {  	v1 =	vld [tilespmem:s0+$0x0];
	_ =	sdelay $0x4  }
0x3a: {  	v0 =	vadd.f32 v1, v0;
	_ =	sdelay $0x1  }
0x3b: {  	[tilespmem:s19+$0x0] =	vst v0  }
0x3c: {  	v0 =	vld [tilespmem:s8+$0x10]  }
0x3d: {  	v1 =	vld [tilespmem:s0+$0x10];
	_ =	sdelay $0x4  }
0x3e: {  	v0 =	vadd.f32 v1, v0;
	_ =	sdelay $0x1  }
0x3f: {  	[tilespmem:s19+$0x10] =	vst v0  }
0x40: {  	v0 =	vld [tilespmem:s8+$0x20]  }
0x41: {  	v1 =	vld [tilespmem:s0+$0x20];
	_ =	sdelay $0x4  }
0x42: {  	v0 =	vadd.f32 v1, v0;
	_ =	sdelay $0x1  }
0x43: {  	[tilespmem:s19+$0x20] =	vst v0  }
0x44: {  	s14 =	simm.s32 $0x4EE0;
	s7 =	simm.s32 $0x0;
	v0 =	vld [tilespmem:s8+$0x30];
	s8 =	simm.s32 $0x6260  }
.LBB2_2:
0x45: {  	s7 =	sadd.s32 $0x8, s7;
	v1 =	vld [tilespmem:s0+$0x30];
	s19 =	sadd.s32 $0x80, s19;
	s0 =	sadd.s32 $0x80, s0  }
0x46: {  	p0 =	slt.u32 s7, $0x48;
	_ =	sdelay $0x3  }
0x47: {  	v0 =	vadd.f32 v1, v0;
	_ =	sdelay $0x1  }
0x48: {  	[tilespmem:s8+$0x30] =	vst v0;
	s8 =	smov.u32 s19  }
0x49: {  	v0 =	vld [tilespmem:s14+$0xFFFFFFC0]  }
0x4a: {  	v1 =	vld [tilespmem:s0+$0xFFFFFFC0];
	_ =	sdelay $0x4  }
0x4b: {  	v0 =	vadd.f32 v1, v0;
	_ =	sdelay $0x1  }
0x4c: {  	[tilespmem:s19+$0xFFFFFFC0] =	vst v0  }
0x4d: {  	v0 =	vld [tilespmem:s0+$0xFFFFFFD0]  }
0x4e: {  	v1 =	vld [tilespmem:s14+$0xFFFFFFD0];
	_ =	sdelay $0x4  }
0x4f: {  	v0 =	vadd.f32 v0, v1;
	_ =	sdelay $0x1  }
0x50: {  	[tilespmem:s19+$0xFFFFFFD0] =	vst v0  }
0x51: {  	v0 =	vld [tilespmem:s14+$0xFFFFFFE0]  }
0x52: {  	v1 =	vld [tilespmem:s0+$0xFFFFFFE0];
	_ =	sdelay $0x4  }
0x53: {  	v0 =	vadd.f32 v1, v0;
	_ =	sdelay $0x1  }
0x54: {  	[tilespmem:s19+$0xFFFFFFE0] =	vst v0  }
0x55: {  	v0 =	vld [tilespmem:s14+$0xFFFFFFF0]  }
0x56: {  	v1 =	vld [tilespmem:s0+$0xFFFFFFF0];
	_ =	sdelay $0x4  }
0x57: {  	v0 =	vadd.f32 v1, v0;
	_ =	sdelay $0x1  }
0x58: {  	[tilespmem:s19+$0xFFFFFFF0] =	vst v0  }
0x59: {  	v0 =	vld [tilespmem:s14+$0x0]  }
0x5a: {  	v1 =	vld [tilespmem:s0+$0x0];
	_ =	sdelay $0x4  }
0x5b: {  	v0 =	vadd.f32 v1, v0;
	_ =	sdelay $0x1  }
0x5c: {  	[tilespmem:s19+$0x0] =	vst v0  }
0x5d: {  	v0 =	vld [tilespmem:s14+$0x10]  }
0x5e: {  	v1 =	vld [tilespmem:s0+$0x10];
	_ =	sdelay $0x4  }
0x5f: {  	v0 =	vadd.f32 v1, v0;
	_ =	sdelay $0x1  }
0x60: {  	[tilespmem:s19+$0x10] =	vst v0  }
0x61: {  	v0 =	vld [tilespmem:s14+$0x20]  }
0x62: {  	v1 =	vld [tilespmem:s0+$0x20];
	_ =	sdelay $0x3  }
.Ltmp0:
0x63: {  	(pc) =	sbr.rel @p0 .LBB2_2-.Ltmp0, $3  }
0x64: {  	v0 =	vadd.f32 v1, v0;
	_ =	sdelay $0x1  }
0x65: {  	[tilespmem:s19+$0x20] =	vst v0  }
0x66: {  	v0 =	vld [tilespmem:s14+$0x30];
	s14 =	sadd.s32 $0x80, s14  }
0x67: {  	v1 =	vld [tilespmem:s0+$0x30];
	_ =	sdelay $0x4  }
0x68: {  	v0 =	vadd.f32 v1, v0;
	_ =	sdelay $0x1  }
0x69: {  	s14 =	rddreg [dreg:$0x5];
	[tilespmem:s8+$0x30] =	vst v0  }
0x6a: {  	[hbm4b:s14+s4] =	stream.linear.scatter [tilespmem:s23], [sflag:$0x5], $0x500, $0x38;
	[tilespmem:$0x6C20] =	vst v63  }
0x6b: {  	s19 =	simm.s32 $0xA0  }
0x6c: {  	[tilespmem:s16], [sflag:$0x1] =	stream.indirect.gather [hbm4b:s5+s15], $0x10, s19, s15, $0xb8;
	[tilespmem:$0x6C20] =	vst v63  }
0x6d: {  	s24 =	simm.s32 $0x27B0  }
0x6e: {  	[tilespmem:s17], [sflag:$0x3] =	stream.indirect.gather [hbm4b:s6+s15], $0x10, s24, s15, $0xb8;
	[tilespmem:$0x6C20] =	vst v63  }
0x6f: {  	_ =	swait.ge [sflag:s26], $0x500  }
0x70: {  	[sflag:s26] =	ssyncset.done $0x0  }
0x71: {  	[sflag:s26] =	ssyncadd.s32 $0xFFFFFB00  }
0x72: {  	_ =	swait.ge [sflag:s28], $0x500  }
0x73: {  	[sflag:s28] =	ssyncset.done $0x0  }
0x74: {  	s25 =	simm.s32 $0x5360;
	[sflag:s28] =	ssyncadd.s32 $0xFFFFFB00  }
0x75: {  	s0 =	simm.s32 $0x5D60;
	v0 =	vld [tilespmem:s25+$0xFFFFFFC0]  }
0x76: {  	v1 =	vld [tilespmem:s0+$0xFFFFFFC0];
	_ =	sdelay $0x4  }
0x77: {  	v0 =	vadd.f32 v1, v0  }
0x78: {  	s19 =	simm.s32 $0x6760  }
0x79: {  	[tilespmem:s19+$0xFFFFFFC0] =	vst v0  }
0x7a: {  	v0 =	vld [tilespmem:s0+$0xFFFFFFD0]  }
0x7b: {  	v1 =	vld [tilespmem:s25+$0xFFFFFFD0];
	_ =	sdelay $0x4  }
0x7c: {  	v0 =	vadd.f32 v0, v1;
	_ =	sdelay $0x1  }
0x7d: {  	[tilespmem:s19+$0xFFFFFFD0] =	vst v0  }
0x7e: {  	v0 =	vld [tilespmem:s25+$0xFFFFFFE0]  }
0x7f: {  	v1 =	vld [tilespmem:s0+$0xFFFFFFE0];
	_ =	sdelay $0x4  }
0x80: {  	v0 =	vadd.f32 v1, v0;
	_ =	sdelay $0x1  }
0x81: {  	[tilespmem:s19+$0xFFFFFFE0] =	vst v0  }
0x82: {  	v0 =	vld [tilespmem:s25+$0xFFFFFFF0]  }
0x83: {  	v1 =	vld [tilespmem:s0+$0xFFFFFFF0];
	_ =	sdelay $0x4  }
0x84: {  	v0 =	vadd.f32 v1, v0;
	_ =	sdelay $0x1  }
0x85: {  	[tilespmem:s19+$0xFFFFFFF0] =	vst v0  }
0x86: {  	v0 =	vld [tilespmem:s25+$0x0]  }
0x87: {  	v1 =	vld [tilespmem:s0+$0x0];
	_ =	sdelay $0x4  }
0x88: {  	v0 =	vadd.f32 v1, v0;
	_ =	sdelay $0x1  }
0x89: {  	[tilespmem:s19+$0x0] =	vst v0  }
0x8a: {  	v0 =	vld [tilespmem:s25+$0x10]  }
0x8b: {  	v1 =	vld [tilespmem:s0+$0x10];
	_ =	sdelay $0x4  }
0x8c: {  	v0 =	vadd.f32 v1, v0;
	_ =	sdelay $0x1  }
0x8d: {  	[tilespmem:s19+$0x10] =	vst v0  }
0x8e: {  	v0 =	vld [tilespmem:s25+$0x20]  }
0x8f: {  	v1 =	vld [tilespmem:s0+$0x20];
	_ =	sdelay $0x4  }
0x90: {  	v0 =	vadd.f32 v1, v0;
	_ =	sdelay $0x1  }
0x91: {  	[tilespmem:s19+$0x20] =	vst v0  }
0x92: {  	s7 =	simm.s32 $0x0;
	s8 =	simm.s32 $0x6760;
	s14 =	simm.s32 $0x53E0;
	v0 =	vld [tilespmem:s25+$0x30]  }
.LBB2_4:
0x93: {  	s7 =	sadd.s32 $0x8, s7;
	v1 =	vld [tilespmem:s0+$0x30];
	s19 =	sadd.s32 $0x80, s19;
	s0 =	sadd.s32 $0x80, s0  }
0x94: {  	p0 =	slt.u32 s7, $0x48;
	_ =	sdelay $0x3  }
0x95: {  	v0 =	vadd.f32 v1, v0;
	_ =	sdelay $0x1  }
0x96: {  	[tilespmem:s8+$0x30] =	vst v0;
	s8 =	smov.u32 s19  }
0x97: {  	v0 =	vld [tilespmem:s14+$0xFFFFFFC0]  }
0x98: {  	v1 =	vld [tilespmem:s0+$0xFFFFFFC0];
	_ =	sdelay $0x4  }
0x99: {  	v0 =	vadd.f32 v1, v0;
	_ =	sdelay $0x1  }
0x9a: {  	[tilespmem:s19+$0xFFFFFFC0] =	vst v0  }
0x9b: {  	v0 =	vld [tilespmem:s0+$0xFFFFFFD0]  }
0x9c: {  	v1 =	vld [tilespmem:s14+$0xFFFFFFD0];
	_ =	sdelay $0x4  }
0x9d: {  	v0 =	vadd.f32 v0, v1;
	_ =	sdelay $0x1  }
0x9e: {  	[tilespmem:s19+$0xFFFFFFD0] =	vst v0  }
0x9f: {  	v0 =	vld [tilespmem:s14+$0xFFFFFFE0]  }
0xa0: {  	v1 =	vld [tilespmem:s0+$0xFFFFFFE0];
	_ =	sdelay $0x4  }
0xa1: {  	v0 =	vadd.f32 v1, v0;
	_ =	sdelay $0x1  }
0xa2: {  	[tilespmem:s19+$0xFFFFFFE0] =	vst v0  }
0xa3: {  	v0 =	vld [tilespmem:s14+$0xFFFFFFF0]  }
0xa4: {  	v1 =	vld [tilespmem:s0+$0xFFFFFFF0];
	_ =	sdelay $0x4  }
0xa5: {  	v0 =	vadd.f32 v1, v0;
	_ =	sdelay $0x1  }
0xa6: {  	[tilespmem:s19+$0xFFFFFFF0] =	vst v0  }
0xa7: {  	v0 =	vld [tilespmem:s14+$0x0]  }
0xa8: {  	v1 =	vld [tilespmem:s0+$0x0];
	_ =	sdelay $0x4  }
0xa9: {  	v0 =	vadd.f32 v1, v0;
	_ =	sdelay $0x1  }
0xaa: {  	[tilespmem:s19+$0x0] =	vst v0  }
0xab: {  	v0 =	vld [tilespmem:s14+$0x10]  }
0xac: {  	v1 =	vld [tilespmem:s0+$0x10];
	_ =	sdelay $0x4  }
0xad: {  	v0 =	vadd.f32 v1, v0;
	_ =	sdelay $0x1  }
0xae: {  	[tilespmem:s19+$0x10] =	vst v0  }
0xaf: {  	v0 =	vld [tilespmem:s14+$0x20]  }
0xb0: {  	v1 =	vld [tilespmem:s0+$0x20];
	_ =	sdelay $0x3  }
.Ltmp1:
0xb1: {  	(pc) =	sbr.rel @p0 .LBB2_4-.Ltmp1, $3  }
0xb2: {  	v0 =	vadd.f32 v1, v0;
	_ =	sdelay $0x1  }
0xb3: {  	[tilespmem:s19+$0x20] =	vst v0  }
0xb4: {  	v0 =	vld [tilespmem:s14+$0x30];
	s14 =	sadd.s32 $0x80, s14  }
0xb5: {  	v1 =	vld [tilespmem:s0+$0x30];
	_ =	sdelay $0x4  }
0xb6: {  	v0 =	vadd.f32 v1, v0;
	_ =	sdelay $0x1  }
0xb7: {  	s0 =	simm.s32 $0x0;
	[tilespmem:s8+$0x30] =	vst v0  }
0xb8: {  	[hbm4b:s10+s0] =	stream.linear.scatter [tilespmem:s29], [sflag:$0x6], $0x500, $0x38;
	[tilespmem:$0x6C20] =	vst v63  }
.LBB2_6:
0xb9: {  	s0 =	sadd.s32 $0x1, s0  }
0xba: {  	s24 =	smul.u32 $0xA0, s0;
	_ =	sdelay $0x1  }
0xbb: {  	s19 =	sadd.s32 $0x50, s24  }
0xbc: {  	[tilespmem:s18], [sflag:$0x2] =	stream.indirect.gather [hbm4b:s5+s15], $0x10, s19, s15, $0xb8;
	[tilespmem:$0x6C20] =	vst v63  }
0xbd: {  	s7 =	sadd.s32 $0x2760, s24  }
0xbe: {  	[tilespmem:s20], [sflag:$0x4] =	stream.indirect.gather [hbm4b:s6+s15], $0x10, s7, s15, $0xb8;
	[tilespmem:$0x6C20] =	vst v63  }
0xbf: {  	_ =	swait.ge [sflag:s21], $0x500  }
0xc0: {  	[sflag:s21] =	ssyncset.done $0x0  }
0xc1: {  	[sflag:s21] =	ssyncadd.s32 $0xFFFFFB00  }
0xc2: {  	_ =	swait.ge [sflag:s22], $0x500  }
0xc3: {  	[sflag:s22] =	ssyncset.done $0x0  }
0xc4: {  	[sflag:s22] =	ssyncadd.s32 $0xFFFFFB00  }
0xc5: {  	_ =	swait.ge [sflag:s30], $0x500  }
0xc6: {  	[sflag:s30] =	ssyncset.done $0x0  }
0xc7: {  	s9 =	simm.s32 $0x4E60;
	[sflag:s30] =	ssyncadd.s32 $0xFFFFFB00  }
0xc8: {  	s25 =	simm.s32 $0x5860;
	v0 =	vld [tilespmem:s9+$0xFFFFFFC0]  }
0xc9: {  	v1 =	vld [tilespmem:s25+$0xFFFFFFC0];
	_ =	sdelay $0x4  }
0xca: {  	v0 =	vadd.f32 v1, v0  }
0xcb: {  	s14 =	simm.s32 $0x6260  }
0xcc: {  	[tilespmem:s14+$0xFFFFFFC0] =	vst v0  }
0xcd: {  	v0 =	vld [tilespmem:s25+$0xFFFFFFD0]  }
0xce: {  	v1 =	vld [tilespmem:s9+$0xFFFFFFD0];
	_ =	sdelay $0x4  }
0xcf: {  	v0 =	vadd.f32 v0, v1;
	_ =	sdelay $0x1  }
0xd0: {  	[tilespmem:s14+$0xFFFFFFD0] =	vst v0  }
0xd1: {  	v0 =	vld [tilespmem:s9+$0xFFFFFFE0]  }
0xd2: {  	v1 =	vld [tilespmem:s25+$0xFFFFFFE0];
	_ =	sdelay $0x4  }
0xd3: {  	v0 =	vadd.f32 v1, v0;
	_ =	sdelay $0x1  }
0xd4: {  	[tilespmem:s14+$0xFFFFFFE0] =	vst v0  }
0xd5: {  	v0 =	vld [tilespmem:s9+$0xFFFFFFF0]  }
0xd6: {  	v1 =	vld [tilespmem:s25+$0xFFFFFFF0];
	_ =	sdelay $0x4  }
0xd7: {  	v0 =	vadd.f32 v1, v0;
	_ =	sdelay $0x1  }
0xd8: {  	[tilespmem:s14+$0xFFFFFFF0] =	vst v0  }
0xd9: {  	v0 =	vld [tilespmem:s9+$0x0]  }
0xda: {  	v1 =	vld [tilespmem:s25+$0x0];
	_ =	sdelay $0x4  }
0xdb: {  	v0 =	vadd.f32 v1, v0;
	_ =	sdelay $0x1  }
0xdc: {  	[tilespmem:s14+$0x0] =	vst v0  }
0xdd: {  	v0 =	vld [tilespmem:s9+$0x10]  }
0xde: {  	v1 =	vld [tilespmem:s25+$0x10];
	_ =	sdelay $0x4  }
0xdf: {  	v0 =	vadd.f32 v1, v0;
	_ =	sdelay $0x1  }
0xe0: {  	[tilespmem:s14+$0x10] =	vst v0  }
0xe1: {  	v0 =	vld [tilespmem:s9+$0x20]  }
0xe2: {  	v1 =	vld [tilespmem:s25+$0x20];
	_ =	sdelay $0x4  }
0xe3: {  	v0 =	vadd.f32 v1, v0;
	_ =	sdelay $0x1  }
0xe4: {  	[tilespmem:s14+$0x20] =	vst v0  }
0xe5: {  	s8 =	simm.s32 $0x0;
	s7 =	simm.s32 $0x6260;
	v0 =	vld [tilespmem:s9+$0x30];
	s9 =	simm.s32 $0x4EE0  }
.LBB2_7:
0xe6: {  	s8 =	sadd.s32 $0x8, s8;
	v1 =	vld [tilespmem:s25+$0x30];
	s14 =	sadd.s32 $0x80, s14;
	s25 =	sadd.s32 $0x80, s25  }
0xe7: {  	p0 =	slt.u32 s8, $0x48;
	_ =	sdelay $0x3  }
0xe8: {  	v0 =	vadd.f32 v1, v0;
	_ =	sdelay $0x1  }
0xe9: {  	[tilespmem:s7+$0x30] =	vst v0;
	s7 =	smov.u32 s14  }
0xea: {  	v0 =	vld [tilespmem:s9+$0xFFFFFFC0]  }
0xeb: {  	v1 =	vld [tilespmem:s25+$0xFFFFFFC0];
	_ =	sdelay $0x4  }
0xec: {  	v0 =	vadd.f32 v1, v0;
	_ =	sdelay $0x1  }
0xed: {  	[tilespmem:s14+$0xFFFFFFC0] =	vst v0  }
0xee: {  	v0 =	vld [tilespmem:s25+$0xFFFFFFD0]  }
0xef: {  	v1 =	vld [tilespmem:s9+$0xFFFFFFD0];
	_ =	sdelay $0x4  }
0xf0: {  	v0 =	vadd.f32 v0, v1;
	_ =	sdelay $0x1  }
0xf1: {  	[tilespmem:s14+$0xFFFFFFD0] =	vst v0  }
0xf2: {  	v0 =	vld [tilespmem:s9+$0xFFFFFFE0]  }
0xf3: {  	v1 =	vld [tilespmem:s25+$0xFFFFFFE0];
	_ =	sdelay $0x4  }
0xf4: {  	v0 =	vadd.f32 v1, v0;
	_ =	sdelay $0x1  }
0xf5: {  	[tilespmem:s14+$0xFFFFFFE0] =	vst v0  }
0xf6: {  	v0 =	vld [tilespmem:s9+$0xFFFFFFF0]  }
0xf7: {  	v1 =	vld [tilespmem:s25+$0xFFFFFFF0];
	_ =	sdelay $0x4  }
0xf8: {  	v0 =	vadd.f32 v1, v0;
	_ =	sdelay $0x1  }
0xf9: {  	[tilespmem:s14+$0xFFFFFFF0] =	vst v0  }
0xfa: {  	v0 =	vld [tilespmem:s9+$0x0]  }
0xfb: {  	v1 =	vld [tilespmem:s25+$0x0];
	_ =	sdelay $0x4  }
0xfc: {  	v0 =	vadd.f32 v1, v0;
	_ =	sdelay $0x1  }
0xfd: {  	[tilespmem:s14+$0x0] =	vst v0  }
0xfe: {  	v0 =	vld [tilespmem:s9+$0x10]  }
0xff: {  	v1 =	vld [tilespmem:s25+$0x10];
	_ =	sdelay $0x4  }
0x100: {  	v0 =	vadd.f32 v1, v0;
	_ =	sdelay $0x1  }
0x101: {  	[tilespmem:s14+$0x10] =	vst v0  }
0x102: {  	v0 =	vld [tilespmem:s9+$0x20]  }
0x103: {  	v1 =	vld [tilespmem:s25+$0x20];
	_ =	sdelay $0x3  }
.Ltmp2:
0x104: {  	(pc) =	sbr.rel @p0 .LBB2_7-.Ltmp2, $3  }
0x105: {  	v0 =	vadd.f32 v1, v0;
	_ =	sdelay $0x1  }
0x106: {  	[tilespmem:s14+$0x20] =	vst v0  }
0x107: {  	v0 =	vld [tilespmem:s9+$0x30];
	s9 =	sadd.s32 $0x80, s9  }
0x108: {  	v1 =	vld [tilespmem:s25+$0x30];
	_ =	sdelay $0x3  }
0x109: {  	s8 =	sadd.s32 s3, s24  }
0x10a: {  	s8 =	sshll.u32 s8, $0x1;
	v0 =	vadd.f32 v1, v0  }
0x10b: {  	s8 =	sand.u32 $0x1FFFFFE0, s8  }
0x10c: {  	s9 =	sadd.s32 s2, s8;
	[tilespmem:s7+$0x30] =	vst v0  }
0x10d: {  	[hbm4b:s9+s4] =	stream.linear.scatter [tilespmem:s23], [sflag:$0x5], $0x500, $0x38;
	[tilespmem:$0x6C20] =	vst v63  }
0x10e: {  	s14 =	sadd.s32 $0xA0, s24  }
0x10f: {  	[tilespmem:s16], [sflag:$0x1] =	stream.indirect.gather [hbm4b:s5+s15], $0x10, s14, s15, $0xb8;
	[tilespmem:$0x6C20] =	vst v63  }
0x110: {  	s24 =	sadd.s32 $0x27B0, s24  }
0x111: {  	[tilespmem:s17], [sflag:$0x3] =	stream.indirect.gather [hbm4b:s6+s15], $0x10, s24, s15, $0xb8;
	[tilespmem:$0x6C20] =	vst v63  }
0x112: {  	_ =	swait.ge [sflag:s26], $0x500  }
0x113: {  	[sflag:s26] =	ssyncset.done $0x0  }
0x114: {  	[sflag:s26] =	ssyncadd.s32 $0xFFFFFB00  }
0x115: {  	_ =	swait.ge [sflag:s28], $0x500  }
0x116: {  	[sflag:s28] =	ssyncset.done $0x0  }
0x117: {  	[sflag:s28] =	ssyncadd.s32 $0xFFFFFB00  }
0x118: {  	_ =	swait.ge [sflag:s31], $0x500  }
0x119: {  	[sflag:s31] =	ssyncset.done $0x0  }
0x11a: {  	s25 =	simm.s32 $0x5360;
	[sflag:s31] =	ssyncadd.s32 $0xFFFFFB00  }
0x11b: {  	s24 =	simm.s32 $0x5D60;
	v0 =	vld [tilespmem:s25+$0xFFFFFFC0]  }
0x11c: {  	v1 =	vld [tilespmem:s24+$0xFFFFFFC0];
	_ =	sdelay $0x4  }
0x11d: {  	v0 =	vadd.f32 v1, v0  }
0x11e: {  	s14 =	simm.s32 $0x6760  }
0x11f: {  	[tilespmem:s14+$0xFFFFFFC0] =	vst v0  }
0x120: {  	v0 =	vld [tilespmem:s24+$0xFFFFFFD0]  }
0x121: {  	v1 =	vld [tilespmem:s25+$0xFFFFFFD0];
	_ =	sdelay $0x4  }
0x122: {  	v0 =	vadd.f32 v0, v1;
	_ =	sdelay $0x1  }
0x123: {  	[tilespmem:s14+$0xFFFFFFD0] =	vst v0  }
0x124: {  	v0 =	vld [tilespmem:s25+$0xFFFFFFE0]  }
0x125: {  	v1 =	vld [tilespmem:s24+$0xFFFFFFE0];
	_ =	sdelay $0x4  }
0x126: {  	v0 =	vadd.f32 v1, v0;
	_ =	sdelay $0x1  }
0x127: {  	[tilespmem:s14+$0xFFFFFFE0] =	vst v0  }
0x128: {  	v0 =	vld [tilespmem:s25+$0xFFFFFFF0]  }
0x129: {  	v1 =	vld [tilespmem:s24+$0xFFFFFFF0];
	_ =	sdelay $0x4  }
0x12a: {  	v0 =	vadd.f32 v1, v0;
	_ =	sdelay $0x1  }
0x12b: {  	[tilespmem:s14+$0xFFFFFFF0] =	vst v0  }
0x12c: {  	v0 =	vld [tilespmem:s25+$0x0]  }
0x12d: {  	v1 =	vld [tilespmem:s24+$0x0];
	_ =	sdelay $0x4  }
0x12e: {  	v0 =	vadd.f32 v1, v0;
	_ =	sdelay $0x1  }
0x12f: {  	[tilespmem:s14+$0x0] =	vst v0  }
0x130: {  	v0 =	vld [tilespmem:s25+$0x10]  }
0x131: {  	v1 =	vld [tilespmem:s24+$0x10];
	_ =	sdelay $0x4  }
0x132: {  	v0 =	vadd.f32 v1, v0;
	_ =	sdelay $0x1  }
0x133: {  	[tilespmem:s14+$0x10] =	vst v0  }
0x134: {  	v0 =	vld [tilespmem:s25+$0x20]  }
0x135: {  	v1 =	vld [tilespmem:s24+$0x20];
	_ =	sdelay $0x4  }
0x136: {  	v0 =	vadd.f32 v1, v0;
	_ =	sdelay $0x1  }
0x137: {  	[tilespmem:s14+$0x20] =	vst v0  }
0x138: {  	s8 =	simm.s32 $0x0;
	s7 =	simm.s32 $0x6760;
	s9 =	simm.s32 $0x53E0;
	v0 =	vld [tilespmem:s25+$0x30]  }
.LBB2_9:
0x139: {  	s8 =	sadd.s32 $0x8, s8;
	v1 =	vld [tilespmem:s24+$0x30];
	s14 =	sadd.s32 $0x80, s14;
	s24 =	sadd.s32 $0x80, s24  }
0x13a: {  	p0 =	slt.u32 s8, $0x48;
	_ =	sdelay $0x3  }
0x13b: {  	v0 =	vadd.f32 v1, v0;
	_ =	sdelay $0x1  }
0x13c: {  	[tilespmem:s7+$0x30] =	vst v0;
	s7 =	smov.u32 s14  }
0x13d: {  	v0 =	vld [tilespmem:s9+$0xFFFFFFC0]  }
0x13e: {  	v1 =	vld [tilespmem:s24+$0xFFFFFFC0];
	_ =	sdelay $0x4  }
0x13f: {  	v0 =	vadd.f32 v1, v0;
	_ =	sdelay $0x1  }
0x140: {  	[tilespmem:s14+$0xFFFFFFC0] =	vst v0  }
0x141: {  	v0 =	vld [tilespmem:s24+$0xFFFFFFD0]  }
0x142: {  	v1 =	vld [tilespmem:s9+$0xFFFFFFD0];
	_ =	sdelay $0x4  }
0x143: {  	v0 =	vadd.f32 v0, v1;
	_ =	sdelay $0x1  }
0x144: {  	[tilespmem:s14+$0xFFFFFFD0] =	vst v0  }
0x145: {  	v0 =	vld [tilespmem:s9+$0xFFFFFFE0]  }
0x146: {  	v1 =	vld [tilespmem:s24+$0xFFFFFFE0];
	_ =	sdelay $0x4  }
0x147: {  	v0 =	vadd.f32 v1, v0;
	_ =	sdelay $0x1  }
0x148: {  	[tilespmem:s14+$0xFFFFFFE0] =	vst v0  }
0x149: {  	v0 =	vld [tilespmem:s9+$0xFFFFFFF0]  }
0x14a: {  	v1 =	vld [tilespmem:s24+$0xFFFFFFF0];
	_ =	sdelay $0x4  }
0x14b: {  	v0 =	vadd.f32 v1, v0;
	_ =	sdelay $0x1  }
0x14c: {  	[tilespmem:s14+$0xFFFFFFF0] =	vst v0  }
0x14d: {  	v0 =	vld [tilespmem:s9+$0x0]  }
0x14e: {  	v1 =	vld [tilespmem:s24+$0x0];
	_ =	sdelay $0x4  }
0x14f: {  	v0 =	vadd.f32 v1, v0;
	_ =	sdelay $0x1  }
0x150: {  	[tilespmem:s14+$0x0] =	vst v0  }
0x151: {  	v0 =	vld [tilespmem:s9+$0x10]  }
0x152: {  	v1 =	vld [tilespmem:s24+$0x10];
	_ =	sdelay $0x4  }
0x153: {  	v0 =	vadd.f32 v1, v0;
	_ =	sdelay $0x1  }
0x154: {  	[tilespmem:s14+$0x10] =	vst v0  }
0x155: {  	v0 =	vld [tilespmem:s9+$0x20]  }
0x156: {  	v1 =	vld [tilespmem:s24+$0x20];
	_ =	sdelay $0x3  }
.Ltmp3:
0x157: {  	(pc) =	sbr.rel @p0 .LBB2_9-.Ltmp3, $3  }
0x158: {  	v0 =	vadd.f32 v1, v0;
	_ =	sdelay $0x1  }
0x159: {  	[tilespmem:s14+$0x20] =	vst v0  }
0x15a: {  	v0 =	vld [tilespmem:s9+$0x30];
	s9 =	sadd.s32 $0x80, s9  }
0x15b: {  	v1 =	vld [tilespmem:s24+$0x30];
	_ =	sdelay $0x2  }
0x15c: {  	p0 =	sne.s32 s0, $0x3D  }
.Ltmp4:
0x15d: {  	s8 =	sadd.s32 s3, s19;
	(pc) =	sbr.rel @p0 .LBB2_6-.Ltmp4, $4  }
0x15e: {  	s8 =	sshll.u32 s8, $0x1;
	v0 =	vadd.f32 v1, v0  }
0x15f: {  	s8 =	sand.u32 $0x1FFFFFE0, s8  }
0x160: {  	s25 =	sadd.s32 s2, s8;
	[tilespmem:s7+$0x30] =	vst v0  }
0x161: {  	[hbm4b:s25+s4] =	stream.linear.scatter [tilespmem:s29], [sflag:$0x6], $0x500, $0x38;
	[tilespmem:$0x6C20] =	vst v63  }
0x162: {  	_ =	swait.ge [sflag:s21], $0x500  }
0x163: {  	[sflag:s21] =	ssyncset.done $0x0  }
0x164: {  	[sflag:s21] =	ssyncadd.s32 $0xFFFFFB00  }
0x165: {  	_ =	swait.ge [sflag:s22], $0x500  }
0x166: {  	[sflag:s22] =	ssyncset.done $0x0  }
0x167: {  	[sflag:s22] =	ssyncadd.s32 $0xFFFFFB00  }
0x168: {  	_ =	swait.ge [sflag:s30], $0x500  }
0x169: {  	[sflag:s30] =	ssyncset.done $0x0  }
0x16a: {  	s8 =	simm.s32 $0x4E60;
	[sflag:s30] =	ssyncadd.s32 $0xFFFFFB00  }
0x16b: {  	s0 =	simm.s32 $0x5860;
	v0 =	vld [tilespmem:s8+$0xFFFFFFC0]  }
0x16c: {  	v1 =	vld [tilespmem:s0+$0xFFFFFFC0];
	_ =	sdelay $0x4  }
0x16d: {  	v0 =	vadd.f32 v1, v0  }
0x16e: {  	s14 =	simm.s32 $0x6260  }
0x16f: {  	[tilespmem:s14+$0xFFFFFFC0] =	vst v0  }
0x170: {  	v0 =	vld [tilespmem:s0+$0xFFFFFFD0]  }
0x171: {  	v1 =	vld [tilespmem:s8+$0xFFFFFFD0];
	_ =	sdelay $0x4  }
0x172: {  	v0 =	vadd.f32 v0, v1;
	_ =	sdelay $0x1  }
0x173: {  	[tilespmem:s14+$0xFFFFFFD0] =	vst v0  }
0x174: {  	v0 =	vld [tilespmem:s8+$0xFFFFFFE0]  }
0x175: {  	v1 =	vld [tilespmem:s0+$0xFFFFFFE0];
	_ =	sdelay $0x4  }
0x176: {  	v0 =	vadd.f32 v1, v0;
	_ =	sdelay $0x1  }
0x177: {  	[tilespmem:s14+$0xFFFFFFE0] =	vst v0  }
0x178: {  	v0 =	vld [tilespmem:s8+$0xFFFFFFF0]  }
0x179: {  	v1 =	vld [tilespmem:s0+$0xFFFFFFF0];
	_ =	sdelay $0x4  }
0x17a: {  	v0 =	vadd.f32 v1, v0;
	_ =	sdelay $0x1  }
0x17b: {  	[tilespmem:s14+$0xFFFFFFF0] =	vst v0  }
0x17c: {  	v0 =	vld [tilespmem:s8+$0x0]  }
0x17d: {  	v1 =	vld [tilespmem:s0+$0x0];
	_ =	sdelay $0x4  }
0x17e: {  	v0 =	vadd.f32 v1, v0;
	_ =	sdelay $0x1  }
0x17f: {  	[tilespmem:s14+$0x0] =	vst v0  }
0x180: {  	v0 =	vld [tilespmem:s8+$0x10]  }
0x181: {  	v1 =	vld [tilespmem:s0+$0x10];
	_ =	sdelay $0x4  }
0x182: {  	v0 =	vadd.f32 v1, v0;
	_ =	sdelay $0x1  }
0x183: {  	[tilespmem:s14+$0x10] =	vst v0  }
0x184: {  	v0 =	vld [tilespmem:s8+$0x20]  }
0x185: {  	v1 =	vld [tilespmem:s0+$0x20];
	_ =	sdelay $0x4  }
0x186: {  	v0 =	vadd.f32 v1, v0;
	_ =	sdelay $0x1  }
0x187: {  	[tilespmem:s14+$0x20] =	vst v0  }
0x188: {  	s7 =	simm.s32 $0x0;
	s9 =	simm.s32 $0x4EE0;
	v0 =	vld [tilespmem:s8+$0x30];
	s8 =	simm.s32 $0x6260  }
.LBB2_12:
0x189: {  	s7 =	sadd.s32 $0x8, s7;
	v1 =	vld [tilespmem:s0+$0x30];
	s14 =	sadd.s32 $0x80, s14;
	s0 =	sadd.s32 $0x80, s0  }
0x18a: {  	p0 =	slt.u32 s7, $0x48;
	_ =	sdelay $0x3  }
0x18b: {  	v0 =	vadd.f32 v1, v0;
	_ =	sdelay $0x1  }
0x18c: {  	[tilespmem:s8+$0x30] =	vst v0;
	s8 =	smov.u32 s14  }
0x18d: {  	v0 =	vld [tilespmem:s9+$0xFFFFFFC0]  }
0x18e: {  	v1 =	vld [tilespmem:s0+$0xFFFFFFC0];
	_ =	sdelay $0x4  }
0x18f: {  	v0 =	vadd.f32 v1, v0;
	_ =	sdelay $0x1  }
0x190: {  	[tilespmem:s14+$0xFFFFFFC0] =	vst v0  }
0x191: {  	v0 =	vld [tilespmem:s0+$0xFFFFFFD0]  }
0x192: {  	v1 =	vld [tilespmem:s9+$0xFFFFFFD0];
	_ =	sdelay $0x4  }
0x193: {  	v0 =	vadd.f32 v0, v1;
	_ =	sdelay $0x1  }
0x194: {  	[tilespmem:s14+$0xFFFFFFD0] =	vst v0  }
0x195: {  	v0 =	vld [tilespmem:s9+$0xFFFFFFE0]  }
0x196: {  	v1 =	vld [tilespmem:s0+$0xFFFFFFE0];
	_ =	sdelay $0x4  }
0x197: {  	v0 =	vadd.f32 v1, v0;
	_ =	sdelay $0x1  }
0x198: {  	[tilespmem:s14+$0xFFFFFFE0] =	vst v0  }
0x199: {  	v0 =	vld [tilespmem:s9+$0xFFFFFFF0]  }
0x19a: {  	v1 =	vld [tilespmem:s0+$0xFFFFFFF0];
	_ =	sdelay $0x4  }
0x19b: {  	v0 =	vadd.f32 v1, v0;
	_ =	sdelay $0x1  }
0x19c: {  	[tilespmem:s14+$0xFFFFFFF0] =	vst v0  }
0x19d: {  	v0 =	vld [tilespmem:s9+$0x0]  }
0x19e: {  	v1 =	vld [tilespmem:s0+$0x0];
	_ =	sdelay $0x4  }
0x19f: {  	v0 =	vadd.f32 v1, v0;
	_ =	sdelay $0x1  }
0x1a0: {  	[tilespmem:s14+$0x0] =	vst v0  }
0x1a1: {  	v0 =	vld [tilespmem:s9+$0x10]  }
0x1a2: {  	v1 =	vld [tilespmem:s0+$0x10];
	_ =	sdelay $0x4  }
0x1a3: {  	v0 =	vadd.f32 v1, v0;
	_ =	sdelay $0x1  }
0x1a4: {  	[tilespmem:s14+$0x10] =	vst v0  }
0x1a5: {  	v0 =	vld [tilespmem:s9+$0x20]  }
0x1a6: {  	v1 =	vld [tilespmem:s0+$0x20];
	_ =	sdelay $0x3  }
.Ltmp5:
0x1a7: {  	(pc) =	sbr.rel @p0 .LBB2_12-.Ltmp5, $3  }
0x1a8: {  	v0 =	vadd.f32 v1, v0;
	_ =	sdelay $0x1  }
0x1a9: {  	[tilespmem:s14+$0x20] =	vst v0  }
0x1aa: {  	v0 =	vld [tilespmem:s9+$0x30];
	s9 =	sadd.s32 $0x80, s9  }
0x1ab: {  	v1 =	vld [tilespmem:s0+$0x30];
	_ =	sdelay $0x4  }
0x1ac: {  	v0 =	vadd.f32 v1, v0;
	_ =	sdelay $0x1  }
0x1ad: {  	s1 =	sadd.s32 $0x1, s1;
	[tilespmem:s8+$0x30] =	vst v0  }
0x1ae: {  	[hbm4b:s11+s4] =	stream.linear.scatter [tilespmem:s23], [sflag:$0x5], $0x500, $0x38;
	[tilespmem:$0x6C20] =	vst v63  }
0x1af: {  	p0 =	sne.s32 s1, s12;
	_ =	swait.ge [sflag:s31], $0x500  }
.Ltmp6:
0x1b0: {  	[sflag:s31] =	ssyncset.done $0x0;
	(pc) =	sbr.rel @p0 .LBB2_1-.Ltmp6, $4  }
0x1b1: {  	[sflag:s31] =	ssyncadd.s32 $0xFFFFFB00  }
0x1b2: {  	_ =	swait.ge [sflag:s30], $0x500  }
0x1b3: {  	[sflag:s30] =	ssyncset.done $0x0  }
0x1b4: {  	[sflag:s30] =	ssyncadd.s32 $0xFFFFFB00  }
0x1b5: {  	_ =	sfence.sel $0x180000  }
0x1b6: {  	[bflag:$0x0] =	sbarrier.arrive $0xFFFF  }
0x1b7: {  	_ =	strace $0x90000053  }
0x1b8: {  	s0 =	stileid.u32;
	[bflag:$0x2] =	sbarrier.arrive $0xFFFF  }
0x1b9: {  	p0 =	sne.s32 s0, $0x0;
	s0 =	rddreg [dreg:$0x2]  }
0x1ba: {  	s0 =	sadd.s32 @!p0 $0x100000, s0  }
0x1bb: {  	[sflag:s0] =	ssyncadd.tile.s32 @!p0 $0x1;
	_ =	shalt  }
.Lfunc_end2:
_tile_overlayer_lowered:
.L_overlay_start_2:
0x1bc: {  	(tag) =	ssettag $0x2  }
0x1bd: {  	s0 =	rddreg [dreg:$0x0];
	s2 =	stileid.u32  }
0x1be: {  	s1 =	rddreg [dreg:$0x1];
	p0 =	sne.s32 s2, $0x0  }
0x1bf: {  	s3 =	rddreg [dreg:$0x2];
	[bflag:$0x3] =	sbarrier.arrive $0xFFFF;
	s2 =	simm.s32 @!p0 $0x1C07  }
0x1c0: {  	[timem:s3], [sflag:s2] =	dma.local @!p0 [hbm:s0], s1  }
0x1c1: {  	s0 =	simm.s32 @!p0 $0x7  }
0x1c2: {  	_ =	swait.ge @!p0 [sflag:s0], s1  }
0x1c3: {  	s1 =	ssub.s32 @!p0 $0x0, s1;
	[sflag:s0] =	ssyncset.done @!p0 $0x0  }
0x1c4: {  	[sflag:s0] =	ssyncadd.s32 @!p0 s1  }
0x1c5: {  	[bflag:$0x3] =	sbarrier.arrive $0xFFFF  }
0x1c6: {  	_ =	shalt  }

</sc_bundles>
